<compile_context>
chip_gen: v7x
topology: tpu7x:2x2x1
jax: 0.10.2.dev20260603
libtpu: 0.0.44.dev20260713+nightly
codegen_flags: <defaults>
</compile_context>

<pallas_src>
import functools

import jax
import jax.numpy as jnp
from jax import lax
from jax.experimental import pallas as pl
from jax.experimental.pallas import tpu as pltpu
from jax.experimental.pallas import tpu_sc as plsc

NN = 10000
EE = 160000
IN_D = 256
HID_D = 512
OUT_D = 256

NC = 2
NS = 16
NPAD = 10112
RPT = NPAD // NS
EPW = EE // (NC * NS)
CHUNK = 64
EPW_PAD = 5120
CH = EPW_PAD // CHUNK
DCHUNK = 128
DCH = EPW_PAD // DCHUNK
LANES = 128

_f32 = jnp.float32


def _sc_mesh():
    return plsc.VectorSubcoreMesh(
        core_axis_name="c", subcore_axis_name="s", num_cores=NC, num_subcores=NS
    )


def _make_deg_kernel(interpret=False):

    @functools.partial(
        pl.kernel,
        out_type=jax.ShapeDtypeStruct((NC, NPAD, LANES), _f32),
        mesh=_sc_mesh(),
        scratch_types=[
            pltpu.VMEM((DCH, DCHUNK), jnp.int32),
            pltpu.VMEM((DCHUNK, LANES), _f32),
            pltpu.VMEM_SHARED((NPAD, LANES), _f32),
        ],
        interpret=interpret,
    )
    def deg_k(dst_hbm, zeros_hbm, ones_hbm, out_hbm, dstv, onesv, acc):
        c = lax.axis_index("c")
        s = lax.axis_index("s")
        w = c * NS + s
        pltpu.sync_copy(dst_hbm.at[w], dstv)
        pltpu.sync_copy(ones_hbm, onesv)
        r0 = s * RPT
        pltpu.sync_copy(zeros_hbm.at[pl.ds(r0, RPT)], acc.at[pl.ds(r0, RPT)])
        plsc.subcore_barrier()

        def chunk_body(j, carry):
            pltpu.sync_copy(onesv, acc.at[dstv.at[j]], add=True)
            return carry

        lax.fori_loop(0, DCH, chunk_body, 0)
        plsc.subcore_barrier()
        pltpu.sync_copy(acc.at[pl.ds(r0, RPT)], out_hbm.at[c, pl.ds(r0, RPT)])

    return deg_k


def _make_agg_kernel(interpret=False):

    @functools.partial(
        pl.kernel,
        out_type=jax.ShapeDtypeStruct((NC, NPAD, LANES), _f32),
        mesh=_sc_mesh(),
        scratch_types=[
            pltpu.VMEM((EPW_PAD,), jnp.int32),
            pltpu.VMEM((EPW_PAD,), jnp.int32),
            [pltpu.VMEM((CHUNK, LANES), _f32) for _ in range(4)],
            pltpu.VMEM_SHARED((NPAD, LANES), _f32),
            pltpu.SemaphoreType.DMA,
            pltpu.SemaphoreType.DMA,
        ],
        interpret=interpret,
    )
    def agg_k(src_hbm, dst_hbm, zeros_hbm, table, out_hbm,
              srcv, dstv, rows, acc, gsem, ssem):
        c = lax.axis_index("c")
        s = lax.axis_index("s")
        w = c * NS + s
        pltpu.sync_copy(src_hbm.at[w], srcv)
        pltpu.sync_copy(dst_hbm.at[w], dstv)
        r0 = s * RPT
        pltpu.sync_copy(zeros_hbm.at[pl.ds(r0, RPT)], acc.at[pl.ds(r0, RPT)])
        plsc.subcore_barrier()

        def gissue(j, b):
            e0 = j * CHUNK
            pltpu.async_copy(
                table.at[srcv.at[pl.ds(e0, CHUNK)]], rows[b], gsem)

        def sissue(j, b):
            e0 = j * CHUNK
            pltpu.async_copy(
                rows[b], acc.at[dstv.at[pl.ds(e0, CHUNK)]], ssem, add=True)

        def drain(b, sem):
            pltpu.make_async_copy(
                zeros_hbm.at[pl.ds(0, CHUNK)], rows[b], sem).wait()

        def step(j, b, sdrain):
            if sdrain:
                drain((b + 2) % 4, ssem)
            gissue(j + 2, (b + 2) % 4)
            drain(b, gsem)
            sissue(j, b)

        gissue(0, 0)
        gissue(1, 1)
        step(0, 0, False)
        step(1, 1, False)

        def group_body(g, carry):
            j0 = 2 + 4 * g
            step(j0, 2, True)
            step(j0 + 1, 3, True)
            step(j0 + 2, 0, True)
            step(j0 + 3, 1, True)
            return carry

        lax.fori_loop(0, (CH - 4) // 4, group_body, 0)
        for j, b in ((CH - 2, (CH - 2) % 4), (CH - 1, (CH - 1) % 4)):
            drain((b + 2) % 4, ssem)
            drain(b, gsem)
            sissue(j, b)
        drain((CH - 2) % 4, ssem)
        drain((CH - 1) % 4, ssem)
        plsc.subcore_barrier()
        pltpu.sync_copy(acc.at[pl.ds(r0, RPT)], out_hbm.at[c, pl.ds(r0, RPT)])

    return agg_k


_MB = 1000
_GRID = NN // _MB


def _prep_body(cnt_ref, x_ref, dinv_ref, xs0_ref, xs1_ref):
    deg = 1.0 + cnt_ref[0, :, 0:1] + cnt_ref[1, :, 0:1]
    dinv = lax.rsqrt(deg)
    dinv_ref[...] = jnp.broadcast_to(dinv, (_MB, 128))
    xs0_ref[...] = dinv * x_ref[:, 0:128]
    xs1_ref[...] = dinv * x_ref[:, 128:256]


def _make_prep_kernel(interpret=False):
    return pl.pallas_call(
        _prep_body,
        grid=(_GRID,),
        in_specs=[
            pl.BlockSpec((NC, _MB, LANES), lambda i: (0, i, 0)),
            pl.BlockSpec((_MB, IN_D), lambda i: (i, 0)),
        ],
        out_specs=[pl.BlockSpec((_MB, 128), lambda i: (i, 0))] * 3,
        out_shape=[jax.ShapeDtypeStruct((NN, 128), _f32)] * 3,
        interpret=interpret,
    )


def _layer1_body(a0_ref, a1_ref, x0_ref, x1_ref, dinv_ref, w_ref, b_ref,
                 o0_ref, o1_ref, o2_ref, o3_ref):
    dv = dinv_ref[:, 0:1]
    a0 = a0_ref[...]
    a1 = a1_ref[...]
    pre0 = dv * (a0[0] + a0[1]) + dv * x0_ref[...]
    pre1 = dv * (a1[0] + a1[1]) + dv * x1_ref[...]
    pre = jnp.concatenate([pre0, pre1], axis=1)
    h = jnp.maximum(jnp.dot(pre, w_ref[...]) + b_ref[...], 0.0)
    hs = dv * h
    o0_ref[...] = hs[:, 0:128]
    o1_ref[...] = hs[:, 128:256]
    o2_ref[...] = hs[:, 256:384]
    o3_ref[...] = hs[:, 384:512]


def _make_layer1_kernel(interpret=False):
    return pl.pallas_call(
        _layer1_body,
        grid=(_GRID,),
        in_specs=[
            pl.BlockSpec((NC, _MB, 128), lambda i: (0, i, 0)),
            pl.BlockSpec((NC, _MB, 128), lambda i: (0, i, 0)),
            pl.BlockSpec((_MB, 128), lambda i: (i, 0)),
            pl.BlockSpec((_MB, 128), lambda i: (i, 0)),
            pl.BlockSpec((_MB, 128), lambda i: (i, 0)),
            pl.BlockSpec((IN_D, HID_D), lambda i: (0, 0)),
            pl.BlockSpec((1, HID_D), lambda i: (0, 0)),
        ],
        out_specs=[pl.BlockSpec((_MB, 128), lambda i: (i, 0))] * 4,
        out_shape=[jax.ShapeDtypeStruct((NN, 128), _f32)] * 4,
        interpret=interpret,
    )


def _final_body(a0_ref, a1_ref, a2_ref, a3_ref,
                x0_ref, x1_ref, x2_ref, x3_ref,
                dinv_ref, w2_ref, b2_ref, wfc_ref, bfc_ref, out_ref):
    dv = dinv_ref[:, 0:1]
    pres = []
    for a_ref, x_ref in ((a0_ref, x0_ref), (a1_ref, x1_ref),
                         (a2_ref, x2_ref), (a3_ref, x3_ref)):
        a = a_ref[...]
        pres.append(dv * (a[0] + a[1]) + dv * x_ref[...])
    pre = jnp.concatenate(pres, axis=1)
    h = jnp.maximum(jnp.dot(pre, w2_ref[...]) + b2_ref[...], 0.0)
    logits = jnp.dot(h, wfc_ref[...]) + bfc_ref[...]
    m = jnp.max(logits, axis=1, keepdims=True)
    lse = jnp.log(jnp.sum(jnp.exp(logits - m), axis=1, keepdims=True)) + m
    out_ref[...] = logits - lse


def _make_final_kernel(interpret=False):
    return pl.pallas_call(
        _final_body,
        grid=(_GRID,),
        in_specs=(
            [pl.BlockSpec((NC, _MB, 128), lambda i: (0, i, 0))] * 4
            + [pl.BlockSpec((_MB, 128), lambda i: (i, 0))] * 5
            + [
                pl.BlockSpec((HID_D, HID_D), lambda i: (0, 0)),
                pl.BlockSpec((1, HID_D), lambda i: (0, 0)),
                pl.BlockSpec((HID_D, OUT_D), lambda i: (0, 0)),
                pl.BlockSpec((1, OUT_D), lambda i: (0, 0)),
            ]
        ),
        out_specs=pl.BlockSpec((_MB, OUT_D), lambda i: (i, 0)),
        out_shape=jax.ShapeDtypeStruct((NN, OUT_D), _f32),
        interpret=interpret,
    )


_deg_call = _make_deg_kernel()
_agg_call = _make_agg_kernel()
_prep_call = _make_prep_kernel()
_layer1_call = _make_layer1_kernel()
_final_call = _make_final_kernel()


def kernel(x, edge_index, W1, b1, W2, b2, Wfc, bfc):
    src = edge_index[0]
    dst = edge_index[1]
    pad = EPW_PAD - EPW
    srcp = jnp.pad(src.reshape(NC * NS, EPW), ((0, 0), (0, pad)))
    srcp = srcp.reshape(NC * NS, EPW_PAD)
    dstp = jnp.pad(dst.reshape(NC * NS, EPW), ((0, 0), (0, pad)),
                   constant_values=NN)
    dstp = dstp.reshape(NC * NS, EPW_PAD)

    zeros128 = jnp.zeros((NPAD, LANES), _f32)
    ones128 = jnp.ones((DCHUNK, LANES), _f32)

    cnt = _deg_call(dstp.reshape(NC * NS, DCH, DCHUNK), zeros128, ones128)
    dinv, xs1_0, xs1_1 = _prep_call(cnt, x)
    a1_0 = _agg_call(srcp, dstp, zeros128, xs1_0)
    a1_1 = _agg_call(srcp, dstp, zeros128, xs1_1)
    xs2 = _layer1_call(a1_0, a1_1, xs1_0, xs1_1, dinv, W1, b1.reshape(1, HID_D))
    a2 = [_agg_call(srcp, dstp, zeros128, xf) for xf in xs2]
    out = _final_call(*a2, *xs2, dinv, W2, b2.reshape(1, HID_D),
                      Wfc, bfc.reshape(1, OUT_D))
    return out

# --- scband reference (transcript-rebuilt; emitter-appended) ---
"""Pipeline reference for scband-gconv-model-19301583029052 (READ-ONLY COPY).

The authoritative reference and input builder live on the scoring server;
editing this copy changes nothing except your own understanding.
"""

import jax, jax.numpy as jnp
import numpy as np

N = 10000
IN_DIM = 256
HID = 512
OUT = 256
E = 160000


def setup_inputs(seed: int = 0) -> dict:
    key = jax.random.key(seed)
    ks = jax.random.split(key, 9)
    x = jax.random.normal(ks[0], (N, IN_DIM), dtype=jnp.float32)
    edge_index = jax.random.randint(ks[1], (2, E), 0, N, dtype=jnp.int32)
    W1 = jax.random.normal(ks[2], (IN_DIM, HID), dtype=jnp.float32) * (1.0 / np.sqrt(IN_DIM))
    b1 = jnp.zeros((HID,), dtype=jnp.float32)
    W2 = jax.random.normal(ks[3], (HID, HID), dtype=jnp.float32) * (1.0 / np.sqrt(HID))
    b2 = jnp.zeros((HID,), dtype=jnp.float32)
    Wfc = jax.random.normal(ks[4], (HID, OUT), dtype=jnp.float32) * (1.0 / np.sqrt(HID))
    bfc = jnp.zeros((OUT,), dtype=jnp.float32)
    return {"x": x, "edge_index": edge_index, "W1": W1, "b1": b1, "W2": W2, "b2": b2, "Wfc": Wfc, "bfc": bfc}


def _gcn_layer(x, W, b, src, dst, n):
    # PyG GCNConv: out = D^{-1/2} (A + I) D^{-1/2} X W + b
    xw = x @ W
    loop = jnp.arange(n, dtype=src.dtype)
    src_full = jnp.concatenate([src, loop])
    dst_full = jnp.concatenate([dst, loop])
    ones = jnp.ones(src_full.shape[0], dtype=x.dtype)
    deg = jax.ops.segment_sum(ones, dst_full, num_segments=n)
    dinv = jnp.where(deg > 0, 1.0 / jnp.sqrt(deg), 0.0)
    norm = dinv[src_full] * dinv[dst_full]
    msgs = xw[src_full] * norm[:, None]
    out = jax.ops.segment_sum(msgs, dst_full, num_segments=n)
    return out + b


def reference(x, edge_index, W1, b1, W2, b2, Wfc, bfc):
    n = x.shape[0]
    src = edge_index[0]
    dst = edge_index[1]
    h = jax.nn.relu(_gcn_layer(x, W1, b1, src, dst, n))
    h = jax.nn.relu(_gcn_layer(h, W2, b2, src, dst, n))
    out = h @ Wfc + bfc
    return jax.nn.log_softmax(out, axis=1)

if __name__ == "__main__":
    import jax
    _d = setup_inputs()
    print(jax.jit(kernel)(*tuple(_d.values())))

</pallas_src>

<mosaic_0001>
#map = affine_map<(d0, d1) -> (0, 0, 0)>
#map1 = affine_map<(d0, d1) -> (0, 0)>
module attributes {stable_mosaic.version = 14 : i64} {
  func.func @deg_k(%arg0: i32, %arg1: i32, %arg2: memref<32x40x128xi32, #tpu.memory_space<hbm>>, %arg3: memref<10112x128xf32, #tpu.memory_space<hbm>>, %arg4: memref<128x128xf32, #tpu.memory_space<hbm>>, %arg5: memref<2x10112x128xf32, #tpu.memory_space<hbm>>, %arg6: memref<40x128xi32, #tpu.memory_space<vmem>>, %arg7: memref<128x128xf32, #tpu.memory_space<vmem>>, %arg8: memref<10112x128xf32, #tpu.memory_space<vmem_shared>>) attributes {dimension_semantics = [#tpu.dimension_semantics<core_parallel>, #tpu.dimension_semantics<subcore_parallel>], iteration_bounds = array<i64: 2, 16>, scalar_prefetch = 0 : i64, scratch_operands = 3 : i64, tpu.core_type = #tpu.core_type<sc_vector_subcore>, window_params = [{transform_indices = #map}, {transform_indices = #map1}, {transform_indices = #map1}, {transform_indices = #map}]} {
    %mul3A = arith.constant 16 : i32
    %mul3A_0 = arith.muli %arg0, %mul3A : i32
    %add3A = arith.addi %mul3A_0, %arg1 : i32
    "tpu.region"() ({
      %run_scoped3A = tpu.sem_alloc : memref<!tpu.dma_semaphore, #tpu.memory_space<semaphore_mem>>
      %dma_start3A = arith.constant 0 : i32
      %dma_start3A_9 = arith.constant 0 : i32
      %dma_start3A_10 = tpu.memref_slice %arg2[%add3A, %dma_start3A, %dma_start3A_9] : memref<32x40x128xi32, #tpu.memory_space<hbm>> -> memref<1x40x128xi32, #tpu.memory_space<hbm>>
      %dma_start3A_11 = tpu.memref_squeeze %dma_start3A_10 : memref<1x40x128xi32, #tpu.memory_space<hbm>> -> memref<40x128xi32, #tpu.memory_space<hbm>>
      %dma_start3A_12 = arith.constant 0 : i32
      %dma_start3A_13 = arith.constant 0 : i32
      %dma_start3A_14 = tpu.memref_slice %arg2[%add3A, %dma_start3A_12, %dma_start3A_13] : memref<32x40x128xi32, #tpu.memory_space<hbm>> -> memref<1x40x128xi32, #tpu.memory_space<hbm>>
      %dma_start3A_15 = tpu.memref_squeeze %dma_start3A_14 : memref<1x40x128xi32, #tpu.memory_space<hbm>> -> memref<40x128xi32, #tpu.memory_space<hbm>>
      tpu.enqueue_dma source(%dma_start3A_15 : memref<40x128xi32, #tpu.memory_space<hbm>>) target(%arg6 : memref<40x128xi32, #tpu.memory_space<vmem>>) target_semaphore(%run_scoped3A : memref<!tpu.dma_semaphore, #tpu.memory_space<semaphore_mem>>)
      %dma_wait3A = arith.constant 0 : i32
      %dma_wait3A_16 = arith.constant 0 : i32
      %dma_wait3A_17 = tpu.memref_slice %arg2[%add3A, %dma_wait3A, %dma_wait3A_16] : memref<32x40x128xi32, #tpu.memory_space<hbm>> -> memref<1x40x128xi32, #tpu.memory_space<hbm>>
      %dma_wait3A_18 = tpu.memref_squeeze %dma_wait3A_17 : memref<1x40x128xi32, #tpu.memory_space<hbm>> -> memref<40x128xi32, #tpu.memory_space<hbm>>
      %dma_wait3A_19 = arith.constant 0 : i32
      %dma_wait3A_20 = arith.constant 0 : i32
      %dma_wait3A_21 = tpu.memref_slice %arg2[%add3A, %dma_wait3A_19, %dma_wait3A_20] : memref<32x40x128xi32, #tpu.memory_space<hbm>> -> memref<1x40x128xi32, #tpu.memory_space<hbm>>
      %dma_wait3A_22 = tpu.memref_squeeze %dma_wait3A_21 : memref<1x40x128xi32, #tpu.memory_space<hbm>> -> memref<40x128xi32, #tpu.memory_space<hbm>>
      tpu.wait_dma2 semaphore(%run_scoped3A : memref<!tpu.dma_semaphore, #tpu.memory_space<semaphore_mem>>) src(%dma_wait3A_22 : memref<40x128xi32, #tpu.memory_space<hbm>>) dst(%arg6 : memref<40x128xi32, #tpu.memory_space<vmem>>)
      tpu.yield
    }) : () -> ()
    "tpu.region"() ({
      %run_scoped3A = tpu.sem_alloc : memref<!tpu.dma_semaphore, #tpu.memory_space<semaphore_mem>>
      tpu.enqueue_dma source(%arg4 : memref<128x128xf32, #tpu.memory_space<hbm>>) target(%arg7 : memref<128x128xf32, #tpu.memory_space<vmem>>) target_semaphore(%run_scoped3A : memref<!tpu.dma_semaphore, #tpu.memory_space<semaphore_mem>>)
      tpu.wait_dma2 semaphore(%run_scoped3A : memref<!tpu.dma_semaphore, #tpu.memory_space<semaphore_mem>>) src(%arg4 : memref<128x128xf32, #tpu.memory_space<hbm>>) dst(%arg7 : memref<128x128xf32, #tpu.memory_space<vmem>>)
      tpu.yield
    }) : () -> ()
    %mul3A_1 = arith.constant 632 : i32
    %mul3A_2 = arith.muli %arg1, %mul3A_1 : i32
    "tpu.region"() ({
      %run_scoped3A = tpu.sem_alloc : memref<!tpu.dma_semaphore, #tpu.memory_space<semaphore_mem>>
      %dma_start3A = arith.constant 0 : i32
      %dma_start3A_9 = tpu.memref_slice %arg8[%mul3A_2, %dma_start3A] : memref<10112x128xf32, #tpu.memory_space<vmem_shared>> -> memref<632x128xf32, #tpu.memory_space<vmem_shared>>
      %dma_start3A_10 = arith.constant 0 : i32
      %dma_start3A_11 = tpu.memref_slice %arg3[%mul3A_2, %dma_start3A_10] : memref<10112x128xf32, #tpu.memory_space<hbm>> -> memref<632x128xf32, #tpu.memory_space<hbm>>
      tpu.enqueue_dma source(%dma_start3A_11 : memref<632x128xf32, #tpu.memory_space<hbm>>) target(%dma_start3A_9 : memref<632x128xf32, #tpu.memory_space<vmem_shared>>) target_semaphore(%run_scoped3A : memref<!tpu.dma_semaphore, #tpu.memory_space<semaphore_mem>>)
      %dma_wait3A = arith.constant 0 : i32
      %dma_wait3A_12 = tpu.memref_slice %arg8[%mul3A_2, %dma_wait3A] : memref<10112x128xf32, #tpu.memory_space<vmem_shared>> -> memref<632x128xf32, #tpu.memory_space<vmem_shared>>
      %dma_wait3A_13 = arith.constant 0 : i32
      %dma_wait3A_14 = tpu.memref_slice %arg3[%mul3A_2, %dma_wait3A_13] : memref<10112x128xf32, #tpu.memory_space<hbm>> -> memref<632x128xf32, #tpu.memory_space<hbm>>
      tpu.wait_dma2 semaphore(%run_scoped3A : memref<!tpu.dma_semaphore, #tpu.memory_space<semaphore_mem>>) src(%dma_wait3A_14 : memref<632x128xf32, #tpu.memory_space<hbm>>) dst(%dma_wait3A_12 : memref<632x128xf32, #tpu.memory_space<vmem_shared>>)
      tpu.yield
    }) : () -> ()
    %barrier3A = arith.constant 0 : index
    tpu.barrier barrier_id(%barrier3A)
    %scan3A = arith.constant 0 : i32
    %scan3A_3 = arith.constant 0 : i32
    %scan3A_4 = arith.constant 40 : i32
    %scan3A_5 = arith.addi %scan3A_3, %scan3A_4 : i32
    %scan3A_6 = arith.constant 1 : i32
    scf.for %scan3A_9 = %scan3A_3 to %scan3A_5 step %scan3A_6  : i32 {
      "tpu.region"() ({
        %run_scoped3A = tpu.sem_alloc : memref<!tpu.dma_semaphore, #tpu.memory_space<semaphore_mem>>
        %dma_start3A = arith.constant 0 : i32
        %dma_start3A_10 = tpu.memref_slice %arg6[%scan3A_9, %dma_start3A] : memref<40x128xi32, #tpu.memory_space<vmem>> -> memref<1x128xi32, #tpu.memory_space<vmem>>
        %dma_start3A_11 = tpu.memref_squeeze %dma_start3A_10 : memref<1x128xi32, #tpu.memory_space<vmem>> -> memref<128xi32, #tpu.memory_space<vmem>>
        %dma_start3A_12 = arith.constant 0 : i32
        %dma_start3A_13 = arith.constant 0 : i32
        %dma_start3A_14 = tpu.memref_slice %arg8[%dma_start3A_12, %dma_start3A_13] : memref<10112x128xf32, #tpu.memory_space<vmem_shared>> -> memref<10112x128xf32, #tpu.memory_space<vmem_shared>>
        tpu.enqueue_indirect_dma source(%arg7 : memref<128x128xf32, #tpu.memory_space<vmem>>) target(%dma_start3A_14 : memref<10112x128xf32, #tpu.memory_space<vmem_shared>>) offsets(%dma_start3A_11 : memref<128xi32, #tpu.memory_space<vmem>>) semaphore(%run_scoped3A : memref<!tpu.dma_semaphore, #tpu.memory_space<semaphore_mem>>) {add = true}
        %dma_wait3A = arith.constant 0 : i32
        %dma_wait3A_15 = tpu.memref_slice %arg6[%scan3A_9, %dma_wait3A] : memref<40x128xi32, #tpu.memory_space<vmem>> -> memref<1x128xi32, #tpu.memory_space<vmem>>
        %dma_wait3A_16 = tpu.memref_squeeze %dma_wait3A_15 : memref<1x128xi32, #tpu.memory_space<vmem>> -> memref<128xi32, #tpu.memory_space<vmem>>
        %dma_wait3A_17 = arith.constant 0 : i32
        %dma_wait3A_18 = arith.constant 0 : i32
        %dma_wait3A_19 = tpu.memref_slice %arg8[%dma_wait3A_17, %dma_wait3A_18] : memref<10112x128xf32, #tpu.memory_space<vmem_shared>> -> memref<10112x128xf32, #tpu.memory_space<vmem_shared>>
        tpu.wait_indirect_dma semaphore(%run_scoped3A : memref<!tpu.dma_semaphore, #tpu.memory_space<semaphore_mem>>) src(%arg7 : memref<128x128xf32, #tpu.memory_space<vmem>>) dst(%dma_wait3A_19 : memref<10112x128xf32, #tpu.memory_space<vmem_shared>>)
        tpu.yield
      }) : () -> ()
    }
    %scan3A_7 = arith.constant 40 : i32
    %barrier3A_8 = arith.constant 0 : index
    tpu.barrier barrier_id(%barrier3A_8)
    "tpu.region"() ({
      %run_scoped3A = tpu.sem_alloc : memref<!tpu.dma_semaphore, #tpu.memory_space<semaphore_mem>>
      %dma_start3A = arith.constant 0 : i32
      %dma_start3A_9 = tpu.memref_slice %arg5[%arg0, %mul3A_2, %dma_start3A] : memref<2x10112x128xf32, #tpu.memory_space<hbm>> -> memref<1x632x128xf32, #tpu.memory_space<hbm>>
      %dma_start3A_10 = tpu.memref_squeeze %dma_start3A_9 : memref<1x632x128xf32, #tpu.memory_space<hbm>> -> memref<632x128xf32, #tpu.memory_space<hbm>>
      %dma_start3A_11 = arith.constant 0 : i32
      %dma_start3A_12 = tpu.memref_slice %arg8[%mul3A_2, %dma_start3A_11] : memref<10112x128xf32, #tpu.memory_space<vmem_shared>> -> memref<632x128xf32, #tpu.memory_space<vmem_shared>>
      tpu.enqueue_dma source(%dma_start3A_12 : memref<632x128xf32, #tpu.memory_space<vmem_shared>>) target(%dma_start3A_10 : memref<632x128xf32, #tpu.memory_space<hbm>>) target_semaphore(%run_scoped3A : memref<!tpu.dma_semaphore, #tpu.memory_space<semaphore_mem>>)
      %dma_wait3A = arith.constant 0 : i32
      %dma_wait3A_13 = tpu.memref_slice %arg5[%arg0, %mul3A_2, %dma_wait3A] : memref<2x10112x128xf32, #tpu.memory_space<hbm>> -> memref<1x632x128xf32, #tpu.memory_space<hbm>>
      %dma_wait3A_14 = tpu.memref_squeeze %dma_wait3A_13 : memref<1x632x128xf32, #tpu.memory_space<hbm>> -> memref<632x128xf32, #tpu.memory_space<hbm>>
      %dma_wait3A_15 = arith.constant 0 : i32
      %dma_wait3A_16 = tpu.memref_slice %arg8[%mul3A_2, %dma_wait3A_15] : memref<10112x128xf32, #tpu.memory_space<vmem_shared>> -> memref<632x128xf32, #tpu.memory_space<vmem_shared>>
      tpu.wait_dma2 semaphore(%run_scoped3A : memref<!tpu.dma_semaphore, #tpu.memory_space<semaphore_mem>>) src(%dma_wait3A_16 : memref<632x128xf32, #tpu.memory_space<vmem_shared>>) dst(%dma_wait3A_14 : memref<632x128xf32, #tpu.memory_space<hbm>>)
      tpu.yield
    }) : () -> ()
    return
  }
}

#map = affine_map<(d0, d1) -> (0, 0)>
#map1 = affine_map<(d0, d1) -> (0, 0, 0)>
module attributes {stable_mosaic.version = 14 : i64} {
  func.func @agg_k(%arg0: i32, %arg1: i32, %arg2: memref<32x5120xi32, #tpu.memory_space<hbm>>, %arg3: memref<32x5120xi32, #tpu.memory_space<hbm>>, %arg4: memref<10112x128xf32, #tpu.memory_space<hbm>>, %arg5: memref<10000x128xf32, #tpu.memory_space<hbm>>, %arg6: memref<2x10112x128xf32, #tpu.memory_space<hbm>>, %arg7: memref<5120xi32, #tpu.memory_space<vmem>>, %arg8: memref<5120xi32, #tpu.memory_space<vmem>>, %arg9: memref<64x128xf32, #tpu.memory_space<vmem>>, %arg10: memref<64x128xf32, #tpu.memory_space<vmem>>, %arg11: memref<64x128xf32, #tpu.memory_space<vmem>>, %arg12: memref<64x128xf32, #tpu.memory_space<vmem>>, %arg13: memref<10112x128xf32, #tpu.memory_space<vmem_shared>>, %arg14: memref<!tpu.dma_semaphore, #tpu.memory_space<semaphore_mem>>, %arg15: memref<!tpu.dma_semaphore, #tpu.memory_space<semaphore_mem>>) attributes {dimension_semantics = [#tpu.dimension_semantics<core_parallel>, #tpu.dimension_semantics<subcore_parallel>], iteration_bounds = array<i64: 2, 16>, scalar_prefetch = 0 : i64, scratch_operands = 9 : i64, tpu.core_type = #tpu.core_type<sc_vector_subcore>, window_params = [{transform_indices = #map}, {transform_indices = #map}, {transform_indices = #map}, {transform_indices = #map}, {transform_indices = #map1}]} {
    %mul3A = arith.constant 16 : i32
    %mul3A_0 = arith.muli %arg0, %mul3A : i32
    %add3A = arith.addi %mul3A_0, %arg1 : i32
    "tpu.region"() ({
      %run_scoped3A = tpu.sem_alloc : memref<!tpu.dma_semaphore, #tpu.memory_space<semaphore_mem>>
      %dma_start3A_95 = arith.constant 0 : i32
      %dma_start3A_96 = tpu.memref_slice %arg2[%add3A, %dma_start3A_95] : memref<32x5120xi32, #tpu.memory_space<hbm>> -> memref<1x5120xi32, #tpu.memory_space<hbm>>
      %dma_start3A_97 = tpu.memref_squeeze %dma_start3A_96 : memref<1x5120xi32, #tpu.memory_space<hbm>> -> memref<5120xi32, #tpu.memory_space<hbm>>
      %dma_start3A_98 = arith.constant 0 : i32
      %dma_start3A_99 = tpu.memref_slice %arg2[%add3A, %dma_start3A_98] : memref<32x5120xi32, #tpu.memory_space<hbm>> -> memref<1x5120xi32, #tpu.memory_space<hbm>>
      %dma_start3A_100 = tpu.memref_squeeze %dma_start3A_99 : memref<1x5120xi32, #tpu.memory_space<hbm>> -> memref<5120xi32, #tpu.memory_space<hbm>>
      tpu.enqueue_dma source(%dma_start3A_100 : memref<5120xi32, #tpu.memory_space<hbm>>) target(%arg7 : memref<5120xi32, #tpu.memory_space<vmem>>) target_semaphore(%run_scoped3A : memref<!tpu.dma_semaphore, #tpu.memory_space<semaphore_mem>>)
      %dma_wait3A_101 = arith.constant 0 : i32
      %dma_wait3A_102 = tpu.memref_slice %arg2[%add3A, %dma_wait3A_101] : memref<32x5120xi32, #tpu.memory_space<hbm>> -> memref<1x5120xi32, #tpu.memory_space<hbm>>
      %dma_wait3A_103 = tpu.memref_squeeze %dma_wait3A_102 : memref<1x5120xi32, #tpu.memory_space<hbm>> -> memref<5120xi32, #tpu.memory_space<hbm>>
      %dma_wait3A_104 = arith.constant 0 : i32
      %dma_wait3A_105 = tpu.memref_slice %arg2[%add3A, %dma_wait3A_104] : memref<32x5120xi32, #tpu.memory_space<hbm>> -> memref<1x5120xi32, #tpu.memory_space<hbm>>
      %dma_wait3A_106 = tpu.memref_squeeze %dma_wait3A_105 : memref<1x5120xi32, #tpu.memory_space<hbm>> -> memref<5120xi32, #tpu.memory_space<hbm>>
      tpu.wait_dma2 semaphore(%run_scoped3A : memref<!tpu.dma_semaphore, #tpu.memory_space<semaphore_mem>>) src(%dma_wait3A_106 : memref<5120xi32, #tpu.memory_space<hbm>>) dst(%arg7 : memref<5120xi32, #tpu.memory_space<vmem>>)
      tpu.yield
    }) : () -> ()
    "tpu.region"() ({
      %run_scoped3A = tpu.sem_alloc : memref<!tpu.dma_semaphore, #tpu.memory_space<semaphore_mem>>
      %dma_start3A_95 = arith.constant 0 : i32
      %dma_start3A_96 = tpu.memref_slice %arg3[%add3A, %dma_start3A_95] : memref<32x5120xi32, #tpu.memory_space<hbm>> -> memref<1x5120xi32, #tpu.memory_space<hbm>>
      %dma_start3A_97 = tpu.memref_squeeze %dma_start3A_96 : memref<1x5120xi32, #tpu.memory_space<hbm>> -> memref<5120xi32, #tpu.memory_space<hbm>>
      %dma_start3A_98 = arith.constant 0 : i32
      %dma_start3A_99 = tpu.memref_slice %arg3[%add3A, %dma_start3A_98] : memref<32x5120xi32, #tpu.memory_space<hbm>> -> memref<1x5120xi32, #tpu.memory_space<hbm>>
      %dma_start3A_100 = tpu.memref_squeeze %dma_start3A_99 : memref<1x5120xi32, #tpu.memory_space<hbm>> -> memref<5120xi32, #tpu.memory_space<hbm>>
      tpu.enqueue_dma source(%dma_start3A_100 : memref<5120xi32, #tpu.memory_space<hbm>>) target(%arg8 : memref<5120xi32, #tpu.memory_space<vmem>>) target_semaphore(%run_scoped3A : memref<!tpu.dma_semaphore, #tpu.memory_space<semaphore_mem>>)
      %dma_wait3A_101 = arith.constant 0 : i32
      %dma_wait3A_102 = tpu.memref_slice %arg3[%add3A, %dma_wait3A_101] : memref<32x5120xi32, #tpu.memory_space<hbm>> -> memref<1x5120xi32, #tpu.memory_space<hbm>>
      %dma_wait3A_103 = tpu.memref_squeeze %dma_wait3A_102 : memref<1x5120xi32, #tpu.memory_space<hbm>> -> memref<5120xi32, #tpu.memory_space<hbm>>
      %dma_wait3A_104 = arith.constant 0 : i32
      %dma_wait3A_105 = tpu.memref_slice %arg3[%add3A, %dma_wait3A_104] : memref<32x5120xi32, #tpu.memory_space<hbm>> -> memref<1x5120xi32, #tpu.memory_space<hbm>>
      %dma_wait3A_106 = tpu.memref_squeeze %dma_wait3A_105 : memref<1x5120xi32, #tpu.memory_space<hbm>> -> memref<5120xi32, #tpu.memory_space<hbm>>
      tpu.wait_dma2 semaphore(%run_scoped3A : memref<!tpu.dma_semaphore, #tpu.memory_space<semaphore_mem>>) src(%dma_wait3A_106 : memref<5120xi32, #tpu.memory_space<hbm>>) dst(%arg8 : memref<5120xi32, #tpu.memory_space<vmem>>)
      tpu.yield
    }) : () -> ()
    %mul3A_1 = arith.constant 632 : i32
    %mul3A_2 = arith.muli %arg1, %mul3A_1 : i32
    "tpu.region"() ({
      %run_scoped3A = tpu.sem_alloc : memref<!tpu.dma_semaphore, #tpu.memory_space<semaphore_mem>>
      %dma_start3A_95 = arith.constant 0 : i32
      %dma_start3A_96 = tpu.memref_slice %arg13[%mul3A_2, %dma_start3A_95] : memref<10112x128xf32, #tpu.memory_space<vmem_shared>> -> memref<632x128xf32, #tpu.memory_space<vmem_shared>>
      %dma_start3A_97 = arith.constant 0 : i32
      %dma_start3A_98 = tpu.memref_slice %arg4[%mul3A_2, %dma_start3A_97] : memref<10112x128xf32, #tpu.memory_space<hbm>> -> memref<632x128xf32, #tpu.memory_space<hbm>>
      tpu.enqueue_dma source(%dma_start3A_98 : memref<632x128xf32, #tpu.memory_space<hbm>>) target(%dma_start3A_96 : memref<632x128xf32, #tpu.memory_space<vmem_shared>>) target_semaphore(%run_scoped3A : memref<!tpu.dma_semaphore, #tpu.memory_space<semaphore_mem>>)
      %dma_wait3A_99 = arith.constant 0 : i32
      %dma_wait3A_100 = tpu.memref_slice %arg13[%mul3A_2, %dma_wait3A_99] : memref<10112x128xf32, #tpu.memory_space<vmem_shared>> -> memref<632x128xf32, #tpu.memory_space<vmem_shared>>
      %dma_wait3A_101 = arith.constant 0 : i32
      %dma_wait3A_102 = tpu.memref_slice %arg4[%mul3A_2, %dma_wait3A_101] : memref<10112x128xf32, #tpu.memory_space<hbm>> -> memref<632x128xf32, #tpu.memory_space<hbm>>
      tpu.wait_dma2 semaphore(%run_scoped3A : memref<!tpu.dma_semaphore, #tpu.memory_space<semaphore_mem>>) src(%dma_wait3A_102 : memref<632x128xf32, #tpu.memory_space<hbm>>) dst(%dma_wait3A_100 : memref<632x128xf32, #tpu.memory_space<vmem_shared>>)
      tpu.yield
    }) : () -> ()
    %barrier3A = arith.constant 0 : index
    tpu.barrier barrier_id(%barrier3A)
    %dma_start3A = arith.constant 0 : i32
    %dma_start3A_3 = tpu.memref_slice %arg7[%dma_start3A] : memref<5120xi32, #tpu.memory_space<vmem>> -> memref<64xi32, #tpu.memory_space<vmem>>
    %dma_start3A_4 = arith.constant 0 : i32
    %dma_start3A_5 = arith.constant 0 : i32
    %dma_start3A_6 = tpu.memref_slice %arg5[%dma_start3A_4, %dma_start3A_5] : memref<10000x128xf32, #tpu.memory_space<hbm>> -> memref<10000x128xf32, #tpu.memory_space<hbm>>
    tpu.enqueue_indirect_dma source(%dma_start3A_6 : memref<10000x128xf32, #tpu.memory_space<hbm>>) target(%arg9 : memref<64x128xf32, #tpu.memory_space<vmem>>) offsets(%dma_start3A_3 : memref<64xi32, #tpu.memory_space<vmem>>) semaphore(%arg14 : memref<!tpu.dma_semaphore, #tpu.memory_space<semaphore_mem>>)
    %dma_start3A_7 = arith.constant 64 : i32
    %dma_start3A_8 = tpu.memref_slice %arg7[%dma_start3A_7] : memref<5120xi32, #tpu.memory_space<vmem>> -> memref<64xi32, #tpu.memory_space<vmem>>
    %dma_start3A_9 = arith.constant 0 : i32
    %dma_start3A_10 = arith.constant 0 : i32
    %dma_start3A_11 = tpu.memref_slice %arg5[%dma_start3A_9, %dma_start3A_10] : memref<10000x128xf32, #tpu.memory_space<hbm>> -> memref<10000x128xf32, #tpu.memory_space<hbm>>
    tpu.enqueue_indirect_dma source(%dma_start3A_11 : memref<10000x128xf32, #tpu.memory_space<hbm>>) target(%arg10 : memref<64x128xf32, #tpu.memory_space<vmem>>) offsets(%dma_start3A_8 : memref<64xi32, #tpu.memory_space<vmem>>) semaphore(%arg14 : memref<!tpu.dma_semaphore, #tpu.memory_space<semaphore_mem>>)
    %dma_start3A_12 = arith.constant 128 : i32
    %dma_start3A_13 = tpu.memref_slice %arg7[%dma_start3A_12] : memref<5120xi32, #tpu.memory_space<vmem>> -> memref<64xi32, #tpu.memory_space<vmem>>
    %dma_start3A_14 = arith.constant 0 : i32
    %dma_start3A_15 = arith.constant 0 : i32
    %dma_start3A_16 = tpu.memref_slice %arg5[%dma_start3A_14, %dma_start3A_15] : memref<10000x128xf32, #tpu.memory_space<hbm>> -> memref<10000x128xf32, #tpu.memory_space<hbm>>
    tpu.enqueue_indirect_dma source(%dma_start3A_16 : memref<10000x128xf32, #tpu.memory_space<hbm>>) target(%arg11 : memref<64x128xf32, #tpu.memory_space<vmem>>) offsets(%dma_start3A_13 : memref<64xi32, #tpu.memory_space<vmem>>) semaphore(%arg14 : memref<!tpu.dma_semaphore, #tpu.memory_space<semaphore_mem>>)
    %dma_wait3A = arith.constant 0 : i32
    %dma_wait3A_17 = arith.constant 0 : i32
    %dma_wait3A_18 = tpu.memref_slice %arg4[%dma_wait3A, %dma_wait3A_17] : memref<10112x128xf32, #tpu.memory_space<hbm>> -> memref<64x128xf32, #tpu.memory_space<hbm>>
    %dma_wait3A_19 = arith.constant 0 : i32
    %dma_wait3A_20 = arith.constant 0 : i32
    %dma_wait3A_21 = tpu.memref_slice %arg4[%dma_wait3A_19, %dma_wait3A_20] : memref<10112x128xf32, #tpu.memory_space<hbm>> -> memref<64x128xf32, #tpu.memory_space<hbm>>
    tpu.wait_dma2 semaphore(%arg14 : memref<!tpu.dma_semaphore, #tpu.memory_space<semaphore_mem>>) src(%dma_wait3A_21 : memref<64x128xf32, #tpu.memory_space<hbm>>) dst(%arg9 : memref<64x128xf32, #tpu.memory_space<vmem>>)
    %dma_start3A_22 = arith.constant 0 : i32
    %dma_start3A_23 = tpu.memref_slice %arg8[%dma_start3A_22] : memref<5120xi32, #tpu.memory_space<vmem>> -> memref<64xi32, #tpu.memory_space<vmem>>
    %dma_start3A_24 = arith.constant 0 : i32
    %dma_start3A_25 = arith.constant 0 : i32
    %dma_start3A_26 = tpu.memref_slice %arg13[%dma_start3A_24, %dma_start3A_25] : memref<10112x128xf32, #tpu.memory_space<vmem_shared>> -> memref<10112x128xf32, #tpu.memory_space<vmem_shared>>
    tpu.enqueue_indirect_dma source(%arg9 : memref<64x128xf32, #tpu.memory_space<vmem>>) target(%dma_start3A_26 : memref<10112x128xf32, #tpu.memory_space<vmem_shared>>) offsets(%dma_start3A_23 : memref<64xi32, #tpu.memory_space<vmem>>) semaphore(%arg15 : memref<!tpu.dma_semaphore, #tpu.memory_space<semaphore_mem>>) {add = true}
    %dma_start3A_27 = arith.constant 192 : i32
    %dma_start3A_28 = tpu.memref_slice %arg7[%dma_start3A_27] : memref<5120xi32, #tpu.memory_space<vmem>> -> memref<64xi32, #tpu.memory_space<vmem>>
    %dma_start3A_29 = arith.constant 0 : i32
    %dma_start3A_30 = arith.constant 0 : i32
    %dma_start3A_31 = tpu.memref_slice %arg5[%dma_start3A_29, %dma_start3A_30] : memref<10000x128xf32, #tpu.memory_space<hbm>> -> memref<10000x128xf32, #tpu.memory_space<hbm>>
    tpu.enqueue_indirect_dma source(%dma_start3A_31 : memref<10000x128xf32, #tpu.memory_space<hbm>>) target(%arg12 : memref<64x128xf32, #tpu.memory_space<vmem>>) offsets(%dma_start3A_28 : memref<64xi32, #tpu.memory_space<vmem>>) semaphore(%arg14 : memref<!tpu.dma_semaphore, #tpu.memory_space<semaphore_mem>>)
    %dma_wait3A_32 = arith.constant 0 : i32
    %dma_wait3A_33 = arith.constant 0 : i32
    %dma_wait3A_34 = tpu.memref_slice %arg4[%dma_wait3A_32, %dma_wait3A_33] : memref<10112x128xf32, #tpu.memory_space<hbm>> -> memref<64x128xf32, #tpu.memory_space<hbm>>
    %dma_wait3A_35 = arith.constant 0 : i32
    %dma_wait3A_36 = arith.constant 0 : i32
    %dma_wait3A_37 = tpu.memref_slice %arg4[%dma_wait3A_35, %dma_wait3A_36] : memref<10112x128xf32, #tpu.memory_space<hbm>> -> memref<64x128xf32, #tpu.memory_space<hbm>>
    tpu.wait_dma2 semaphore(%arg14 : memref<!tpu.dma_semaphore, #tpu.memory_space<semaphore_mem>>) src(%dma_wait3A_37 : memref<64x128xf32, #tpu.memory_space<hbm>>) dst(%arg10 : memref<64x128xf32, #tpu.memory_space<vmem>>)
    %dma_start3A_38 = arith.constant 64 : i32
    %dma_start3A_39 = tpu.memref_slice %arg8[%dma_start3A_38] : memref<5120xi32, #tpu.memory_space<vmem>> -> memref<64xi32, #tpu.memory_space<vmem>>
    %dma_start3A_40 = arith.constant 0 : i32
    %dma_start3A_41 = arith.constant 0 : i32
    %dma_start3A_42 = tpu.memref_slice %arg13[%dma_start3A_40, %dma_start3A_41] : memref<10112x128xf32, #tpu.memory_space<vmem_shared>> -> memref<10112x128xf32, #tpu.memory_space<vmem_shared>>
    tpu.enqueue_indirect_dma source(%arg10 : memref<64x128xf32, #tpu.memory_space<vmem>>) target(%dma_start3A_42 : memref<10112x128xf32, #tpu.memory_space<vmem_shared>>) offsets(%dma_start3A_39 : memref<64xi32, #tpu.memory_space<vmem>>) semaphore(%arg15 : memref<!tpu.dma_semaphore, #tpu.memory_space<semaphore_mem>>) {add = true}
    %scan3A = arith.constant 0 : i32
    %scan3A_43 = arith.constant 0 : i32
    %scan3A_44 = arith.constant 19 : i32
    %scan3A_45 = arith.addi %scan3A_43, %scan3A_44 : i32
    %scan3A_46 = arith.constant 1 : i32
    scf.for %scan3A_95 = %scan3A_43 to %scan3A_45 step %scan3A_46  : i32 {
      %mul3A_96 = arith.constant 4 : i32
      %mul3A_97 = arith.muli %mul3A_96, %scan3A_95 : i32
      %add3A_98 = arith.constant 2 : i32
      %add3A_99 = arith.addi %add3A_98, %mul3A_97 : i32
      %dma_wait3A_100 = arith.constant 0 : i32
      %dma_wait3A_101 = arith.constant 0 : i32
      %dma_wait3A_102 = tpu.memref_slice %arg4[%dma_wait3A_100, %dma_wait3A_101] : memref<10112x128xf32, #tpu.memory_space<hbm>> -> memref<64x128xf32, #tpu.memory_space<hbm>>
      %dma_wait3A_103 = arith.constant 0 : i32
      %dma_wait3A_104 = arith.constant 0 : i32
      %dma_wait3A_105 = tpu.memref_slice %arg4[%dma_wait3A_103, %dma_wait3A_104] : memref<10112x128xf32, #tpu.memory_space<hbm>> -> memref<64x128xf32, #tpu.memory_space<hbm>>
      tpu.wait_dma2 semaphore(%arg15 : memref<!tpu.dma_semaphore, #tpu.memory_space<semaphore_mem>>) src(%dma_wait3A_105 : memref<64x128xf32, #tpu.memory_space<hbm>>) dst(%arg9 : memref<64x128xf32, #tpu.memory_space<vmem>>)
      %add3A_106 = arith.constant 2 : i32
      %add3A_107 = arith.addi %add3A_99, %add3A_106 : i32
      %mul3A_108 = arith.constant 64 : i32
      %mul3A_109 = arith.muli %add3A_107, %mul3A_108 : i32
      %dma_start3A_110 = tpu.memref_slice %arg7[%mul3A_109] : memref<5120xi32, #tpu.memory_space<vmem>> -> memref<64xi32, #tpu.memory_space<vmem>>
      %dma_start3A_111 = arith.constant 0 : i32
      %dma_start3A_112 = arith.constant 0 : i32
      %dma_start3A_113 = tpu.memref_slice %arg5[%dma_start3A_111, %dma_start3A_112] : memref<10000x128xf32, #tpu.memory_space<hbm>> -> memref<10000x128xf32, #tpu.memory_space<hbm>>
      tpu.enqueue_indirect_dma source(%dma_start3A_113 : memref<10000x128xf32, #tpu.memory_space<hbm>>) target(%arg9 : memref<64x128xf32, #tpu.memory_space<vmem>>) offsets(%dma_start3A_110 : memref<64xi32, #tpu.memory_space<vmem>>) semaphore(%arg14 : memref<!tpu.dma_semaphore, #tpu.memory_space<semaphore_mem>>)
      %dma_wait3A_114 = arith.constant 0 : i32
      %dma_wait3A_115 = arith.constant 0 : i32
      %dma_wait3A_116 = tpu.memref_slice %arg4[%dma_wait3A_114, %dma_wait3A_115] : memref<10112x128xf32, #tpu.memory_space<hbm>> -> memref<64x128xf32, #tpu.memory_space<hbm>>
      %dma_wait3A_117 = arith.constant 0 : i32
      %dma_wait3A_118 = arith.constant 0 : i32
      %dma_wait3A_119 = tpu.memref_slice %arg4[%dma_wait3A_117, %dma_wait3A_118] : memref<10112x128xf32, #tpu.memory_space<hbm>> -> memref<64x128xf32, #tpu.memory_space<hbm>>
      tpu.wait_dma2 semaphore(%arg14 : memref<!tpu.dma_semaphore, #tpu.memory_space<semaphore_mem>>) src(%dma_wait3A_119 : memref<64x128xf32, #tpu.memory_space<hbm>>) dst(%arg11 : memref<64x128xf32, #tpu.memory_space<vmem>>)
      %mul3A_120 = arith.constant 64 : i32
      %mul3A_121 = arith.muli %add3A_99, %mul3A_120 : i32
      %dma_start3A_122 = tpu.memref_slice %arg8[%mul3A_121] : memref<5120xi32, #tpu.memory_space<vmem>> -> memref<64xi32, #tpu.memory_space<vmem>>
      %dma_start3A_123 = arith.constant 0 : i32
      %dma_start3A_124 = arith.constant 0 : i32
      %dma_start3A_125 = tpu.memref_slice %arg13[%dma_start3A_123, %dma_start3A_124] : memref<10112x128xf32, #tpu.memory_space<vmem_shared>> -> memref<10112x128xf32, #tpu.memory_space<vmem_shared>>
      tpu.enqueue_indirect_dma source(%arg11 : memref<64x128xf32, #tpu.memory_space<vmem>>) target(%dma_start3A_125 : memref<10112x128xf32, #tpu.memory_space<vmem_shared>>) offsets(%dma_start3A_122 : memref<64xi32, #tpu.memory_space<vmem>>) semaphore(%arg15 : memref<!tpu.dma_semaphore, #tpu.memory_space<semaphore_mem>>) {add = true}
      %add3A_126 = arith.constant 1 : i32
      %add3A_127 = arith.addi %add3A_99, %add3A_126 : i32
      %dma_wait3A_128 = arith.constant 0 : i32
      %dma_wait3A_129 = arith.constant 0 : i32
      %dma_wait3A_130 = tpu.memref_slice %arg4[%dma_wait3A_128, %dma_wait3A_129] : memref<10112x128xf32, #tpu.memory_space<hbm>> -> memref<64x128xf32, #tpu.memory_space<hbm>>
      %dma_wait3A_131 = arith.constant 0 : i32
      %dma_wait3A_132 = arith.constant 0 : i32
      %dma_wait3A_133 = tpu.memref_slice %arg4[%dma_wait3A_131, %dma_wait3A_132] : memref<10112x128xf32, #tpu.memory_space<hbm>> -> memref<64x128xf32, #tpu.memory_space<hbm>>
      tpu.wait_dma2 semaphore(%arg15 : memref<!tpu.dma_semaphore, #tpu.memory_space<semaphore_mem>>) src(%dma_wait3A_133 : memref<64x128xf32, #tpu.memory_space<hbm>>) dst(%arg10 : memref<64x128xf32, #tpu.memory_space<vmem>>)
      %add3A_134 = arith.constant 2 : i32
      %add3A_135 = arith.addi %add3A_127, %add3A_134 : i32
      %mul3A_136 = arith.constant 64 : i32
      %mul3A_137 = arith.muli %add3A_135, %mul3A_136 : i32
      %dma_start3A_138 = tpu.memref_slice %arg7[%mul3A_137] : memref<5120xi32, #tpu.memory_space<vmem>> -> memref<64xi32, #tpu.memory_space<vmem>>
      %dma_start3A_139 = arith.constant 0 : i32
      %dma_start3A_140 = arith.constant 0 : i32
      %dma_start3A_141 = tpu.memref_slice %arg5[%dma_start3A_139, %dma_start3A_140] : memref<10000x128xf32, #tpu.memory_space<hbm>> -> memref<10000x128xf32, #tpu.memory_space<hbm>>
      tpu.enqueue_indirect_dma source(%dma_start3A_141 : memref<10000x128xf32, #tpu.memory_space<hbm>>) target(%arg10 : memref<64x128xf32, #tpu.memory_space<vmem>>) offsets(%dma_start3A_138 : memref<64xi32, #tpu.memory_space<vmem>>) semaphore(%arg14 : memref<!tpu.dma_semaphore, #tpu.memory_space<semaphore_mem>>)
      %dma_wait3A_142 = arith.constant 0 : i32
      %dma_wait3A_143 = arith.constant 0 : i32
      %dma_wait3A_144 = tpu.memref_slice %arg4[%dma_wait3A_142, %dma_wait3A_143] : memref<10112x128xf32, #tpu.memory_space<hbm>> -> memref<64x128xf32, #tpu.memory_space<hbm>>
      %dma_wait3A_145 = arith.constant 0 : i32
      %dma_wait3A_146 = arith.constant 0 : i32
      %dma_wait3A_147 = tpu.memref_slice %arg4[%dma_wait3A_145, %dma_wait3A_146] : memref<10112x128xf32, #tpu.memory_space<hbm>> -> memref<64x128xf32, #tpu.memory_space<hbm>>
      tpu.wait_dma2 semaphore(%arg14 : memref<!tpu.dma_semaphore, #tpu.memory_space<semaphore_mem>>) src(%dma_wait3A_147 : memref<64x128xf32, #tpu.memory_space<hbm>>) dst(%arg12 : memref<64x128xf32, #tpu.memory_space<vmem>>)
      %mul3A_148 = arith.constant 64 : i32
      %mul3A_149 = arith.muli %add3A_127, %mul3A_148 : i32
      %dma_start3A_150 = tpu.memref_slice %arg8[%mul3A_149] : memref<5120xi32, #tpu.memory_space<vmem>> -> memref<64xi32, #tpu.memory_space<vmem>>
      %dma_start3A_151 = arith.constant 0 : i32
      %dma_start3A_152 = arith.constant 0 : i32
      %dma_start3A_153 = tpu.memref_slice %arg13[%dma_start3A_151, %dma_start3A_152] : memref<10112x128xf32, #tpu.memory_space<vmem_shared>> -> memref<10112x128xf32, #tpu.memory_space<vmem_shared>>
      tpu.enqueue_indirect_dma source(%arg12 : memref<64x128xf32, #tpu.memory_space<vmem>>) target(%dma_start3A_153 : memref<10112x128xf32, #tpu.memory_space<vmem_shared>>) offsets(%dma_start3A_150 : memref<64xi32, #tpu.memory_space<vmem>>) semaphore(%arg15 : memref<!tpu.dma_semaphore, #tpu.memory_space<semaphore_mem>>) {add = true}
      %add3A_154 = arith.constant 2 : i32
      %add3A_155 = arith.addi %add3A_99, %add3A_154 : i32
      %dma_wait3A_156 = arith.constant 0 : i32
      %dma_wait3A_157 = arith.constant 0 : i32
      %dma_wait3A_158 = tpu.memref_slice %arg4[%dma_wait3A_156, %dma_wait3A_157] : memref<10112x128xf32, #tpu.memory_space<hbm>> -> memref<64x128xf32, #tpu.memory_space<hbm>>
      %dma_wait3A_159 = arith.constant 0 : i32
      %dma_wait3A_160 = arith.constant 0 : i32
      %dma_wait3A_161 = tpu.memref_slice %arg4[%dma_wait3A_159, %dma_wait3A_160] : memref<10112x128xf32, #tpu.memory_space<hbm>> -> memref<64x128xf32, #tpu.memory_space<hbm>>
      tpu.wait_dma2 semaphore(%arg15 : memref<!tpu.dma_semaphore, #tpu.memory_space<semaphore_mem>>) src(%dma_wait3A_161 : memref<64x128xf32, #tpu.memory_space<hbm>>) dst(%arg11 : memref<64x128xf32, #tpu.memory_space<vmem>>)
      %add3A_162 = arith.constant 2 : i32
      %add3A_163 = arith.addi %add3A_155, %add3A_162 : i32
      %mul3A_164 = arith.constant 64 : i32
      %mul3A_165 = arith.muli %add3A_163, %mul3A_164 : i32
      %dma_start3A_166 = tpu.memref_slice %arg7[%mul3A_165] : memref<5120xi32, #tpu.memory_space<vmem>> -> memref<64xi32, #tpu.memory_space<vmem>>
      %dma_start3A_167 = arith.constant 0 : i32
      %dma_start3A_168 = arith.constant 0 : i32
      %dma_start3A_169 = tpu.memref_slice %arg5[%dma_start3A_167, %dma_start3A_168] : memref<10000x128xf32, #tpu.memory_space<hbm>> -> memref<10000x128xf32, #tpu.memory_space<hbm>>
      tpu.enqueue_indirect_dma source(%dma_start3A_169 : memref<10000x128xf32, #tpu.memory_space<hbm>>) target(%arg11 : memref<64x128xf32, #tpu.memory_space<vmem>>) offsets(%dma_start3A_166 : memref<64xi32, #tpu.memory_space<vmem>>) semaphore(%arg14 : memref<!tpu.dma_semaphore, #tpu.memory_space<semaphore_mem>>)
      %dma_wait3A_170 = arith.constant 0 : i32
      %dma_wait3A_171 = arith.constant 0 : i32
      %dma_wait3A_172 = tpu.memref_slice %arg4[%dma_wait3A_170, %dma_wait3A_171] : memref<10112x128xf32, #tpu.memory_space<hbm>> -> memref<64x128xf32, #tpu.memory_space<hbm>>
      %dma_wait3A_173 = arith.constant 0 : i32
      %dma_wait3A_174 = arith.constant 0 : i32
      %dma_wait3A_175 = tpu.memref_slice %arg4[%dma_wait3A_173, %dma_wait3A_174] : memref<10112x128xf32, #tpu.memory_space<hbm>> -> memref<64x128xf32, #tpu.memory_space<hbm>>
      tpu.wait_dma2 semaphore(%arg14 : memref<!tpu.dma_semaphore, #tpu.memory_space<semaphore_mem>>) src(%dma_wait3A_175 : memref<64x128xf32, #tpu.memory_space<hbm>>) dst(%arg9 : memref<64x128xf32, #tpu.memory_space<vmem>>)
      %mul3A_176 = arith.constant 64 : i32
      %mul3A_177 = arith.muli %add3A_155, %mul3A_176 : i32
      %dma_start3A_178 = tpu.memref_slice %arg8[%mul3A_177] : memref<5120xi32, #tpu.memory_space<vmem>> -> memref<64xi32, #tpu.memory_space<vmem>>
      %dma_start3A_179 = arith.constant 0 : i32
      %dma_start3A_180 = arith.constant 0 : i32
      %dma_start3A_181 = tpu.memref_slice %arg13[%dma_start3A_179, %dma_start3A_180] : memref<10112x128xf32, #tpu.memory_space<vmem_shared>> -> memref<10112x128xf32, #tpu.memory_space<vmem_shared>>
      tpu.enqueue_indirect_dma source(%arg9 : memref<64x128xf32, #tpu.memory_space<vmem>>) target(%dma_start3A_181 : memref<10112x128xf32, #tpu.memory_space<vmem_shared>>) offsets(%dma_start3A_178 : memref<64xi32, #tpu.memory_space<vmem>>) semaphore(%arg15 : memref<!tpu.dma_semaphore, #tpu.memory_space<semaphore_mem>>) {add = true}
      %add3A_182 = arith.constant 3 : i32
      %add3A_183 = arith.addi %add3A_99, %add3A_182 : i32
      %dma_wait3A_184 = arith.constant 0 : i32
      %dma_wait3A_185 = arith.constant 0 : i32
      %dma_wait3A_186 = tpu.memref_slice %arg4[%dma_wait3A_184, %dma_wait3A_185] : memref<10112x128xf32, #tpu.memory_space<hbm>> -> memref<64x128xf32, #tpu.memory_space<hbm>>
      %dma_wait3A_187 = arith.constant 0 : i32
      %dma_wait3A_188 = arith.constant 0 : i32
      %dma_wait3A_189 = tpu.memref_slice %arg4[%dma_wait3A_187, %dma_wait3A_188] : memref<10112x128xf32, #tpu.memory_space<hbm>> -> memref<64x128xf32, #tpu.memory_space<hbm>>
      tpu.wait_dma2 semaphore(%arg15 : memref<!tpu.dma_semaphore, #tpu.memory_space<semaphore_mem>>) src(%dma_wait3A_189 : memref<64x128xf32, #tpu.memory_space<hbm>>) dst(%arg12 : memref<64x128xf32, #tpu.memory_space<vmem>>)
      %add3A_190 = arith.constant 2 : i32
      %add3A_191 = arith.addi %add3A_183, %add3A_190 : i32
      %mul3A_192 = arith.constant 64 : i32
      %mul3A_193 = arith.muli %add3A_191, %mul3A_192 : i32
      %dma_start3A_194 = tpu.memref_slice %arg7[%mul3A_193] : memref<5120xi32, #tpu.memory_space<vmem>> -> memref<64xi32, #tpu.memory_space<vmem>>
      %dma_start3A_195 = arith.constant 0 : i32
      %dma_start3A_196 = arith.constant 0 : i32
      %dma_start3A_197 = tpu.memref_slice %arg5[%dma_start3A_195, %dma_start3A_196] : memref<10000x128xf32, #tpu.memory_space<hbm>> -> memref<10000x128xf32, #tpu.memory_space<hbm>>
      tpu.enqueue_indirect_dma source(%dma_start3A_197 : memref<10000x128xf32, #tpu.memory_space<hbm>>) target(%arg12 : memref<64x128xf32, #tpu.memory_space<vmem>>) offsets(%dma_start3A_194 : memref<64xi32, #tpu.memory_space<vmem>>) semaphore(%arg14 : memref<!tpu.dma_semaphore, #tpu.memory_space<semaphore_mem>>)
      %dma_wait3A_198 = arith.constant 0 : i32
      %dma_wait3A_199 = arith.constant 0 : i32
      %dma_wait3A_200 = tpu.memref_slice %arg4[%dma_wait3A_198, %dma_wait3A_199] : memref<10112x128xf32, #tpu.memory_space<hbm>> -> memref<64x128xf32, #tpu.memory_space<hbm>>
      %dma_wait3A_201 = arith.constant 0 : i32
      %dma_wait3A_202 = arith.constant 0 : i32
      %dma_wait3A_203 = tpu.memref_slice %arg4[%dma_wait3A_201, %dma_wait3A_202] : memref<10112x128xf32, #tpu.memory_space<hbm>> -> memref<64x128xf32, #tpu.memory_space<hbm>>
      tpu.wait_dma2 semaphore(%arg14 : memref<!tpu.dma_semaphore, #tpu.memory_space<semaphore_mem>>) src(%dma_wait3A_203 : memref<64x128xf32, #tpu.memory_space<hbm>>) dst(%arg10 : memref<64x128xf32, #tpu.memory_space<vmem>>)
      %mul3A_204 = arith.constant 64 : i32
      %mul3A_205 = arith.muli %add3A_183, %mul3A_204 : i32
      %dma_start3A_206 = tpu.memref_slice %arg8[%mul3A_205] : memref<5120xi32, #tpu.memory_space<vmem>> -> memref<64xi32, #tpu.memory_space<vmem>>
      %dma_start3A_207 = arith.constant 0 : i32
      %dma_start3A_208 = arith.constant 0 : i32
      %dma_start3A_209 = tpu.memref_slice %arg13[%dma_start3A_207, %dma_start3A_208] : memref<10112x128xf32, #tpu.memory_space<vmem_shared>> -> memref<10112x128xf32, #tpu.memory_space<vmem_shared>>
      tpu.enqueue_indirect_dma source(%arg10 : memref<64x128xf32, #tpu.memory_space<vmem>>) target(%dma_start3A_209 : memref<10112x128xf32, #tpu.memory_space<vmem_shared>>) offsets(%dma_start3A_206 : memref<64xi32, #tpu.memory_space<vmem>>) semaphore(%arg15 : memref<!tpu.dma_semaphore, #tpu.memory_space<semaphore_mem>>) {add = true}
    }
    %scan3A_47 = arith.constant 19 : i32
    %dma_wait3A_48 = arith.constant 0 : i32
    %dma_wait3A_49 = arith.constant 0 : i32
    %dma_wait3A_50 = tpu.memref_slice %arg4[%dma_wait3A_48, %dma_wait3A_49] : memref<10112x128xf32, #tpu.memory_space<hbm>> -> memref<64x128xf32, #tpu.memory_space<hbm>>
    %dma_wait3A_51 = arith.constant 0 : i32
    %dma_wait3A_52 = arith.constant 0 : i32
    %dma_wait3A_53 = tpu.memref_slice %arg4[%dma_wait3A_51, %dma_wait3A_52] : memref<10112x128xf32, #tpu.memory_space<hbm>> -> memref<64x128xf32, #tpu.memory_space<hbm>>
    tpu.wait_dma2 semaphore(%arg15 : memref<!tpu.dma_semaphore, #tpu.memory_space<semaphore_mem>>) src(%dma_wait3A_53 : memref<64x128xf32, #tpu.memory_space<hbm>>) dst(%arg9 : memref<64x128xf32, #tpu.memory_space<vmem>>)
    %dma_wait3A_54 = arith.constant 0 : i32
    %dma_wait3A_55 = arith.constant 0 : i32
    %dma_wait3A_56 = tpu.memref_slice %arg4[%dma_wait3A_54, %dma_wait3A_55] : memref<10112x128xf32, #tpu.memory_space<hbm>> -> memref<64x128xf32, #tpu.memory_space<hbm>>
    %dma_wait3A_57 = arith.constant 0 : i32
    %dma_wait3A_58 = arith.constant 0 : i32
    %dma_wait3A_59 = tpu.memref_slice %arg4[%dma_wait3A_57, %dma_wait3A_58] : memref<10112x128xf32, #tpu.memory_space<hbm>> -> memref<64x128xf32, #tpu.memory_space<hbm>>
    tpu.wait_dma2 semaphore(%arg14 : memref<!tpu.dma_semaphore, #tpu.memory_space<semaphore_mem>>) src(%dma_wait3A_59 : memref<64x128xf32, #tpu.memory_space<hbm>>) dst(%arg11 : memref<64x128xf32, #tpu.memory_space<vmem>>)
    %dma_start3A_60 = arith.constant 4992 : i32
    %dma_start3A_61 = tpu.memref_slice %arg8[%dma_start3A_60] : memref<5120xi32, #tpu.memory_space<vmem>> -> memref<64xi32, #tpu.memory_space<vmem>>
    %dma_start3A_62 = arith.constant 0 : i32
    %dma_start3A_63 = arith.constant 0 : i32
    %dma_start3A_64 = tpu.memref_slice %arg13[%dma_start3A_62, %dma_start3A_63] : memref<10112x128xf32, #tpu.memory_space<vmem_shared>> -> memref<10112x128xf32, #tpu.memory_space<vmem_shared>>
    tpu.enqueue_indirect_dma source(%arg11 : memref<64x128xf32, #tpu.memory_space<vmem>>) target(%dma_start3A_64 : memref<10112x128xf32, #tpu.memory_space<vmem_shared>>) offsets(%dma_start3A_61 : memref<64xi32, #tpu.memory_space<vmem>>) semaphore(%arg15 : memref<!tpu.dma_semaphore, #tpu.memory_space<semaphore_mem>>) {add = true}
    %dma_wait3A_65 = arith.constant 0 : i32
    %dma_wait3A_66 = arith.constant 0 : i32
    %dma_wait3A_67 = tpu.memref_slice %arg4[%dma_wait3A_65, %dma_wait3A_66] : memref<10112x128xf32, #tpu.memory_space<hbm>> -> memref<64x128xf32, #tpu.memory_space<hbm>>
    %dma_wait3A_68 = arith.constant 0 : i32
    %dma_wait3A_69 = arith.constant 0 : i32
    %dma_wait3A_70 = tpu.memref_slice %arg4[%dma_wait3A_68, %dma_wait3A_69] : memref<10112x128xf32, #tpu.memory_space<hbm>> -> memref<64x128xf32, #tpu.memory_space<hbm>>
    tpu.wait_dma2 semaphore(%arg15 : memref<!tpu.dma_semaphore, #tpu.memory_space<semaphore_mem>>) src(%dma_wait3A_70 : memref<64x128xf32, #tpu.memory_space<hbm>>) dst(%arg10 : memref<64x128xf32, #tpu.memory_space<vmem>>)
    %dma_wait3A_71 = arith.constant 0 : i32
    %dma_wait3A_72 = arith.constant 0 : i32
    %dma_wait3A_73 = tpu.memref_slice %arg4[%dma_wait3A_71, %dma_wait3A_72] : memref<10112x128xf32, #tpu.memory_space<hbm>> -> memref<64x128xf32, #tpu.memory_space<hbm>>
    %dma_wait3A_74 = arith.constant 0 : i32
    %dma_wait3A_75 = arith.constant 0 : i32
    %dma_wait3A_76 = tpu.memref_slice %arg4[%dma_wait3A_74, %dma_wait3A_75] : memref<10112x128xf32, #tpu.memory_space<hbm>> -> memref<64x128xf32, #tpu.memory_space<hbm>>
    tpu.wait_dma2 semaphore(%arg14 : memref<!tpu.dma_semaphore, #tpu.memory_space<semaphore_mem>>) src(%dma_wait3A_76 : memref<64x128xf32, #tpu.memory_space<hbm>>) dst(%arg12 : memref<64x128xf32, #tpu.memory_space<vmem>>)
    %dma_start3A_77 = arith.constant 5056 : i32
    %dma_start3A_78 = tpu.memref_slice %arg8[%dma_start3A_77] : memref<5120xi32, #tpu.memory_space<vmem>> -> memref<64xi32, #tpu.memory_space<vmem>>
    %dma_start3A_79 = arith.constant 0 : i32
    %dma_start3A_80 = arith.constant 0 : i32
    %dma_start3A_81 = tpu.memref_slice %arg13[%dma_start3A_79, %dma_start3A_80] : memref<10112x128xf32, #tpu.memory_space<vmem_shared>> -> memref<10112x128xf32, #tpu.memory_space<vmem_shared>>
    tpu.enqueue_indirect_dma source(%arg12 : memref<64x128xf32, #tpu.memory_space<vmem>>) target(%dma_start3A_81 : memref<10112x128xf32, #tpu.memory_space<vmem_shared>>) offsets(%dma_start3A_78 : memref<64xi32, #tpu.memory_space<vmem>>) semaphore(%arg15 : memref<!tpu.dma_semaphore, #tpu.memory_space<semaphore_mem>>) {add = true}
    %dma_wait3A_82 = arith.constant 0 : i32
    %dma_wait3A_83 = arith.constant 0 : i32
    %dma_wait3A_84 = tpu.memref_slice %arg4[%dma_wait3A_82, %dma_wait3A_83] : memref<10112x128xf32, #tpu.memory_space<hbm>> -> memref<64x128xf32, #tpu.memory_space<hbm>>
    %dma_wait3A_85 = arith.constant 0 : i32
    %dma_wait3A_86 = arith.constant 0 : i32
    %dma_wait3A_87 = tpu.memref_slice %arg4[%dma_wait3A_85, %dma_wait3A_86] : memref<10112x128xf32, #tpu.memory_space<hbm>> -> memref<64x128xf32, #tpu.memory_space<hbm>>
    tpu.wait_dma2 semaphore(%arg15 : memref<!tpu.dma_semaphore, #tpu.memory_space<semaphore_mem>>) src(%dma_wait3A_87 : memref<64x128xf32, #tpu.memory_space<hbm>>) dst(%arg11 : memref<64x128xf32, #tpu.memory_space<vmem>>)
    %dma_wait3A_88 = arith.constant 0 : i32
    %dma_wait3A_89 = arith.constant 0 : i32
    %dma_wait3A_90 = tpu.memref_slice %arg4[%dma_wait3A_88, %dma_wait3A_89] : memref<10112x128xf32, #tpu.memory_space<hbm>> -> memref<64x128xf32, #tpu.memory_space<hbm>>
    %dma_wait3A_91 = arith.constant 0 : i32
    %dma_wait3A_92 = arith.constant 0 : i32
    %dma_wait3A_93 = tpu.memref_slice %arg4[%dma_wait3A_91, %dma_wait3A_92] : memref<10112x128xf32, #tpu.memory_space<hbm>> -> memref<64x128xf32, #tpu.memory_space<hbm>>
    tpu.wait_dma2 semaphore(%arg15 : memref<!tpu.dma_semaphore, #tpu.memory_space<semaphore_mem>>) src(%dma_wait3A_93 : memref<64x128xf32, #tpu.memory_space<hbm>>) dst(%arg12 : memref<64x128xf32, #tpu.memory_space<vmem>>)
    %barrier3A_94 = arith.constant 0 : index
    tpu.barrier barrier_id(%barrier3A_94)
    "tpu.region"() ({
      %run_scoped3A = tpu.sem_alloc : memref<!tpu.dma_semaphore, #tpu.memory_space<semaphore_mem>>
      %dma_start3A_95 = arith.constant 0 : i32
      %dma_start3A_96 = tpu.memref_slice %arg6[%arg0, %mul3A_2, %dma_start3A_95] : memref<2x10112x128xf32, #tpu.memory_space<hbm>> -> memref<1x632x128xf32, #tpu.memory_space<hbm>>
      %dma_start3A_97 = tpu.memref_squeeze %dma_start3A_96 : memref<1x632x128xf32, #tpu.memory_space<hbm>> -> memref<632x128xf32, #tpu.memory_space<hbm>>
      %dma_start3A_98 = arith.constant 0 : i32
      %dma_start3A_99 = tpu.memref_slice %arg13[%mul3A_2, %dma_start3A_98] : memref<10112x128xf32, #tpu.memory_space<vmem_shared>> -> memref<632x128xf32, #tpu.memory_space<vmem_shared>>
      tpu.enqueue_dma source(%dma_start3A_99 : memref<632x128xf32, #tpu.memory_space<vmem_shared>>) target(%dma_start3A_97 : memref<632x128xf32, #tpu.memory_space<hbm>>) target_semaphore(%run_scoped3A : memref<!tpu.dma_semaphore, #tpu.memory_space<semaphore_mem>>)
      %dma_wait3A_100 = arith.constant 0 : i32
      %dma_wait3A_101 = tpu.memref_slice %arg6[%arg0, %mul3A_2, %dma_wait3A_100] : memref<2x10112x128xf32, #tpu.memory_space<hbm>> -> memref<1x632x128xf32, #tpu.memory_space<hbm>>
      %dma_wait3A_102 = tpu.memref_squeeze %dma_wait3A_101 : memref<1x632x128xf32, #tpu.memory_space<hbm>> -> memref<632x128xf32, #tpu.memory_space<hbm>>
      %dma_wait3A_103 = arith.constant 0 : i32
      %dma_wait3A_104 = tpu.memref_slice %arg13[%mul3A_2, %dma_wait3A_103] : memref<10112x128xf32, #tpu.memory_space<vmem_shared>> -> memref<632x128xf32, #tpu.memory_space<vmem_shared>>
      tpu.wait_dma2 semaphore(%run_scoped3A : memref<!tpu.dma_semaphore, #tpu.memory_space<semaphore_mem>>) src(%dma_wait3A_104 : memref<632x128xf32, #tpu.memory_space<vmem_shared>>) dst(%dma_wait3A_102 : memref<632x128xf32, #tpu.memory_space<hbm>>)
      tpu.yield
    }) : () -> ()
    return
  }
}

#map = affine_map<(d0, d1) -> (0, 0)>
#map1 = affine_map<(d0, d1) -> (0, 0, 0)>
module attributes {stable_mosaic.version = 14 : i64} {
  func.func @agg_k(%arg0: i32, %arg1: i32, %arg2: memref<32x5120xi32, #tpu.memory_space<hbm>>, %arg3: memref<32x5120xi32, #tpu.memory_space<hbm>>, %arg4: memref<10112x128xf32, #tpu.memory_space<hbm>>, %arg5: memref<10000x128xf32, #tpu.memory_space<hbm>>, %arg6: memref<2x10112x128xf32, #tpu.memory_space<hbm>>, %arg7: memref<5120xi32, #tpu.memory_space<vmem>>, %arg8: memref<5120xi32, #tpu.memory_space<vmem>>, %arg9: memref<64x128xf32, #tpu.memory_space<vmem>>, %arg10: memref<64x128xf32, #tpu.memory_space<vmem>>, %arg11: memref<64x128xf32, #tpu.memory_space<vmem>>, %arg12: memref<64x128xf32, #tpu.memory_space<vmem>>, %arg13: memref<10112x128xf32, #tpu.memory_space<vmem_shared>>, %arg14: memref<!tpu.dma_semaphore, #tpu.memory_space<semaphore_mem>>, %arg15: memref<!tpu.dma_semaphore, #tpu.memory_space<semaphore_mem>>) attributes {dimension_semantics = [#tpu.dimension_semantics<core_parallel>, #tpu.dimension_semantics<subcore_parallel>], iteration_bounds = array<i64: 2, 16>, scalar_prefetch = 0 : i64, scratch_operands = 9 : i64, tpu.core_type = #tpu.core_type<sc_vector_subcore>, window_params = [{transform_indices = #map}, {transform_indices = #map}, {transform_indices = #map}, {transform_indices = #map}, {transform_indices = #map1}]} {
    %mul3A = arith.constant 16 : i32
    %mul3A_0 = arith.muli %arg0, %mul3A : i32
    %add3A = arith.addi %mul3A_0, %arg1 : i32
    "tpu.region"() ({
      %run_scoped3A = tpu.sem_alloc : memref<!tpu.dma_semaphore, #tpu.memory_space<semaphore_mem>>
      %dma_start3A_95 = arith.constant 0 : i32
      %dma_start3A_96 = tpu.memref_slice %arg2[%add3A, %dma_start3A_95] : memref<32x5120xi32, #tpu.memory_space<hbm>> -> memref<1x5120xi32, #tpu.memory_space<hbm>>
      %dma_start3A_97 = tpu.memref_squeeze %dma_start3A_96 : memref<1x5120xi32, #tpu.memory_space<hbm>> -> memref<5120xi32, #tpu.memory_space<hbm>>
      %dma_start3A_98 = arith.constant 0 : i32
      %dma_start3A_99 = tpu.memref_slice %arg2[%add3A, %dma_start3A_98] : memref<32x5120xi32, #tpu.memory_space<hbm>> -> memref<1x5120xi32, #tpu.memory_space<hbm>>
      %dma_start3A_100 = tpu.memref_squeeze %dma_start3A_99 : memref<1x5120xi32, #tpu.memory_space<hbm>> -> memref<5120xi32, #tpu.memory_space<hbm>>
      tpu.enqueue_dma source(%dma_start3A_100 : memref<5120xi32, #tpu.memory_space<hbm>>) target(%arg7 : memref<5120xi32, #tpu.memory_space<vmem>>) target_semaphore(%run_scoped3A : memref<!tpu.dma_semaphore, #tpu.memory_space<semaphore_mem>>)
      %dma_wait3A_101 = arith.constant 0 : i32
      %dma_wait3A_102 = tpu.memref_slice %arg2[%add3A, %dma_wait3A_101] : memref<32x5120xi32, #tpu.memory_space<hbm>> -> memref<1x5120xi32, #tpu.memory_space<hbm>>
      %dma_wait3A_103 = tpu.memref_squeeze %dma_wait3A_102 : memref<1x5120xi32, #tpu.memory_space<hbm>> -> memref<5120xi32, #tpu.memory_space<hbm>>
      %dma_wait3A_104 = arith.constant 0 : i32
      %dma_wait3A_105 = tpu.memref_slice %arg2[%add3A, %dma_wait3A_104] : memref<32x5120xi32, #tpu.memory_space<hbm>> -> memref<1x5120xi32, #tpu.memory_space<hbm>>
      %dma_wait3A_106 = tpu.memref_squeeze %dma_wait3A_105 : memref<1x5120xi32, #tpu.memory_space<hbm>> -> memref<5120xi32, #tpu.memory_space<hbm>>
      tpu.wait_dma2 semaphore(%run_scoped3A : memref<!tpu.dma_semaphore, #tpu.memory_space<semaphore_mem>>) src(%dma_wait3A_106 : memref<5120xi32, #tpu.memory_space<hbm>>) dst(%arg7 : memref<5120xi32, #tpu.memory_space<vmem>>)
      tpu.yield
    }) : () -> ()
    "tpu.region"() ({
      %run_scoped3A = tpu.sem_alloc : memref<!tpu.dma_semaphore, #tpu.memory_space<semaphore_mem>>
      %dma_start3A_95 = arith.constant 0 : i32
      %dma_start3A_96 = tpu.memref_slice %arg3[%add3A, %dma_start3A_95] : memref<32x5120xi32, #tpu.memory_space<hbm>> -> memref<1x5120xi32, #tpu.memory_space<hbm>>
      %dma_start3A_97 = tpu.memref_squeeze %dma_start3A_96 : memref<1x5120xi32, #tpu.memory_space<hbm>> -> memref<5120xi32, #tpu.memory_space<hbm>>
      %dma_start3A_98 = arith.constant 0 : i32
      %dma_start3A_99 = tpu.memref_slice %arg3[%add3A, %dma_start3A_98] : memref<32x5120xi32, #tpu.memory_space<hbm>> -> memref<1x5120xi32, #tpu.memory_space<hbm>>
      %dma_start3A_100 = tpu.memref_squeeze %dma_start3A_99 : memref<1x5120xi32, #tpu.memory_space<hbm>> -> memref<5120xi32, #tpu.memory_space<hbm>>
      tpu.enqueue_dma source(%dma_start3A_100 : memref<5120xi32, #tpu.memory_space<hbm>>) target(%arg8 : memref<5120xi32, #tpu.memory_space<vmem>>) target_semaphore(%run_scoped3A : memref<!tpu.dma_semaphore, #tpu.memory_space<semaphore_mem>>)
      %dma_wait3A_101 = arith.constant 0 : i32
      %dma_wait3A_102 = tpu.memref_slice %arg3[%add3A, %dma_wait3A_101] : memref<32x5120xi32, #tpu.memory_space<hbm>> -> memref<1x5120xi32, #tpu.memory_space<hbm>>
      %dma_wait3A_103 = tpu.memref_squeeze %dma_wait3A_102 : memref<1x5120xi32, #tpu.memory_space<hbm>> -> memref<5120xi32, #tpu.memory_space<hbm>>
      %dma_wait3A_104 = arith.constant 0 : i32
      %dma_wait3A_105 = tpu.memref_slice %arg3[%add3A, %dma_wait3A_104] : memref<32x5120xi32, #tpu.memory_space<hbm>> -> memref<1x5120xi32, #tpu.memory_space<hbm>>
      %dma_wait3A_106 = tpu.memref_squeeze %dma_wait3A_105 : memref<1x5120xi32, #tpu.memory_space<hbm>> -> memref<5120xi32, #tpu.memory_space<hbm>>
      tpu.wait_dma2 semaphore(%run_scoped3A : memref<!tpu.dma_semaphore, #tpu.memory_space<semaphore_mem>>) src(%dma_wait3A_106 : memref<5120xi32, #tpu.memory_space<hbm>>) dst(%arg8 : memref<5120xi32, #tpu.memory_space<vmem>>)
      tpu.yield
    }) : () -> ()
    %mul3A_1 = arith.constant 632 : i32
    %mul3A_2 = arith.muli %arg1, %mul3A_1 : i32
    "tpu.region"() ({
      %run_scoped3A = tpu.sem_alloc : memref<!tpu.dma_semaphore, #tpu.memory_space<semaphore_mem>>
      %dma_start3A_95 = arith.constant 0 : i32
      %dma_start3A_96 = tpu.memref_slice %arg13[%mul3A_2, %dma_start3A_95] : memref<10112x128xf32, #tpu.memory_space<vmem_shared>> -> memref<632x128xf32, #tpu.memory_space<vmem_shared>>
      %dma_start3A_97 = arith.constant 0 : i32
      %dma_start3A_98 = tpu.memref_slice %arg4[%mul3A_2, %dma_start3A_97] : memref<10112x128xf32, #tpu.memory_space<hbm>> -> memref<632x128xf32, #tpu.memory_space<hbm>>
      tpu.enqueue_dma source(%dma_start3A_98 : memref<632x128xf32, #tpu.memory_space<hbm>>) target(%dma_start3A_96 : memref<632x128xf32, #tpu.memory_space<vmem_shared>>) target_semaphore(%run_scoped3A : memref<!tpu.dma_semaphore, #tpu.memory_space<semaphore_mem>>)
      %dma_wait3A_99 = arith.constant 0 : i32
      %dma_wait3A_100 = tpu.memref_slice %arg13[%mul3A_2, %dma_wait3A_99] : memref<10112x128xf32, #tpu.memory_space<vmem_shared>> -> memref<632x128xf32, #tpu.memory_space<vmem_shared>>
      %dma_wait3A_101 = arith.constant 0 : i32
      %dma_wait3A_102 = tpu.memref_slice %arg4[%mul3A_2, %dma_wait3A_101] : memref<10112x128xf32, #tpu.memory_space<hbm>> -> memref<632x128xf32, #tpu.memory_space<hbm>>
      tpu.wait_dma2 semaphore(%run_scoped3A : memref<!tpu.dma_semaphore, #tpu.memory_space<semaphore_mem>>) src(%dma_wait3A_102 : memref<632x128xf32, #tpu.memory_space<hbm>>) dst(%dma_wait3A_100 : memref<632x128xf32, #tpu.memory_space<vmem_shared>>)
      tpu.yield
    }) : () -> ()
    %barrier3A = arith.constant 0 : index
    tpu.barrier barrier_id(%barrier3A)
    %dma_start3A = arith.constant 0 : i32
    %dma_start3A_3 = tpu.memref_slice %arg7[%dma_start3A] : memref<5120xi32, #tpu.memory_space<vmem>> -> memref<64xi32, #tpu.memory_space<vmem>>
    %dma_start3A_4 = arith.constant 0 : i32
    %dma_start3A_5 = arith.constant 0 : i32
    %dma_start3A_6 = tpu.memref_slice %arg5[%dma_start3A_4, %dma_start3A_5] : memref<10000x128xf32, #tpu.memory_space<hbm>> -> memref<10000x128xf32, #tpu.memory_space<hbm>>
    tpu.enqueue_indirect_dma source(%dma_start3A_6 : memref<10000x128xf32, #tpu.memory_space<hbm>>) target(%arg9 : memref<64x128xf32, #tpu.memory_space<vmem>>) offsets(%dma_start3A_3 : memref<64xi32, #tpu.memory_space<vmem>>) semaphore(%arg14 : memref<!tpu.dma_semaphore, #tpu.memory_space<semaphore_mem>>)
    %dma_start3A_7 = arith.constant 64 : i32
    %dma_start3A_8 = tpu.memref_slice %arg7[%dma_start3A_7] : memref<5120xi32, #tpu.memory_space<vmem>> -> memref<64xi32, #tpu.memory_space<vmem>>
    %dma_start3A_9 = arith.constant 0 : i32
    %dma_start3A_10 = arith.constant 0 : i32
    %dma_start3A_11 = tpu.memref_slice %arg5[%dma_start3A_9, %dma_start3A_10] : memref<10000x128xf32, #tpu.memory_space<hbm>> -> memref<10000x128xf32, #tpu.memory_space<hbm>>
    tpu.enqueue_indirect_dma source(%dma_start3A_11 : memref<10000x128xf32, #tpu.memory_space<hbm>>) target(%arg10 : memref<64x128xf32, #tpu.memory_space<vmem>>) offsets(%dma_start3A_8 : memref<64xi32, #tpu.memory_space<vmem>>) semaphore(%arg14 : memref<!tpu.dma_semaphore, #tpu.memory_space<semaphore_mem>>)
    %dma_start3A_12 = arith.constant 128 : i32
    %dma_start3A_13 = tpu.memref_slice %arg7[%dma_start3A_12] : memref<5120xi32, #tpu.memory_space<vmem>> -> memref<64xi32, #tpu.memory_space<vmem>>
    %dma_start3A_14 = arith.constant 0 : i32
    %dma_start3A_15 = arith.constant 0 : i32
    %dma_start3A_16 = tpu.memref_slice %arg5[%dma_start3A_14, %dma_start3A_15] : memref<10000x128xf32, #tpu.memory_space<hbm>> -> memref<10000x128xf32, #tpu.memory_space<hbm>>
    tpu.enqueue_indirect_dma source(%dma_start3A_16 : memref<10000x128xf32, #tpu.memory_space<hbm>>) target(%arg11 : memref<64x128xf32, #tpu.memory_space<vmem>>) offsets(%dma_start3A_13 : memref<64xi32, #tpu.memory_space<vmem>>) semaphore(%arg14 : memref<!tpu.dma_semaphore, #tpu.memory_space<semaphore_mem>>)
    %dma_wait3A = arith.constant 0 : i32
    %dma_wait3A_17 = arith.constant 0 : i32
    %dma_wait3A_18 = tpu.memref_slice %arg4[%dma_wait3A, %dma_wait3A_17] : memref<10112x128xf32, #tpu.memory_space<hbm>> -> memref<64x128xf32, #tpu.memory_space<hbm>>
    %dma_wait3A_19 = arith.constant 0 : i32
    %dma_wait3A_20 = arith.constant 0 : i32
    %dma_wait3A_21 = tpu.memref_slice %arg4[%dma_wait3A_19, %dma_wait3A_20] : memref<10112x128xf32, #tpu.memory_space<hbm>> -> memref<64x128xf32, #tpu.memory_space<hbm>>
    tpu.wait_dma2 semaphore(%arg14 : memref<!tpu.dma_semaphore, #tpu.memory_space<semaphore_mem>>) src(%dma_wait3A_21 : memref<64x128xf32, #tpu.memory_space<hbm>>) dst(%arg9 : memref<64x128xf32, #tpu.memory_space<vmem>>)
    %dma_start3A_22 = arith.constant 0 : i32
    %dma_start3A_23 = tpu.memref_slice %arg8[%dma_start3A_22] : memref<5120xi32, #tpu.memory_space<vmem>> -> memref<64xi32, #tpu.memory_space<vmem>>
    %dma_start3A_24 = arith.constant 0 : i32
    %dma_start3A_25 = arith.constant 0 : i32
    %dma_start3A_26 = tpu.memref_slice %arg13[%dma_start3A_24, %dma_start3A_25] : memref<10112x128xf32, #tpu.memory_space<vmem_shared>> -> memref<10112x128xf32, #tpu.memory_space<vmem_shared>>
    tpu.enqueue_indirect_dma source(%arg9 : memref<64x128xf32, #tpu.memory_space<vmem>>) target(%dma_start3A_26 : memref<10112x128xf32, #tpu.memory_space<vmem_shared>>) offsets(%dma_start3A_23 : memref<64xi32, #tpu.memory_space<vmem>>) semaphore(%arg15 : memref<!tpu.dma_semaphore, #tpu.memory_space<semaphore_mem>>) {add = true}
    %dma_start3A_27 = arith.constant 192 : i32
    %dma_start3A_28 = tpu.memref_slice %arg7[%dma_start3A_27] : memref<5120xi32, #tpu.memory_space<vmem>> -> memref<64xi32, #tpu.memory_space<vmem>>
    %dma_start3A_29 = arith.constant 0 : i32
    %dma_start3A_30 = arith.constant 0 : i32
    %dma_start3A_31 = tpu.memref_slice %arg5[%dma_start3A_29, %dma_start3A_30] : memref<10000x128xf32, #tpu.memory_space<hbm>> -> memref<10000x128xf32, #tpu.memory_space<hbm>>
    tpu.enqueue_indirect_dma source(%dma_start3A_31 : memref<10000x128xf32, #tpu.memory_space<hbm>>) target(%arg12 : memref<64x128xf32, #tpu.memory_space<vmem>>) offsets(%dma_start3A_28 : memref<64xi32, #tpu.memory_space<vmem>>) semaphore(%arg14 : memref<!tpu.dma_semaphore, #tpu.memory_space<semaphore_mem>>)
    %dma_wait3A_32 = arith.constant 0 : i32
    %dma_wait3A_33 = arith.constant 0 : i32
    %dma_wait3A_34 = tpu.memref_slice %arg4[%dma_wait3A_32, %dma_wait3A_33] : memref<10112x128xf32, #tpu.memory_space<hbm>> -> memref<64x128xf32, #tpu.memory_space<hbm>>
    %dma_wait3A_35 = arith.constant 0 : i32
    %dma_wait3A_36 = arith.constant 0 : i32
    %dma_wait3A_37 = tpu.memref_slice %arg4[%dma_wait3A_35, %dma_wait3A_36] : memref<10112x128xf32, #tpu.memory_space<hbm>> -> memref<64x128xf32, #tpu.memory_space<hbm>>
    tpu.wait_dma2 semaphore(%arg14 : memref<!tpu.dma_semaphore, #tpu.memory_space<semaphore_mem>>) src(%dma_wait3A_37 : memref<64x128xf32, #tpu.memory_space<hbm>>) dst(%arg10 : memref<64x128xf32, #tpu.memory_space<vmem>>)
    %dma_start3A_38 = arith.constant 64 : i32
    %dma_start3A_39 = tpu.memref_slice %arg8[%dma_start3A_38] : memref<5120xi32, #tpu.memory_space<vmem>> -> memref<64xi32, #tpu.memory_space<vmem>>
    %dma_start3A_40 = arith.constant 0 : i32
    %dma_start3A_41 = arith.constant 0 : i32
    %dma_start3A_42 = tpu.memref_slice %arg13[%dma_start3A_40, %dma_start3A_41] : memref<10112x128xf32, #tpu.memory_space<vmem_shared>> -> memref<10112x128xf32, #tpu.memory_space<vmem_shared>>
    tpu.enqueue_indirect_dma source(%arg10 : memref<64x128xf32, #tpu.memory_space<vmem>>) target(%dma_start3A_42 : memref<10112x128xf32, #tpu.memory_space<vmem_shared>>) offsets(%dma_start3A_39 : memref<64xi32, #tpu.memory_space<vmem>>) semaphore(%arg15 : memref<!tpu.dma_semaphore, #tpu.memory_space<semaphore_mem>>) {add = true}
    %scan3A = arith.constant 0 : i32
    %scan3A_43 = arith.constant 0 : i32
    %scan3A_44 = arith.constant 19 : i32
    %scan3A_45 = arith.addi %scan3A_43, %scan3A_44 : i32
    %scan3A_46 = arith.constant 1 : i32
    scf.for %scan3A_95 = %scan3A_43 to %scan3A_45 step %scan3A_46  : i32 {
      %mul3A_96 = arith.constant 4 : i32
      %mul3A_97 = arith.muli %mul3A_96, %scan3A_95 : i32
      %add3A_98 = arith.constant 2 : i32
      %add3A_99 = arith.addi %add3A_98, %mul3A_97 : i32
      %dma_wait3A_100 = arith.constant 0 : i32
      %dma_wait3A_101 = arith.constant 0 : i32
      %dma_wait3A_102 = tpu.memref_slice %arg4[%dma_wait3A_100, %dma_wait3A_101] : memref<10112x128xf32, #tpu.memory_space<hbm>> -> memref<64x128xf32, #tpu.memory_space<hbm>>
      %dma_wait3A_103 = arith.constant 0 : i32
      %dma_wait3A_104 = arith.constant 0 : i32
      %dma_wait3A_105 = tpu.memref_slice %arg4[%dma_wait3A_103, %dma_wait3A_104] : memref<10112x128xf32, #tpu.memory_space<hbm>> -> memref<64x128xf32, #tpu.memory_space<hbm>>
      tpu.wait_dma2 semaphore(%arg15 : memref<!tpu.dma_semaphore, #tpu.memory_space<semaphore_mem>>) src(%dma_wait3A_105 : memref<64x128xf32, #tpu.memory_space<hbm>>) dst(%arg9 : memref<64x128xf32, #tpu.memory_space<vmem>>)
      %add3A_106 = arith.constant 2 : i32
      %add3A_107 = arith.addi %add3A_99, %add3A_106 : i32
      %mul3A_108 = arith.constant 64 : i32
      %mul3A_109 = arith.muli %add3A_107, %mul3A_108 : i32
      %dma_start3A_110 = tpu.memref_slice %arg7[%mul3A_109] : memref<5120xi32, #tpu.memory_space<vmem>> -> memref<64xi32, #tpu.memory_space<vmem>>
      %dma_start3A_111 = arith.constant 0 : i32
      %dma_start3A_112 = arith.constant 0 : i32
      %dma_start3A_113 = tpu.memref_slice %arg5[%dma_start3A_111, %dma_start3A_112] : memref<10000x128xf32, #tpu.memory_space<hbm>> -> memref<10000x128xf32, #tpu.memory_space<hbm>>
      tpu.enqueue_indirect_dma source(%dma_start3A_113 : memref<10000x128xf32, #tpu.memory_space<hbm>>) target(%arg9 : memref<64x128xf32, #tpu.memory_space<vmem>>) offsets(%dma_start3A_110 : memref<64xi32, #tpu.memory_space<vmem>>) semaphore(%arg14 : memref<!tpu.dma_semaphore, #tpu.memory_space<semaphore_mem>>)
      %dma_wait3A_114 = arith.constant 0 : i32
      %dma_wait3A_115 = arith.constant 0 : i32
      %dma_wait3A_116 = tpu.memref_slice %arg4[%dma_wait3A_114, %dma_wait3A_115] : memref<10112x128xf32, #tpu.memory_space<hbm>> -> memref<64x128xf32, #tpu.memory_space<hbm>>
      %dma_wait3A_117 = arith.constant 0 : i32
      %dma_wait3A_118 = arith.constant 0 : i32
      %dma_wait3A_119 = tpu.memref_slice %arg4[%dma_wait3A_117, %dma_wait3A_118] : memref<10112x128xf32, #tpu.memory_space<hbm>> -> memref<64x128xf32, #tpu.memory_space<hbm>>
      tpu.wait_dma2 semaphore(%arg14 : memref<!tpu.dma_semaphore, #tpu.memory_space<semaphore_mem>>) src(%dma_wait3A_119 : memref<64x128xf32, #tpu.memory_space<hbm>>) dst(%arg11 : memref<64x128xf32, #tpu.memory_space<vmem>>)
      %mul3A_120 = arith.constant 64 : i32
      %mul3A_121 = arith.muli %add3A_99, %mul3A_120 : i32
      %dma_start3A_122 = tpu.memref_slice %arg8[%mul3A_121] : memref<5120xi32, #tpu.memory_space<vmem>> -> memref<64xi32, #tpu.memory_space<vmem>>
      %dma_start3A_123 = arith.constant 0 : i32
      %dma_start3A_124 = arith.constant 0 : i32
      %dma_start3A_125 = tpu.memref_slice %arg13[%dma_start3A_123, %dma_start3A_124] : memref<10112x128xf32, #tpu.memory_space<vmem_shared>> -> memref<10112x128xf32, #tpu.memory_space<vmem_shared>>
      tpu.enqueue_indirect_dma source(%arg11 : memref<64x128xf32, #tpu.memory_space<vmem>>) target(%dma_start3A_125 : memref<10112x128xf32, #tpu.memory_space<vmem_shared>>) offsets(%dma_start3A_122 : memref<64xi32, #tpu.memory_space<vmem>>) semaphore(%arg15 : memref<!tpu.dma_semaphore, #tpu.memory_space<semaphore_mem>>) {add = true}
      %add3A_126 = arith.constant 1 : i32
      %add3A_127 = arith.addi %add3A_99, %add3A_126 : i32
      %dma_wait3A_128 = arith.constant 0 : i32
      %dma_wait3A_129 = arith.constant 0 : i32
      %dma_wait3A_130 = tpu.memref_slice %arg4[%dma_wait3A_128, %dma_wait3A_129] : memref<10112x128xf32, #tpu.memory_space<hbm>> -> memref<64x128xf32, #tpu.memory_space<hbm>>
      %dma_wait3A_131 = arith.constant 0 : i32
      %dma_wait3A_132 = arith.constant 0 : i32
      %dma_wait3A_133 = tpu.memref_slice %arg4[%dma_wait3A_131, %dma_wait3A_132] : memref<10112x128xf32, #tpu.memory_space<hbm>> -> memref<64x128xf32, #tpu.memory_space<hbm>>
      tpu.wait_dma2 semaphore(%arg15 : memref<!tpu.dma_semaphore, #tpu.memory_space<semaphore_mem>>) src(%dma_wait3A_133 : memref<64x128xf32, #tpu.memory_space<hbm>>) dst(%arg10 : memref<64x128xf32, #tpu.memory_space<vmem>>)
      %add3A_134 = arith.constant 2 : i32
      %add3A_135 = arith.addi %add3A_127, %add3A_134 : i32
      %mul3A_136 = arith.constant 64 : i32
      %mul3A_137 = arith.muli %add3A_135, %mul3A_136 : i32
      %dma_start3A_138 = tpu.memref_slice %arg7[%mul3A_137] : memref<5120xi32, #tpu.memory_space<vmem>> -> memref<64xi32, #tpu.memory_space<vmem>>
      %dma_start3A_139 = arith.constant 0 : i32
      %dma_start3A_140 = arith.constant 0 : i32
      %dma_start3A_141 = tpu.memref_slice %arg5[%dma_start3A_139, %dma_start3A_140] : memref<10000x128xf32, #tpu.memory_space<hbm>> -> memref<10000x128xf32, #tpu.memory_space<hbm>>
      tpu.enqueue_indirect_dma source(%dma_start3A_141 : memref<10000x128xf32, #tpu.memory_space<hbm>>) target(%arg10 : memref<64x128xf32, #tpu.memory_space<vmem>>) offsets(%dma_start3A_138 : memref<64xi32, #tpu.memory_space<vmem>>) semaphore(%arg14 : memref<!tpu.dma_semaphore, #tpu.memory_space<semaphore_mem>>)
      %dma_wait3A_142 = arith.constant 0 : i32
      %dma_wait3A_143 = arith.constant 0 : i32
      %dma_wait3A_144 = tpu.memref_slice %arg4[%dma_wait3A_142, %dma_wait3A_143] : memref<10112x128xf32, #tpu.memory_space<hbm>> -> memref<64x128xf32, #tpu.memory_space<hbm>>
      %dma_wait3A_145 = arith.constant 0 : i32
      %dma_wait3A_146 = arith.constant 0 : i32
      %dma_wait3A_147 = tpu.memref_slice %arg4[%dma_wait3A_145, %dma_wait3A_146] : memref<10112x128xf32, #tpu.memory_space<hbm>> -> memref<64x128xf32, #tpu.memory_space<hbm>>
      tpu.wait_dma2 semaphore(%arg14 : memref<!tpu.dma_semaphore, #tpu.memory_space<semaphore_mem>>) src(%dma_wait3A_147 : memref<64x128xf32, #tpu.memory_space<hbm>>) dst(%arg12 : memref<64x128xf32, #tpu.memory_space<vmem>>)
      %mul3A_148 = arith.constant 64 : i32
      %mul3A_149 = arith.muli %add3A_127, %mul3A_148 : i32
      %dma_start3A_150 = tpu.memref_slice %arg8[%mul3A_149] : memref<5120xi32, #tpu.memory_space<vmem>> -> memref<64xi32, #tpu.memory_space<vmem>>
      %dma_start3A_151 = arith.constant 0 : i32
      %dma_start3A_152 = arith.constant 0 : i32
      %dma_start3A_153 = tpu.memref_slice %arg13[%dma_start3A_151, %dma_start3A_152] : memref<10112x128xf32, #tpu.memory_space<vmem_shared>> -> memref<10112x128xf32, #tpu.memory_space<vmem_shared>>
      tpu.enqueue_indirect_dma source(%arg12 : memref<64x128xf32, #tpu.memory_space<vmem>>) target(%dma_start3A_153 : memref<10112x128xf32, #tpu.memory_space<vmem_shared>>) offsets(%dma_start3A_150 : memref<64xi32, #tpu.memory_space<vmem>>) semaphore(%arg15 : memref<!tpu.dma_semaphore, #tpu.memory_space<semaphore_mem>>) {add = true}
      %add3A_154 = arith.constant 2 : i32
      %add3A_155 = arith.addi %add3A_99, %add3A_154 : i32
      %dma_wait3A_156 = arith.constant 0 : i32
      %dma_wait3A_157 = arith.constant 0 : i32
      %dma_wait3A_158 = tpu.memref_slice %arg4[%dma_wait3A_156, %dma_wait3A_157] : memref<10112x128xf32, #tpu.memory_space<hbm>> -> memref<64x128xf32, #tpu.memory_space<hbm>>
      %dma_wait3A_159 = arith.constant 0 : i32
      %dma_wait3A_160 = arith.constant 0 : i32
      %dma_wait3A_161 = tpu.memref_slice %arg4[%dma_wait3A_159, %dma_wait3A_160] : memref<10112x128xf32, #tpu.memory_space<hbm>> -> memref<64x128xf32, #tpu.memory_space<hbm>>
      tpu.wait_dma2 semaphore(%arg15 : memref<!tpu.dma_semaphore, #tpu.memory_space<semaphore_mem>>) src(%dma_wait3A_161 : memref<64x128xf32, #tpu.memory_space<hbm>>) dst(%arg11 : memref<64x128xf32, #tpu.memory_space<vmem>>)
      %add3A_162 = arith.constant 2 : i32
      %add3A_163 = arith.addi %add3A_155, %add3A_162 : i32
      %mul3A_164 = arith.constant 64 : i32
      %mul3A_165 = arith.muli %add3A_163, %mul3A_164 : i32
      %dma_start3A_166 = tpu.memref_slice %arg7[%mul3A_165] : memref<5120xi32, #tpu.memory_space<vmem>> -> memref<64xi32, #tpu.memory_space<vmem>>
      %dma_start3A_167 = arith.constant 0 : i32
      %dma_start3A_168 = arith.constant 0 : i32
      %dma_start3A_169 = tpu.memref_slice %arg5[%dma_start3A_167, %dma_start3A_168] : memref<10000x128xf32, #tpu.memory_space<hbm>> -> memref<10000x128xf32, #tpu.memory_space<hbm>>
      tpu.enqueue_indirect_dma source(%dma_start3A_169 : memref<10000x128xf32, #tpu.memory_space<hbm>>) target(%arg11 : memref<64x128xf32, #tpu.memory_space<vmem>>) offsets(%dma_start3A_166 : memref<64xi32, #tpu.memory_space<vmem>>) semaphore(%arg14 : memref<!tpu.dma_semaphore, #tpu.memory_space<semaphore_mem>>)
      %dma_wait3A_170 = arith.constant 0 : i32
      %dma_wait3A_171 = arith.constant 0 : i32
      %dma_wait3A_172 = tpu.memref_slice %arg4[%dma_wait3A_170, %dma_wait3A_171] : memref<10112x128xf32, #tpu.memory_space<hbm>> -> memref<64x128xf32, #tpu.memory_space<hbm>>
      %dma_wait3A_173 = arith.constant 0 : i32
      %dma_wait3A_174 = arith.constant 0 : i32
      %dma_wait3A_175 = tpu.memref_slice %arg4[%dma_wait3A_173, %dma_wait3A_174] : memref<10112x128xf32, #tpu.memory_space<hbm>> -> memref<64x128xf32, #tpu.memory_space<hbm>>
      tpu.wait_dma2 semaphore(%arg14 : memref<!tpu.dma_semaphore, #tpu.memory_space<semaphore_mem>>) src(%dma_wait3A_175 : memref<64x128xf32, #tpu.memory_space<hbm>>) dst(%arg9 : memref<64x128xf32, #tpu.memory_space<vmem>>)
      %mul3A_176 = arith.constant 64 : i32
      %mul3A_177 = arith.muli %add3A_155, %mul3A_176 : i32
      %dma_start3A_178 = tpu.memref_slice %arg8[%mul3A_177] : memref<5120xi32, #tpu.memory_space<vmem>> -> memref<64xi32, #tpu.memory_space<vmem>>
      %dma_start3A_179 = arith.constant 0 : i32
      %dma_start3A_180 = arith.constant 0 : i32
      %dma_start3A_181 = tpu.memref_slice %arg13[%dma_start3A_179, %dma_start3A_180] : memref<10112x128xf32, #tpu.memory_space<vmem_shared>> -> memref<10112x128xf32, #tpu.memory_space<vmem_shared>>
      tpu.enqueue_indirect_dma source(%arg9 : memref<64x128xf32, #tpu.memory_space<vmem>>) target(%dma_start3A_181 : memref<10112x128xf32, #tpu.memory_space<vmem_shared>>) offsets(%dma_start3A_178 : memref<64xi32, #tpu.memory_space<vmem>>) semaphore(%arg15 : memref<!tpu.dma_semaphore, #tpu.memory_space<semaphore_mem>>) {add = true}
      %add3A_182 = arith.constant 3 : i32
      %add3A_183 = arith.addi %add3A_99, %add3A_182 : i32
      %dma_wait3A_184 = arith.constant 0 : i32
      %dma_wait3A_185 = arith.constant 0 : i32
      %dma_wait3A_186 = tpu.memref_slice %arg4[%dma_wait3A_184, %dma_wait3A_185] : memref<10112x128xf32, #tpu.memory_space<hbm>> -> memref<64x128xf32, #tpu.memory_space<hbm>>
      %dma_wait3A_187 = arith.constant 0 : i32
      %dma_wait3A_188 = arith.constant 0 : i32
      %dma_wait3A_189 = tpu.memref_slice %arg4[%dma_wait3A_187, %dma_wait3A_188] : memref<10112x128xf32, #tpu.memory_space<hbm>> -> memref<64x128xf32, #tpu.memory_space<hbm>>
      tpu.wait_dma2 semaphore(%arg15 : memref<!tpu.dma_semaphore, #tpu.memory_space<semaphore_mem>>) src(%dma_wait3A_189 : memref<64x128xf32, #tpu.memory_space<hbm>>) dst(%arg12 : memref<64x128xf32, #tpu.memory_space<vmem>>)
      %add3A_190 = arith.constant 2 : i32
      %add3A_191 = arith.addi %add3A_183, %add3A_190 : i32
      %mul3A_192 = arith.constant 64 : i32
      %mul3A_193 = arith.muli %add3A_191, %mul3A_192 : i32
      %dma_start3A_194 = tpu.memref_slice %arg7[%mul3A_193] : memref<5120xi32, #tpu.memory_space<vmem>> -> memref<64xi32, #tpu.memory_space<vmem>>
      %dma_start3A_195 = arith.constant 0 : i32
      %dma_start3A_196 = arith.constant 0 : i32
      %dma_start3A_197 = tpu.memref_slice %arg5[%dma_start3A_195, %dma_start3A_196] : memref<10000x128xf32, #tpu.memory_space<hbm>> -> memref<10000x128xf32, #tpu.memory_space<hbm>>
      tpu.enqueue_indirect_dma source(%dma_start3A_197 : memref<10000x128xf32, #tpu.memory_space<hbm>>) target(%arg12 : memref<64x128xf32, #tpu.memory_space<vmem>>) offsets(%dma_start3A_194 : memref<64xi32, #tpu.memory_space<vmem>>) semaphore(%arg14 : memref<!tpu.dma_semaphore, #tpu.memory_space<semaphore_mem>>)
      %dma_wait3A_198 = arith.constant 0 : i32
      %dma_wait3A_199 = arith.constant 0 : i32
      %dma_wait3A_200 = tpu.memref_slice %arg4[%dma_wait3A_198, %dma_wait3A_199] : memref<10112x128xf32, #tpu.memory_space<hbm>> -> memref<64x128xf32, #tpu.memory_space<hbm>>
      %dma_wait3A_201 = arith.constant 0 : i32
      %dma_wait3A_202 = arith.constant 0 : i32
      %dma_wait3A_203 = tpu.memref_slice %arg4[%dma_wait3A_201, %dma_wait3A_202] : memref<10112x128xf32, #tpu.memory_space<hbm>> -> memref<64x128xf32, #tpu.memory_space<hbm>>
      tpu.wait_dma2 semaphore(%arg14 : memref<!tpu.dma_semaphore, #tpu.memory_space<semaphore_mem>>) src(%dma_wait3A_203 : memref<64x128xf32, #tpu.memory_space<hbm>>) dst(%arg10 : memref<64x128xf32, #tpu.memory_space<vmem>>)
      %mul3A_204 = arith.constant 64 : i32
      %mul3A_205 = arith.muli %add3A_183, %mul3A_204 : i32
      %dma_start3A_206 = tpu.memref_slice %arg8[%mul3A_205] : memref<5120xi32, #tpu.memory_space<vmem>> -> memref<64xi32, #tpu.memory_space<vmem>>
      %dma_start3A_207 = arith.constant 0 : i32
      %dma_start3A_208 = arith.constant 0 : i32
      %dma_start3A_209 = tpu.memref_slice %arg13[%dma_start3A_207, %dma_start3A_208] : memref<10112x128xf32, #tpu.memory_space<vmem_shared>> -> memref<10112x128xf32, #tpu.memory_space<vmem_shared>>
      tpu.enqueue_indirect_dma source(%arg10 : memref<64x128xf32, #tpu.memory_space<vmem>>) target(%dma_start3A_209 : memref<10112x128xf32, #tpu.memory_space<vmem_shared>>) offsets(%dma_start3A_206 : memref<64xi32, #tpu.memory_space<vmem>>) semaphore(%arg15 : memref<!tpu.dma_semaphore, #tpu.memory_space<semaphore_mem>>) {add = true}
    }
    %scan3A_47 = arith.constant 19 : i32
    %dma_wait3A_48 = arith.constant 0 : i32
    %dma_wait3A_49 = arith.constant 0 : i32
    %dma_wait3A_50 = tpu.memref_slice %arg4[%dma_wait3A_48, %dma_wait3A_49] : memref<10112x128xf32, #tpu.memory_space<hbm>> -> memref<64x128xf32, #tpu.memory_space<hbm>>
    %dma_wait3A_51 = arith.constant 0 : i32
    %dma_wait3A_52 = arith.constant 0 : i32
    %dma_wait3A_53 = tpu.memref_slice %arg4[%dma_wait3A_51, %dma_wait3A_52] : memref<10112x128xf32, #tpu.memory_space<hbm>> -> memref<64x128xf32, #tpu.memory_space<hbm>>
    tpu.wait_dma2 semaphore(%arg15 : memref<!tpu.dma_semaphore, #tpu.memory_space<semaphore_mem>>) src(%dma_wait3A_53 : memref<64x128xf32, #tpu.memory_space<hbm>>) dst(%arg9 : memref<64x128xf32, #tpu.memory_space<vmem>>)
    %dma_wait3A_54 = arith.constant 0 : i32
    %dma_wait3A_55 = arith.constant 0 : i32
    %dma_wait3A_56 = tpu.memref_slice %arg4[%dma_wait3A_54, %dma_wait3A_55] : memref<10112x128xf32, #tpu.memory_space<hbm>> -> memref<64x128xf32, #tpu.memory_space<hbm>>
    %dma_wait3A_57 = arith.constant 0 : i32
    %dma_wait3A_58 = arith.constant 0 : i32
    %dma_wait3A_59 = tpu.memref_slice %arg4[%dma_wait3A_57, %dma_wait3A_58] : memref<10112x128xf32, #tpu.memory_space<hbm>> -> memref<64x128xf32, #tpu.memory_space<hbm>>
    tpu.wait_dma2 semaphore(%arg14 : memref<!tpu.dma_semaphore, #tpu.memory_space<semaphore_mem>>) src(%dma_wait3A_59 : memref<64x128xf32, #tpu.memory_space<hbm>>) dst(%arg11 : memref<64x128xf32, #tpu.memory_space<vmem>>)
    %dma_start3A_60 = arith.constant 4992 : i32
    %dma_start3A_61 = tpu.memref_slice %arg8[%dma_start3A_60] : memref<5120xi32, #tpu.memory_space<vmem>> -> memref<64xi32, #tpu.memory_space<vmem>>
    %dma_start3A_62 = arith.constant 0 : i32
    %dma_start3A_63 = arith.constant 0 : i32
    %dma_start3A_64 = tpu.memref_slice %arg13[%dma_start3A_62, %dma_start3A_63] : memref<10112x128xf32, #tpu.memory_space<vmem_shared>> -> memref<10112x128xf32, #tpu.memory_space<vmem_shared>>
    tpu.enqueue_indirect_dma source(%arg11 : memref<64x128xf32, #tpu.memory_space<vmem>>) target(%dma_start3A_64 : memref<10112x128xf32, #tpu.memory_space<vmem_shared>>) offsets(%dma_start3A_61 : memref<64xi32, #tpu.memory_space<vmem>>) semaphore(%arg15 : memref<!tpu.dma_semaphore, #tpu.memory_space<semaphore_mem>>) {add = true}
    %dma_wait3A_65 = arith.constant 0 : i32
    %dma_wait3A_66 = arith.constant 0 : i32
    %dma_wait3A_67 = tpu.memref_slice %arg4[%dma_wait3A_65, %dma_wait3A_66] : memref<10112x128xf32, #tpu.memory_space<hbm>> -> memref<64x128xf32, #tpu.memory_space<hbm>>
    %dma_wait3A_68 = arith.constant 0 : i32
    %dma_wait3A_69 = arith.constant 0 : i32
    %dma_wait3A_70 = tpu.memref_slice %arg4[%dma_wait3A_68, %dma_wait3A_69] : memref<10112x128xf32, #tpu.memory_space<hbm>> -> memref<64x128xf32, #tpu.memory_space<hbm>>
    tpu.wait_dma2 semaphore(%arg15 : memref<!tpu.dma_semaphore, #tpu.memory_space<semaphore_mem>>) src(%dma_wait3A_70 : memref<64x128xf32, #tpu.memory_space<hbm>>) dst(%arg10 : memref<64x128xf32, #tpu.memory_space<vmem>>)
    %dma_wait3A_71 = arith.constant 0 : i32
    %dma_wait3A_72 = arith.constant 0 : i32
    %dma_wait3A_73 = tpu.memref_slice %arg4[%dma_wait3A_71, %dma_wait3A_72] : memref<10112x128xf32, #tpu.memory_space<hbm>> -> memref<64x128xf32, #tpu.memory_space<hbm>>
    %dma_wait3A_74 = arith.constant 0 : i32
    %dma_wait3A_75 = arith.constant 0 : i32
    %dma_wait3A_76 = tpu.memref_slice %arg4[%dma_wait3A_74, %dma_wait3A_75] : memref<10112x128xf32, #tpu.memory_space<hbm>> -> memref<64x128xf32, #tpu.memory_space<hbm>>
    tpu.wait_dma2 semaphore(%arg14 : memref<!tpu.dma_semaphore, #tpu.memory_space<semaphore_mem>>) src(%dma_wait3A_76 : memref<64x128xf32, #tpu.memory_space<hbm>>) dst(%arg12 : memref<64x128xf32, #tpu.memory_space<vmem>>)
    %dma_start3A_77 = arith.constant 5056 : i32
    %dma_start3A_78 = tpu.memref_slice %arg8[%dma_start3A_77] : memref<5120xi32, #tpu.memory_space<vmem>> -> memref<64xi32, #tpu.memory_space<vmem>>
    %dma_start3A_79 = arith.constant 0 : i32
    %dma_start3A_80 = arith.constant 0 : i32
    %dma_start3A_81 = tpu.memref_slice %arg13[%dma_start3A_79, %dma_start3A_80] : memref<10112x128xf32, #tpu.memory_space<vmem_shared>> -> memref<10112x128xf32, #tpu.memory_space<vmem_shared>>
    tpu.enqueue_indirect_dma source(%arg12 : memref<64x128xf32, #tpu.memory_space<vmem>>) target(%dma_start3A_81 : memref<10112x128xf32, #tpu.memory_space<vmem_shared>>) offsets(%dma_start3A_78 : memref<64xi32, #tpu.memory_space<vmem>>) semaphore(%arg15 : memref<!tpu.dma_semaphore, #tpu.memory_space<semaphore_mem>>) {add = true}
    %dma_wait3A_82 = arith.constant 0 : i32
    %dma_wait3A_83 = arith.constant 0 : i32
    %dma_wait3A_84 = tpu.memref_slice %arg4[%dma_wait3A_82, %dma_wait3A_83] : memref<10112x128xf32, #tpu.memory_space<hbm>> -> memref<64x128xf32, #tpu.memory_space<hbm>>
    %dma_wait3A_85 = arith.constant 0 : i32
    %dma_wait3A_86 = arith.constant 0 : i32
    %dma_wait3A_87 = tpu.memref_slice %arg4[%dma_wait3A_85, %dma_wait3A_86] : memref<10112x128xf32, #tpu.memory_space<hbm>> -> memref<64x128xf32, #tpu.memory_space<hbm>>
    tpu.wait_dma2 semaphore(%arg15 : memref<!tpu.dma_semaphore, #tpu.memory_space<semaphore_mem>>) src(%dma_wait3A_87 : memref<64x128xf32, #tpu.memory_space<hbm>>) dst(%arg11 : memref<64x128xf32, #tpu.memory_space<vmem>>)
    %dma_wait3A_88 = arith.constant 0 : i32
    %dma_wait3A_89 = arith.constant 0 : i32
    %dma_wait3A_90 = tpu.memref_slice %arg4[%dma_wait3A_88, %dma_wait3A_89] : memref<10112x128xf32, #tpu.memory_space<hbm>> -> memref<64x128xf32, #tpu.memory_space<hbm>>
    %dma_wait3A_91 = arith.constant 0 : i32
    %dma_wait3A_92 = arith.constant 0 : i32
    %dma_wait3A_93 = tpu.memref_slice %arg4[%dma_wait3A_91, %dma_wait3A_92] : memref<10112x128xf32, #tpu.memory_space<hbm>> -> memref<64x128xf32, #tpu.memory_space<hbm>>
    tpu.wait_dma2 semaphore(%arg15 : memref<!tpu.dma_semaphore, #tpu.memory_space<semaphore_mem>>) src(%dma_wait3A_93 : memref<64x128xf32, #tpu.memory_space<hbm>>) dst(%arg12 : memref<64x128xf32, #tpu.memory_space<vmem>>)
    %barrier3A_94 = arith.constant 0 : index
    tpu.barrier barrier_id(%barrier3A_94)
    "tpu.region"() ({
      %run_scoped3A = tpu.sem_alloc : memref<!tpu.dma_semaphore, #tpu.memory_space<semaphore_mem>>
      %dma_start3A_95 = arith.constant 0 : i32
      %dma_start3A_96 = tpu.memref_slice %arg6[%arg0, %mul3A_2, %dma_start3A_95] : memref<2x10112x128xf32, #tpu.memory_space<hbm>> -> memref<1x632x128xf32, #tpu.memory_space<hbm>>
      %dma_start3A_97 = tpu.memref_squeeze %dma_start3A_96 : memref<1x632x128xf32, #tpu.memory_space<hbm>> -> memref<632x128xf32, #tpu.memory_space<hbm>>
      %dma_start3A_98 = arith.constant 0 : i32
      %dma_start3A_99 = tpu.memref_slice %arg13[%mul3A_2, %dma_start3A_98] : memref<10112x128xf32, #tpu.memory_space<vmem_shared>> -> memref<632x128xf32, #tpu.memory_space<vmem_shared>>
      tpu.enqueue_dma source(%dma_start3A_99 : memref<632x128xf32, #tpu.memory_space<vmem_shared>>) target(%dma_start3A_97 : memref<632x128xf32, #tpu.memory_space<hbm>>) target_semaphore(%run_scoped3A : memref<!tpu.dma_semaphore, #tpu.memory_space<semaphore_mem>>)
      %dma_wait3A_100 = arith.constant 0 : i32
      %dma_wait3A_101 = tpu.memref_slice %arg6[%arg0, %mul3A_2, %dma_wait3A_100] : memref<2x10112x128xf32, #tpu.memory_space<hbm>> -> memref<1x632x128xf32, #tpu.memory_space<hbm>>
      %dma_wait3A_102 = tpu.memref_squeeze %dma_wait3A_101 : memref<1x632x128xf32, #tpu.memory_space<hbm>> -> memref<632x128xf32, #tpu.memory_space<hbm>>
      %dma_wait3A_103 = arith.constant 0 : i32
      %dma_wait3A_104 = tpu.memref_slice %arg13[%mul3A_2, %dma_wait3A_103] : memref<10112x128xf32, #tpu.memory_space<vmem_shared>> -> memref<632x128xf32, #tpu.memory_space<vmem_shared>>
      tpu.wait_dma2 semaphore(%run_scoped3A : memref<!tpu.dma_semaphore, #tpu.memory_space<semaphore_mem>>) src(%dma_wait3A_104 : memref<632x128xf32, #tpu.memory_space<vmem_shared>>) dst(%dma_wait3A_102 : memref<632x128xf32, #tpu.memory_space<hbm>>)
      tpu.yield
    }) : () -> ()
    return
  }
}

#map = affine_map<(d0, d1) -> (0, 0)>
#map1 = affine_map<(d0, d1) -> (0, 0, 0)>
module attributes {stable_mosaic.version = 14 : i64} {
  func.func @agg_k(%arg0: i32, %arg1: i32, %arg2: memref<32x5120xi32, #tpu.memory_space<hbm>>, %arg3: memref<32x5120xi32, #tpu.memory_space<hbm>>, %arg4: memref<10112x128xf32, #tpu.memory_space<hbm>>, %arg5: memref<10000x128xf32, #tpu.memory_space<hbm>>, %arg6: memref<2x10112x128xf32, #tpu.memory_space<hbm>>, %arg7: memref<5120xi32, #tpu.memory_space<vmem>>, %arg8: memref<5120xi32, #tpu.memory_space<vmem>>, %arg9: memref<64x128xf32, #tpu.memory_space<vmem>>, %arg10: memref<64x128xf32, #tpu.memory_space<vmem>>, %arg11: memref<64x128xf32, #tpu.memory_space<vmem>>, %arg12: memref<64x128xf32, #tpu.memory_space<vmem>>, %arg13: memref<10112x128xf32, #tpu.memory_space<vmem_shared>>, %arg14: memref<!tpu.dma_semaphore, #tpu.memory_space<semaphore_mem>>, %arg15: memref<!tpu.dma_semaphore, #tpu.memory_space<semaphore_mem>>) attributes {dimension_semantics = [#tpu.dimension_semantics<core_parallel>, #tpu.dimension_semantics<subcore_parallel>], iteration_bounds = array<i64: 2, 16>, scalar_prefetch = 0 : i64, scratch_operands = 9 : i64, tpu.core_type = #tpu.core_type<sc_vector_subcore>, window_params = [{transform_indices = #map}, {transform_indices = #map}, {transform_indices = #map}, {transform_indices = #map}, {transform_indices = #map1}]} {
    %mul3A = arith.constant 16 : i32
    %mul3A_0 = arith.muli %arg0, %mul3A : i32
    %add3A = arith.addi %mul3A_0, %arg1 : i32
    "tpu.region"() ({
      %run_scoped3A = tpu.sem_alloc : memref<!tpu.dma_semaphore, #tpu.memory_space<semaphore_mem>>
      %dma_start3A_95 = arith.constant 0 : i32
      %dma_start3A_96 = tpu.memref_slice %arg2[%add3A, %dma_start3A_95] : memref<32x5120xi32, #tpu.memory_space<hbm>> -> memref<1x5120xi32, #tpu.memory_space<hbm>>
      %dma_start3A_97 = tpu.memref_squeeze %dma_start3A_96 : memref<1x5120xi32, #tpu.memory_space<hbm>> -> memref<5120xi32, #tpu.memory_space<hbm>>
      %dma_start3A_98 = arith.constant 0 : i32
      %dma_start3A_99 = tpu.memref_slice %arg2[%add3A, %dma_start3A_98] : memref<32x5120xi32, #tpu.memory_space<hbm>> -> memref<1x5120xi32, #tpu.memory_space<hbm>>
      %dma_start3A_100 = tpu.memref_squeeze %dma_start3A_99 : memref<1x5120xi32, #tpu.memory_space<hbm>> -> memref<5120xi32, #tpu.memory_space<hbm>>
      tpu.enqueue_dma source(%dma_start3A_100 : memref<5120xi32, #tpu.memory_space<hbm>>) target(%arg7 : memref<5120xi32, #tpu.memory_space<vmem>>) target_semaphore(%run_scoped3A : memref<!tpu.dma_semaphore, #tpu.memory_space<semaphore_mem>>)
      %dma_wait3A_101 = arith.constant 0 : i32
      %dma_wait3A_102 = tpu.memref_slice %arg2[%add3A, %dma_wait3A_101] : memref<32x5120xi32, #tpu.memory_space<hbm>> -> memref<1x5120xi32, #tpu.memory_space<hbm>>
      %dma_wait3A_103 = tpu.memref_squeeze %dma_wait3A_102 : memref<1x5120xi32, #tpu.memory_space<hbm>> -> memref<5120xi32, #tpu.memory_space<hbm>>
      %dma_wait3A_104 = arith.constant 0 : i32
      %dma_wait3A_105 = tpu.memref_slice %arg2[%add3A, %dma_wait3A_104] : memref<32x5120xi32, #tpu.memory_space<hbm>> -> memref<1x5120xi32, #tpu.memory_space<hbm>>
      %dma_wait3A_106 = tpu.memref_squeeze %dma_wait3A_105 : memref<1x5120xi32, #tpu.memory_space<hbm>> -> memref<5120xi32, #tpu.memory_space<hbm>>
      tpu.wait_dma2 semaphore(%run_scoped3A : memref<!tpu.dma_semaphore, #tpu.memory_space<semaphore_mem>>) src(%dma_wait3A_106 : memref<5120xi32, #tpu.memory_space<hbm>>) dst(%arg7 : memref<5120xi32, #tpu.memory_space<vmem>>)
      tpu.yield
    }) : () -> ()
    "tpu.region"() ({
      %run_scoped3A = tpu.sem_alloc : memref<!tpu.dma_semaphore, #tpu.memory_space<semaphore_mem>>
      %dma_start3A_95 = arith.constant 0 : i32
      %dma_start3A_96 = tpu.memref_slice %arg3[%add3A, %dma_start3A_95] : memref<32x5120xi32, #tpu.memory_space<hbm>> -> memref<1x5120xi32, #tpu.memory_space<hbm>>
      %dma_start3A_97 = tpu.memref_squeeze %dma_start3A_96 : memref<1x5120xi32, #tpu.memory_space<hbm>> -> memref<5120xi32, #tpu.memory_space<hbm>>
      %dma_start3A_98 = arith.constant 0 : i32
      %dma_start3A_99 = tpu.memref_slice %arg3[%add3A, %dma_start3A_98] : memref<32x5120xi32, #tpu.memory_space<hbm>> -> memref<1x5120xi32, #tpu.memory_space<hbm>>
      %dma_start3A_100 = tpu.memref_squeeze %dma_start3A_99 : memref<1x5120xi32, #tpu.memory_space<hbm>> -> memref<5120xi32, #tpu.memory_space<hbm>>
      tpu.enqueue_dma source(%dma_start3A_100 : memref<5120xi32, #tpu.memory_space<hbm>>) target(%arg8 : memref<5120xi32, #tpu.memory_space<vmem>>) target_semaphore(%run_scoped3A : memref<!tpu.dma_semaphore, #tpu.memory_space<semaphore_mem>>)
      %dma_wait3A_101 = arith.constant 0 : i32
      %dma_wait3A_102 = tpu.memref_slice %arg3[%add3A, %dma_wait3A_101] : memref<32x5120xi32, #tpu.memory_space<hbm>> -> memref<1x5120xi32, #tpu.memory_space<hbm>>
      %dma_wait3A_103 = tpu.memref_squeeze %dma_wait3A_102 : memref<1x5120xi32, #tpu.memory_space<hbm>> -> memref<5120xi32, #tpu.memory_space<hbm>>
      %dma_wait3A_104 = arith.constant 0 : i32
      %dma_wait3A_105 = tpu.memref_slice %arg3[%add3A, %dma_wait3A_104] : memref<32x5120xi32, #tpu.memory_space<hbm>> -> memref<1x5120xi32, #tpu.memory_space<hbm>>
      %dma_wait3A_106 = tpu.memref_squeeze %dma_wait3A_105 : memref<1x5120xi32, #tpu.memory_space<hbm>> -> memref<5120xi32, #tpu.memory_space<hbm>>
      tpu.wait_dma2 semaphore(%run_scoped3A : memref<!tpu.dma_semaphore, #tpu.memory_space<semaphore_mem>>) src(%dma_wait3A_106 : memref<5120xi32, #tpu.memory_space<hbm>>) dst(%arg8 : memref<5120xi32, #tpu.memory_space<vmem>>)
      tpu.yield
    }) : () -> ()
    %mul3A_1 = arith.constant 632 : i32
    %mul3A_2 = arith.muli %arg1, %mul3A_1 : i32
    "tpu.region"() ({
      %run_scoped3A = tpu.sem_alloc : memref<!tpu.dma_semaphore, #tpu.memory_space<semaphore_mem>>
      %dma_start3A_95 = arith.constant 0 : i32
      %dma_start3A_96 = tpu.memref_slice %arg13[%mul3A_2, %dma_start3A_95] : memref<10112x128xf32, #tpu.memory_space<vmem_shared>> -> memref<632x128xf32, #tpu.memory_space<vmem_shared>>
      %dma_start3A_97 = arith.constant 0 : i32
      %dma_start3A_98 = tpu.memref_slice %arg4[%mul3A_2, %dma_start3A_97] : memref<10112x128xf32, #tpu.memory_space<hbm>> -> memref<632x128xf32, #tpu.memory_space<hbm>>
      tpu.enqueue_dma source(%dma_start3A_98 : memref<632x128xf32, #tpu.memory_space<hbm>>) target(%dma_start3A_96 : memref<632x128xf32, #tpu.memory_space<vmem_shared>>) target_semaphore(%run_scoped3A : memref<!tpu.dma_semaphore, #tpu.memory_space<semaphore_mem>>)
      %dma_wait3A_99 = arith.constant 0 : i32
      %dma_wait3A_100 = tpu.memref_slice %arg13[%mul3A_2, %dma_wait3A_99] : memref<10112x128xf32, #tpu.memory_space<vmem_shared>> -> memref<632x128xf32, #tpu.memory_space<vmem_shared>>
      %dma_wait3A_101 = arith.constant 0 : i32
      %dma_wait3A_102 = tpu.memref_slice %arg4[%mul3A_2, %dma_wait3A_101] : memref<10112x128xf32, #tpu.memory_space<hbm>> -> memref<632x128xf32, #tpu.memory_space<hbm>>
      tpu.wait_dma2 semaphore(%run_scoped3A : memref<!tpu.dma_semaphore, #tpu.memory_space<semaphore_mem>>) src(%dma_wait3A_102 : memref<632x128xf32, #tpu.memory_space<hbm>>) dst(%dma_wait3A_100 : memref<632x128xf32, #tpu.memory_space<vmem_shared>>)
      tpu.yield
    }) : () -> ()
    %barrier3A = arith.constant 0 : index
    tpu.barrier barrier_id(%barrier3A)
    %dma_start3A = arith.constant 0 : i32
    %dma_start3A_3 = tpu.memref_slice %arg7[%dma_start3A] : memref<5120xi32, #tpu.memory_space<vmem>> -> memref<64xi32, #tpu.memory_space<vmem>>
    %dma_start3A_4 = arith.constant 0 : i32
    %dma_start3A_5 = arith.constant 0 : i32
    %dma_start3A_6 = tpu.memref_slice %arg5[%dma_start3A_4, %dma_start3A_5] : memref<10000x128xf32, #tpu.memory_space<hbm>> -> memref<10000x128xf32, #tpu.memory_space<hbm>>
    tpu.enqueue_indirect_dma source(%dma_start3A_6 : memref<10000x128xf32, #tpu.memory_space<hbm>>) target(%arg9 : memref<64x128xf32, #tpu.memory_space<vmem>>) offsets(%dma_start3A_3 : memref<64xi32, #tpu.memory_space<vmem>>) semaphore(%arg14 : memref<!tpu.dma_semaphore, #tpu.memory_space<semaphore_mem>>)
    %dma_start3A_7 = arith.constant 64 : i32
    %dma_start3A_8 = tpu.memref_slice %arg7[%dma_start3A_7] : memref<5120xi32, #tpu.memory_space<vmem>> -> memref<64xi32, #tpu.memory_space<vmem>>
    %dma_start3A_9 = arith.constant 0 : i32
    %dma_start3A_10 = arith.constant 0 : i32
    %dma_start3A_11 = tpu.memref_slice %arg5[%dma_start3A_9, %dma_start3A_10] : memref<10000x128xf32, #tpu.memory_space<hbm>> -> memref<10000x128xf32, #tpu.memory_space<hbm>>
    tpu.enqueue_indirect_dma source(%dma_start3A_11 : memref<10000x128xf32, #tpu.memory_space<hbm>>) target(%arg10 : memref<64x128xf32, #tpu.memory_space<vmem>>) offsets(%dma_start3A_8 : memref<64xi32, #tpu.memory_space<vmem>>) semaphore(%arg14 : memref<!tpu.dma_semaphore, #tpu.memory_space<semaphore_mem>>)
    %dma_start3A_12 = arith.constant 128 : i32
    %dma_start3A_13 = tpu.memref_slice %arg7[%dma_start3A_12] : memref<5120xi32, #tpu.memory_space<vmem>> -> memref<64xi32, #tpu.memory_space<vmem>>
    %dma_start3A_14 = arith.constant 0 : i32
    %dma_start3A_15 = arith.constant 0 : i32
    %dma_start3A_16 = tpu.memref_slice %arg5[%dma_start3A_14, %dma_start3A_15] : memref<10000x128xf32, #tpu.memory_space<hbm>> -> memref<10000x128xf32, #tpu.memory_space<hbm>>
    tpu.enqueue_indirect_dma source(%dma_start3A_16 : memref<10000x128xf32, #tpu.memory_space<hbm>>) target(%arg11 : memref<64x128xf32, #tpu.memory_space<vmem>>) offsets(%dma_start3A_13 : memref<64xi32, #tpu.memory_space<vmem>>) semaphore(%arg14 : memref<!tpu.dma_semaphore, #tpu.memory_space<semaphore_mem>>)
    %dma_wait3A = arith.constant 0 : i32
    %dma_wait3A_17 = arith.constant 0 : i32
    %dma_wait3A_18 = tpu.memref_slice %arg4[%dma_wait3A, %dma_wait3A_17] : memref<10112x128xf32, #tpu.memory_space<hbm>> -> memref<64x128xf32, #tpu.memory_space<hbm>>
    %dma_wait3A_19 = arith.constant 0 : i32
    %dma_wait3A_20 = arith.constant 0 : i32
    %dma_wait3A_21 = tpu.memref_slice %arg4[%dma_wait3A_19, %dma_wait3A_20] : memref<10112x128xf32, #tpu.memory_space<hbm>> -> memref<64x128xf32, #tpu.memory_space<hbm>>
    tpu.wait_dma2 semaphore(%arg14 : memref<!tpu.dma_semaphore, #tpu.memory_space<semaphore_mem>>) src(%dma_wait3A_21 : memref<64x128xf32, #tpu.memory_space<hbm>>) dst(%arg9 : memref<64x128xf32, #tpu.memory_space<vmem>>)
    %dma_start3A_22 = arith.constant 0 : i32
    %dma_start3A_23 = tpu.memref_slice %arg8[%dma_start3A_22] : memref<5120xi32, #tpu.memory_space<vmem>> -> memref<64xi32, #tpu.memory_space<vmem>>
    %dma_start3A_24 = arith.constant 0 : i32
    %dma_start3A_25 = arith.constant 0 : i32
    %dma_start3A_26 = tpu.memref_slice %arg13[%dma_start3A_24, %dma_start3A_25] : memref<10112x128xf32, #tpu.memory_space<vmem_shared>> -> memref<10112x128xf32, #tpu.memory_space<vmem_shared>>
    tpu.enqueue_indirect_dma source(%arg9 : memref<64x128xf32, #tpu.memory_space<vmem>>) target(%dma_start3A_26 : memref<10112x128xf32, #tpu.memory_space<vmem_shared>>) offsets(%dma_start3A_23 : memref<64xi32, #tpu.memory_space<vmem>>) semaphore(%arg15 : memref<!tpu.dma_semaphore, #tpu.memory_space<semaphore_mem>>) {add = true}
    %dma_start3A_27 = arith.constant 192 : i32
    %dma_start3A_28 = tpu.memref_slice %arg7[%dma_start3A_27] : memref<5120xi32, #tpu.memory_space<vmem>> -> memref<64xi32, #tpu.memory_space<vmem>>
    %dma_start3A_29 = arith.constant 0 : i32
    %dma_start3A_30 = arith.constant 0 : i32
    %dma_start3A_31 = tpu.memref_slice %arg5[%dma_start3A_29, %dma_start3A_30] : memref<10000x128xf32, #tpu.memory_space<hbm>> -> memref<10000x128xf32, #tpu.memory_space<hbm>>
    tpu.enqueue_indirect_dma source(%dma_start3A_31 : memref<10000x128xf32, #tpu.memory_space<hbm>>) target(%arg12 : memref<64x128xf32, #tpu.memory_space<vmem>>) offsets(%dma_start3A_28 : memref<64xi32, #tpu.memory_space<vmem>>) semaphore(%arg14 : memref<!tpu.dma_semaphore, #tpu.memory_space<semaphore_mem>>)
    %dma_wait3A_32 = arith.constant 0 : i32
    %dma_wait3A_33 = arith.constant 0 : i32
    %dma_wait3A_34 = tpu.memref_slice %arg4[%dma_wait3A_32, %dma_wait3A_33] : memref<10112x128xf32, #tpu.memory_space<hbm>> -> memref<64x128xf32, #tpu.memory_space<hbm>>
    %dma_wait3A_35 = arith.constant 0 : i32
    %dma_wait3A_36 = arith.constant 0 : i32
    %dma_wait3A_37 = tpu.memref_slice %arg4[%dma_wait3A_35, %dma_wait3A_36] : memref<10112x128xf32, #tpu.memory_space<hbm>> -> memref<64x128xf32, #tpu.memory_space<hbm>>
    tpu.wait_dma2 semaphore(%arg14 : memref<!tpu.dma_semaphore, #tpu.memory_space<semaphore_mem>>) src(%dma_wait3A_37 : memref<64x128xf32, #tpu.memory_space<hbm>>) dst(%arg10 : memref<64x128xf32, #tpu.memory_space<vmem>>)
    %dma_start3A_38 = arith.constant 64 : i32
    %dma_start3A_39 = tpu.memref_slice %arg8[%dma_start3A_38] : memref<5120xi32, #tpu.memory_space<vmem>> -> memref<64xi32, #tpu.memory_space<vmem>>
    %dma_start3A_40 = arith.constant 0 : i32
    %dma_start3A_41 = arith.constant 0 : i32
    %dma_start3A_42 = tpu.memref_slice %arg13[%dma_start3A_40, %dma_start3A_41] : memref<10112x128xf32, #tpu.memory_space<vmem_shared>> -> memref<10112x128xf32, #tpu.memory_space<vmem_shared>>
    tpu.enqueue_indirect_dma source(%arg10 : memref<64x128xf32, #tpu.memory_space<vmem>>) target(%dma_start3A_42 : memref<10112x128xf32, #tpu.memory_space<vmem_shared>>) offsets(%dma_start3A_39 : memref<64xi32, #tpu.memory_space<vmem>>) semaphore(%arg15 : memref<!tpu.dma_semaphore, #tpu.memory_space<semaphore_mem>>) {add = true}
    %scan3A = arith.constant 0 : i32
    %scan3A_43 = arith.constant 0 : i32
    %scan3A_44 = arith.constant 19 : i32
    %scan3A_45 = arith.addi %scan3A_43, %scan3A_44 : i32
    %scan3A_46 = arith.constant 1 : i32
    scf.for %scan3A_95 = %scan3A_43 to %scan3A_45 step %scan3A_46  : i32 {
      %mul3A_96 = arith.constant 4 : i32
      %mul3A_97 = arith.muli %mul3A_96, %scan3A_95 : i32
      %add3A_98 = arith.constant 2 : i32
      %add3A_99 = arith.addi %add3A_98, %mul3A_97 : i32
      %dma_wait3A_100 = arith.constant 0 : i32
      %dma_wait3A_101 = arith.constant 0 : i32
      %dma_wait3A_102 = tpu.memref_slice %arg4[%dma_wait3A_100, %dma_wait3A_101] : memref<10112x128xf32, #tpu.memory_space<hbm>> -> memref<64x128xf32, #tpu.memory_space<hbm>>
      %dma_wait3A_103 = arith.constant 0 : i32
      %dma_wait3A_104 = arith.constant 0 : i32
      %dma_wait3A_105 = tpu.memref_slice %arg4[%dma_wait3A_103, %dma_wait3A_104] : memref<10112x128xf32, #tpu.memory_space<hbm>> -> memref<64x128xf32, #tpu.memory_space<hbm>>
      tpu.wait_dma2 semaphore(%arg15 : memref<!tpu.dma_semaphore, #tpu.memory_space<semaphore_mem>>) src(%dma_wait3A_105 : memref<64x128xf32, #tpu.memory_space<hbm>>) dst(%arg9 : memref<64x128xf32, #tpu.memory_space<vmem>>)
      %add3A_106 = arith.constant 2 : i32
      %add3A_107 = arith.addi %add3A_99, %add3A_106 : i32
      %mul3A_108 = arith.constant 64 : i32
      %mul3A_109 = arith.muli %add3A_107, %mul3A_108 : i32
      %dma_start3A_110 = tpu.memref_slice %arg7[%mul3A_109] : memref<5120xi32, #tpu.memory_space<vmem>> -> memref<64xi32, #tpu.memory_space<vmem>>
      %dma_start3A_111 = arith.constant 0 : i32
      %dma_start3A_112 = arith.constant 0 : i32
      %dma_start3A_113 = tpu.memref_slice %arg5[%dma_start3A_111, %dma_start3A_112] : memref<10000x128xf32, #tpu.memory_space<hbm>> -> memref<10000x128xf32, #tpu.memory_space<hbm>>
      tpu.enqueue_indirect_dma source(%dma_start3A_113 : memref<10000x128xf32, #tpu.memory_space<hbm>>) target(%arg9 : memref<64x128xf32, #tpu.memory_space<vmem>>) offsets(%dma_start3A_110 : memref<64xi32, #tpu.memory_space<vmem>>) semaphore(%arg14 : memref<!tpu.dma_semaphore, #tpu.memory_space<semaphore_mem>>)
      %dma_wait3A_114 = arith.constant 0 : i32
      %dma_wait3A_115 = arith.constant 0 : i32
      %dma_wait3A_116 = tpu.memref_slice %arg4[%dma_wait3A_114, %dma_wait3A_115] : memref<10112x128xf32, #tpu.memory_space<hbm>> -> memref<64x128xf32, #tpu.memory_space<hbm>>
      %dma_wait3A_117 = arith.constant 0 : i32
      %dma_wait3A_118 = arith.constant 0 : i32
      %dma_wait3A_119 = tpu.memref_slice %arg4[%dma_wait3A_117, %dma_wait3A_118] : memref<10112x128xf32, #tpu.memory_space<hbm>> -> memref<64x128xf32, #tpu.memory_space<hbm>>
      tpu.wait_dma2 semaphore(%arg14 : memref<!tpu.dma_semaphore, #tpu.memory_space<semaphore_mem>>) src(%dma_wait3A_119 : memref<64x128xf32, #tpu.memory_space<hbm>>) dst(%arg11 : memref<64x128xf32, #tpu.memory_space<vmem>>)
      %mul3A_120 = arith.constant 64 : i32
      %mul3A_121 = arith.muli %add3A_99, %mul3A_120 : i32
      %dma_start3A_122 = tpu.memref_slice %arg8[%mul3A_121] : memref<5120xi32, #tpu.memory_space<vmem>> -> memref<64xi32, #tpu.memory_space<vmem>>
      %dma_start3A_123 = arith.constant 0 : i32
      %dma_start3A_124 = arith.constant 0 : i32
      %dma_start3A_125 = tpu.memref_slice %arg13[%dma_start3A_123, %dma_start3A_124] : memref<10112x128xf32, #tpu.memory_space<vmem_shared>> -> memref<10112x128xf32, #tpu.memory_space<vmem_shared>>
      tpu.enqueue_indirect_dma source(%arg11 : memref<64x128xf32, #tpu.memory_space<vmem>>) target(%dma_start3A_125 : memref<10112x128xf32, #tpu.memory_space<vmem_shared>>) offsets(%dma_start3A_122 : memref<64xi32, #tpu.memory_space<vmem>>) semaphore(%arg15 : memref<!tpu.dma_semaphore, #tpu.memory_space<semaphore_mem>>) {add = true}
      %add3A_126 = arith.constant 1 : i32
      %add3A_127 = arith.addi %add3A_99, %add3A_126 : i32
      %dma_wait3A_128 = arith.constant 0 : i32
      %dma_wait3A_129 = arith.constant 0 : i32
      %dma_wait3A_130 = tpu.memref_slice %arg4[%dma_wait3A_128, %dma_wait3A_129] : memref<10112x128xf32, #tpu.memory_space<hbm>> -> memref<64x128xf32, #tpu.memory_space<hbm>>
      %dma_wait3A_131 = arith.constant 0 : i32
      %dma_wait3A_132 = arith.constant 0 : i32
      %dma_wait3A_133 = tpu.memref_slice %arg4[%dma_wait3A_131, %dma_wait3A_132] : memref<10112x128xf32, #tpu.memory_space<hbm>> -> memref<64x128xf32, #tpu.memory_space<hbm>>
      tpu.wait_dma2 semaphore(%arg15 : memref<!tpu.dma_semaphore, #tpu.memory_space<semaphore_mem>>) src(%dma_wait3A_133 : memref<64x128xf32, #tpu.memory_space<hbm>>) dst(%arg10 : memref<64x128xf32, #tpu.memory_space<vmem>>)
      %add3A_134 = arith.constant 2 : i32
      %add3A_135 = arith.addi %add3A_127, %add3A_134 : i32
      %mul3A_136 = arith.constant 64 : i32
      %mul3A_137 = arith.muli %add3A_135, %mul3A_136 : i32
      %dma_start3A_138 = tpu.memref_slice %arg7[%mul3A_137] : memref<5120xi32, #tpu.memory_space<vmem>> -> memref<64xi32, #tpu.memory_space<vmem>>
      %dma_start3A_139 = arith.constant 0 : i32
      %dma_start3A_140 = arith.constant 0 : i32
      %dma_start3A_141 = tpu.memref_slice %arg5[%dma_start3A_139, %dma_start3A_140] : memref<10000x128xf32, #tpu.memory_space<hbm>> -> memref<10000x128xf32, #tpu.memory_space<hbm>>
      tpu.enqueue_indirect_dma source(%dma_start3A_141 : memref<10000x128xf32, #tpu.memory_space<hbm>>) target(%arg10 : memref<64x128xf32, #tpu.memory_space<vmem>>) offsets(%dma_start3A_138 : memref<64xi32, #tpu.memory_space<vmem>>) semaphore(%arg14 : memref<!tpu.dma_semaphore, #tpu.memory_space<semaphore_mem>>)
      %dma_wait3A_142 = arith.constant 0 : i32
      %dma_wait3A_143 = arith.constant 0 : i32
      %dma_wait3A_144 = tpu.memref_slice %arg4[%dma_wait3A_142, %dma_wait3A_143] : memref<10112x128xf32, #tpu.memory_space<hbm>> -> memref<64x128xf32, #tpu.memory_space<hbm>>
      %dma_wait3A_145 = arith.constant 0 : i32
      %dma_wait3A_146 = arith.constant 0 : i32
      %dma_wait3A_147 = tpu.memref_slice %arg4[%dma_wait3A_145, %dma_wait3A_146] : memref<10112x128xf32, #tpu.memory_space<hbm>> -> memref<64x128xf32, #tpu.memory_space<hbm>>
      tpu.wait_dma2 semaphore(%arg14 : memref<!tpu.dma_semaphore, #tpu.memory_space<semaphore_mem>>) src(%dma_wait3A_147 : memref<64x128xf32, #tpu.memory_space<hbm>>) dst(%arg12 : memref<64x128xf32, #tpu.memory_space<vmem>>)
      %mul3A_148 = arith.constant 64 : i32
      %mul3A_149 = arith.muli %add3A_127, %mul3A_148 : i32
      %dma_start3A_150 = tpu.memref_slice %arg8[%mul3A_149] : memref<5120xi32, #tpu.memory_space<vmem>> -> memref<64xi32, #tpu.memory_space<vmem>>
      %dma_start3A_151 = arith.constant 0 : i32
      %dma_start3A_152 = arith.constant 0 : i32
      %dma_start3A_153 = tpu.memref_slice %arg13[%dma_start3A_151, %dma_start3A_152] : memref<10112x128xf32, #tpu.memory_space<vmem_shared>> -> memref<10112x128xf32, #tpu.memory_space<vmem_shared>>
      tpu.enqueue_indirect_dma source(%arg12 : memref<64x128xf32, #tpu.memory_space<vmem>>) target(%dma_start3A_153 : memref<10112x128xf32, #tpu.memory_space<vmem_shared>>) offsets(%dma_start3A_150 : memref<64xi32, #tpu.memory_space<vmem>>) semaphore(%arg15 : memref<!tpu.dma_semaphore, #tpu.memory_space<semaphore_mem>>) {add = true}
      %add3A_154 = arith.constant 2 : i32
      %add3A_155 = arith.addi %add3A_99, %add3A_154 : i32
      %dma_wait3A_156 = arith.constant 0 : i32
      %dma_wait3A_157 = arith.constant 0 : i32
      %dma_wait3A_158 = tpu.memref_slice %arg4[%dma_wait3A_156, %dma_wait3A_157] : memref<10112x128xf32, #tpu.memory_space<hbm>> -> memref<64x128xf32, #tpu.memory_space<hbm>>
      %dma_wait3A_159 = arith.constant 0 : i32
      %dma_wait3A_160 = arith.constant 0 : i32
      %dma_wait3A_161 = tpu.memref_slice %arg4[%dma_wait3A_159, %dma_wait3A_160] : memref<10112x128xf32, #tpu.memory_space<hbm>> -> memref<64x128xf32, #tpu.memory_space<hbm>>
      tpu.wait_dma2 semaphore(%arg15 : memref<!tpu.dma_semaphore, #tpu.memory_space<semaphore_mem>>) src(%dma_wait3A_161 : memref<64x128xf32, #tpu.memory_space<hbm>>) dst(%arg11 : memref<64x128xf32, #tpu.memory_space<vmem>>)
      %add3A_162 = arith.constant 2 : i32
      %add3A_163 = arith.addi %add3A_155, %add3A_162 : i32
      %mul3A_164 = arith.constant 64 : i32
      %mul3A_165 = arith.muli %add3A_163, %mul3A_164 : i32
      %dma_start3A_166 = tpu.memref_slice %arg7[%mul3A_165] : memref<5120xi32, #tpu.memory_space<vmem>> -> memref<64xi32, #tpu.memory_space<vmem>>
      %dma_start3A_167 = arith.constant 0 : i32
      %dma_start3A_168 = arith.constant 0 : i32
      %dma_start3A_169 = tpu.memref_slice %arg5[%dma_start3A_167, %dma_start3A_168] : memref<10000x128xf32, #tpu.memory_space<hbm>> -> memref<10000x128xf32, #tpu.memory_space<hbm>>
      tpu.enqueue_indirect_dma source(%dma_start3A_169 : memref<10000x128xf32, #tpu.memory_space<hbm>>) target(%arg11 : memref<64x128xf32, #tpu.memory_space<vmem>>) offsets(%dma_start3A_166 : memref<64xi32, #tpu.memory_space<vmem>>) semaphore(%arg14 : memref<!tpu.dma_semaphore, #tpu.memory_space<semaphore_mem>>)
      %dma_wait3A_170 = arith.constant 0 : i32
      %dma_wait3A_171 = arith.constant 0 : i32
      %dma_wait3A_172 = tpu.memref_slice %arg4[%dma_wait3A_170, %dma_wait3A_171] : memref<10112x128xf32, #tpu.memory_space<hbm>> -> memref<64x128xf32, #tpu.memory_space<hbm>>
      %dma_wait3A_173 = arith.constant 0 : i32
      %dma_wait3A_174 = arith.constant 0 : i32
      %dma_wait3A_175 = tpu.memref_slice %arg4[%dma_wait3A_173, %dma_wait3A_174] : memref<10112x128xf32, #tpu.memory_space<hbm>> -> memref<64x128xf32, #tpu.memory_space<hbm>>
      tpu.wait_dma2 semaphore(%arg14 : memref<!tpu.dma_semaphore, #tpu.memory_space<semaphore_mem>>) src(%dma_wait3A_175 : memref<64x128xf32, #tpu.memory_space<hbm>>) dst(%arg9 : memref<64x128xf32, #tpu.memory_space<vmem>>)
      %mul3A_176 = arith.constant 64 : i32
      %mul3A_177 = arith.muli %add3A_155, %mul3A_176 : i32
      %dma_start3A_178 = tpu.memref_slice %arg8[%mul3A_177] : memref<5120xi32, #tpu.memory_space<vmem>> -> memref<64xi32, #tpu.memory_space<vmem>>
      %dma_start3A_179 = arith.constant 0 : i32
      %dma_start3A_180 = arith.constant 0 : i32
      %dma_start3A_181 = tpu.memref_slice %arg13[%dma_start3A_179, %dma_start3A_180] : memref<10112x128xf32, #tpu.memory_space<vmem_shared>> -> memref<10112x128xf32, #tpu.memory_space<vmem_shared>>
      tpu.enqueue_indirect_dma source(%arg9 : memref<64x128xf32, #tpu.memory_space<vmem>>) target(%dma_start3A_181 : memref<10112x128xf32, #tpu.memory_space<vmem_shared>>) offsets(%dma_start3A_178 : memref<64xi32, #tpu.memory_space<vmem>>) semaphore(%arg15 : memref<!tpu.dma_semaphore, #tpu.memory_space<semaphore_mem>>) {add = true}
      %add3A_182 = arith.constant 3 : i32
      %add3A_183 = arith.addi %add3A_99, %add3A_182 : i32
      %dma_wait3A_184 = arith.constant 0 : i32
      %dma_wait3A_185 = arith.constant 0 : i32
      %dma_wait3A_186 = tpu.memref_slice %arg4[%dma_wait3A_184, %dma_wait3A_185] : memref<10112x128xf32, #tpu.memory_space<hbm>> -> memref<64x128xf32, #tpu.memory_space<hbm>>
      %dma_wait3A_187 = arith.constant 0 : i32
      %dma_wait3A_188 = arith.constant 0 : i32
      %dma_wait3A_189 = tpu.memref_slice %arg4[%dma_wait3A_187, %dma_wait3A_188] : memref<10112x128xf32, #tpu.memory_space<hbm>> -> memref<64x128xf32, #tpu.memory_space<hbm>>
      tpu.wait_dma2 semaphore(%arg15 : memref<!tpu.dma_semaphore, #tpu.memory_space<semaphore_mem>>) src(%dma_wait3A_189 : memref<64x128xf32, #tpu.memory_space<hbm>>) dst(%arg12 : memref<64x128xf32, #tpu.memory_space<vmem>>)
      %add3A_190 = arith.constant 2 : i32
      %add3A_191 = arith.addi %add3A_183, %add3A_190 : i32
      %mul3A_192 = arith.constant 64 : i32
      %mul3A_193 = arith.muli %add3A_191, %mul3A_192 : i32
      %dma_start3A_194 = tpu.memref_slice %arg7[%mul3A_193] : memref<5120xi32, #tpu.memory_space<vmem>> -> memref<64xi32, #tpu.memory_space<vmem>>
      %dma_start3A_195 = arith.constant 0 : i32
      %dma_start3A_196 = arith.constant 0 : i32
      %dma_start3A_197 = tpu.memref_slice %arg5[%dma_start3A_195, %dma_start3A_196] : memref<10000x128xf32, #tpu.memory_space<hbm>> -> memref<10000x128xf32, #tpu.memory_space<hbm>>
      tpu.enqueue_indirect_dma source(%dma_start3A_197 : memref<10000x128xf32, #tpu.memory_space<hbm>>) target(%arg12 : memref<64x128xf32, #tpu.memory_space<vmem>>) offsets(%dma_start3A_194 : memref<64xi32, #tpu.memory_space<vmem>>) semaphore(%arg14 : memref<!tpu.dma_semaphore, #tpu.memory_space<semaphore_mem>>)
      %dma_wait3A_198 = arith.constant 0 : i32
      %dma_wait3A_199 = arith.constant 0 : i32
      %dma_wait3A_200 = tpu.memref_slice %arg4[%dma_wait3A_198, %dma_wait3A_199] : memref<10112x128xf32, #tpu.memory_space<hbm>> -> memref<64x128xf32, #tpu.memory_space<hbm>>
      %dma_wait3A_201 = arith.constant 0 : i32
      %dma_wait3A_202 = arith.constant 0 : i32
      %dma_wait3A_203 = tpu.memref_slice %arg4[%dma_wait3A_201, %dma_wait3A_202] : memref<10112x128xf32, #tpu.memory_space<hbm>> -> memref<64x128xf32, #tpu.memory_space<hbm>>
      tpu.wait_dma2 semaphore(%arg14 : memref<!tpu.dma_semaphore, #tpu.memory_space<semaphore_mem>>) src(%dma_wait3A_203 : memref<64x128xf32, #tpu.memory_space<hbm>>) dst(%arg10 : memref<64x128xf32, #tpu.memory_space<vmem>>)
      %mul3A_204 = arith.constant 64 : i32
      %mul3A_205 = arith.muli %add3A_183, %mul3A_204 : i32
      %dma_start3A_206 = tpu.memref_slice %arg8[%mul3A_205] : memref<5120xi32, #tpu.memory_space<vmem>> -> memref<64xi32, #tpu.memory_space<vmem>>
      %dma_start3A_207 = arith.constant 0 : i32
      %dma_start3A_208 = arith.constant 0 : i32
      %dma_start3A_209 = tpu.memref_slice %arg13[%dma_start3A_207, %dma_start3A_208] : memref<10112x128xf32, #tpu.memory_space<vmem_shared>> -> memref<10112x128xf32, #tpu.memory_space<vmem_shared>>
      tpu.enqueue_indirect_dma source(%arg10 : memref<64x128xf32, #tpu.memory_space<vmem>>) target(%dma_start3A_209 : memref<10112x128xf32, #tpu.memory_space<vmem_shared>>) offsets(%dma_start3A_206 : memref<64xi32, #tpu.memory_space<vmem>>) semaphore(%arg15 : memref<!tpu.dma_semaphore, #tpu.memory_space<semaphore_mem>>) {add = true}
    }
    %scan3A_47 = arith.constant 19 : i32
    %dma_wait3A_48 = arith.constant 0 : i32
    %dma_wait3A_49 = arith.constant 0 : i32
    %dma_wait3A_50 = tpu.memref_slice %arg4[%dma_wait3A_48, %dma_wait3A_49] : memref<10112x128xf32, #tpu.memory_space<hbm>> -> memref<64x128xf32, #tpu.memory_space<hbm>>
    %dma_wait3A_51 = arith.constant 0 : i32
    %dma_wait3A_52 = arith.constant 0 : i32
    %dma_wait3A_53 = tpu.memref_slice %arg4[%dma_wait3A_51, %dma_wait3A_52] : memref<10112x128xf32, #tpu.memory_space<hbm>> -> memref<64x128xf32, #tpu.memory_space<hbm>>
    tpu.wait_dma2 semaphore(%arg15 : memref<!tpu.dma_semaphore, #tpu.memory_space<semaphore_mem>>) src(%dma_wait3A_53 : memref<64x128xf32, #tpu.memory_space<hbm>>) dst(%arg9 : memref<64x128xf32, #tpu.memory_space<vmem>>)
    %dma_wait3A_54 = arith.constant 0 : i32
    %dma_wait3A_55 = arith.constant 0 : i32
    %dma_wait3A_56 = tpu.memref_slice %arg4[%dma_wait3A_54, %dma_wait3A_55] : memref<10112x128xf32, #tpu.memory_space<hbm>> -> memref<64x128xf32, #tpu.memory_space<hbm>>
    %dma_wait3A_57 = arith.constant 0 : i32
    %dma_wait3A_58 = arith.constant 0 : i32
    %dma_wait3A_59 = tpu.memref_slice %arg4[%dma_wait3A_57, %dma_wait3A_58] : memref<10112x128xf32, #tpu.memory_space<hbm>> -> memref<64x128xf32, #tpu.memory_space<hbm>>
    tpu.wait_dma2 semaphore(%arg14 : memref<!tpu.dma_semaphore, #tpu.memory_space<semaphore_mem>>) src(%dma_wait3A_59 : memref<64x128xf32, #tpu.memory_space<hbm>>) dst(%arg11 : memref<64x128xf32, #tpu.memory_space<vmem>>)
    %dma_start3A_60 = arith.constant 4992 : i32
    %dma_start3A_61 = tpu.memref_slice %arg8[%dma_start3A_60] : memref<5120xi32, #tpu.memory_space<vmem>> -> memref<64xi32, #tpu.memory_space<vmem>>
    %dma_start3A_62 = arith.constant 0 : i32
    %dma_start3A_63 = arith.constant 0 : i32
    %dma_start3A_64 = tpu.memref_slice %arg13[%dma_start3A_62, %dma_start3A_63] : memref<10112x128xf32, #tpu.memory_space<vmem_shared>> -> memref<10112x128xf32, #tpu.memory_space<vmem_shared>>
    tpu.enqueue_indirect_dma source(%arg11 : memref<64x128xf32, #tpu.memory_space<vmem>>) target(%dma_start3A_64 : memref<10112x128xf32, #tpu.memory_space<vmem_shared>>) offsets(%dma_start3A_61 : memref<64xi32, #tpu.memory_space<vmem>>) semaphore(%arg15 : memref<!tpu.dma_semaphore, #tpu.memory_space<semaphore_mem>>) {add = true}
    %dma_wait3A_65 = arith.constant 0 : i32
    %dma_wait3A_66 = arith.constant 0 : i32
    %dma_wait3A_67 = tpu.memref_slice %arg4[%dma_wait3A_65, %dma_wait3A_66] : memref<10112x128xf32, #tpu.memory_space<hbm>> -> memref<64x128xf32, #tpu.memory_space<hbm>>
    %dma_wait3A_68 = arith.constant 0 : i32
    %dma_wait3A_69 = arith.constant 0 : i32
    %dma_wait3A_70 = tpu.memref_slice %arg4[%dma_wait3A_68, %dma_wait3A_69] : memref<10112x128xf32, #tpu.memory_space<hbm>> -> memref<64x128xf32, #tpu.memory_space<hbm>>
    tpu.wait_dma2 semaphore(%arg15 : memref<!tpu.dma_semaphore, #tpu.memory_space<semaphore_mem>>) src(%dma_wait3A_70 : memref<64x128xf32, #tpu.memory_space<hbm>>) dst(%arg10 : memref<64x128xf32, #tpu.memory_space<vmem>>)
    %dma_wait3A_71 = arith.constant 0 : i32
    %dma_wait3A_72 = arith.constant 0 : i32
    %dma_wait3A_73 = tpu.memref_slice %arg4[%dma_wait3A_71, %dma_wait3A_72] : memref<10112x128xf32, #tpu.memory_space<hbm>> -> memref<64x128xf32, #tpu.memory_space<hbm>>
    %dma_wait3A_74 = arith.constant 0 : i32
    %dma_wait3A_75 = arith.constant 0 : i32
    %dma_wait3A_76 = tpu.memref_slice %arg4[%dma_wait3A_74, %dma_wait3A_75] : memref<10112x128xf32, #tpu.memory_space<hbm>> -> memref<64x128xf32, #tpu.memory_space<hbm>>
    tpu.wait_dma2 semaphore(%arg14 : memref<!tpu.dma_semaphore, #tpu.memory_space<semaphore_mem>>) src(%dma_wait3A_76 : memref<64x128xf32, #tpu.memory_space<hbm>>) dst(%arg12 : memref<64x128xf32, #tpu.memory_space<vmem>>)
    %dma_start3A_77 = arith.constant 5056 : i32
    %dma_start3A_78 = tpu.memref_slice %arg8[%dma_start3A_77] : memref<5120xi32, #tpu.memory_space<vmem>> -> memref<64xi32, #tpu.memory_space<vmem>>
    %dma_start3A_79 = arith.constant 0 : i32
    %dma_start3A_80 = arith.constant 0 : i32
    %dma_start3A_81 = tpu.memref_slice %arg13[%dma_start3A_79, %dma_start3A_80] : memref<10112x128xf32, #tpu.memory_space<vmem_shared>> -> memref<10112x128xf32, #tpu.memory_space<vmem_shared>>
    tpu.enqueue_indirect_dma source(%arg12 : memref<64x128xf32, #tpu.memory_space<vmem>>) target(%dma_start3A_81 : memref<10112x128xf32, #tpu.memory_space<vmem_shared>>) offsets(%dma_start3A_78 : memref<64xi32, #tpu.memory_space<vmem>>) semaphore(%arg15 : memref<!tpu.dma_semaphore, #tpu.memory_space<semaphore_mem>>) {add = true}
    %dma_wait3A_82 = arith.constant 0 : i32
    %dma_wait3A_83 = arith.constant 0 : i32
    %dma_wait3A_84 = tpu.memref_slice %arg4[%dma_wait3A_82, %dma_wait3A_83] : memref<10112x128xf32, #tpu.memory_space<hbm>> -> memref<64x128xf32, #tpu.memory_space<hbm>>
    %dma_wait3A_85 = arith.constant 0 : i32
    %dma_wait3A_86 = arith.constant 0 : i32
    %dma_wait3A_87 = tpu.memref_slice %arg4[%dma_wait3A_85, %dma_wait3A_86] : memref<10112x128xf32, #tpu.memory_space<hbm>> -> memref<64x128xf32, #tpu.memory_space<hbm>>
    tpu.wait_dma2 semaphore(%arg15 : memref<!tpu.dma_semaphore, #tpu.memory_space<semaphore_mem>>) src(%dma_wait3A_87 : memref<64x128xf32, #tpu.memory_space<hbm>>) dst(%arg11 : memref<64x128xf32, #tpu.memory_space<vmem>>)
    %dma_wait3A_88 = arith.constant 0 : i32
    %dma_wait3A_89 = arith.constant 0 : i32
    %dma_wait3A_90 = tpu.memref_slice %arg4[%dma_wait3A_88, %dma_wait3A_89] : memref<10112x128xf32, #tpu.memory_space<hbm>> -> memref<64x128xf32, #tpu.memory_space<hbm>>
    %dma_wait3A_91 = arith.constant 0 : i32
    %dma_wait3A_92 = arith.constant 0 : i32
    %dma_wait3A_93 = tpu.memref_slice %arg4[%dma_wait3A_91, %dma_wait3A_92] : memref<10112x128xf32, #tpu.memory_space<hbm>> -> memref<64x128xf32, #tpu.memory_space<hbm>>
    tpu.wait_dma2 semaphore(%arg15 : memref<!tpu.dma_semaphore, #tpu.memory_space<semaphore_mem>>) src(%dma_wait3A_93 : memref<64x128xf32, #tpu.memory_space<hbm>>) dst(%arg12 : memref<64x128xf32, #tpu.memory_space<vmem>>)
    %barrier3A_94 = arith.constant 0 : index
    tpu.barrier barrier_id(%barrier3A_94)
    "tpu.region"() ({
      %run_scoped3A = tpu.sem_alloc : memref<!tpu.dma_semaphore, #tpu.memory_space<semaphore_mem>>
      %dma_start3A_95 = arith.constant 0 : i32
      %dma_start3A_96 = tpu.memref_slice %arg6[%arg0, %mul3A_2, %dma_start3A_95] : memref<2x10112x128xf32, #tpu.memory_space<hbm>> -> memref<1x632x128xf32, #tpu.memory_space<hbm>>
      %dma_start3A_97 = tpu.memref_squeeze %dma_start3A_96 : memref<1x632x128xf32, #tpu.memory_space<hbm>> -> memref<632x128xf32, #tpu.memory_space<hbm>>
      %dma_start3A_98 = arith.constant 0 : i32
      %dma_start3A_99 = tpu.memref_slice %arg13[%mul3A_2, %dma_start3A_98] : memref<10112x128xf32, #tpu.memory_space<vmem_shared>> -> memref<632x128xf32, #tpu.memory_space<vmem_shared>>
      tpu.enqueue_dma source(%dma_start3A_99 : memref<632x128xf32, #tpu.memory_space<vmem_shared>>) target(%dma_start3A_97 : memref<632x128xf32, #tpu.memory_space<hbm>>) target_semaphore(%run_scoped3A : memref<!tpu.dma_semaphore, #tpu.memory_space<semaphore_mem>>)
      %dma_wait3A_100 = arith.constant 0 : i32
      %dma_wait3A_101 = tpu.memref_slice %arg6[%arg0, %mul3A_2, %dma_wait3A_100] : memref<2x10112x128xf32, #tpu.memory_space<hbm>> -> memref<1x632x128xf32, #tpu.memory_space<hbm>>
      %dma_wait3A_102 = tpu.memref_squeeze %dma_wait3A_101 : memref<1x632x128xf32, #tpu.memory_space<hbm>> -> memref<632x128xf32, #tpu.memory_space<hbm>>
      %dma_wait3A_103 = arith.constant 0 : i32
      %dma_wait3A_104 = tpu.memref_slice %arg13[%mul3A_2, %dma_wait3A_103] : memref<10112x128xf32, #tpu.memory_space<vmem_shared>> -> memref<632x128xf32, #tpu.memory_space<vmem_shared>>
      tpu.wait_dma2 semaphore(%run_scoped3A : memref<!tpu.dma_semaphore, #tpu.memory_space<semaphore_mem>>) src(%dma_wait3A_104 : memref<632x128xf32, #tpu.memory_space<vmem_shared>>) dst(%dma_wait3A_102 : memref<632x128xf32, #tpu.memory_space<hbm>>)
      tpu.yield
    }) : () -> ()
    return
  }
}

#map = affine_map<(d0, d1) -> (0, 0)>
#map1 = affine_map<(d0, d1) -> (0, 0, 0)>
module attributes {stable_mosaic.version = 14 : i64} {
  func.func @agg_k(%arg0: i32, %arg1: i32, %arg2: memref<32x5120xi32, #tpu.memory_space<hbm>>, %arg3: memref<32x5120xi32, #tpu.memory_space<hbm>>, %arg4: memref<10112x128xf32, #tpu.memory_space<hbm>>, %arg5: memref<10000x128xf32, #tpu.memory_space<hbm>>, %arg6: memref<2x10112x128xf32, #tpu.memory_space<hbm>>, %arg7: memref<5120xi32, #tpu.memory_space<vmem>>, %arg8: memref<5120xi32, #tpu.memory_space<vmem>>, %arg9: memref<64x128xf32, #tpu.memory_space<vmem>>, %arg10: memref<64x128xf32, #tpu.memory_space<vmem>>, %arg11: memref<64x128xf32, #tpu.memory_space<vmem>>, %arg12: memref<64x128xf32, #tpu.memory_space<vmem>>, %arg13: memref<10112x128xf32, #tpu.memory_space<vmem_shared>>, %arg14: memref<!tpu.dma_semaphore, #tpu.memory_space<semaphore_mem>>, %arg15: memref<!tpu.dma_semaphore, #tpu.memory_space<semaphore_mem>>) attributes {dimension_semantics = [#tpu.dimension_semantics<core_parallel>, #tpu.dimension_semantics<subcore_parallel>], iteration_bounds = array<i64: 2, 16>, scalar_prefetch = 0 : i64, scratch_operands = 9 : i64, tpu.core_type = #tpu.core_type<sc_vector_subcore>, window_params = [{transform_indices = #map}, {transform_indices = #map}, {transform_indices = #map}, {transform_indices = #map}, {transform_indices = #map1}]} {
    %mul3A = arith.constant 16 : i32
    %mul3A_0 = arith.muli %arg0, %mul3A : i32
    %add3A = arith.addi %mul3A_0, %arg1 : i32
    "tpu.region"() ({
      %run_scoped3A = tpu.sem_alloc : memref<!tpu.dma_semaphore, #tpu.memory_space<semaphore_mem>>
      %dma_start3A_95 = arith.constant 0 : i32
      %dma_start3A_96 = tpu.memref_slice %arg2[%add3A, %dma_start3A_95] : memref<32x5120xi32, #tpu.memory_space<hbm>> -> memref<1x5120xi32, #tpu.memory_space<hbm>>
      %dma_start3A_97 = tpu.memref_squeeze %dma_start3A_96 : memref<1x5120xi32, #tpu.memory_space<hbm>> -> memref<5120xi32, #tpu.memory_space<hbm>>
      %dma_start3A_98 = arith.constant 0 : i32
      %dma_start3A_99 = tpu.memref_slice %arg2[%add3A, %dma_start3A_98] : memref<32x5120xi32, #tpu.memory_space<hbm>> -> memref<1x5120xi32, #tpu.memory_space<hbm>>
      %dma_start3A_100 = tpu.memref_squeeze %dma_start3A_99 : memref<1x5120xi32, #tpu.memory_space<hbm>> -> memref<5120xi32, #tpu.memory_space<hbm>>
      tpu.enqueue_dma source(%dma_start3A_100 : memref<5120xi32, #tpu.memory_space<hbm>>) target(%arg7 : memref<5120xi32, #tpu.memory_space<vmem>>) target_semaphore(%run_scoped3A : memref<!tpu.dma_semaphore, #tpu.memory_space<semaphore_mem>>)
      %dma_wait3A_101 = arith.constant 0 : i32
      %dma_wait3A_102 = tpu.memref_slice %arg2[%add3A, %dma_wait3A_101] : memref<32x5120xi32, #tpu.memory_space<hbm>> -> memref<1x5120xi32, #tpu.memory_space<hbm>>
      %dma_wait3A_103 = tpu.memref_squeeze %dma_wait3A_102 : memref<1x5120xi32, #tpu.memory_space<hbm>> -> memref<5120xi32, #tpu.memory_space<hbm>>
      %dma_wait3A_104 = arith.constant 0 : i32
      %dma_wait3A_105 = tpu.memref_slice %arg2[%add3A, %dma_wait3A_104] : memref<32x5120xi32, #tpu.memory_space<hbm>> -> memref<1x5120xi32, #tpu.memory_space<hbm>>
      %dma_wait3A_106 = tpu.memref_squeeze %dma_wait3A_105 : memref<1x5120xi32, #tpu.memory_space<hbm>> -> memref<5120xi32, #tpu.memory_space<hbm>>
      tpu.wait_dma2 semaphore(%run_scoped3A : memref<!tpu.dma_semaphore, #tpu.memory_space<semaphore_mem>>) src(%dma_wait3A_106 : memref<5120xi32, #tpu.memory_space<hbm>>) dst(%arg7 : memref<5120xi32, #tpu.memory_space<vmem>>)
      tpu.yield
    }) : () -> ()
    "tpu.region"() ({
      %run_scoped3A = tpu.sem_alloc : memref<!tpu.dma_semaphore, #tpu.memory_space<semaphore_mem>>
      %dma_start3A_95 = arith.constant 0 : i32
      %dma_start3A_96 = tpu.memref_slice %arg3[%add3A, %dma_start3A_95] : memref<32x5120xi32, #tpu.memory_space<hbm>> -> memref<1x5120xi32, #tpu.memory_space<hbm>>
      %dma_start3A_97 = tpu.memref_squeeze %dma_start3A_96 : memref<1x5120xi32, #tpu.memory_space<hbm>> -> memref<5120xi32, #tpu.memory_space<hbm>>
      %dma_start3A_98 = arith.constant 0 : i32
      %dma_start3A_99 = tpu.memref_slice %arg3[%add3A, %dma_start3A_98] : memref<32x5120xi32, #tpu.memory_space<hbm>> -> memref<1x5120xi32, #tpu.memory_space<hbm>>
      %dma_start3A_100 = tpu.memref_squeeze %dma_start3A_99 : memref<1x5120xi32, #tpu.memory_space<hbm>> -> memref<5120xi32, #tpu.memory_space<hbm>>
      tpu.enqueue_dma source(%dma_start3A_100 : memref<5120xi32, #tpu.memory_space<hbm>>) target(%arg8 : memref<5120xi32, #tpu.memory_space<vmem>>) target_semaphore(%run_scoped3A : memref<!tpu.dma_semaphore, #tpu.memory_space<semaphore_mem>>)
      %dma_wait3A_101 = arith.constant 0 : i32
      %dma_wait3A_102 = tpu.memref_slice %arg3[%add3A, %dma_wait3A_101] : memref<32x5120xi32, #tpu.memory_space<hbm>> -> memref<1x5120xi32, #tpu.memory_space<hbm>>
      %dma_wait3A_103 = tpu.memref_squeeze %dma_wait3A_102 : memref<1x5120xi32, #tpu.memory_space<hbm>> -> memref<5120xi32, #tpu.memory_space<hbm>>
      %dma_wait3A_104 = arith.constant 0 : i32
      %dma_wait3A_105 = tpu.memref_slice %arg3[%add3A, %dma_wait3A_104] : memref<32x5120xi32, #tpu.memory_space<hbm>> -> memref<1x5120xi32, #tpu.memory_space<hbm>>
      %dma_wait3A_106 = tpu.memref_squeeze %dma_wait3A_105 : memref<1x5120xi32, #tpu.memory_space<hbm>> -> memref<5120xi32, #tpu.memory_space<hbm>>
      tpu.wait_dma2 semaphore(%run_scoped3A : memref<!tpu.dma_semaphore, #tpu.memory_space<semaphore_mem>>) src(%dma_wait3A_106 : memref<5120xi32, #tpu.memory_space<hbm>>) dst(%arg8 : memref<5120xi32, #tpu.memory_space<vmem>>)
      tpu.yield
    }) : () -> ()
    %mul3A_1 = arith.constant 632 : i32
    %mul3A_2 = arith.muli %arg1, %mul3A_1 : i32
    "tpu.region"() ({
      %run_scoped3A = tpu.sem_alloc : memref<!tpu.dma_semaphore, #tpu.memory_space<semaphore_mem>>
      %dma_start3A_95 = arith.constant 0 : i32
      %dma_start3A_96 = tpu.memref_slice %arg13[%mul3A_2, %dma_start3A_95] : memref<10112x128xf32, #tpu.memory_space<vmem_shared>> -> memref<632x128xf32, #tpu.memory_space<vmem_shared>>
      %dma_start3A_97 = arith.constant 0 : i32
      %dma_start3A_98 = tpu.memref_slice %arg4[%mul3A_2, %dma_start3A_97] : memref<10112x128xf32, #tpu.memory_space<hbm>> -> memref<632x128xf32, #tpu.memory_space<hbm>>
      tpu.enqueue_dma source(%dma_start3A_98 : memref<632x128xf32, #tpu.memory_space<hbm>>) target(%dma_start3A_96 : memref<632x128xf32, #tpu.memory_space<vmem_shared>>) target_semaphore(%run_scoped3A : memref<!tpu.dma_semaphore, #tpu.memory_space<semaphore_mem>>)
      %dma_wait3A_99 = arith.constant 0 : i32
      %dma_wait3A_100 = tpu.memref_slice %arg13[%mul3A_2, %dma_wait3A_99] : memref<10112x128xf32, #tpu.memory_space<vmem_shared>> -> memref<632x128xf32, #tpu.memory_space<vmem_shared>>
      %dma_wait3A_101 = arith.constant 0 : i32
      %dma_wait3A_102 = tpu.memref_slice %arg4[%mul3A_2, %dma_wait3A_101] : memref<10112x128xf32, #tpu.memory_space<hbm>> -> memref<632x128xf32, #tpu.memory_space<hbm>>
      tpu.wait_dma2 semaphore(%run_scoped3A : memref<!tpu.dma_semaphore, #tpu.memory_space<semaphore_mem>>) src(%dma_wait3A_102 : memref<632x128xf32, #tpu.memory_space<hbm>>) dst(%dma_wait3A_100 : memref<632x128xf32, #tpu.memory_space<vmem_shared>>)
      tpu.yield
    }) : () -> ()
    %barrier3A = arith.constant 0 : index
    tpu.barrier barrier_id(%barrier3A)
    %dma_start3A = arith.constant 0 : i32
    %dma_start3A_3 = tpu.memref_slice %arg7[%dma_start3A] : memref<5120xi32, #tpu.memory_space<vmem>> -> memref<64xi32, #tpu.memory_space<vmem>>
    %dma_start3A_4 = arith.constant 0 : i32
    %dma_start3A_5 = arith.constant 0 : i32
    %dma_start3A_6 = tpu.memref_slice %arg5[%dma_start3A_4, %dma_start3A_5] : memref<10000x128xf32, #tpu.memory_space<hbm>> -> memref<10000x128xf32, #tpu.memory_space<hbm>>
    tpu.enqueue_indirect_dma source(%dma_start3A_6 : memref<10000x128xf32, #tpu.memory_space<hbm>>) target(%arg9 : memref<64x128xf32, #tpu.memory_space<vmem>>) offsets(%dma_start3A_3 : memref<64xi32, #tpu.memory_space<vmem>>) semaphore(%arg14 : memref<!tpu.dma_semaphore, #tpu.memory_space<semaphore_mem>>)
    %dma_start3A_7 = arith.constant 64 : i32
    %dma_start3A_8 = tpu.memref_slice %arg7[%dma_start3A_7] : memref<5120xi32, #tpu.memory_space<vmem>> -> memref<64xi32, #tpu.memory_space<vmem>>
    %dma_start3A_9 = arith.constant 0 : i32
    %dma_start3A_10 = arith.constant 0 : i32
    %dma_start3A_11 = tpu.memref_slice %arg5[%dma_start3A_9, %dma_start3A_10] : memref<10000x128xf32, #tpu.memory_space<hbm>> -> memref<10000x128xf32, #tpu.memory_space<hbm>>
    tpu.enqueue_indirect_dma source(%dma_start3A_11 : memref<10000x128xf32, #tpu.memory_space<hbm>>) target(%arg10 : memref<64x128xf32, #tpu.memory_space<vmem>>) offsets(%dma_start3A_8 : memref<64xi32, #tpu.memory_space<vmem>>) semaphore(%arg14 : memref<!tpu.dma_semaphore, #tpu.memory_space<semaphore_mem>>)
    %dma_start3A_12 = arith.constant 128 : i32
    %dma_start3A_13 = tpu.memref_slice %arg7[%dma_start3A_12] : memref<5120xi32, #tpu.memory_space<vmem>> -> memref<64xi32, #tpu.memory_space<vmem>>
    %dma_start3A_14 = arith.constant 0 : i32
    %dma_start3A_15 = arith.constant 0 : i32
    %dma_start3A_16 = tpu.memref_slice %arg5[%dma_start3A_14, %dma_start3A_15] : memref<10000x128xf32, #tpu.memory_space<hbm>> -> memref<10000x128xf32, #tpu.memory_space<hbm>>
    tpu.enqueue_indirect_dma source(%dma_start3A_16 : memref<10000x128xf32, #tpu.memory_space<hbm>>) target(%arg11 : memref<64x128xf32, #tpu.memory_space<vmem>>) offsets(%dma_start3A_13 : memref<64xi32, #tpu.memory_space<vmem>>) semaphore(%arg14 : memref<!tpu.dma_semaphore, #tpu.memory_space<semaphore_mem>>)
    %dma_wait3A = arith.constant 0 : i32
    %dma_wait3A_17 = arith.constant 0 : i32
    %dma_wait3A_18 = tpu.memref_slice %arg4[%dma_wait3A, %dma_wait3A_17] : memref<10112x128xf32, #tpu.memory_space<hbm>> -> memref<64x128xf32, #tpu.memory_space<hbm>>
    %dma_wait3A_19 = arith.constant 0 : i32
    %dma_wait3A_20 = arith.constant 0 : i32
    %dma_wait3A_21 = tpu.memref_slice %arg4[%dma_wait3A_19, %dma_wait3A_20] : memref<10112x128xf32, #tpu.memory_space<hbm>> -> memref<64x128xf32, #tpu.memory_space<hbm>>
    tpu.wait_dma2 semaphore(%arg14 : memref<!tpu.dma_semaphore, #tpu.memory_space<semaphore_mem>>) src(%dma_wait3A_21 : memref<64x128xf32, #tpu.memory_space<hbm>>) dst(%arg9 : memref<64x128xf32, #tpu.memory_space<vmem>>)
    %dma_start3A_22 = arith.constant 0 : i32
    %dma_start3A_23 = tpu.memref_slice %arg8[%dma_start3A_22] : memref<5120xi32, #tpu.memory_space<vmem>> -> memref<64xi32, #tpu.memory_space<vmem>>
    %dma_start3A_24 = arith.constant 0 : i32
    %dma_start3A_25 = arith.constant 0 : i32
    %dma_start3A_26 = tpu.memref_slice %arg13[%dma_start3A_24, %dma_start3A_25] : memref<10112x128xf32, #tpu.memory_space<vmem_shared>> -> memref<10112x128xf32, #tpu.memory_space<vmem_shared>>
    tpu.enqueue_indirect_dma source(%arg9 : memref<64x128xf32, #tpu.memory_space<vmem>>) target(%dma_start3A_26 : memref<10112x128xf32, #tpu.memory_space<vmem_shared>>) offsets(%dma_start3A_23 : memref<64xi32, #tpu.memory_space<vmem>>) semaphore(%arg15 : memref<!tpu.dma_semaphore, #tpu.memory_space<semaphore_mem>>) {add = true}
    %dma_start3A_27 = arith.constant 192 : i32
    %dma_start3A_28 = tpu.memref_slice %arg7[%dma_start3A_27] : memref<5120xi32, #tpu.memory_space<vmem>> -> memref<64xi32, #tpu.memory_space<vmem>>
    %dma_start3A_29 = arith.constant 0 : i32
    %dma_start3A_30 = arith.constant 0 : i32
    %dma_start3A_31 = tpu.memref_slice %arg5[%dma_start3A_29, %dma_start3A_30] : memref<10000x128xf32, #tpu.memory_space<hbm>> -> memref<10000x128xf32, #tpu.memory_space<hbm>>
    tpu.enqueue_indirect_dma source(%dma_start3A_31 : memref<10000x128xf32, #tpu.memory_space<hbm>>) target(%arg12 : memref<64x128xf32, #tpu.memory_space<vmem>>) offsets(%dma_start3A_28 : memref<64xi32, #tpu.memory_space<vmem>>) semaphore(%arg14 : memref<!tpu.dma_semaphore, #tpu.memory_space<semaphore_mem>>)
    %dma_wait3A_32 = arith.constant 0 : i32
    %dma_wait3A_33 = arith.constant 0 : i32
    %dma_wait3A_34 = tpu.memref_slice %arg4[%dma_wait3A_32, %dma_wait3A_33] : memref<10112x128xf32, #tpu.memory_space<hbm>> -> memref<64x128xf32, #tpu.memory_space<hbm>>
    %dma_wait3A_35 = arith.constant 0 : i32
    %dma_wait3A_36 = arith.constant 0 : i32
    %dma_wait3A_37 = tpu.memref_slice %arg4[%dma_wait3A_35, %dma_wait3A_36] : memref<10112x128xf32, #tpu.memory_space<hbm>> -> memref<64x128xf32, #tpu.memory_space<hbm>>
    tpu.wait_dma2 semaphore(%arg14 : memref<!tpu.dma_semaphore, #tpu.memory_space<semaphore_mem>>) src(%dma_wait3A_37 : memref<64x128xf32, #tpu.memory_space<hbm>>) dst(%arg10 : memref<64x128xf32, #tpu.memory_space<vmem>>)
    %dma_start3A_38 = arith.constant 64 : i32
    %dma_start3A_39 = tpu.memref_slice %arg8[%dma_start3A_38] : memref<5120xi32, #tpu.memory_space<vmem>> -> memref<64xi32, #tpu.memory_space<vmem>>
    %dma_start3A_40 = arith.constant 0 : i32
    %dma_start3A_41 = arith.constant 0 : i32
    %dma_start3A_42 = tpu.memref_slice %arg13[%dma_start3A_40, %dma_start3A_41] : memref<10112x128xf32, #tpu.memory_space<vmem_shared>> -> memref<10112x128xf32, #tpu.memory_space<vmem_shared>>
    tpu.enqueue_indirect_dma source(%arg10 : memref<64x128xf32, #tpu.memory_space<vmem>>) target(%dma_start3A_42 : memref<10112x128xf32, #tpu.memory_space<vmem_shared>>) offsets(%dma_start3A_39 : memref<64xi32, #tpu.memory_space<vmem>>) semaphore(%arg15 : memref<!tpu.dma_semaphore, #tpu.memory_space<semaphore_mem>>) {add = true}
    %scan3A = arith.constant 0 : i32
    %scan3A_43 = arith.constant 0 : i32
    %scan3A_44 = arith.constant 19 : i32
    %scan3A_45 = arith.addi %scan3A_43, %scan3A_44 : i32
    %scan3A_46 = arith.constant 1 : i32
    scf.for %scan3A_95 = %scan3A_43 to %scan3A_45 step %scan3A_46  : i32 {
      %mul3A_96 = arith.constant 4 : i32
      %mul3A_97 = arith.muli %mul3A_96, %scan3A_95 : i32
      %add3A_98 = arith.constant 2 : i32
      %add3A_99 = arith.addi %add3A_98, %mul3A_97 : i32
      %dma_wait3A_100 = arith.constant 0 : i32
      %dma_wait3A_101 = arith.constant 0 : i32
      %dma_wait3A_102 = tpu.memref_slice %arg4[%dma_wait3A_100, %dma_wait3A_101] : memref<10112x128xf32, #tpu.memory_space<hbm>> -> memref<64x128xf32, #tpu.memory_space<hbm>>
      %dma_wait3A_103 = arith.constant 0 : i32
      %dma_wait3A_104 = arith.constant 0 : i32
      %dma_wait3A_105 = tpu.memref_slice %arg4[%dma_wait3A_103, %dma_wait3A_104] : memref<10112x128xf32, #tpu.memory_space<hbm>> -> memref<64x128xf32, #tpu.memory_space<hbm>>
      tpu.wait_dma2 semaphore(%arg15 : memref<!tpu.dma_semaphore, #tpu.memory_space<semaphore_mem>>) src(%dma_wait3A_105 : memref<64x128xf32, #tpu.memory_space<hbm>>) dst(%arg9 : memref<64x128xf32, #tpu.memory_space<vmem>>)
      %add3A_106 = arith.constant 2 : i32
      %add3A_107 = arith.addi %add3A_99, %add3A_106 : i32
      %mul3A_108 = arith.constant 64 : i32
      %mul3A_109 = arith.muli %add3A_107, %mul3A_108 : i32
      %dma_start3A_110 = tpu.memref_slice %arg7[%mul3A_109] : memref<5120xi32, #tpu.memory_space<vmem>> -> memref<64xi32, #tpu.memory_space<vmem>>
      %dma_start3A_111 = arith.constant 0 : i32
      %dma_start3A_112 = arith.constant 0 : i32
      %dma_start3A_113 = tpu.memref_slice %arg5[%dma_start3A_111, %dma_start3A_112] : memref<10000x128xf32, #tpu.memory_space<hbm>> -> memref<10000x128xf32, #tpu.memory_space<hbm>>
      tpu.enqueue_indirect_dma source(%dma_start3A_113 : memref<10000x128xf32, #tpu.memory_space<hbm>>) target(%arg9 : memref<64x128xf32, #tpu.memory_space<vmem>>) offsets(%dma_start3A_110 : memref<64xi32, #tpu.memory_space<vmem>>) semaphore(%arg14 : memref<!tpu.dma_semaphore, #tpu.memory_space<semaphore_mem>>)
      %dma_wait3A_114 = arith.constant 0 : i32
      %dma_wait3A_115 = arith.constant 0 : i32
      %dma_wait3A_116 = tpu.memref_slice %arg4[%dma_wait3A_114, %dma_wait3A_115] : memref<10112x128xf32, #tpu.memory_space<hbm>> -> memref<64x128xf32, #tpu.memory_space<hbm>>
      %dma_wait3A_117 = arith.constant 0 : i32
      %dma_wait3A_118 = arith.constant 0 : i32
      %dma_wait3A_119 = tpu.memref_slice %arg4[%dma_wait3A_117, %dma_wait3A_118] : memref<10112x128xf32, #tpu.memory_space<hbm>> -> memref<64x128xf32, #tpu.memory_space<hbm>>
      tpu.wait_dma2 semaphore(%arg14 : memref<!tpu.dma_semaphore, #tpu.memory_space<semaphore_mem>>) src(%dma_wait3A_119 : memref<64x128xf32, #tpu.memory_space<hbm>>) dst(%arg11 : memref<64x128xf32, #tpu.memory_space<vmem>>)
      %mul3A_120 = arith.constant 64 : i32
      %mul3A_121 = arith.muli %add3A_99, %mul3A_120 : i32
      %dma_start3A_122 = tpu.memref_slice %arg8[%mul3A_121] : memref<5120xi32, #tpu.memory_space<vmem>> -> memref<64xi32, #tpu.memory_space<vmem>>
      %dma_start3A_123 = arith.constant 0 : i32
      %dma_start3A_124 = arith.constant 0 : i32
      %dma_start3A_125 = tpu.memref_slice %arg13[%dma_start3A_123, %dma_start3A_124] : memref<10112x128xf32, #tpu.memory_space<vmem_shared>> -> memref<10112x128xf32, #tpu.memory_space<vmem_shared>>
      tpu.enqueue_indirect_dma source(%arg11 : memref<64x128xf32, #tpu.memory_space<vmem>>) target(%dma_start3A_125 : memref<10112x128xf32, #tpu.memory_space<vmem_shared>>) offsets(%dma_start3A_122 : memref<64xi32, #tpu.memory_space<vmem>>) semaphore(%arg15 : memref<!tpu.dma_semaphore, #tpu.memory_space<semaphore_mem>>) {add = true}
      %add3A_126 = arith.constant 1 : i32
      %add3A_127 = arith.addi %add3A_99, %add3A_126 : i32
      %dma_wait3A_128 = arith.constant 0 : i32
      %dma_wait3A_129 = arith.constant 0 : i32
      %dma_wait3A_130 = tpu.memref_slice %arg4[%dma_wait3A_128, %dma_wait3A_129] : memref<10112x128xf32, #tpu.memory_space<hbm>> -> memref<64x128xf32, #tpu.memory_space<hbm>>
      %dma_wait3A_131 = arith.constant 0 : i32
      %dma_wait3A_132 = arith.constant 0 : i32
      %dma_wait3A_133 = tpu.memref_slice %arg4[%dma_wait3A_131, %dma_wait3A_132] : memref<10112x128xf32, #tpu.memory_space<hbm>> -> memref<64x128xf32, #tpu.memory_space<hbm>>
      tpu.wait_dma2 semaphore(%arg15 : memref<!tpu.dma_semaphore, #tpu.memory_space<semaphore_mem>>) src(%dma_wait3A_133 : memref<64x128xf32, #tpu.memory_space<hbm>>) dst(%arg10 : memref<64x128xf32, #tpu.memory_space<vmem>>)
      %add3A_134 = arith.constant 2 : i32
      %add3A_135 = arith.addi %add3A_127, %add3A_134 : i32
      %mul3A_136 = arith.constant 64 : i32
      %mul3A_137 = arith.muli %add3A_135, %mul3A_136 : i32
      %dma_start3A_138 = tpu.memref_slice %arg7[%mul3A_137] : memref<5120xi32, #tpu.memory_space<vmem>> -> memref<64xi32, #tpu.memory_space<vmem>>
      %dma_start3A_139 = arith.constant 0 : i32
      %dma_start3A_140 = arith.constant 0 : i32
      %dma_start3A_141 = tpu.memref_slice %arg5[%dma_start3A_139, %dma_start3A_140] : memref<10000x128xf32, #tpu.memory_space<hbm>> -> memref<10000x128xf32, #tpu.memory_space<hbm>>
      tpu.enqueue_indirect_dma source(%dma_start3A_141 : memref<10000x128xf32, #tpu.memory_space<hbm>>) target(%arg10 : memref<64x128xf32, #tpu.memory_space<vmem>>) offsets(%dma_start3A_138 : memref<64xi32, #tpu.memory_space<vmem>>) semaphore(%arg14 : memref<!tpu.dma_semaphore, #tpu.memory_space<semaphore_mem>>)
      %dma_wait3A_142 = arith.constant 0 : i32
      %dma_wait3A_143 = arith.constant 0 : i32
      %dma_wait3A_144 = tpu.memref_slice %arg4[%dma_wait3A_142, %dma_wait3A_143] : memref<10112x128xf32, #tpu.memory_space<hbm>> -> memref<64x128xf32, #tpu.memory_space<hbm>>
      %dma_wait3A_145 = arith.constant 0 : i32
      %dma_wait3A_146 = arith.constant 0 : i32
      %dma_wait3A_147 = tpu.memref_slice %arg4[%dma_wait3A_145, %dma_wait3A_146] : memref<10112x128xf32, #tpu.memory_space<hbm>> -> memref<64x128xf32, #tpu.memory_space<hbm>>
      tpu.wait_dma2 semaphore(%arg14 : memref<!tpu.dma_semaphore, #tpu.memory_space<semaphore_mem>>) src(%dma_wait3A_147 : memref<64x128xf32, #tpu.memory_space<hbm>>) dst(%arg12 : memref<64x128xf32, #tpu.memory_space<vmem>>)
      %mul3A_148 = arith.constant 64 : i32
      %mul3A_149 = arith.muli %add3A_127, %mul3A_148 : i32
      %dma_start3A_150 = tpu.memref_slice %arg8[%mul3A_149] : memref<5120xi32, #tpu.memory_space<vmem>> -> memref<64xi32, #tpu.memory_space<vmem>>
      %dma_start3A_151 = arith.constant 0 : i32
      %dma_start3A_152 = arith.constant 0 : i32
      %dma_start3A_153 = tpu.memref_slice %arg13[%dma_start3A_151, %dma_start3A_152] : memref<10112x128xf32, #tpu.memory_space<vmem_shared>> -> memref<10112x128xf32, #tpu.memory_space<vmem_shared>>
      tpu.enqueue_indirect_dma source(%arg12 : memref<64x128xf32, #tpu.memory_space<vmem>>) target(%dma_start3A_153 : memref<10112x128xf32, #tpu.memory_space<vmem_shared>>) offsets(%dma_start3A_150 : memref<64xi32, #tpu.memory_space<vmem>>) semaphore(%arg15 : memref<!tpu.dma_semaphore, #tpu.memory_space<semaphore_mem>>) {add = true}
      %add3A_154 = arith.constant 2 : i32
      %add3A_155 = arith.addi %add3A_99, %add3A_154 : i32
      %dma_wait3A_156 = arith.constant 0 : i32
      %dma_wait3A_157 = arith.constant 0 : i32
      %dma_wait3A_158 = tpu.memref_slice %arg4[%dma_wait3A_156, %dma_wait3A_157] : memref<10112x128xf32, #tpu.memory_space<hbm>> -> memref<64x128xf32, #tpu.memory_space<hbm>>
      %dma_wait3A_159 = arith.constant 0 : i32
      %dma_wait3A_160 = arith.constant 0 : i32
      %dma_wait3A_161 = tpu.memref_slice %arg4[%dma_wait3A_159, %dma_wait3A_160] : memref<10112x128xf32, #tpu.memory_space<hbm>> -> memref<64x128xf32, #tpu.memory_space<hbm>>
      tpu.wait_dma2 semaphore(%arg15 : memref<!tpu.dma_semaphore, #tpu.memory_space<semaphore_mem>>) src(%dma_wait3A_161 : memref<64x128xf32, #tpu.memory_space<hbm>>) dst(%arg11 : memref<64x128xf32, #tpu.memory_space<vmem>>)
      %add3A_162 = arith.constant 2 : i32
      %add3A_163 = arith.addi %add3A_155, %add3A_162 : i32
      %mul3A_164 = arith.constant 64 : i32
      %mul3A_165 = arith.muli %add3A_163, %mul3A_164 : i32
      %dma_start3A_166 = tpu.memref_slice %arg7[%mul3A_165] : memref<5120xi32, #tpu.memory_space<vmem>> -> memref<64xi32, #tpu.memory_space<vmem>>
      %dma_start3A_167 = arith.constant 0 : i32
      %dma_start3A_168 = arith.constant 0 : i32
      %dma_start3A_169 = tpu.memref_slice %arg5[%dma_start3A_167, %dma_start3A_168] : memref<10000x128xf32, #tpu.memory_space<hbm>> -> memref<10000x128xf32, #tpu.memory_space<hbm>>
      tpu.enqueue_indirect_dma source(%dma_start3A_169 : memref<10000x128xf32, #tpu.memory_space<hbm>>) target(%arg11 : memref<64x128xf32, #tpu.memory_space<vmem>>) offsets(%dma_start3A_166 : memref<64xi32, #tpu.memory_space<vmem>>) semaphore(%arg14 : memref<!tpu.dma_semaphore, #tpu.memory_space<semaphore_mem>>)
      %dma_wait3A_170 = arith.constant 0 : i32
      %dma_wait3A_171 = arith.constant 0 : i32
      %dma_wait3A_172 = tpu.memref_slice %arg4[%dma_wait3A_170, %dma_wait3A_171] : memref<10112x128xf32, #tpu.memory_space<hbm>> -> memref<64x128xf32, #tpu.memory_space<hbm>>
      %dma_wait3A_173 = arith.constant 0 : i32
      %dma_wait3A_174 = arith.constant 0 : i32
      %dma_wait3A_175 = tpu.memref_slice %arg4[%dma_wait3A_173, %dma_wait3A_174] : memref<10112x128xf32, #tpu.memory_space<hbm>> -> memref<64x128xf32, #tpu.memory_space<hbm>>
      tpu.wait_dma2 semaphore(%arg14 : memref<!tpu.dma_semaphore, #tpu.memory_space<semaphore_mem>>) src(%dma_wait3A_175 : memref<64x128xf32, #tpu.memory_space<hbm>>) dst(%arg9 : memref<64x128xf32, #tpu.memory_space<vmem>>)
      %mul3A_176 = arith.constant 64 : i32
      %mul3A_177 = arith.muli %add3A_155, %mul3A_176 : i32
      %dma_start3A_178 = tpu.memref_slice %arg8[%mul3A_177] : memref<5120xi32, #tpu.memory_space<vmem>> -> memref<64xi32, #tpu.memory_space<vmem>>
      %dma_start3A_179 = arith.constant 0 : i32
      %dma_start3A_180 = arith.constant 0 : i32
      %dma_start3A_181 = tpu.memref_slice %arg13[%dma_start3A_179, %dma_start3A_180] : memref<10112x128xf32, #tpu.memory_space<vmem_shared>> -> memref<10112x128xf32, #tpu.memory_space<vmem_shared>>
      tpu.enqueue_indirect_dma source(%arg9 : memref<64x128xf32, #tpu.memory_space<vmem>>) target(%dma_start3A_181 : memref<10112x128xf32, #tpu.memory_space<vmem_shared>>) offsets(%dma_start3A_178 : memref<64xi32, #tpu.memory_space<vmem>>) semaphore(%arg15 : memref<!tpu.dma_semaphore, #tpu.memory_space<semaphore_mem>>) {add = true}
      %add3A_182 = arith.constant 3 : i32
      %add3A_183 = arith.addi %add3A_99, %add3A_182 : i32
      %dma_wait3A_184 = arith.constant 0 : i32
      %dma_wait3A_185 = arith.constant 0 : i32
      %dma_wait3A_186 = tpu.memref_slice %arg4[%dma_wait3A_184, %dma_wait3A_185] : memref<10112x128xf32, #tpu.memory_space<hbm>> -> memref<64x128xf32, #tpu.memory_space<hbm>>
      %dma_wait3A_187 = arith.constant 0 : i32
      %dma_wait3A_188 = arith.constant 0 : i32
      %dma_wait3A_189 = tpu.memref_slice %arg4[%dma_wait3A_187, %dma_wait3A_188] : memref<10112x128xf32, #tpu.memory_space<hbm>> -> memref<64x128xf32, #tpu.memory_space<hbm>>
      tpu.wait_dma2 semaphore(%arg15 : memref<!tpu.dma_semaphore, #tpu.memory_space<semaphore_mem>>) src(%dma_wait3A_189 : memref<64x128xf32, #tpu.memory_space<hbm>>) dst(%arg12 : memref<64x128xf32, #tpu.memory_space<vmem>>)
      %add3A_190 = arith.constant 2 : i32
      %add3A_191 = arith.addi %add3A_183, %add3A_190 : i32
      %mul3A_192 = arith.constant 64 : i32
      %mul3A_193 = arith.muli %add3A_191, %mul3A_192 : i32
      %dma_start3A_194 = tpu.memref_slice %arg7[%mul3A_193] : memref<5120xi32, #tpu.memory_space<vmem>> -> memref<64xi32, #tpu.memory_space<vmem>>
      %dma_start3A_195 = arith.constant 0 : i32
      %dma_start3A_196 = arith.constant 0 : i32
      %dma_start3A_197 = tpu.memref_slice %arg5[%dma_start3A_195, %dma_start3A_196] : memref<10000x128xf32, #tpu.memory_space<hbm>> -> memref<10000x128xf32, #tpu.memory_space<hbm>>
      tpu.enqueue_indirect_dma source(%dma_start3A_197 : memref<10000x128xf32, #tpu.memory_space<hbm>>) target(%arg12 : memref<64x128xf32, #tpu.memory_space<vmem>>) offsets(%dma_start3A_194 : memref<64xi32, #tpu.memory_space<vmem>>) semaphore(%arg14 : memref<!tpu.dma_semaphore, #tpu.memory_space<semaphore_mem>>)
      %dma_wait3A_198 = arith.constant 0 : i32
      %dma_wait3A_199 = arith.constant 0 : i32
      %dma_wait3A_200 = tpu.memref_slice %arg4[%dma_wait3A_198, %dma_wait3A_199] : memref<10112x128xf32, #tpu.memory_space<hbm>> -> memref<64x128xf32, #tpu.memory_space<hbm>>
      %dma_wait3A_201 = arith.constant 0 : i32
      %dma_wait3A_202 = arith.constant 0 : i32
      %dma_wait3A_203 = tpu.memref_slice %arg4[%dma_wait3A_201, %dma_wait3A_202] : memref<10112x128xf32, #tpu.memory_space<hbm>> -> memref<64x128xf32, #tpu.memory_space<hbm>>
      tpu.wait_dma2 semaphore(%arg14 : memref<!tpu.dma_semaphore, #tpu.memory_space<semaphore_mem>>) src(%dma_wait3A_203 : memref<64x128xf32, #tpu.memory_space<hbm>>) dst(%arg10 : memref<64x128xf32, #tpu.memory_space<vmem>>)
      %mul3A_204 = arith.constant 64 : i32
      %mul3A_205 = arith.muli %add3A_183, %mul3A_204 : i32
      %dma_start3A_206 = tpu.memref_slice %arg8[%mul3A_205] : memref<5120xi32, #tpu.memory_space<vmem>> -> memref<64xi32, #tpu.memory_space<vmem>>
      %dma_start3A_207 = arith.constant 0 : i32
      %dma_start3A_208 = arith.constant 0 : i32
      %dma_start3A_209 = tpu.memref_slice %arg13[%dma_start3A_207, %dma_start3A_208] : memref<10112x128xf32, #tpu.memory_space<vmem_shared>> -> memref<10112x128xf32, #tpu.memory_space<vmem_shared>>
      tpu.enqueue_indirect_dma source(%arg10 : memref<64x128xf32, #tpu.memory_space<vmem>>) target(%dma_start3A_209 : memref<10112x128xf32, #tpu.memory_space<vmem_shared>>) offsets(%dma_start3A_206 : memref<64xi32, #tpu.memory_space<vmem>>) semaphore(%arg15 : memref<!tpu.dma_semaphore, #tpu.memory_space<semaphore_mem>>) {add = true}
    }
    %scan3A_47 = arith.constant 19 : i32
    %dma_wait3A_48 = arith.constant 0 : i32
    %dma_wait3A_49 = arith.constant 0 : i32
    %dma_wait3A_50 = tpu.memref_slice %arg4[%dma_wait3A_48, %dma_wait3A_49] : memref<10112x128xf32, #tpu.memory_space<hbm>> -> memref<64x128xf32, #tpu.memory_space<hbm>>
    %dma_wait3A_51 = arith.constant 0 : i32
    %dma_wait3A_52 = arith.constant 0 : i32
    %dma_wait3A_53 = tpu.memref_slice %arg4[%dma_wait3A_51, %dma_wait3A_52] : memref<10112x128xf32, #tpu.memory_space<hbm>> -> memref<64x128xf32, #tpu.memory_space<hbm>>
    tpu.wait_dma2 semaphore(%arg15 : memref<!tpu.dma_semaphore, #tpu.memory_space<semaphore_mem>>) src(%dma_wait3A_53 : memref<64x128xf32, #tpu.memory_space<hbm>>) dst(%arg9 : memref<64x128xf32, #tpu.memory_space<vmem>>)
    %dma_wait3A_54 = arith.constant 0 : i32
    %dma_wait3A_55 = arith.constant 0 : i32
    %dma_wait3A_56 = tpu.memref_slice %arg4[%dma_wait3A_54, %dma_wait3A_55] : memref<10112x128xf32, #tpu.memory_space<hbm>> -> memref<64x128xf32, #tpu.memory_space<hbm>>
    %dma_wait3A_57 = arith.constant 0 : i32
    %dma_wait3A_58 = arith.constant 0 : i32
    %dma_wait3A_59 = tpu.memref_slice %arg4[%dma_wait3A_57, %dma_wait3A_58] : memref<10112x128xf32, #tpu.memory_space<hbm>> -> memref<64x128xf32, #tpu.memory_space<hbm>>
    tpu.wait_dma2 semaphore(%arg14 : memref<!tpu.dma_semaphore, #tpu.memory_space<semaphore_mem>>) src(%dma_wait3A_59 : memref<64x128xf32, #tpu.memory_space<hbm>>) dst(%arg11 : memref<64x128xf32, #tpu.memory_space<vmem>>)
    %dma_start3A_60 = arith.constant 4992 : i32
    %dma_start3A_61 = tpu.memref_slice %arg8[%dma_start3A_60] : memref<5120xi32, #tpu.memory_space<vmem>> -> memref<64xi32, #tpu.memory_space<vmem>>
    %dma_start3A_62 = arith.constant 0 : i32
    %dma_start3A_63 = arith.constant 0 : i32
    %dma_start3A_64 = tpu.memref_slice %arg13[%dma_start3A_62, %dma_start3A_63] : memref<10112x128xf32, #tpu.memory_space<vmem_shared>> -> memref<10112x128xf32, #tpu.memory_space<vmem_shared>>
    tpu.enqueue_indirect_dma source(%arg11 : memref<64x128xf32, #tpu.memory_space<vmem>>) target(%dma_start3A_64 : memref<10112x128xf32, #tpu.memory_space<vmem_shared>>) offsets(%dma_start3A_61 : memref<64xi32, #tpu.memory_space<vmem>>) semaphore(%arg15 : memref<!tpu.dma_semaphore, #tpu.memory_space<semaphore_mem>>) {add = true}
    %dma_wait3A_65 = arith.constant 0 : i32
    %dma_wait3A_66 = arith.constant 0 : i32
    %dma_wait3A_67 = tpu.memref_slice %arg4[%dma_wait3A_65, %dma_wait3A_66] : memref<10112x128xf32, #tpu.memory_space<hbm>> -> memref<64x128xf32, #tpu.memory_space<hbm>>
    %dma_wait3A_68 = arith.constant 0 : i32
    %dma_wait3A_69 = arith.constant 0 : i32
    %dma_wait3A_70 = tpu.memref_slice %arg4[%dma_wait3A_68, %dma_wait3A_69] : memref<10112x128xf32, #tpu.memory_space<hbm>> -> memref<64x128xf32, #tpu.memory_space<hbm>>
    tpu.wait_dma2 semaphore(%arg15 : memref<!tpu.dma_semaphore, #tpu.memory_space<semaphore_mem>>) src(%dma_wait3A_70 : memref<64x128xf32, #tpu.memory_space<hbm>>) dst(%arg10 : memref<64x128xf32, #tpu.memory_space<vmem>>)
    %dma_wait3A_71 = arith.constant 0 : i32
    %dma_wait3A_72 = arith.constant 0 : i32
    %dma_wait3A_73 = tpu.memref_slice %arg4[%dma_wait3A_71, %dma_wait3A_72] : memref<10112x128xf32, #tpu.memory_space<hbm>> -> memref<64x128xf32, #tpu.memory_space<hbm>>
    %dma_wait3A_74 = arith.constant 0 : i32
    %dma_wait3A_75 = arith.constant 0 : i32
    %dma_wait3A_76 = tpu.memref_slice %arg4[%dma_wait3A_74, %dma_wait3A_75] : memref<10112x128xf32, #tpu.memory_space<hbm>> -> memref<64x128xf32, #tpu.memory_space<hbm>>
    tpu.wait_dma2 semaphore(%arg14 : memref<!tpu.dma_semaphore, #tpu.memory_space<semaphore_mem>>) src(%dma_wait3A_76 : memref<64x128xf32, #tpu.memory_space<hbm>>) dst(%arg12 : memref<64x128xf32, #tpu.memory_space<vmem>>)
    %dma_start3A_77 = arith.constant 5056 : i32
    %dma_start3A_78 = tpu.memref_slice %arg8[%dma_start3A_77] : memref<5120xi32, #tpu.memory_space<vmem>> -> memref<64xi32, #tpu.memory_space<vmem>>
    %dma_start3A_79 = arith.constant 0 : i32
    %dma_start3A_80 = arith.constant 0 : i32
    %dma_start3A_81 = tpu.memref_slice %arg13[%dma_start3A_79, %dma_start3A_80] : memref<10112x128xf32, #tpu.memory_space<vmem_shared>> -> memref<10112x128xf32, #tpu.memory_space<vmem_shared>>
    tpu.enqueue_indirect_dma source(%arg12 : memref<64x128xf32, #tpu.memory_space<vmem>>) target(%dma_start3A_81 : memref<10112x128xf32, #tpu.memory_space<vmem_shared>>) offsets(%dma_start3A_78 : memref<64xi32, #tpu.memory_space<vmem>>) semaphore(%arg15 : memref<!tpu.dma_semaphore, #tpu.memory_space<semaphore_mem>>) {add = true}
    %dma_wait3A_82 = arith.constant 0 : i32
    %dma_wait3A_83 = arith.constant 0 : i32
    %dma_wait3A_84 = tpu.memref_slice %arg4[%dma_wait3A_82, %dma_wait3A_83] : memref<10112x128xf32, #tpu.memory_space<hbm>> -> memref<64x128xf32, #tpu.memory_space<hbm>>
    %dma_wait3A_85 = arith.constant 0 : i32
    %dma_wait3A_86 = arith.constant 0 : i32
    %dma_wait3A_87 = tpu.memref_slice %arg4[%dma_wait3A_85, %dma_wait3A_86] : memref<10112x128xf32, #tpu.memory_space<hbm>> -> memref<64x128xf32, #tpu.memory_space<hbm>>
    tpu.wait_dma2 semaphore(%arg15 : memref<!tpu.dma_semaphore, #tpu.memory_space<semaphore_mem>>) src(%dma_wait3A_87 : memref<64x128xf32, #tpu.memory_space<hbm>>) dst(%arg11 : memref<64x128xf32, #tpu.memory_space<vmem>>)
    %dma_wait3A_88 = arith.constant 0 : i32
    %dma_wait3A_89 = arith.constant 0 : i32
    %dma_wait3A_90 = tpu.memref_slice %arg4[%dma_wait3A_88, %dma_wait3A_89] : memref<10112x128xf32, #tpu.memory_space<hbm>> -> memref<64x128xf32, #tpu.memory_space<hbm>>
    %dma_wait3A_91 = arith.constant 0 : i32
    %dma_wait3A_92 = arith.constant 0 : i32
    %dma_wait3A_93 = tpu.memref_slice %arg4[%dma_wait3A_91, %dma_wait3A_92] : memref<10112x128xf32, #tpu.memory_space<hbm>> -> memref<64x128xf32, #tpu.memory_space<hbm>>
    tpu.wait_dma2 semaphore(%arg15 : memref<!tpu.dma_semaphore, #tpu.memory_space<semaphore_mem>>) src(%dma_wait3A_93 : memref<64x128xf32, #tpu.memory_space<hbm>>) dst(%arg12 : memref<64x128xf32, #tpu.memory_space<vmem>>)
    %barrier3A_94 = arith.constant 0 : index
    tpu.barrier barrier_id(%barrier3A_94)
    "tpu.region"() ({
      %run_scoped3A = tpu.sem_alloc : memref<!tpu.dma_semaphore, #tpu.memory_space<semaphore_mem>>
      %dma_start3A_95 = arith.constant 0 : i32
      %dma_start3A_96 = tpu.memref_slice %arg6[%arg0, %mul3A_2, %dma_start3A_95] : memref<2x10112x128xf32, #tpu.memory_space<hbm>> -> memref<1x632x128xf32, #tpu.memory_space<hbm>>
      %dma_start3A_97 = tpu.memref_squeeze %dma_start3A_96 : memref<1x632x128xf32, #tpu.memory_space<hbm>> -> memref<632x128xf32, #tpu.memory_space<hbm>>
      %dma_start3A_98 = arith.constant 0 : i32
      %dma_start3A_99 = tpu.memref_slice %arg13[%mul3A_2, %dma_start3A_98] : memref<10112x128xf32, #tpu.memory_space<vmem_shared>> -> memref<632x128xf32, #tpu.memory_space<vmem_shared>>
      tpu.enqueue_dma source(%dma_start3A_99 : memref<632x128xf32, #tpu.memory_space<vmem_shared>>) target(%dma_start3A_97 : memref<632x128xf32, #tpu.memory_space<hbm>>) target_semaphore(%run_scoped3A : memref<!tpu.dma_semaphore, #tpu.memory_space<semaphore_mem>>)
      %dma_wait3A_100 = arith.constant 0 : i32
      %dma_wait3A_101 = tpu.memref_slice %arg6[%arg0, %mul3A_2, %dma_wait3A_100] : memref<2x10112x128xf32, #tpu.memory_space<hbm>> -> memref<1x632x128xf32, #tpu.memory_space<hbm>>
      %dma_wait3A_102 = tpu.memref_squeeze %dma_wait3A_101 : memref<1x632x128xf32, #tpu.memory_space<hbm>> -> memref<632x128xf32, #tpu.memory_space<hbm>>
      %dma_wait3A_103 = arith.constant 0 : i32
      %dma_wait3A_104 = tpu.memref_slice %arg13[%mul3A_2, %dma_wait3A_103] : memref<10112x128xf32, #tpu.memory_space<vmem_shared>> -> memref<632x128xf32, #tpu.memory_space<vmem_shared>>
      tpu.wait_dma2 semaphore(%run_scoped3A : memref<!tpu.dma_semaphore, #tpu.memory_space<semaphore_mem>>) src(%dma_wait3A_104 : memref<632x128xf32, #tpu.memory_space<vmem_shared>>) dst(%dma_wait3A_102 : memref<632x128xf32, #tpu.memory_space<hbm>>)
      tpu.yield
    }) : () -> ()
    return
  }
}

#map = affine_map<(d0, d1) -> (0, 0)>
#map1 = affine_map<(d0, d1) -> (0, 0, 0)>
module attributes {stable_mosaic.version = 14 : i64} {
  func.func @agg_k(%arg0: i32, %arg1: i32, %arg2: memref<32x5120xi32, #tpu.memory_space<hbm>>, %arg3: memref<32x5120xi32, #tpu.memory_space<hbm>>, %arg4: memref<10112x128xf32, #tpu.memory_space<hbm>>, %arg5: memref<10000x128xf32, #tpu.memory_space<hbm>>, %arg6: memref<2x10112x128xf32, #tpu.memory_space<hbm>>, %arg7: memref<5120xi32, #tpu.memory_space<vmem>>, %arg8: memref<5120xi32, #tpu.memory_space<vmem>>, %arg9: memref<64x128xf32, #tpu.memory_space<vmem>>, %arg10: memref<64x128xf32, #tpu.memory_space<vmem>>, %arg11: memref<64x128xf32, #tpu.memory_space<vmem>>, %arg12: memref<64x128xf32, #tpu.memory_space<vmem>>, %arg13: memref<10112x128xf32, #tpu.memory_space<vmem_shared>>, %arg14: memref<!tpu.dma_semaphore, #tpu.memory_space<semaphore_mem>>, %arg15: memref<!tpu.dma_semaphore, #tpu.memory_space<semaphore_mem>>) attributes {dimension_semantics = [#tpu.dimension_semantics<core_parallel>, #tpu.dimension_semantics<subcore_parallel>], iteration_bounds = array<i64: 2, 16>, scalar_prefetch = 0 : i64, scratch_operands = 9 : i64, tpu.core_type = #tpu.core_type<sc_vector_subcore>, window_params = [{transform_indices = #map}, {transform_indices = #map}, {transform_indices = #map}, {transform_indices = #map}, {transform_indices = #map1}]} {
    %mul3A = arith.constant 16 : i32
    %mul3A_0 = arith.muli %arg0, %mul3A : i32
    %add3A = arith.addi %mul3A_0, %arg1 : i32
    "tpu.region"() ({
      %run_scoped3A = tpu.sem_alloc : memref<!tpu.dma_semaphore, #tpu.memory_space<semaphore_mem>>
      %dma_start3A_95 = arith.constant 0 : i32
      %dma_start3A_96 = tpu.memref_slice %arg2[%add3A, %dma_start3A_95] : memref<32x5120xi32, #tpu.memory_space<hbm>> -> memref<1x5120xi32, #tpu.memory_space<hbm>>
      %dma_start3A_97 = tpu.memref_squeeze %dma_start3A_96 : memref<1x5120xi32, #tpu.memory_space<hbm>> -> memref<5120xi32, #tpu.memory_space<hbm>>
      %dma_start3A_98 = arith.constant 0 : i32
      %dma_start3A_99 = tpu.memref_slice %arg2[%add3A, %dma_start3A_98] : memref<32x5120xi32, #tpu.memory_space<hbm>> -> memref<1x5120xi32, #tpu.memory_space<hbm>>
      %dma_start3A_100 = tpu.memref_squeeze %dma_start3A_99 : memref<1x5120xi32, #tpu.memory_space<hbm>> -> memref<5120xi32, #tpu.memory_space<hbm>>
      tpu.enqueue_dma source(%dma_start3A_100 : memref<5120xi32, #tpu.memory_space<hbm>>) target(%arg7 : memref<5120xi32, #tpu.memory_space<vmem>>) target_semaphore(%run_scoped3A : memref<!tpu.dma_semaphore, #tpu.memory_space<semaphore_mem>>)
      %dma_wait3A_101 = arith.constant 0 : i32
      %dma_wait3A_102 = tpu.memref_slice %arg2[%add3A, %dma_wait3A_101] : memref<32x5120xi32, #tpu.memory_space<hbm>> -> memref<1x5120xi32, #tpu.memory_space<hbm>>
      %dma_wait3A_103 = tpu.memref_squeeze %dma_wait3A_102 : memref<1x5120xi32, #tpu.memory_space<hbm>> -> memref<5120xi32, #tpu.memory_space<hbm>>
      %dma_wait3A_104 = arith.constant 0 : i32
      %dma_wait3A_105 = tpu.memref_slice %arg2[%add3A, %dma_wait3A_104] : memref<32x5120xi32, #tpu.memory_space<hbm>> -> memref<1x5120xi32, #tpu.memory_space<hbm>>
      %dma_wait3A_106 = tpu.memref_squeeze %dma_wait3A_105 : memref<1x5120xi32, #tpu.memory_space<hbm>> -> memref<5120xi32, #tpu.memory_space<hbm>>
      tpu.wait_dma2 semaphore(%run_scoped3A : memref<!tpu.dma_semaphore, #tpu.memory_space<semaphore_mem>>) src(%dma_wait3A_106 : memref<5120xi32, #tpu.memory_space<hbm>>) dst(%arg7 : memref<5120xi32, #tpu.memory_space<vmem>>)
      tpu.yield
    }) : () -> ()
    "tpu.region"() ({
      %run_scoped3A = tpu.sem_alloc : memref<!tpu.dma_semaphore, #tpu.memory_space<semaphore_mem>>
      %dma_start3A_95 = arith.constant 0 : i32
      %dma_start3A_96 = tpu.memref_slice %arg3[%add3A, %dma_start3A_95] : memref<32x5120xi32, #tpu.memory_space<hbm>> -> memref<1x5120xi32, #tpu.memory_space<hbm>>
      %dma_start3A_97 = tpu.memref_squeeze %dma_start3A_96 : memref<1x5120xi32, #tpu.memory_space<hbm>> -> memref<5120xi32, #tpu.memory_space<hbm>>
      %dma_start3A_98 = arith.constant 0 : i32
      %dma_start3A_99 = tpu.memref_slice %arg3[%add3A, %dma_start3A_98] : memref<32x5120xi32, #tpu.memory_space<hbm>> -> memref<1x5120xi32, #tpu.memory_space<hbm>>
      %dma_start3A_100 = tpu.memref_squeeze %dma_start3A_99 : memref<1x5120xi32, #tpu.memory_space<hbm>> -> memref<5120xi32, #tpu.memory_space<hbm>>
      tpu.enqueue_dma source(%dma_start3A_100 : memref<5120xi32, #tpu.memory_space<hbm>>) target(%arg8 : memref<5120xi32, #tpu.memory_space<vmem>>) target_semaphore(%run_scoped3A : memref<!tpu.dma_semaphore, #tpu.memory_space<semaphore_mem>>)
      %dma_wait3A_101 = arith.constant 0 : i32
      %dma_wait3A_102 = tpu.memref_slice %arg3[%add3A, %dma_wait3A_101] : memref<32x5120xi32, #tpu.memory_space<hbm>> -> memref<1x5120xi32, #tpu.memory_space<hbm>>
      %dma_wait3A_103 = tpu.memref_squeeze %dma_wait3A_102 : memref<1x5120xi32, #tpu.memory_space<hbm>> -> memref<5120xi32, #tpu.memory_space<hbm>>
      %dma_wait3A_104 = arith.constant 0 : i32
      %dma_wait3A_105 = tpu.memref_slice %arg3[%add3A, %dma_wait3A_104] : memref<32x5120xi32, #tpu.memory_space<hbm>> -> memref<1x5120xi32, #tpu.memory_space<hbm>>
      %dma_wait3A_106 = tpu.memref_squeeze %dma_wait3A_105 : memref<1x5120xi32, #tpu.memory_space<hbm>> -> memref<5120xi32, #tpu.memory_space<hbm>>
      tpu.wait_dma2 semaphore(%run_scoped3A : memref<!tpu.dma_semaphore, #tpu.memory_space<semaphore_mem>>) src(%dma_wait3A_106 : memref<5120xi32, #tpu.memory_space<hbm>>) dst(%arg8 : memref<5120xi32, #tpu.memory_space<vmem>>)
      tpu.yield
    }) : () -> ()
    %mul3A_1 = arith.constant 632 : i32
    %mul3A_2 = arith.muli %arg1, %mul3A_1 : i32
    "tpu.region"() ({
      %run_scoped3A = tpu.sem_alloc : memref<!tpu.dma_semaphore, #tpu.memory_space<semaphore_mem>>
      %dma_start3A_95 = arith.constant 0 : i32
      %dma_start3A_96 = tpu.memref_slice %arg13[%mul3A_2, %dma_start3A_95] : memref<10112x128xf32, #tpu.memory_space<vmem_shared>> -> memref<632x128xf32, #tpu.memory_space<vmem_shared>>
      %dma_start3A_97 = arith.constant 0 : i32
      %dma_start3A_98 = tpu.memref_slice %arg4[%mul3A_2, %dma_start3A_97] : memref<10112x128xf32, #tpu.memory_space<hbm>> -> memref<632x128xf32, #tpu.memory_space<hbm>>
      tpu.enqueue_dma source(%dma_start3A_98 : memref<632x128xf32, #tpu.memory_space<hbm>>) target(%dma_start3A_96 : memref<632x128xf32, #tpu.memory_space<vmem_shared>>) target_semaphore(%run_scoped3A : memref<!tpu.dma_semaphore, #tpu.memory_space<semaphore_mem>>)
      %dma_wait3A_99 = arith.constant 0 : i32
      %dma_wait3A_100 = tpu.memref_slice %arg13[%mul3A_2, %dma_wait3A_99] : memref<10112x128xf32, #tpu.memory_space<vmem_shared>> -> memref<632x128xf32, #tpu.memory_space<vmem_shared>>
      %dma_wait3A_101 = arith.constant 0 : i32
      %dma_wait3A_102 = tpu.memref_slice %arg4[%mul3A_2, %dma_wait3A_101] : memref<10112x128xf32, #tpu.memory_space<hbm>> -> memref<632x128xf32, #tpu.memory_space<hbm>>
      tpu.wait_dma2 semaphore(%run_scoped3A : memref<!tpu.dma_semaphore, #tpu.memory_space<semaphore_mem>>) src(%dma_wait3A_102 : memref<632x128xf32, #tpu.memory_space<hbm>>) dst(%dma_wait3A_100 : memref<632x128xf32, #tpu.memory_space<vmem_shared>>)
      tpu.yield
    }) : () -> ()
    %barrier3A = arith.constant 0 : index
    tpu.barrier barrier_id(%barrier3A)
    %dma_start3A = arith.constant 0 : i32
    %dma_start3A_3 = tpu.memref_slice %arg7[%dma_start3A] : memref<5120xi32, #tpu.memory_space<vmem>> -> memref<64xi32, #tpu.memory_space<vmem>>
    %dma_start3A_4 = arith.constant 0 : i32
    %dma_start3A_5 = arith.constant 0 : i32
    %dma_start3A_6 = tpu.memref_slice %arg5[%dma_start3A_4, %dma_start3A_5] : memref<10000x128xf32, #tpu.memory_space<hbm>> -> memref<10000x128xf32, #tpu.memory_space<hbm>>
    tpu.enqueue_indirect_dma source(%dma_start3A_6 : memref<10000x128xf32, #tpu.memory_space<hbm>>) target(%arg9 : memref<64x128xf32, #tpu.memory_space<vmem>>) offsets(%dma_start3A_3 : memref<64xi32, #tpu.memory_space<vmem>>) semaphore(%arg14 : memref<!tpu.dma_semaphore, #tpu.memory_space<semaphore_mem>>)
    %dma_start3A_7 = arith.constant 64 : i32
    %dma_start3A_8 = tpu.memref_slice %arg7[%dma_start3A_7] : memref<5120xi32, #tpu.memory_space<vmem>> -> memref<64xi32, #tpu.memory_space<vmem>>
    %dma_start3A_9 = arith.constant 0 : i32
    %dma_start3A_10 = arith.constant 0 : i32
    %dma_start3A_11 = tpu.memref_slice %arg5[%dma_start3A_9, %dma_start3A_10] : memref<10000x128xf32, #tpu.memory_space<hbm>> -> memref<10000x128xf32, #tpu.memory_space<hbm>>
    tpu.enqueue_indirect_dma source(%dma_start3A_11 : memref<10000x128xf32, #tpu.memory_space<hbm>>) target(%arg10 : memref<64x128xf32, #tpu.memory_space<vmem>>) offsets(%dma_start3A_8 : memref<64xi32, #tpu.memory_space<vmem>>) semaphore(%arg14 : memref<!tpu.dma_semaphore, #tpu.memory_space<semaphore_mem>>)
    %dma_start3A_12 = arith.constant 128 : i32
    %dma_start3A_13 = tpu.memref_slice %arg7[%dma_start3A_12] : memref<5120xi32, #tpu.memory_space<vmem>> -> memref<64xi32, #tpu.memory_space<vmem>>
    %dma_start3A_14 = arith.constant 0 : i32
    %dma_start3A_15 = arith.constant 0 : i32
    %dma_start3A_16 = tpu.memref_slice %arg5[%dma_start3A_14, %dma_start3A_15] : memref<10000x128xf32, #tpu.memory_space<hbm>> -> memref<10000x128xf32, #tpu.memory_space<hbm>>
    tpu.enqueue_indirect_dma source(%dma_start3A_16 : memref<10000x128xf32, #tpu.memory_space<hbm>>) target(%arg11 : memref<64x128xf32, #tpu.memory_space<vmem>>) offsets(%dma_start3A_13 : memref<64xi32, #tpu.memory_space<vmem>>) semaphore(%arg14 : memref<!tpu.dma_semaphore, #tpu.memory_space<semaphore_mem>>)
    %dma_wait3A = arith.constant 0 : i32
    %dma_wait3A_17 = arith.constant 0 : i32
    %dma_wait3A_18 = tpu.memref_slice %arg4[%dma_wait3A, %dma_wait3A_17] : memref<10112x128xf32, #tpu.memory_space<hbm>> -> memref<64x128xf32, #tpu.memory_space<hbm>>
    %dma_wait3A_19 = arith.constant 0 : i32
    %dma_wait3A_20 = arith.constant 0 : i32
    %dma_wait3A_21 = tpu.memref_slice %arg4[%dma_wait3A_19, %dma_wait3A_20] : memref<10112x128xf32, #tpu.memory_space<hbm>> -> memref<64x128xf32, #tpu.memory_space<hbm>>
    tpu.wait_dma2 semaphore(%arg14 : memref<!tpu.dma_semaphore, #tpu.memory_space<semaphore_mem>>) src(%dma_wait3A_21 : memref<64x128xf32, #tpu.memory_space<hbm>>) dst(%arg9 : memref<64x128xf32, #tpu.memory_space<vmem>>)
    %dma_start3A_22 = arith.constant 0 : i32
    %dma_start3A_23 = tpu.memref_slice %arg8[%dma_start3A_22] : memref<5120xi32, #tpu.memory_space<vmem>> -> memref<64xi32, #tpu.memory_space<vmem>>
    %dma_start3A_24 = arith.constant 0 : i32
    %dma_start3A_25 = arith.constant 0 : i32
    %dma_start3A_26 = tpu.memref_slice %arg13[%dma_start3A_24, %dma_start3A_25] : memref<10112x128xf32, #tpu.memory_space<vmem_shared>> -> memref<10112x128xf32, #tpu.memory_space<vmem_shared>>
    tpu.enqueue_indirect_dma source(%arg9 : memref<64x128xf32, #tpu.memory_space<vmem>>) target(%dma_start3A_26 : memref<10112x128xf32, #tpu.memory_space<vmem_shared>>) offsets(%dma_start3A_23 : memref<64xi32, #tpu.memory_space<vmem>>) semaphore(%arg15 : memref<!tpu.dma_semaphore, #tpu.memory_space<semaphore_mem>>) {add = true}
    %dma_start3A_27 = arith.constant 192 : i32
    %dma_start3A_28 = tpu.memref_slice %arg7[%dma_start3A_27] : memref<5120xi32, #tpu.memory_space<vmem>> -> memref<64xi32, #tpu.memory_space<vmem>>
    %dma_start3A_29 = arith.constant 0 : i32
    %dma_start3A_30 = arith.constant 0 : i32
    %dma_start3A_31 = tpu.memref_slice %arg5[%dma_start3A_29, %dma_start3A_30] : memref<10000x128xf32, #tpu.memory_space<hbm>> -> memref<10000x128xf32, #tpu.memory_space<hbm>>
    tpu.enqueue_indirect_dma source(%dma_start3A_31 : memref<10000x128xf32, #tpu.memory_space<hbm>>) target(%arg12 : memref<64x128xf32, #tpu.memory_space<vmem>>) offsets(%dma_start3A_28 : memref<64xi32, #tpu.memory_space<vmem>>) semaphore(%arg14 : memref<!tpu.dma_semaphore, #tpu.memory_space<semaphore_mem>>)
    %dma_wait3A_32 = arith.constant 0 : i32
    %dma_wait3A_33 = arith.constant 0 : i32
    %dma_wait3A_34 = tpu.memref_slice %arg4[%dma_wait3A_32, %dma_wait3A_33] : memref<10112x128xf32, #tpu.memory_space<hbm>> -> memref<64x128xf32, #tpu.memory_space<hbm>>
    %dma_wait3A_35 = arith.constant 0 : i32
    %dma_wait3A_36 = arith.constant 0 : i32
    %dma_wait3A_37 = tpu.memref_slice %arg4[%dma_wait3A_35, %dma_wait3A_36] : memref<10112x128xf32, #tpu.memory_space<hbm>> -> memref<64x128xf32, #tpu.memory_space<hbm>>
    tpu.wait_dma2 semaphore(%arg14 : memref<!tpu.dma_semaphore, #tpu.memory_space<semaphore_mem>>) src(%dma_wait3A_37 : memref<64x128xf32, #tpu.memory_space<hbm>>) dst(%arg10 : memref<64x128xf32, #tpu.memory_space<vmem>>)
    %dma_start3A_38 = arith.constant 64 : i32
    %dma_start3A_39 = tpu.memref_slice %arg8[%dma_start3A_38] : memref<5120xi32, #tpu.memory_space<vmem>> -> memref<64xi32, #tpu.memory_space<vmem>>
    %dma_start3A_40 = arith.constant 0 : i32
    %dma_start3A_41 = arith.constant 0 : i32
    %dma_start3A_42 = tpu.memref_slice %arg13[%dma_start3A_40, %dma_start3A_41] : memref<10112x128xf32, #tpu.memory_space<vmem_shared>> -> memref<10112x128xf32, #tpu.memory_space<vmem_shared>>
    tpu.enqueue_indirect_dma source(%arg10 : memref<64x128xf32, #tpu.memory_space<vmem>>) target(%dma_start3A_42 : memref<10112x128xf32, #tpu.memory_space<vmem_shared>>) offsets(%dma_start3A_39 : memref<64xi32, #tpu.memory_space<vmem>>) semaphore(%arg15 : memref<!tpu.dma_semaphore, #tpu.memory_space<semaphore_mem>>) {add = true}
    %scan3A = arith.constant 0 : i32
    %scan3A_43 = arith.constant 0 : i32
    %scan3A_44 = arith.constant 19 : i32
    %scan3A_45 = arith.addi %scan3A_43, %scan3A_44 : i32
    %scan3A_46 = arith.constant 1 : i32
    scf.for %scan3A_95 = %scan3A_43 to %scan3A_45 step %scan3A_46  : i32 {
      %mul3A_96 = arith.constant 4 : i32
      %mul3A_97 = arith.muli %mul3A_96, %scan3A_95 : i32
      %add3A_98 = arith.constant 2 : i32
      %add3A_99 = arith.addi %add3A_98, %mul3A_97 : i32
      %dma_wait3A_100 = arith.constant 0 : i32
      %dma_wait3A_101 = arith.constant 0 : i32
      %dma_wait3A_102 = tpu.memref_slice %arg4[%dma_wait3A_100, %dma_wait3A_101] : memref<10112x128xf32, #tpu.memory_space<hbm>> -> memref<64x128xf32, #tpu.memory_space<hbm>>
      %dma_wait3A_103 = arith.constant 0 : i32
      %dma_wait3A_104 = arith.constant 0 : i32
      %dma_wait3A_105 = tpu.memref_slice %arg4[%dma_wait3A_103, %dma_wait3A_104] : memref<10112x128xf32, #tpu.memory_space<hbm>> -> memref<64x128xf32, #tpu.memory_space<hbm>>
      tpu.wait_dma2 semaphore(%arg15 : memref<!tpu.dma_semaphore, #tpu.memory_space<semaphore_mem>>) src(%dma_wait3A_105 : memref<64x128xf32, #tpu.memory_space<hbm>>) dst(%arg9 : memref<64x128xf32, #tpu.memory_space<vmem>>)
      %add3A_106 = arith.constant 2 : i32
      %add3A_107 = arith.addi %add3A_99, %add3A_106 : i32
      %mul3A_108 = arith.constant 64 : i32
      %mul3A_109 = arith.muli %add3A_107, %mul3A_108 : i32
      %dma_start3A_110 = tpu.memref_slice %arg7[%mul3A_109] : memref<5120xi32, #tpu.memory_space<vmem>> -> memref<64xi32, #tpu.memory_space<vmem>>
      %dma_start3A_111 = arith.constant 0 : i32
      %dma_start3A_112 = arith.constant 0 : i32
      %dma_start3A_113 = tpu.memref_slice %arg5[%dma_start3A_111, %dma_start3A_112] : memref<10000x128xf32, #tpu.memory_space<hbm>> -> memref<10000x128xf32, #tpu.memory_space<hbm>>
      tpu.enqueue_indirect_dma source(%dma_start3A_113 : memref<10000x128xf32, #tpu.memory_space<hbm>>) target(%arg9 : memref<64x128xf32, #tpu.memory_space<vmem>>) offsets(%dma_start3A_110 : memref<64xi32, #tpu.memory_space<vmem>>) semaphore(%arg14 : memref<!tpu.dma_semaphore, #tpu.memory_space<semaphore_mem>>)
      %dma_wait3A_114 = arith.constant 0 : i32
      %dma_wait3A_115 = arith.constant 0 : i32
      %dma_wait3A_116 = tpu.memref_slice %arg4[%dma_wait3A_114, %dma_wait3A_115] : memref<10112x128xf32, #tpu.memory_space<hbm>> -> memref<64x128xf32, #tpu.memory_space<hbm>>
      %dma_wait3A_117 = arith.constant 0 : i32
      %dma_wait3A_118 = arith.constant 0 : i32
      %dma_wait3A_119 = tpu.memref_slice %arg4[%dma_wait3A_117, %dma_wait3A_118] : memref<10112x128xf32, #tpu.memory_space<hbm>> -> memref<64x128xf32, #tpu.memory_space<hbm>>
      tpu.wait_dma2 semaphore(%arg14 : memref<!tpu.dma_semaphore, #tpu.memory_space<semaphore_mem>>) src(%dma_wait3A_119 : memref<64x128xf32, #tpu.memory_space<hbm>>) dst(%arg11 : memref<64x128xf32, #tpu.memory_space<vmem>>)
      %mul3A_120 = arith.constant 64 : i32
      %mul3A_121 = arith.muli %add3A_99, %mul3A_120 : i32
      %dma_start3A_122 = tpu.memref_slice %arg8[%mul3A_121] : memref<5120xi32, #tpu.memory_space<vmem>> -> memref<64xi32, #tpu.memory_space<vmem>>
      %dma_start3A_123 = arith.constant 0 : i32
      %dma_start3A_124 = arith.constant 0 : i32
      %dma_start3A_125 = tpu.memref_slice %arg13[%dma_start3A_123, %dma_start3A_124] : memref<10112x128xf32, #tpu.memory_space<vmem_shared>> -> memref<10112x128xf32, #tpu.memory_space<vmem_shared>>
      tpu.enqueue_indirect_dma source(%arg11 : memref<64x128xf32, #tpu.memory_space<vmem>>) target(%dma_start3A_125 : memref<10112x128xf32, #tpu.memory_space<vmem_shared>>) offsets(%dma_start3A_122 : memref<64xi32, #tpu.memory_space<vmem>>) semaphore(%arg15 : memref<!tpu.dma_semaphore, #tpu.memory_space<semaphore_mem>>) {add = true}
      %add3A_126 = arith.constant 1 : i32
      %add3A_127 = arith.addi %add3A_99, %add3A_126 : i32
      %dma_wait3A_128 = arith.constant 0 : i32
      %dma_wait3A_129 = arith.constant 0 : i32
      %dma_wait3A_130 = tpu.memref_slice %arg4[%dma_wait3A_128, %dma_wait3A_129] : memref<10112x128xf32, #tpu.memory_space<hbm>> -> memref<64x128xf32, #tpu.memory_space<hbm>>
      %dma_wait3A_131 = arith.constant 0 : i32
      %dma_wait3A_132 = arith.constant 0 : i32
      %dma_wait3A_133 = tpu.memref_slice %arg4[%dma_wait3A_131, %dma_wait3A_132] : memref<10112x128xf32, #tpu.memory_space<hbm>> -> memref<64x128xf32, #tpu.memory_space<hbm>>
      tpu.wait_dma2 semaphore(%arg15 : memref<!tpu.dma_semaphore, #tpu.memory_space<semaphore_mem>>) src(%dma_wait3A_133 : memref<64x128xf32, #tpu.memory_space<hbm>>) dst(%arg10 : memref<64x128xf32, #tpu.memory_space<vmem>>)
      %add3A_134 = arith.constant 2 : i32
      %add3A_135 = arith.addi %add3A_127, %add3A_134 : i32
      %mul3A_136 = arith.constant 64 : i32
      %mul3A_137 = arith.muli %add3A_135, %mul3A_136 : i32
      %dma_start3A_138 = tpu.memref_slice %arg7[%mul3A_137] : memref<5120xi32, #tpu.memory_space<vmem>> -> memref<64xi32, #tpu.memory_space<vmem>>
      %dma_start3A_139 = arith.constant 0 : i32
      %dma_start3A_140 = arith.constant 0 : i32
      %dma_start3A_141 = tpu.memref_slice %arg5[%dma_start3A_139, %dma_start3A_140] : memref<10000x128xf32, #tpu.memory_space<hbm>> -> memref<10000x128xf32, #tpu.memory_space<hbm>>
      tpu.enqueue_indirect_dma source(%dma_start3A_141 : memref<10000x128xf32, #tpu.memory_space<hbm>>) target(%arg10 : memref<64x128xf32, #tpu.memory_space<vmem>>) offsets(%dma_start3A_138 : memref<64xi32, #tpu.memory_space<vmem>>) semaphore(%arg14 : memref<!tpu.dma_semaphore, #tpu.memory_space<semaphore_mem>>)
      %dma_wait3A_142 = arith.constant 0 : i32
      %dma_wait3A_143 = arith.constant 0 : i32
      %dma_wait3A_144 = tpu.memref_slice %arg4[%dma_wait3A_142, %dma_wait3A_143] : memref<10112x128xf32, #tpu.memory_space<hbm>> -> memref<64x128xf32, #tpu.memory_space<hbm>>
      %dma_wait3A_145 = arith.constant 0 : i32
      %dma_wait3A_146 = arith.constant 0 : i32
      %dma_wait3A_147 = tpu.memref_slice %arg4[%dma_wait3A_145, %dma_wait3A_146] : memref<10112x128xf32, #tpu.memory_space<hbm>> -> memref<64x128xf32, #tpu.memory_space<hbm>>
      tpu.wait_dma2 semaphore(%arg14 : memref<!tpu.dma_semaphore, #tpu.memory_space<semaphore_mem>>) src(%dma_wait3A_147 : memref<64x128xf32, #tpu.memory_space<hbm>>) dst(%arg12 : memref<64x128xf32, #tpu.memory_space<vmem>>)
      %mul3A_148 = arith.constant 64 : i32
      %mul3A_149 = arith.muli %add3A_127, %mul3A_148 : i32
      %dma_start3A_150 = tpu.memref_slice %arg8[%mul3A_149] : memref<5120xi32, #tpu.memory_space<vmem>> -> memref<64xi32, #tpu.memory_space<vmem>>
      %dma_start3A_151 = arith.constant 0 : i32
      %dma_start3A_152 = arith.constant 0 : i32
      %dma_start3A_153 = tpu.memref_slice %arg13[%dma_start3A_151, %dma_start3A_152] : memref<10112x128xf32, #tpu.memory_space<vmem_shared>> -> memref<10112x128xf32, #tpu.memory_space<vmem_shared>>
      tpu.enqueue_indirect_dma source(%arg12 : memref<64x128xf32, #tpu.memory_space<vmem>>) target(%dma_start3A_153 : memref<10112x128xf32, #tpu.memory_space<vmem_shared>>) offsets(%dma_start3A_150 : memref<64xi32, #tpu.memory_space<vmem>>) semaphore(%arg15 : memref<!tpu.dma_semaphore, #tpu.memory_space<semaphore_mem>>) {add = true}
      %add3A_154 = arith.constant 2 : i32
      %add3A_155 = arith.addi %add3A_99, %add3A_154 : i32
      %dma_wait3A_156 = arith.constant 0 : i32
      %dma_wait3A_157 = arith.constant 0 : i32
      %dma_wait3A_158 = tpu.memref_slice %arg4[%dma_wait3A_156, %dma_wait3A_157] : memref<10112x128xf32, #tpu.memory_space<hbm>> -> memref<64x128xf32, #tpu.memory_space<hbm>>
      %dma_wait3A_159 = arith.constant 0 : i32
      %dma_wait3A_160 = arith.constant 0 : i32
      %dma_wait3A_161 = tpu.memref_slice %arg4[%dma_wait3A_159, %dma_wait3A_160] : memref<10112x128xf32, #tpu.memory_space<hbm>> -> memref<64x128xf32, #tpu.memory_space<hbm>>
      tpu.wait_dma2 semaphore(%arg15 : memref<!tpu.dma_semaphore, #tpu.memory_space<semaphore_mem>>) src(%dma_wait3A_161 : memref<64x128xf32, #tpu.memory_space<hbm>>) dst(%arg11 : memref<64x128xf32, #tpu.memory_space<vmem>>)
      %add3A_162 = arith.constant 2 : i32
      %add3A_163 = arith.addi %add3A_155, %add3A_162 : i32
      %mul3A_164 = arith.constant 64 : i32
      %mul3A_165 = arith.muli %add3A_163, %mul3A_164 : i32
      %dma_start3A_166 = tpu.memref_slice %arg7[%mul3A_165] : memref<5120xi32, #tpu.memory_space<vmem>> -> memref<64xi32, #tpu.memory_space<vmem>>
      %dma_start3A_167 = arith.constant 0 : i32
      %dma_start3A_168 = arith.constant 0 : i32
      %dma_start3A_169 = tpu.memref_slice %arg5[%dma_start3A_167, %dma_start3A_168] : memref<10000x128xf32, #tpu.memory_space<hbm>> -> memref<10000x128xf32, #tpu.memory_space<hbm>>
      tpu.enqueue_indirect_dma source(%dma_start3A_169 : memref<10000x128xf32, #tpu.memory_space<hbm>>) target(%arg11 : memref<64x128xf32, #tpu.memory_space<vmem>>) offsets(%dma_start3A_166 : memref<64xi32, #tpu.memory_space<vmem>>) semaphore(%arg14 : memref<!tpu.dma_semaphore, #tpu.memory_space<semaphore_mem>>)
      %dma_wait3A_170 = arith.constant 0 : i32
      %dma_wait3A_171 = arith.constant 0 : i32
      %dma_wait3A_172 = tpu.memref_slice %arg4[%dma_wait3A_170, %dma_wait3A_171] : memref<10112x128xf32, #tpu.memory_space<hbm>> -> memref<64x128xf32, #tpu.memory_space<hbm>>
      %dma_wait3A_173 = arith.constant 0 : i32
      %dma_wait3A_174 = arith.constant 0 : i32
      %dma_wait3A_175 = tpu.memref_slice %arg4[%dma_wait3A_173, %dma_wait3A_174] : memref<10112x128xf32, #tpu.memory_space<hbm>> -> memref<64x128xf32, #tpu.memory_space<hbm>>
      tpu.wait_dma2 semaphore(%arg14 : memref<!tpu.dma_semaphore, #tpu.memory_space<semaphore_mem>>) src(%dma_wait3A_175 : memref<64x128xf32, #tpu.memory_space<hbm>>) dst(%arg9 : memref<64x128xf32, #tpu.memory_space<vmem>>)
      %mul3A_176 = arith.constant 64 : i32
      %mul3A_177 = arith.muli %add3A_155, %mul3A_176 : i32
      %dma_start3A_178 = tpu.memref_slice %arg8[%mul3A_177] : memref<5120xi32, #tpu.memory_space<vmem>> -> memref<64xi32, #tpu.memory_space<vmem>>
      %dma_start3A_179 = arith.constant 0 : i32
      %dma_start3A_180 = arith.constant 0 : i32
      %dma_start3A_181 = tpu.memref_slice %arg13[%dma_start3A_179, %dma_start3A_180] : memref<10112x128xf32, #tpu.memory_space<vmem_shared>> -> memref<10112x128xf32, #tpu.memory_space<vmem_shared>>
      tpu.enqueue_indirect_dma source(%arg9 : memref<64x128xf32, #tpu.memory_space<vmem>>) target(%dma_start3A_181 : memref<10112x128xf32, #tpu.memory_space<vmem_shared>>) offsets(%dma_start3A_178 : memref<64xi32, #tpu.memory_space<vmem>>) semaphore(%arg15 : memref<!tpu.dma_semaphore, #tpu.memory_space<semaphore_mem>>) {add = true}
      %add3A_182 = arith.constant 3 : i32
      %add3A_183 = arith.addi %add3A_99, %add3A_182 : i32
      %dma_wait3A_184 = arith.constant 0 : i32
      %dma_wait3A_185 = arith.constant 0 : i32
      %dma_wait3A_186 = tpu.memref_slice %arg4[%dma_wait3A_184, %dma_wait3A_185] : memref<10112x128xf32, #tpu.memory_space<hbm>> -> memref<64x128xf32, #tpu.memory_space<hbm>>
      %dma_wait3A_187 = arith.constant 0 : i32
      %dma_wait3A_188 = arith.constant 0 : i32
      %dma_wait3A_189 = tpu.memref_slice %arg4[%dma_wait3A_187, %dma_wait3A_188] : memref<10112x128xf32, #tpu.memory_space<hbm>> -> memref<64x128xf32, #tpu.memory_space<hbm>>
      tpu.wait_dma2 semaphore(%arg15 : memref<!tpu.dma_semaphore, #tpu.memory_space<semaphore_mem>>) src(%dma_wait3A_189 : memref<64x128xf32, #tpu.memory_space<hbm>>) dst(%arg12 : memref<64x128xf32, #tpu.memory_space<vmem>>)
      %add3A_190 = arith.constant 2 : i32
      %add3A_191 = arith.addi %add3A_183, %add3A_190 : i32
      %mul3A_192 = arith.constant 64 : i32
      %mul3A_193 = arith.muli %add3A_191, %mul3A_192 : i32
      %dma_start3A_194 = tpu.memref_slice %arg7[%mul3A_193] : memref<5120xi32, #tpu.memory_space<vmem>> -> memref<64xi32, #tpu.memory_space<vmem>>
      %dma_start3A_195 = arith.constant 0 : i32
      %dma_start3A_196 = arith.constant 0 : i32
      %dma_start3A_197 = tpu.memref_slice %arg5[%dma_start3A_195, %dma_start3A_196] : memref<10000x128xf32, #tpu.memory_space<hbm>> -> memref<10000x128xf32, #tpu.memory_space<hbm>>
      tpu.enqueue_indirect_dma source(%dma_start3A_197 : memref<10000x128xf32, #tpu.memory_space<hbm>>) target(%arg12 : memref<64x128xf32, #tpu.memory_space<vmem>>) offsets(%dma_start3A_194 : memref<64xi32, #tpu.memory_space<vmem>>) semaphore(%arg14 : memref<!tpu.dma_semaphore, #tpu.memory_space<semaphore_mem>>)
      %dma_wait3A_198 = arith.constant 0 : i32
      %dma_wait3A_199 = arith.constant 0 : i32
      %dma_wait3A_200 = tpu.memref_slice %arg4[%dma_wait3A_198, %dma_wait3A_199] : memref<10112x128xf32, #tpu.memory_space<hbm>> -> memref<64x128xf32, #tpu.memory_space<hbm>>
      %dma_wait3A_201 = arith.constant 0 : i32
      %dma_wait3A_202 = arith.constant 0 : i32
      %dma_wait3A_203 = tpu.memref_slice %arg4[%dma_wait3A_201, %dma_wait3A_202] : memref<10112x128xf32, #tpu.memory_space<hbm>> -> memref<64x128xf32, #tpu.memory_space<hbm>>
      tpu.wait_dma2 semaphore(%arg14 : memref<!tpu.dma_semaphore, #tpu.memory_space<semaphore_mem>>) src(%dma_wait3A_203 : memref<64x128xf32, #tpu.memory_space<hbm>>) dst(%arg10 : memref<64x128xf32, #tpu.memory_space<vmem>>)
      %mul3A_204 = arith.constant 64 : i32
      %mul3A_205 = arith.muli %add3A_183, %mul3A_204 : i32
      %dma_start3A_206 = tpu.memref_slice %arg8[%mul3A_205] : memref<5120xi32, #tpu.memory_space<vmem>> -> memref<64xi32, #tpu.memory_space<vmem>>
      %dma_start3A_207 = arith.constant 0 : i32
      %dma_start3A_208 = arith.constant 0 : i32
      %dma_start3A_209 = tpu.memref_slice %arg13[%dma_start3A_207, %dma_start3A_208] : memref<10112x128xf32, #tpu.memory_space<vmem_shared>> -> memref<10112x128xf32, #tpu.memory_space<vmem_shared>>
      tpu.enqueue_indirect_dma source(%arg10 : memref<64x128xf32, #tpu.memory_space<vmem>>) target(%dma_start3A_209 : memref<10112x128xf32, #tpu.memory_space<vmem_shared>>) offsets(%dma_start3A_206 : memref<64xi32, #tpu.memory_space<vmem>>) semaphore(%arg15 : memref<!tpu.dma_semaphore, #tpu.memory_space<semaphore_mem>>) {add = true}
    }
    %scan3A_47 = arith.constant 19 : i32
    %dma_wait3A_48 = arith.constant 0 : i32
    %dma_wait3A_49 = arith.constant 0 : i32
    %dma_wait3A_50 = tpu.memref_slice %arg4[%dma_wait3A_48, %dma_wait3A_49] : memref<10112x128xf32, #tpu.memory_space<hbm>> -> memref<64x128xf32, #tpu.memory_space<hbm>>
    %dma_wait3A_51 = arith.constant 0 : i32
    %dma_wait3A_52 = arith.constant 0 : i32
    %dma_wait3A_53 = tpu.memref_slice %arg4[%dma_wait3A_51, %dma_wait3A_52] : memref<10112x128xf32, #tpu.memory_space<hbm>> -> memref<64x128xf32, #tpu.memory_space<hbm>>
    tpu.wait_dma2 semaphore(%arg15 : memref<!tpu.dma_semaphore, #tpu.memory_space<semaphore_mem>>) src(%dma_wait3A_53 : memref<64x128xf32, #tpu.memory_space<hbm>>) dst(%arg9 : memref<64x128xf32, #tpu.memory_space<vmem>>)
    %dma_wait3A_54 = arith.constant 0 : i32
    %dma_wait3A_55 = arith.constant 0 : i32
    %dma_wait3A_56 = tpu.memref_slice %arg4[%dma_wait3A_54, %dma_wait3A_55] : memref<10112x128xf32, #tpu.memory_space<hbm>> -> memref<64x128xf32, #tpu.memory_space<hbm>>
    %dma_wait3A_57 = arith.constant 0 : i32
    %dma_wait3A_58 = arith.constant 0 : i32
    %dma_wait3A_59 = tpu.memref_slice %arg4[%dma_wait3A_57, %dma_wait3A_58] : memref<10112x128xf32, #tpu.memory_space<hbm>> -> memref<64x128xf32, #tpu.memory_space<hbm>>
    tpu.wait_dma2 semaphore(%arg14 : memref<!tpu.dma_semaphore, #tpu.memory_space<semaphore_mem>>) src(%dma_wait3A_59 : memref<64x128xf32, #tpu.memory_space<hbm>>) dst(%arg11 : memref<64x128xf32, #tpu.memory_space<vmem>>)
    %dma_start3A_60 = arith.constant 4992 : i32
    %dma_start3A_61 = tpu.memref_slice %arg8[%dma_start3A_60] : memref<5120xi32, #tpu.memory_space<vmem>> -> memref<64xi32, #tpu.memory_space<vmem>>
    %dma_start3A_62 = arith.constant 0 : i32
    %dma_start3A_63 = arith.constant 0 : i32
    %dma_start3A_64 = tpu.memref_slice %arg13[%dma_start3A_62, %dma_start3A_63] : memref<10112x128xf32, #tpu.memory_space<vmem_shared>> -> memref<10112x128xf32, #tpu.memory_space<vmem_shared>>
    tpu.enqueue_indirect_dma source(%arg11 : memref<64x128xf32, #tpu.memory_space<vmem>>) target(%dma_start3A_64 : memref<10112x128xf32, #tpu.memory_space<vmem_shared>>) offsets(%dma_start3A_61 : memref<64xi32, #tpu.memory_space<vmem>>) semaphore(%arg15 : memref<!tpu.dma_semaphore, #tpu.memory_space<semaphore_mem>>) {add = true}
    %dma_wait3A_65 = arith.constant 0 : i32
    %dma_wait3A_66 = arith.constant 0 : i32
    %dma_wait3A_67 = tpu.memref_slice %arg4[%dma_wait3A_65, %dma_wait3A_66] : memref<10112x128xf32, #tpu.memory_space<hbm>> -> memref<64x128xf32, #tpu.memory_space<hbm>>
    %dma_wait3A_68 = arith.constant 0 : i32
    %dma_wait3A_69 = arith.constant 0 : i32
    %dma_wait3A_70 = tpu.memref_slice %arg4[%dma_wait3A_68, %dma_wait3A_69] : memref<10112x128xf32, #tpu.memory_space<hbm>> -> memref<64x128xf32, #tpu.memory_space<hbm>>
    tpu.wait_dma2 semaphore(%arg15 : memref<!tpu.dma_semaphore, #tpu.memory_space<semaphore_mem>>) src(%dma_wait3A_70 : memref<64x128xf32, #tpu.memory_space<hbm>>) dst(%arg10 : memref<64x128xf32, #tpu.memory_space<vmem>>)
    %dma_wait3A_71 = arith.constant 0 : i32
    %dma_wait3A_72 = arith.constant 0 : i32
    %dma_wait3A_73 = tpu.memref_slice %arg4[%dma_wait3A_71, %dma_wait3A_72] : memref<10112x128xf32, #tpu.memory_space<hbm>> -> memref<64x128xf32, #tpu.memory_space<hbm>>
    %dma_wait3A_74 = arith.constant 0 : i32
    %dma_wait3A_75 = arith.constant 0 : i32
    %dma_wait3A_76 = tpu.memref_slice %arg4[%dma_wait3A_74, %dma_wait3A_75] : memref<10112x128xf32, #tpu.memory_space<hbm>> -> memref<64x128xf32, #tpu.memory_space<hbm>>
    tpu.wait_dma2 semaphore(%arg14 : memref<!tpu.dma_semaphore, #tpu.memory_space<semaphore_mem>>) src(%dma_wait3A_76 : memref<64x128xf32, #tpu.memory_space<hbm>>) dst(%arg12 : memref<64x128xf32, #tpu.memory_space<vmem>>)
    %dma_start3A_77 = arith.constant 5056 : i32
    %dma_start3A_78 = tpu.memref_slice %arg8[%dma_start3A_77] : memref<5120xi32, #tpu.memory_space<vmem>> -> memref<64xi32, #tpu.memory_space<vmem>>
    %dma_start3A_79 = arith.constant 0 : i32
    %dma_start3A_80 = arith.constant 0 : i32
    %dma_start3A_81 = tpu.memref_slice %arg13[%dma_start3A_79, %dma_start3A_80] : memref<10112x128xf32, #tpu.memory_space<vmem_shared>> -> memref<10112x128xf32, #tpu.memory_space<vmem_shared>>
    tpu.enqueue_indirect_dma source(%arg12 : memref<64x128xf32, #tpu.memory_space<vmem>>) target(%dma_start3A_81 : memref<10112x128xf32, #tpu.memory_space<vmem_shared>>) offsets(%dma_start3A_78 : memref<64xi32, #tpu.memory_space<vmem>>) semaphore(%arg15 : memref<!tpu.dma_semaphore, #tpu.memory_space<semaphore_mem>>) {add = true}
    %dma_wait3A_82 = arith.constant 0 : i32
    %dma_wait3A_83 = arith.constant 0 : i32
    %dma_wait3A_84 = tpu.memref_slice %arg4[%dma_wait3A_82, %dma_wait3A_83] : memref<10112x128xf32, #tpu.memory_space<hbm>> -> memref<64x128xf32, #tpu.memory_space<hbm>>
    %dma_wait3A_85 = arith.constant 0 : i32
    %dma_wait3A_86 = arith.constant 0 : i32
    %dma_wait3A_87 = tpu.memref_slice %arg4[%dma_wait3A_85, %dma_wait3A_86] : memref<10112x128xf32, #tpu.memory_space<hbm>> -> memref<64x128xf32, #tpu.memory_space<hbm>>
    tpu.wait_dma2 semaphore(%arg15 : memref<!tpu.dma_semaphore, #tpu.memory_space<semaphore_mem>>) src(%dma_wait3A_87 : memref<64x128xf32, #tpu.memory_space<hbm>>) dst(%arg11 : memref<64x128xf32, #tpu.memory_space<vmem>>)
    %dma_wait3A_88 = arith.constant 0 : i32
    %dma_wait3A_89 = arith.constant 0 : i32
    %dma_wait3A_90 = tpu.memref_slice %arg4[%dma_wait3A_88, %dma_wait3A_89] : memref<10112x128xf32, #tpu.memory_space<hbm>> -> memref<64x128xf32, #tpu.memory_space<hbm>>
    %dma_wait3A_91 = arith.constant 0 : i32
    %dma_wait3A_92 = arith.constant 0 : i32
    %dma_wait3A_93 = tpu.memref_slice %arg4[%dma_wait3A_91, %dma_wait3A_92] : memref<10112x128xf32, #tpu.memory_space<hbm>> -> memref<64x128xf32, #tpu.memory_space<hbm>>
    tpu.wait_dma2 semaphore(%arg15 : memref<!tpu.dma_semaphore, #tpu.memory_space<semaphore_mem>>) src(%dma_wait3A_93 : memref<64x128xf32, #tpu.memory_space<hbm>>) dst(%arg12 : memref<64x128xf32, #tpu.memory_space<vmem>>)
    %barrier3A_94 = arith.constant 0 : index
    tpu.barrier barrier_id(%barrier3A_94)
    "tpu.region"() ({
      %run_scoped3A = tpu.sem_alloc : memref<!tpu.dma_semaphore, #tpu.memory_space<semaphore_mem>>
      %dma_start3A_95 = arith.constant 0 : i32
      %dma_start3A_96 = tpu.memref_slice %arg6[%arg0, %mul3A_2, %dma_start3A_95] : memref<2x10112x128xf32, #tpu.memory_space<hbm>> -> memref<1x632x128xf32, #tpu.memory_space<hbm>>
      %dma_start3A_97 = tpu.memref_squeeze %dma_start3A_96 : memref<1x632x128xf32, #tpu.memory_space<hbm>> -> memref<632x128xf32, #tpu.memory_space<hbm>>
      %dma_start3A_98 = arith.constant 0 : i32
      %dma_start3A_99 = tpu.memref_slice %arg13[%mul3A_2, %dma_start3A_98] : memref<10112x128xf32, #tpu.memory_space<vmem_shared>> -> memref<632x128xf32, #tpu.memory_space<vmem_shared>>
      tpu.enqueue_dma source(%dma_start3A_99 : memref<632x128xf32, #tpu.memory_space<vmem_shared>>) target(%dma_start3A_97 : memref<632x128xf32, #tpu.memory_space<hbm>>) target_semaphore(%run_scoped3A : memref<!tpu.dma_semaphore, #tpu.memory_space<semaphore_mem>>)
      %dma_wait3A_100 = arith.constant 0 : i32
      %dma_wait3A_101 = tpu.memref_slice %arg6[%arg0, %mul3A_2, %dma_wait3A_100] : memref<2x10112x128xf32, #tpu.memory_space<hbm>> -> memref<1x632x128xf32, #tpu.memory_space<hbm>>
      %dma_wait3A_102 = tpu.memref_squeeze %dma_wait3A_101 : memref<1x632x128xf32, #tpu.memory_space<hbm>> -> memref<632x128xf32, #tpu.memory_space<hbm>>
      %dma_wait3A_103 = arith.constant 0 : i32
      %dma_wait3A_104 = tpu.memref_slice %arg13[%mul3A_2, %dma_wait3A_103] : memref<10112x128xf32, #tpu.memory_space<vmem_shared>> -> memref<632x128xf32, #tpu.memory_space<vmem_shared>>
      tpu.wait_dma2 semaphore(%run_scoped3A : memref<!tpu.dma_semaphore, #tpu.memory_space<semaphore_mem>>) src(%dma_wait3A_104 : memref<632x128xf32, #tpu.memory_space<vmem_shared>>) dst(%dma_wait3A_102 : memref<632x128xf32, #tpu.memory_space<hbm>>)
      tpu.yield
    }) : () -> ()
    return
  }
}

#map = affine_map<(d0, d1) -> (0, 0)>
#map1 = affine_map<(d0, d1) -> (0, 0, 0)>
module attributes {stable_mosaic.version = 14 : i64} {
  func.func @agg_k(%arg0: i32, %arg1: i32, %arg2: memref<32x5120xi32, #tpu.memory_space<hbm>>, %arg3: memref<32x5120xi32, #tpu.memory_space<hbm>>, %arg4: memref<10112x128xf32, #tpu.memory_space<hbm>>, %arg5: memref<10000x128xf32, #tpu.memory_space<hbm>>, %arg6: memref<2x10112x128xf32, #tpu.memory_space<hbm>>, %arg7: memref<5120xi32, #tpu.memory_space<vmem>>, %arg8: memref<5120xi32, #tpu.memory_space<vmem>>, %arg9: memref<64x128xf32, #tpu.memory_space<vmem>>, %arg10: memref<64x128xf32, #tpu.memory_space<vmem>>, %arg11: memref<64x128xf32, #tpu.memory_space<vmem>>, %arg12: memref<64x128xf32, #tpu.memory_space<vmem>>, %arg13: memref<10112x128xf32, #tpu.memory_space<vmem_shared>>, %arg14: memref<!tpu.dma_semaphore, #tpu.memory_space<semaphore_mem>>, %arg15: memref<!tpu.dma_semaphore, #tpu.memory_space<semaphore_mem>>) attributes {dimension_semantics = [#tpu.dimension_semantics<core_parallel>, #tpu.dimension_semantics<subcore_parallel>], iteration_bounds = array<i64: 2, 16>, scalar_prefetch = 0 : i64, scratch_operands = 9 : i64, tpu.core_type = #tpu.core_type<sc_vector_subcore>, window_params = [{transform_indices = #map}, {transform_indices = #map}, {transform_indices = #map}, {transform_indices = #map}, {transform_indices = #map1}]} {
    %mul3A = arith.constant 16 : i32
    %mul3A_0 = arith.muli %arg0, %mul3A : i32
    %add3A = arith.addi %mul3A_0, %arg1 : i32
    "tpu.region"() ({
      %run_scoped3A = tpu.sem_alloc : memref<!tpu.dma_semaphore, #tpu.memory_space<semaphore_mem>>
      %dma_start3A_95 = arith.constant 0 : i32
      %dma_start3A_96 = tpu.memref_slice %arg2[%add3A, %dma_start3A_95] : memref<32x5120xi32, #tpu.memory_space<hbm>> -> memref<1x5120xi32, #tpu.memory_space<hbm>>
      %dma_start3A_97 = tpu.memref_squeeze %dma_start3A_96 : memref<1x5120xi32, #tpu.memory_space<hbm>> -> memref<5120xi32, #tpu.memory_space<hbm>>
      %dma_start3A_98 = arith.constant 0 : i32
      %dma_start3A_99 = tpu.memref_slice %arg2[%add3A, %dma_start3A_98] : memref<32x5120xi32, #tpu.memory_space<hbm>> -> memref<1x5120xi32, #tpu.memory_space<hbm>>
      %dma_start3A_100 = tpu.memref_squeeze %dma_start3A_99 : memref<1x5120xi32, #tpu.memory_space<hbm>> -> memref<5120xi32, #tpu.memory_space<hbm>>
      tpu.enqueue_dma source(%dma_start3A_100 : memref<5120xi32, #tpu.memory_space<hbm>>) target(%arg7 : memref<5120xi32, #tpu.memory_space<vmem>>) target_semaphore(%run_scoped3A : memref<!tpu.dma_semaphore, #tpu.memory_space<semaphore_mem>>)
      %dma_wait3A_101 = arith.constant 0 : i32
      %dma_wait3A_102 = tpu.memref_slice %arg2[%add3A, %dma_wait3A_101] : memref<32x5120xi32, #tpu.memory_space<hbm>> -> memref<1x5120xi32, #tpu.memory_space<hbm>>
      %dma_wait3A_103 = tpu.memref_squeeze %dma_wait3A_102 : memref<1x5120xi32, #tpu.memory_space<hbm>> -> memref<5120xi32, #tpu.memory_space<hbm>>
      %dma_wait3A_104 = arith.constant 0 : i32
      %dma_wait3A_105 = tpu.memref_slice %arg2[%add3A, %dma_wait3A_104] : memref<32x5120xi32, #tpu.memory_space<hbm>> -> memref<1x5120xi32, #tpu.memory_space<hbm>>
      %dma_wait3A_106 = tpu.memref_squeeze %dma_wait3A_105 : memref<1x5120xi32, #tpu.memory_space<hbm>> -> memref<5120xi32, #tpu.memory_space<hbm>>
      tpu.wait_dma2 semaphore(%run_scoped3A : memref<!tpu.dma_semaphore, #tpu.memory_space<semaphore_mem>>) src(%dma_wait3A_106 : memref<5120xi32, #tpu.memory_space<hbm>>) dst(%arg7 : memref<5120xi32, #tpu.memory_space<vmem>>)
      tpu.yield
    }) : () -> ()
    "tpu.region"() ({
      %run_scoped3A = tpu.sem_alloc : memref<!tpu.dma_semaphore, #tpu.memory_space<semaphore_mem>>
      %dma_start3A_95 = arith.constant 0 : i32
      %dma_start3A_96 = tpu.memref_slice %arg3[%add3A, %dma_start3A_95] : memref<32x5120xi32, #tpu.memory_space<hbm>> -> memref<1x5120xi32, #tpu.memory_space<hbm>>
      %dma_start3A_97 = tpu.memref_squeeze %dma_start3A_96 : memref<1x5120xi32, #tpu.memory_space<hbm>> -> memref<5120xi32, #tpu.memory_space<hbm>>
      %dma_start3A_98 = arith.constant 0 : i32
      %dma_start3A_99 = tpu.memref_slice %arg3[%add3A, %dma_start3A_98] : memref<32x5120xi32, #tpu.memory_space<hbm>> -> memref<1x5120xi32, #tpu.memory_space<hbm>>
      %dma_start3A_100 = tpu.memref_squeeze %dma_start3A_99 : memref<1x5120xi32, #tpu.memory_space<hbm>> -> memref<5120xi32, #tpu.memory_space<hbm>>
      tpu.enqueue_dma source(%dma_start3A_100 : memref<5120xi32, #tpu.memory_space<hbm>>) target(%arg8 : memref<5120xi32, #tpu.memory_space<vmem>>) target_semaphore(%run_scoped3A : memref<!tpu.dma_semaphore, #tpu.memory_space<semaphore_mem>>)
      %dma_wait3A_101 = arith.constant 0 : i32
      %dma_wait3A_102 = tpu.memref_slice %arg3[%add3A, %dma_wait3A_101] : memref<32x5120xi32, #tpu.memory_space<hbm>> -> memref<1x5120xi32, #tpu.memory_space<hbm>>
      %dma_wait3A_103 = tpu.memref_squeeze %dma_wait3A_102 : memref<1x5120xi32, #tpu.memory_space<hbm>> -> memref<5120xi32, #tpu.memory_space<hbm>>
      %dma_wait3A_104 = arith.constant 0 : i32
      %dma_wait3A_105 = tpu.memref_slice %arg3[%add3A, %dma_wait3A_104] : memref<32x5120xi32, #tpu.memory_space<hbm>> -> memref<1x5120xi32, #tpu.memory_space<hbm>>
      %dma_wait3A_106 = tpu.memref_squeeze %dma_wait3A_105 : memref<1x5120xi32, #tpu.memory_space<hbm>> -> memref<5120xi32, #tpu.memory_space<hbm>>
      tpu.wait_dma2 semaphore(%run_scoped3A : memref<!tpu.dma_semaphore, #tpu.memory_space<semaphore_mem>>) src(%dma_wait3A_106 : memref<5120xi32, #tpu.memory_space<hbm>>) dst(%arg8 : memref<5120xi32, #tpu.memory_space<vmem>>)
      tpu.yield
    }) : () -> ()
    %mul3A_1 = arith.constant 632 : i32
    %mul3A_2 = arith.muli %arg1, %mul3A_1 : i32
    "tpu.region"() ({
      %run_scoped3A = tpu.sem_alloc : memref<!tpu.dma_semaphore, #tpu.memory_space<semaphore_mem>>
      %dma_start3A_95 = arith.constant 0 : i32
      %dma_start3A_96 = tpu.memref_slice %arg13[%mul3A_2, %dma_start3A_95] : memref<10112x128xf32, #tpu.memory_space<vmem_shared>> -> memref<632x128xf32, #tpu.memory_space<vmem_shared>>
      %dma_start3A_97 = arith.constant 0 : i32
      %dma_start3A_98 = tpu.memref_slice %arg4[%mul3A_2, %dma_start3A_97] : memref<10112x128xf32, #tpu.memory_space<hbm>> -> memref<632x128xf32, #tpu.memory_space<hbm>>
      tpu.enqueue_dma source(%dma_start3A_98 : memref<632x128xf32, #tpu.memory_space<hbm>>) target(%dma_start3A_96 : memref<632x128xf32, #tpu.memory_space<vmem_shared>>) target_semaphore(%run_scoped3A : memref<!tpu.dma_semaphore, #tpu.memory_space<semaphore_mem>>)
      %dma_wait3A_99 = arith.constant 0 : i32
      %dma_wait3A_100 = tpu.memref_slice %arg13[%mul3A_2, %dma_wait3A_99] : memref<10112x128xf32, #tpu.memory_space<vmem_shared>> -> memref<632x128xf32, #tpu.memory_space<vmem_shared>>
      %dma_wait3A_101 = arith.constant 0 : i32
      %dma_wait3A_102 = tpu.memref_slice %arg4[%mul3A_2, %dma_wait3A_101] : memref<10112x128xf32, #tpu.memory_space<hbm>> -> memref<632x128xf32, #tpu.memory_space<hbm>>
      tpu.wait_dma2 semaphore(%run_scoped3A : memref<!tpu.dma_semaphore, #tpu.memory_space<semaphore_mem>>) src(%dma_wait3A_102 : memref<632x128xf32, #tpu.memory_space<hbm>>) dst(%dma_wait3A_100 : memref<632x128xf32, #tpu.memory_space<vmem_shared>>)
      tpu.yield
    }) : () -> ()
    %barrier3A = arith.constant 0 : index
    tpu.barrier barrier_id(%barrier3A)
    %dma_start3A = arith.constant 0 : i32
    %dma_start3A_3 = tpu.memref_slice %arg7[%dma_start3A] : memref<5120xi32, #tpu.memory_space<vmem>> -> memref<64xi32, #tpu.memory_space<vmem>>
    %dma_start3A_4 = arith.constant 0 : i32
    %dma_start3A_5 = arith.constant 0 : i32
    %dma_start3A_6 = tpu.memref_slice %arg5[%dma_start3A_4, %dma_start3A_5] : memref<10000x128xf32, #tpu.memory_space<hbm>> -> memref<10000x128xf32, #tpu.memory_space<hbm>>
    tpu.enqueue_indirect_dma source(%dma_start3A_6 : memref<10000x128xf32, #tpu.memory_space<hbm>>) target(%arg9 : memref<64x128xf32, #tpu.memory_space<vmem>>) offsets(%dma_start3A_3 : memref<64xi32, #tpu.memory_space<vmem>>) semaphore(%arg14 : memref<!tpu.dma_semaphore, #tpu.memory_space<semaphore_mem>>)
    %dma_start3A_7 = arith.constant 64 : i32
    %dma_start3A_8 = tpu.memref_slice %arg7[%dma_start3A_7] : memref<5120xi32, #tpu.memory_space<vmem>> -> memref<64xi32, #tpu.memory_space<vmem>>
    %dma_start3A_9 = arith.constant 0 : i32
    %dma_start3A_10 = arith.constant 0 : i32
    %dma_start3A_11 = tpu.memref_slice %arg5[%dma_start3A_9, %dma_start3A_10] : memref<10000x128xf32, #tpu.memory_space<hbm>> -> memref<10000x128xf32, #tpu.memory_space<hbm>>
    tpu.enqueue_indirect_dma source(%dma_start3A_11 : memref<10000x128xf32, #tpu.memory_space<hbm>>) target(%arg10 : memref<64x128xf32, #tpu.memory_space<vmem>>) offsets(%dma_start3A_8 : memref<64xi32, #tpu.memory_space<vmem>>) semaphore(%arg14 : memref<!tpu.dma_semaphore, #tpu.memory_space<semaphore_mem>>)
    %dma_start3A_12 = arith.constant 128 : i32
    %dma_start3A_13 = tpu.memref_slice %arg7[%dma_start3A_12] : memref<5120xi32, #tpu.memory_space<vmem>> -> memref<64xi32, #tpu.memory_space<vmem>>
    %dma_start3A_14 = arith.constant 0 : i32
    %dma_start3A_15 = arith.constant 0 : i32
    %dma_start3A_16 = tpu.memref_slice %arg5[%dma_start3A_14, %dma_start3A_15] : memref<10000x128xf32, #tpu.memory_space<hbm>> -> memref<10000x128xf32, #tpu.memory_space<hbm>>
    tpu.enqueue_indirect_dma source(%dma_start3A_16 : memref<10000x128xf32, #tpu.memory_space<hbm>>) target(%arg11 : memref<64x128xf32, #tpu.memory_space<vmem>>) offsets(%dma_start3A_13 : memref<64xi32, #tpu.memory_space<vmem>>) semaphore(%arg14 : memref<!tpu.dma_semaphore, #tpu.memory_space<semaphore_mem>>)
    %dma_wait3A = arith.constant 0 : i32
    %dma_wait3A_17 = arith.constant 0 : i32
    %dma_wait3A_18 = tpu.memref_slice %arg4[%dma_wait3A, %dma_wait3A_17] : memref<10112x128xf32, #tpu.memory_space<hbm>> -> memref<64x128xf32, #tpu.memory_space<hbm>>
    %dma_wait3A_19 = arith.constant 0 : i32
    %dma_wait3A_20 = arith.constant 0 : i32
    %dma_wait3A_21 = tpu.memref_slice %arg4[%dma_wait3A_19, %dma_wait3A_20] : memref<10112x128xf32, #tpu.memory_space<hbm>> -> memref<64x128xf32, #tpu.memory_space<hbm>>
    tpu.wait_dma2 semaphore(%arg14 : memref<!tpu.dma_semaphore, #tpu.memory_space<semaphore_mem>>) src(%dma_wait3A_21 : memref<64x128xf32, #tpu.memory_space<hbm>>) dst(%arg9 : memref<64x128xf32, #tpu.memory_space<vmem>>)
    %dma_start3A_22 = arith.constant 0 : i32
    %dma_start3A_23 = tpu.memref_slice %arg8[%dma_start3A_22] : memref<5120xi32, #tpu.memory_space<vmem>> -> memref<64xi32, #tpu.memory_space<vmem>>
    %dma_start3A_24 = arith.constant 0 : i32
    %dma_start3A_25 = arith.constant 0 : i32
    %dma_start3A_26 = tpu.memref_slice %arg13[%dma_start3A_24, %dma_start3A_25] : memref<10112x128xf32, #tpu.memory_space<vmem_shared>> -> memref<10112x128xf32, #tpu.memory_space<vmem_shared>>
    tpu.enqueue_indirect_dma source(%arg9 : memref<64x128xf32, #tpu.memory_space<vmem>>) target(%dma_start3A_26 : memref<10112x128xf32, #tpu.memory_space<vmem_shared>>) offsets(%dma_start3A_23 : memref<64xi32, #tpu.memory_space<vmem>>) semaphore(%arg15 : memref<!tpu.dma_semaphore, #tpu.memory_space<semaphore_mem>>) {add = true}
    %dma_start3A_27 = arith.constant 192 : i32
    %dma_start3A_28 = tpu.memref_slice %arg7[%dma_start3A_27] : memref<5120xi32, #tpu.memory_space<vmem>> -> memref<64xi32, #tpu.memory_space<vmem>>
    %dma_start3A_29 = arith.constant 0 : i32
    %dma_start3A_30 = arith.constant 0 : i32
    %dma_start3A_31 = tpu.memref_slice %arg5[%dma_start3A_29, %dma_start3A_30] : memref<10000x128xf32, #tpu.memory_space<hbm>> -> memref<10000x128xf32, #tpu.memory_space<hbm>>
    tpu.enqueue_indirect_dma source(%dma_start3A_31 : memref<10000x128xf32, #tpu.memory_space<hbm>>) target(%arg12 : memref<64x128xf32, #tpu.memory_space<vmem>>) offsets(%dma_start3A_28 : memref<64xi32, #tpu.memory_space<vmem>>) semaphore(%arg14 : memref<!tpu.dma_semaphore, #tpu.memory_space<semaphore_mem>>)
    %dma_wait3A_32 = arith.constant 0 : i32
    %dma_wait3A_33 = arith.constant 0 : i32
    %dma_wait3A_34 = tpu.memref_slice %arg4[%dma_wait3A_32, %dma_wait3A_33] : memref<10112x128xf32, #tpu.memory_space<hbm>> -> memref<64x128xf32, #tpu.memory_space<hbm>>
    %dma_wait3A_35 = arith.constant 0 : i32
    %dma_wait3A_36 = arith.constant 0 : i32
    %dma_wait3A_37 = tpu.memref_slice %arg4[%dma_wait3A_35, %dma_wait3A_36] : memref<10112x128xf32, #tpu.memory_space<hbm>> -> memref<64x128xf32, #tpu.memory_space<hbm>>
    tpu.wait_dma2 semaphore(%arg14 : memref<!tpu.dma_semaphore, #tpu.memory_space<semaphore_mem>>) src(%dma_wait3A_37 : memref<64x128xf32, #tpu.memory_space<hbm>>) dst(%arg10 : memref<64x128xf32, #tpu.memory_space<vmem>>)
    %dma_start3A_38 = arith.constant 64 : i32
    %dma_start3A_39 = tpu.memref_slice %arg8[%dma_start3A_38] : memref<5120xi32, #tpu.memory_space<vmem>> -> memref<64xi32, #tpu.memory_space<vmem>>
    %dma_start3A_40 = arith.constant 0 : i32
    %dma_start3A_41 = arith.constant 0 : i32
    %dma_start3A_42 = tpu.memref_slice %arg13[%dma_start3A_40, %dma_start3A_41] : memref<10112x128xf32, #tpu.memory_space<vmem_shared>> -> memref<10112x128xf32, #tpu.memory_space<vmem_shared>>
    tpu.enqueue_indirect_dma source(%arg10 : memref<64x128xf32, #tpu.memory_space<vmem>>) target(%dma_start3A_42 : memref<10112x128xf32, #tpu.memory_space<vmem_shared>>) offsets(%dma_start3A_39 : memref<64xi32, #tpu.memory_space<vmem>>) semaphore(%arg15 : memref<!tpu.dma_semaphore, #tpu.memory_space<semaphore_mem>>) {add = true}
    %scan3A = arith.constant 0 : i32
    %scan3A_43 = arith.constant 0 : i32
    %scan3A_44 = arith.constant 19 : i32
    %scan3A_45 = arith.addi %scan3A_43, %scan3A_44 : i32
    %scan3A_46 = arith.constant 1 : i32
    scf.for %scan3A_95 = %scan3A_43 to %scan3A_45 step %scan3A_46  : i32 {
      %mul3A_96 = arith.constant 4 : i32
      %mul3A_97 = arith.muli %mul3A_96, %scan3A_95 : i32
      %add3A_98 = arith.constant 2 : i32
      %add3A_99 = arith.addi %add3A_98, %mul3A_97 : i32
      %dma_wait3A_100 = arith.constant 0 : i32
      %dma_wait3A_101 = arith.constant 0 : i32
      %dma_wait3A_102 = tpu.memref_slice %arg4[%dma_wait3A_100, %dma_wait3A_101] : memref<10112x128xf32, #tpu.memory_space<hbm>> -> memref<64x128xf32, #tpu.memory_space<hbm>>
      %dma_wait3A_103 = arith.constant 0 : i32
      %dma_wait3A_104 = arith.constant 0 : i32
      %dma_wait3A_105 = tpu.memref_slice %arg4[%dma_wait3A_103, %dma_wait3A_104] : memref<10112x128xf32, #tpu.memory_space<hbm>> -> memref<64x128xf32, #tpu.memory_space<hbm>>
      tpu.wait_dma2 semaphore(%arg15 : memref<!tpu.dma_semaphore, #tpu.memory_space<semaphore_mem>>) src(%dma_wait3A_105 : memref<64x128xf32, #tpu.memory_space<hbm>>) dst(%arg9 : memref<64x128xf32, #tpu.memory_space<vmem>>)
      %add3A_106 = arith.constant 2 : i32
      %add3A_107 = arith.addi %add3A_99, %add3A_106 : i32
      %mul3A_108 = arith.constant 64 : i32
      %mul3A_109 = arith.muli %add3A_107, %mul3A_108 : i32
      %dma_start3A_110 = tpu.memref_slice %arg7[%mul3A_109] : memref<5120xi32, #tpu.memory_space<vmem>> -> memref<64xi32, #tpu.memory_space<vmem>>
      %dma_start3A_111 = arith.constant 0 : i32
      %dma_start3A_112 = arith.constant 0 : i32
      %dma_start3A_113 = tpu.memref_slice %arg5[%dma_start3A_111, %dma_start3A_112] : memref<10000x128xf32, #tpu.memory_space<hbm>> -> memref<10000x128xf32, #tpu.memory_space<hbm>>
      tpu.enqueue_indirect_dma source(%dma_start3A_113 : memref<10000x128xf32, #tpu.memory_space<hbm>>) target(%arg9 : memref<64x128xf32, #tpu.memory_space<vmem>>) offsets(%dma_start3A_110 : memref<64xi32, #tpu.memory_space<vmem>>) semaphore(%arg14 : memref<!tpu.dma_semaphore, #tpu.memory_space<semaphore_mem>>)
      %dma_wait3A_114 = arith.constant 0 : i32
      %dma_wait3A_115 = arith.constant 0 : i32
      %dma_wait3A_116 = tpu.memref_slice %arg4[%dma_wait3A_114, %dma_wait3A_115] : memref<10112x128xf32, #tpu.memory_space<hbm>> -> memref<64x128xf32, #tpu.memory_space<hbm>>
      %dma_wait3A_117 = arith.constant 0 : i32
      %dma_wait3A_118 = arith.constant 0 : i32
      %dma_wait3A_119 = tpu.memref_slice %arg4[%dma_wait3A_117, %dma_wait3A_118] : memref<10112x128xf32, #tpu.memory_space<hbm>> -> memref<64x128xf32, #tpu.memory_space<hbm>>
      tpu.wait_dma2 semaphore(%arg14 : memref<!tpu.dma_semaphore, #tpu.memory_space<semaphore_mem>>) src(%dma_wait3A_119 : memref<64x128xf32, #tpu.memory_space<hbm>>) dst(%arg11 : memref<64x128xf32, #tpu.memory_space<vmem>>)
      %mul3A_120 = arith.constant 64 : i32
      %mul3A_121 = arith.muli %add3A_99, %mul3A_120 : i32
      %dma_start3A_122 = tpu.memref_slice %arg8[%mul3A_121] : memref<5120xi32, #tpu.memory_space<vmem>> -> memref<64xi32, #tpu.memory_space<vmem>>
      %dma_start3A_123 = arith.constant 0 : i32
      %dma_start3A_124 = arith.constant 0 : i32
      %dma_start3A_125 = tpu.memref_slice %arg13[%dma_start3A_123, %dma_start3A_124] : memref<10112x128xf32, #tpu.memory_space<vmem_shared>> -> memref<10112x128xf32, #tpu.memory_space<vmem_shared>>
      tpu.enqueue_indirect_dma source(%arg11 : memref<64x128xf32, #tpu.memory_space<vmem>>) target(%dma_start3A_125 : memref<10112x128xf32, #tpu.memory_space<vmem_shared>>) offsets(%dma_start3A_122 : memref<64xi32, #tpu.memory_space<vmem>>) semaphore(%arg15 : memref<!tpu.dma_semaphore, #tpu.memory_space<semaphore_mem>>) {add = true}
      %add3A_126 = arith.constant 1 : i32
      %add3A_127 = arith.addi %add3A_99, %add3A_126 : i32
      %dma_wait3A_128 = arith.constant 0 : i32
      %dma_wait3A_129 = arith.constant 0 : i32
      %dma_wait3A_130 = tpu.memref_slice %arg4[%dma_wait3A_128, %dma_wait3A_129] : memref<10112x128xf32, #tpu.memory_space<hbm>> -> memref<64x128xf32, #tpu.memory_space<hbm>>
      %dma_wait3A_131 = arith.constant 0 : i32
      %dma_wait3A_132 = arith.constant 0 : i32
      %dma_wait3A_133 = tpu.memref_slice %arg4[%dma_wait3A_131, %dma_wait3A_132] : memref<10112x128xf32, #tpu.memory_space<hbm>> -> memref<64x128xf32, #tpu.memory_space<hbm>>
      tpu.wait_dma2 semaphore(%arg15 : memref<!tpu.dma_semaphore, #tpu.memory_space<semaphore_mem>>) src(%dma_wait3A_133 : memref<64x128xf32, #tpu.memory_space<hbm>>) dst(%arg10 : memref<64x128xf32, #tpu.memory_space<vmem>>)
      %add3A_134 = arith.constant 2 : i32
      %add3A_135 = arith.addi %add3A_127, %add3A_134 : i32
      %mul3A_136 = arith.constant 64 : i32
      %mul3A_137 = arith.muli %add3A_135, %mul3A_136 : i32
      %dma_start3A_138 = tpu.memref_slice %arg7[%mul3A_137] : memref<5120xi32, #tpu.memory_space<vmem>> -> memref<64xi32, #tpu.memory_space<vmem>>
      %dma_start3A_139 = arith.constant 0 : i32
      %dma_start3A_140 = arith.constant 0 : i32
      %dma_start3A_141 = tpu.memref_slice %arg5[%dma_start3A_139, %dma_start3A_140] : memref<10000x128xf32, #tpu.memory_space<hbm>> -> memref<10000x128xf32, #tpu.memory_space<hbm>>
      tpu.enqueue_indirect_dma source(%dma_start3A_141 : memref<10000x128xf32, #tpu.memory_space<hbm>>) target(%arg10 : memref<64x128xf32, #tpu.memory_space<vmem>>) offsets(%dma_start3A_138 : memref<64xi32, #tpu.memory_space<vmem>>) semaphore(%arg14 : memref<!tpu.dma_semaphore, #tpu.memory_space<semaphore_mem>>)
      %dma_wait3A_142 = arith.constant 0 : i32
      %dma_wait3A_143 = arith.constant 0 : i32
      %dma_wait3A_144 = tpu.memref_slice %arg4[%dma_wait3A_142, %dma_wait3A_143] : memref<10112x128xf32, #tpu.memory_space<hbm>> -> memref<64x128xf32, #tpu.memory_space<hbm>>
      %dma_wait3A_145 = arith.constant 0 : i32
      %dma_wait3A_146 = arith.constant 0 : i32
      %dma_wait3A_147 = tpu.memref_slice %arg4[%dma_wait3A_145, %dma_wait3A_146] : memref<10112x128xf32, #tpu.memory_space<hbm>> -> memref<64x128xf32, #tpu.memory_space<hbm>>
      tpu.wait_dma2 semaphore(%arg14 : memref<!tpu.dma_semaphore, #tpu.memory_space<semaphore_mem>>) src(%dma_wait3A_147 : memref<64x128xf32, #tpu.memory_space<hbm>>) dst(%arg12 : memref<64x128xf32, #tpu.memory_space<vmem>>)
      %mul3A_148 = arith.constant 64 : i32
      %mul3A_149 = arith.muli %add3A_127, %mul3A_148 : i32
      %dma_start3A_150 = tpu.memref_slice %arg8[%mul3A_149] : memref<5120xi32, #tpu.memory_space<vmem>> -> memref<64xi32, #tpu.memory_space<vmem>>
      %dma_start3A_151 = arith.constant 0 : i32
      %dma_start3A_152 = arith.constant 0 : i32
      %dma_start3A_153 = tpu.memref_slice %arg13[%dma_start3A_151, %dma_start3A_152] : memref<10112x128xf32, #tpu.memory_space<vmem_shared>> -> memref<10112x128xf32, #tpu.memory_space<vmem_shared>>
      tpu.enqueue_indirect_dma source(%arg12 : memref<64x128xf32, #tpu.memory_space<vmem>>) target(%dma_start3A_153 : memref<10112x128xf32, #tpu.memory_space<vmem_shared>>) offsets(%dma_start3A_150 : memref<64xi32, #tpu.memory_space<vmem>>) semaphore(%arg15 : memref<!tpu.dma_semaphore, #tpu.memory_space<semaphore_mem>>) {add = true}
      %add3A_154 = arith.constant 2 : i32
      %add3A_155 = arith.addi %add3A_99, %add3A_154 : i32
      %dma_wait3A_156 = arith.constant 0 : i32
      %dma_wait3A_157 = arith.constant 0 : i32
      %dma_wait3A_158 = tpu.memref_slice %arg4[%dma_wait3A_156, %dma_wait3A_157] : memref<10112x128xf32, #tpu.memory_space<hbm>> -> memref<64x128xf32, #tpu.memory_space<hbm>>
      %dma_wait3A_159 = arith.constant 0 : i32
      %dma_wait3A_160 = arith.constant 0 : i32
      %dma_wait3A_161 = tpu.memref_slice %arg4[%dma_wait3A_159, %dma_wait3A_160] : memref<10112x128xf32, #tpu.memory_space<hbm>> -> memref<64x128xf32, #tpu.memory_space<hbm>>
      tpu.wait_dma2 semaphore(%arg15 : memref<!tpu.dma_semaphore, #tpu.memory_space<semaphore_mem>>) src(%dma_wait3A_161 : memref<64x128xf32, #tpu.memory_space<hbm>>) dst(%arg11 : memref<64x128xf32, #tpu.memory_space<vmem>>)
      %add3A_162 = arith.constant 2 : i32
      %add3A_163 = arith.addi %add3A_155, %add3A_162 : i32
      %mul3A_164 = arith.constant 64 : i32
      %mul3A_165 = arith.muli %add3A_163, %mul3A_164 : i32
      %dma_start3A_166 = tpu.memref_slice %arg7[%mul3A_165] : memref<5120xi32, #tpu.memory_space<vmem>> -> memref<64xi32, #tpu.memory_space<vmem>>
      %dma_start3A_167 = arith.constant 0 : i32
      %dma_start3A_168 = arith.constant 0 : i32
      %dma_start3A_169 = tpu.memref_slice %arg5[%dma_start3A_167, %dma_start3A_168] : memref<10000x128xf32, #tpu.memory_space<hbm>> -> memref<10000x128xf32, #tpu.memory_space<hbm>>
      tpu.enqueue_indirect_dma source(%dma_start3A_169 : memref<10000x128xf32, #tpu.memory_space<hbm>>) target(%arg11 : memref<64x128xf32, #tpu.memory_space<vmem>>) offsets(%dma_start3A_166 : memref<64xi32, #tpu.memory_space<vmem>>) semaphore(%arg14 : memref<!tpu.dma_semaphore, #tpu.memory_space<semaphore_mem>>)
      %dma_wait3A_170 = arith.constant 0 : i32
      %dma_wait3A_171 = arith.constant 0 : i32
      %dma_wait3A_172 = tpu.memref_slice %arg4[%dma_wait3A_170, %dma_wait3A_171] : memref<10112x128xf32, #tpu.memory_space<hbm>> -> memref<64x128xf32, #tpu.memory_space<hbm>>
      %dma_wait3A_173 = arith.constant 0 : i32
      %dma_wait3A_174 = arith.constant 0 : i32
      %dma_wait3A_175 = tpu.memref_slice %arg4[%dma_wait3A_173, %dma_wait3A_174] : memref<10112x128xf32, #tpu.memory_space<hbm>> -> memref<64x128xf32, #tpu.memory_space<hbm>>
      tpu.wait_dma2 semaphore(%arg14 : memref<!tpu.dma_semaphore, #tpu.memory_space<semaphore_mem>>) src(%dma_wait3A_175 : memref<64x128xf32, #tpu.memory_space<hbm>>) dst(%arg9 : memref<64x128xf32, #tpu.memory_space<vmem>>)
      %mul3A_176 = arith.constant 64 : i32
      %mul3A_177 = arith.muli %add3A_155, %mul3A_176 : i32
      %dma_start3A_178 = tpu.memref_slice %arg8[%mul3A_177] : memref<5120xi32, #tpu.memory_space<vmem>> -> memref<64xi32, #tpu.memory_space<vmem>>
      %dma_start3A_179 = arith.constant 0 : i32
      %dma_start3A_180 = arith.constant 0 : i32
      %dma_start3A_181 = tpu.memref_slice %arg13[%dma_start3A_179, %dma_start3A_180] : memref<10112x128xf32, #tpu.memory_space<vmem_shared>> -> memref<10112x128xf32, #tpu.memory_space<vmem_shared>>
      tpu.enqueue_indirect_dma source(%arg9 : memref<64x128xf32, #tpu.memory_space<vmem>>) target(%dma_start3A_181 : memref<10112x128xf32, #tpu.memory_space<vmem_shared>>) offsets(%dma_start3A_178 : memref<64xi32, #tpu.memory_space<vmem>>) semaphore(%arg15 : memref<!tpu.dma_semaphore, #tpu.memory_space<semaphore_mem>>) {add = true}
      %add3A_182 = arith.constant 3 : i32
      %add3A_183 = arith.addi %add3A_99, %add3A_182 : i32
      %dma_wait3A_184 = arith.constant 0 : i32
      %dma_wait3A_185 = arith.constant 0 : i32
      %dma_wait3A_186 = tpu.memref_slice %arg4[%dma_wait3A_184, %dma_wait3A_185] : memref<10112x128xf32, #tpu.memory_space<hbm>> -> memref<64x128xf32, #tpu.memory_space<hbm>>
      %dma_wait3A_187 = arith.constant 0 : i32
      %dma_wait3A_188 = arith.constant 0 : i32
      %dma_wait3A_189 = tpu.memref_slice %arg4[%dma_wait3A_187, %dma_wait3A_188] : memref<10112x128xf32, #tpu.memory_space<hbm>> -> memref<64x128xf32, #tpu.memory_space<hbm>>
      tpu.wait_dma2 semaphore(%arg15 : memref<!tpu.dma_semaphore, #tpu.memory_space<semaphore_mem>>) src(%dma_wait3A_189 : memref<64x128xf32, #tpu.memory_space<hbm>>) dst(%arg12 : memref<64x128xf32, #tpu.memory_space<vmem>>)
      %add3A_190 = arith.constant 2 : i32
      %add3A_191 = arith.addi %add3A_183, %add3A_190 : i32
      %mul3A_192 = arith.constant 64 : i32
      %mul3A_193 = arith.muli %add3A_191, %mul3A_192 : i32
      %dma_start3A_194 = tpu.memref_slice %arg7[%mul3A_193] : memref<5120xi32, #tpu.memory_space<vmem>> -> memref<64xi32, #tpu.memory_space<vmem>>
      %dma_start3A_195 = arith.constant 0 : i32
      %dma_start3A_196 = arith.constant 0 : i32
      %dma_start3A_197 = tpu.memref_slice %arg5[%dma_start3A_195, %dma_start3A_196] : memref<10000x128xf32, #tpu.memory_space<hbm>> -> memref<10000x128xf32, #tpu.memory_space<hbm>>
      tpu.enqueue_indirect_dma source(%dma_start3A_197 : memref<10000x128xf32, #tpu.memory_space<hbm>>) target(%arg12 : memref<64x128xf32, #tpu.memory_space<vmem>>) offsets(%dma_start3A_194 : memref<64xi32, #tpu.memory_space<vmem>>) semaphore(%arg14 : memref<!tpu.dma_semaphore, #tpu.memory_space<semaphore_mem>>)
      %dma_wait3A_198 = arith.constant 0 : i32
      %dma_wait3A_199 = arith.constant 0 : i32
      %dma_wait3A_200 = tpu.memref_slice %arg4[%dma_wait3A_198, %dma_wait3A_199] : memref<10112x128xf32, #tpu.memory_space<hbm>> -> memref<64x128xf32, #tpu.memory_space<hbm>>
      %dma_wait3A_201 = arith.constant 0 : i32
      %dma_wait3A_202 = arith.constant 0 : i32
      %dma_wait3A_203 = tpu.memref_slice %arg4[%dma_wait3A_201, %dma_wait3A_202] : memref<10112x128xf32, #tpu.memory_space<hbm>> -> memref<64x128xf32, #tpu.memory_space<hbm>>
      tpu.wait_dma2 semaphore(%arg14 : memref<!tpu.dma_semaphore, #tpu.memory_space<semaphore_mem>>) src(%dma_wait3A_203 : memref<64x128xf32, #tpu.memory_space<hbm>>) dst(%arg10 : memref<64x128xf32, #tpu.memory_space<vmem>>)
      %mul3A_204 = arith.constant 64 : i32
      %mul3A_205 = arith.muli %add3A_183, %mul3A_204 : i32
      %dma_start3A_206 = tpu.memref_slice %arg8[%mul3A_205] : memref<5120xi32, #tpu.memory_space<vmem>> -> memref<64xi32, #tpu.memory_space<vmem>>
      %dma_start3A_207 = arith.constant 0 : i32
      %dma_start3A_208 = arith.constant 0 : i32
      %dma_start3A_209 = tpu.memref_slice %arg13[%dma_start3A_207, %dma_start3A_208] : memref<10112x128xf32, #tpu.memory_space<vmem_shared>> -> memref<10112x128xf32, #tpu.memory_space<vmem_shared>>
      tpu.enqueue_indirect_dma source(%arg10 : memref<64x128xf32, #tpu.memory_space<vmem>>) target(%dma_start3A_209 : memref<10112x128xf32, #tpu.memory_space<vmem_shared>>) offsets(%dma_start3A_206 : memref<64xi32, #tpu.memory_space<vmem>>) semaphore(%arg15 : memref<!tpu.dma_semaphore, #tpu.memory_space<semaphore_mem>>) {add = true}
    }
    %scan3A_47 = arith.constant 19 : i32
    %dma_wait3A_48 = arith.constant 0 : i32
    %dma_wait3A_49 = arith.constant 0 : i32
    %dma_wait3A_50 = tpu.memref_slice %arg4[%dma_wait3A_48, %dma_wait3A_49] : memref<10112x128xf32, #tpu.memory_space<hbm>> -> memref<64x128xf32, #tpu.memory_space<hbm>>
    %dma_wait3A_51 = arith.constant 0 : i32
    %dma_wait3A_52 = arith.constant 0 : i32
    %dma_wait3A_53 = tpu.memref_slice %arg4[%dma_wait3A_51, %dma_wait3A_52] : memref<10112x128xf32, #tpu.memory_space<hbm>> -> memref<64x128xf32, #tpu.memory_space<hbm>>
    tpu.wait_dma2 semaphore(%arg15 : memref<!tpu.dma_semaphore, #tpu.memory_space<semaphore_mem>>) src(%dma_wait3A_53 : memref<64x128xf32, #tpu.memory_space<hbm>>) dst(%arg9 : memref<64x128xf32, #tpu.memory_space<vmem>>)
    %dma_wait3A_54 = arith.constant 0 : i32
    %dma_wait3A_55 = arith.constant 0 : i32
    %dma_wait3A_56 = tpu.memref_slice %arg4[%dma_wait3A_54, %dma_wait3A_55] : memref<10112x128xf32, #tpu.memory_space<hbm>> -> memref<64x128xf32, #tpu.memory_space<hbm>>
    %dma_wait3A_57 = arith.constant 0 : i32
    %dma_wait3A_58 = arith.constant 0 : i32
    %dma_wait3A_59 = tpu.memref_slice %arg4[%dma_wait3A_57, %dma_wait3A_58] : memref<10112x128xf32, #tpu.memory_space<hbm>> -> memref<64x128xf32, #tpu.memory_space<hbm>>
    tpu.wait_dma2 semaphore(%arg14 : memref<!tpu.dma_semaphore, #tpu.memory_space<semaphore_mem>>) src(%dma_wait3A_59 : memref<64x128xf32, #tpu.memory_space<hbm>>) dst(%arg11 : memref<64x128xf32, #tpu.memory_space<vmem>>)
    %dma_start3A_60 = arith.constant 4992 : i32
    %dma_start3A_61 = tpu.memref_slice %arg8[%dma_start3A_60] : memref<5120xi32, #tpu.memory_space<vmem>> -> memref<64xi32, #tpu.memory_space<vmem>>
    %dma_start3A_62 = arith.constant 0 : i32
    %dma_start3A_63 = arith.constant 0 : i32
    %dma_start3A_64 = tpu.memref_slice %arg13[%dma_start3A_62, %dma_start3A_63] : memref<10112x128xf32, #tpu.memory_space<vmem_shared>> -> memref<10112x128xf32, #tpu.memory_space<vmem_shared>>
    tpu.enqueue_indirect_dma source(%arg11 : memref<64x128xf32, #tpu.memory_space<vmem>>) target(%dma_start3A_64 : memref<10112x128xf32, #tpu.memory_space<vmem_shared>>) offsets(%dma_start3A_61 : memref<64xi32, #tpu.memory_space<vmem>>) semaphore(%arg15 : memref<!tpu.dma_semaphore, #tpu.memory_space<semaphore_mem>>) {add = true}
    %dma_wait3A_65 = arith.constant 0 : i32
    %dma_wait3A_66 = arith.constant 0 : i32
    %dma_wait3A_67 = tpu.memref_slice %arg4[%dma_wait3A_65, %dma_wait3A_66] : memref<10112x128xf32, #tpu.memory_space<hbm>> -> memref<64x128xf32, #tpu.memory_space<hbm>>
    %dma_wait3A_68 = arith.constant 0 : i32
    %dma_wait3A_69 = arith.constant 0 : i32
    %dma_wait3A_70 = tpu.memref_slice %arg4[%dma_wait3A_68, %dma_wait3A_69] : memref<10112x128xf32, #tpu.memory_space<hbm>> -> memref<64x128xf32, #tpu.memory_space<hbm>>
    tpu.wait_dma2 semaphore(%arg15 : memref<!tpu.dma_semaphore, #tpu.memory_space<semaphore_mem>>) src(%dma_wait3A_70 : memref<64x128xf32, #tpu.memory_space<hbm>>) dst(%arg10 : memref<64x128xf32, #tpu.memory_space<vmem>>)
    %dma_wait3A_71 = arith.constant 0 : i32
    %dma_wait3A_72 = arith.constant 0 : i32
    %dma_wait3A_73 = tpu.memref_slice %arg4[%dma_wait3A_71, %dma_wait3A_72] : memref<10112x128xf32, #tpu.memory_space<hbm>> -> memref<64x128xf32, #tpu.memory_space<hbm>>
    %dma_wait3A_74 = arith.constant 0 : i32
    %dma_wait3A_75 = arith.constant 0 : i32
    %dma_wait3A_76 = tpu.memref_slice %arg4[%dma_wait3A_74, %dma_wait3A_75] : memref<10112x128xf32, #tpu.memory_space<hbm>> -> memref<64x128xf32, #tpu.memory_space<hbm>>
    tpu.wait_dma2 semaphore(%arg14 : memref<!tpu.dma_semaphore, #tpu.memory_space<semaphore_mem>>) src(%dma_wait3A_76 : memref<64x128xf32, #tpu.memory_space<hbm>>) dst(%arg12 : memref<64x128xf32, #tpu.memory_space<vmem>>)
    %dma_start3A_77 = arith.constant 5056 : i32
    %dma_start3A_78 = tpu.memref_slice %arg8[%dma_start3A_77] : memref<5120xi32, #tpu.memory_space<vmem>> -> memref<64xi32, #tpu.memory_space<vmem>>
    %dma_start3A_79 = arith.constant 0 : i32
    %dma_start3A_80 = arith.constant 0 : i32
    %dma_start3A_81 = tpu.memref_slice %arg13[%dma_start3A_79, %dma_start3A_80] : memref<10112x128xf32, #tpu.memory_space<vmem_shared>> -> memref<10112x128xf32, #tpu.memory_space<vmem_shared>>
    tpu.enqueue_indirect_dma source(%arg12 : memref<64x128xf32, #tpu.memory_space<vmem>>) target(%dma_start3A_81 : memref<10112x128xf32, #tpu.memory_space<vmem_shared>>) offsets(%dma_start3A_78 : memref<64xi32, #tpu.memory_space<vmem>>) semaphore(%arg15 : memref<!tpu.dma_semaphore, #tpu.memory_space<semaphore_mem>>) {add = true}
    %dma_wait3A_82 = arith.constant 0 : i32
    %dma_wait3A_83 = arith.constant 0 : i32
    %dma_wait3A_84 = tpu.memref_slice %arg4[%dma_wait3A_82, %dma_wait3A_83] : memref<10112x128xf32, #tpu.memory_space<hbm>> -> memref<64x128xf32, #tpu.memory_space<hbm>>
    %dma_wait3A_85 = arith.constant 0 : i32
    %dma_wait3A_86 = arith.constant 0 : i32
    %dma_wait3A_87 = tpu.memref_slice %arg4[%dma_wait3A_85, %dma_wait3A_86] : memref<10112x128xf32, #tpu.memory_space<hbm>> -> memref<64x128xf32, #tpu.memory_space<hbm>>
    tpu.wait_dma2 semaphore(%arg15 : memref<!tpu.dma_semaphore, #tpu.memory_space<semaphore_mem>>) src(%dma_wait3A_87 : memref<64x128xf32, #tpu.memory_space<hbm>>) dst(%arg11 : memref<64x128xf32, #tpu.memory_space<vmem>>)
    %dma_wait3A_88 = arith.constant 0 : i32
    %dma_wait3A_89 = arith.constant 0 : i32
    %dma_wait3A_90 = tpu.memref_slice %arg4[%dma_wait3A_88, %dma_wait3A_89] : memref<10112x128xf32, #tpu.memory_space<hbm>> -> memref<64x128xf32, #tpu.memory_space<hbm>>
    %dma_wait3A_91 = arith.constant 0 : i32
    %dma_wait3A_92 = arith.constant 0 : i32
    %dma_wait3A_93 = tpu.memref_slice %arg4[%dma_wait3A_91, %dma_wait3A_92] : memref<10112x128xf32, #tpu.memory_space<hbm>> -> memref<64x128xf32, #tpu.memory_space<hbm>>
    tpu.wait_dma2 semaphore(%arg15 : memref<!tpu.dma_semaphore, #tpu.memory_space<semaphore_mem>>) src(%dma_wait3A_93 : memref<64x128xf32, #tpu.memory_space<hbm>>) dst(%arg12 : memref<64x128xf32, #tpu.memory_space<vmem>>)
    %barrier3A_94 = arith.constant 0 : index
    tpu.barrier barrier_id(%barrier3A_94)
    "tpu.region"() ({
      %run_scoped3A = tpu.sem_alloc : memref<!tpu.dma_semaphore, #tpu.memory_space<semaphore_mem>>
      %dma_start3A_95 = arith.constant 0 : i32
      %dma_start3A_96 = tpu.memref_slice %arg6[%arg0, %mul3A_2, %dma_start3A_95] : memref<2x10112x128xf32, #tpu.memory_space<hbm>> -> memref<1x632x128xf32, #tpu.memory_space<hbm>>
      %dma_start3A_97 = tpu.memref_squeeze %dma_start3A_96 : memref<1x632x128xf32, #tpu.memory_space<hbm>> -> memref<632x128xf32, #tpu.memory_space<hbm>>
      %dma_start3A_98 = arith.constant 0 : i32
      %dma_start3A_99 = tpu.memref_slice %arg13[%mul3A_2, %dma_start3A_98] : memref<10112x128xf32, #tpu.memory_space<vmem_shared>> -> memref<632x128xf32, #tpu.memory_space<vmem_shared>>
      tpu.enqueue_dma source(%dma_start3A_99 : memref<632x128xf32, #tpu.memory_space<vmem_shared>>) target(%dma_start3A_97 : memref<632x128xf32, #tpu.memory_space<hbm>>) target_semaphore(%run_scoped3A : memref<!tpu.dma_semaphore, #tpu.memory_space<semaphore_mem>>)
      %dma_wait3A_100 = arith.constant 0 : i32
      %dma_wait3A_101 = tpu.memref_slice %arg6[%arg0, %mul3A_2, %dma_wait3A_100] : memref<2x10112x128xf32, #tpu.memory_space<hbm>> -> memref<1x632x128xf32, #tpu.memory_space<hbm>>
      %dma_wait3A_102 = tpu.memref_squeeze %dma_wait3A_101 : memref<1x632x128xf32, #tpu.memory_space<hbm>> -> memref<632x128xf32, #tpu.memory_space<hbm>>
      %dma_wait3A_103 = arith.constant 0 : i32
      %dma_wait3A_104 = tpu.memref_slice %arg13[%mul3A_2, %dma_wait3A_103] : memref<10112x128xf32, #tpu.memory_space<vmem_shared>> -> memref<632x128xf32, #tpu.memory_space<vmem_shared>>
      tpu.wait_dma2 semaphore(%run_scoped3A : memref<!tpu.dma_semaphore, #tpu.memory_space<semaphore_mem>>) src(%dma_wait3A_104 : memref<632x128xf32, #tpu.memory_space<vmem_shared>>) dst(%dma_wait3A_102 : memref<632x128xf32, #tpu.memory_space<hbm>>)
      tpu.yield
    }) : () -> ()
    return
  }
}

module attributes {stable_mosaic.version = 14 : i64} {
  func.func @_prep_body(%arg0: i32, %arg1: memref<2x1000x128xf32, #tpu.memory_space<vmem>>, %arg2: memref<1000x256xf32, #tpu.memory_space<vmem>>, %arg3: memref<1000x128xf32, #tpu.memory_space<vmem>>, %arg4: memref<1000x128xf32, #tpu.memory_space<vmem>>, %arg5: memref<1000x128xf32, #tpu.memory_space<vmem>>) attributes {dimension_semantics = [#tpu.dimension_semantics<arbitrary>], iteration_bounds = array<i64: 10>, scalar_prefetch = 0 : i64, scratch_operands = 0 : i64, tpu.core_type = #tpu.core_type<tc>, window_params = [{transform_indices = @transform_0, window_bounds = array<i64: 2, 1000, 128>}, {transform_indices = @transform_1, window_bounds = array<i64: 1000, 256>}, {transform_indices = @transform_2, window_bounds = array<i64: 1000, 128>}, {transform_indices = @transform_3, window_bounds = array<i64: 1000, 128>}, {transform_indices = @transform_4, window_bounds = array<i64: 1000, 128>}]} {
    %get3A = arith.constant 0 : index
    %get3A_0 = arith.constant 0 : index
    %get3A_1 = arith.constant 0 : index
    %get3A_2 = vector.load %arg1[%get3A, %get3A_0, %get3A_1] : memref<2x1000x128xf32, #tpu.memory_space<vmem>>, vector<1x1000x1xf32>
    %get3A_3 = vector.shape_cast %get3A_2 : vector<1x1000x1xf32> to vector<1000x1xf32>
    %add3A = arith.constant 1.000000e+00 : f32
    %add3A_4 = vector.broadcast %add3A : f32 to vector<1000x1xf32>
    %add3A_5 = arith.addf %add3A_4, %get3A_3 : vector<1000x1xf32>
    %get3A_6 = arith.constant 1 : index
    %get3A_7 = arith.constant 0 : index
    %get3A_8 = arith.constant 0 : index
    %get3A_9 = vector.load %arg1[%get3A_6, %get3A_7, %get3A_8] : memref<2x1000x128xf32, #tpu.memory_space<vmem>>, vector<1x1000x1xf32>
    %get3A_10 = vector.shape_cast %get3A_9 : vector<1x1000x1xf32> to vector<1000x1xf32>
    %add3A_11 = arith.addf %add3A_5, %get3A_10 : vector<1000x1xf32>
    %rsqrt3A = math.rsqrt %add3A_11 : vector<1000x1xf32>
    %broadcast_in_dim3A = vector.shape_cast %rsqrt3A : vector<1000x1xf32> to vector<1000x1xf32>
    %broadcast_in_dim3A_12 = vector.broadcast %broadcast_in_dim3A : vector<1000x1xf32> to vector<1000x128xf32>
    %swap3A = arith.constant 0 : index
    %swap3A_13 = arith.constant 0 : index
    %swap3A_14 = vector.load %arg3[%swap3A, %swap3A_13] : memref<1000x128xf32, #tpu.memory_space<vmem>>, vector<1000x128xf32>
    tpu.vector_store %arg3[%swap3A, %swap3A_13], %broadcast_in_dim3A_12 {strides = array<i32>} : memref<1000x128xf32, #tpu.memory_space<vmem>>, vector<1000x128xf32>,
    %get3A_15 = arith.constant 0 : index
    %get3A_16 = arith.constant 0 : index
    %get3A_17 = vector.load %arg2[%get3A_15, %get3A_16] : memref<1000x256xf32, #tpu.memory_space<vmem>>, vector<1000x128xf32>
    %mul3A = vector.broadcast %rsqrt3A : vector<1000x1xf32> to vector<1000x128xf32>
    %mul3A_18 = arith.mulf %mul3A, %get3A_17 : vector<1000x128xf32>
    %swap3A_19 = arith.constant 0 : index
    %swap3A_20 = arith.constant 0 : index
    %swap3A_21 = vector.load %arg4[%swap3A_19, %swap3A_20] : memref<1000x128xf32, #tpu.memory_space<vmem>>, vector<1000x128xf32>
    tpu.vector_store %arg4[%swap3A_19, %swap3A_20], %mul3A_18 {strides = array<i32>} : memref<1000x128xf32, #tpu.memory_space<vmem>>, vector<1000x128xf32>,
    %get3A_22 = arith.constant 0 : index
    %get3A_23 = arith.constant 128 : index
    %get3A_24 = vector.load %arg2[%get3A_22, %get3A_23] : memref<1000x256xf32, #tpu.memory_space<vmem>>, vector<1000x128xf32>
    %mul3A_25 = vector.broadcast %rsqrt3A : vector<1000x1xf32> to vector<1000x128xf32>
    %mul3A_26 = arith.mulf %mul3A_25, %get3A_24 : vector<1000x128xf32>
    %swap3A_27 = arith.constant 0 : index
    %swap3A_28 = arith.constant 0 : index
    %swap3A_29 = vector.load %arg5[%swap3A_27, %swap3A_28] : memref<1000x128xf32, #tpu.memory_space<vmem>>, vector<1000x128xf32>
    tpu.vector_store %arg5[%swap3A_27, %swap3A_28], %mul3A_26 {strides = array<i32>} : memref<1000x128xf32, #tpu.memory_space<vmem>>, vector<1000x128xf32>,
    return
  }
  func.func @transform_0(%arg0: i32) -> (i32, i32, i32) {
    %c0_i32 = arith.constant 0 : i32
    %c0_i32_0 = arith.constant 0 : i32
    %c0_i32_1 = arith.constant 0 : i32
    return %c0_i32, %arg0, %c0_i32_0 : i32, i32, i32
  }
  func.func @transform_1(%arg0: i32) -> (i32, i32) {
    %c0_i32 = arith.constant 0 : i32
    %c0_i32_0 = arith.constant 0 : i32
    return %arg0, %c0_i32 : i32, i32
  }
  func.func @transform_2(%arg0: i32) -> (i32, i32) {
    %c0_i32 = arith.constant 0 : i32
    %c0_i32_0 = arith.constant 0 : i32
    return %arg0, %c0_i32 : i32, i32
  }
  func.func @transform_3(%arg0: i32) -> (i32, i32) {
    %c0_i32 = arith.constant 0 : i32
    %c0_i32_0 = arith.constant 0 : i32
    return %arg0, %c0_i32 : i32, i32
  }
  func.func @transform_4(%arg0: i32) -> (i32, i32) {
    %c0_i32 = arith.constant 0 : i32
    %c0_i32_0 = arith.constant 0 : i32
    return %arg0, %c0_i32 : i32, i32
  }
}

module attributes {stable_mosaic.version = 14 : i64} {
  func.func @_layer1_body(%arg0: i32, %arg1: memref<2x1000x128xf32, #tpu.memory_space<vmem>>, %arg2: memref<2x1000x128xf32, #tpu.memory_space<vmem>>, %arg3: memref<1000x128xf32, #tpu.memory_space<vmem>>, %arg4: memref<1000x128xf32, #tpu.memory_space<vmem>>, %arg5: memref<1000x128xf32, #tpu.memory_space<vmem>>, %arg6: memref<256x512xf32, #tpu.memory_space<vmem>>, %arg7: memref<1x512xf32, #tpu.memory_space<vmem>>, %arg8: memref<1000x128xf32, #tpu.memory_space<vmem>>, %arg9: memref<1000x128xf32, #tpu.memory_space<vmem>>, %arg10: memref<1000x128xf32, #tpu.memory_space<vmem>>, %arg11: memref<1000x128xf32, #tpu.memory_space<vmem>>) attributes {dimension_semantics = [#tpu.dimension_semantics<arbitrary>], iteration_bounds = array<i64: 10>, scalar_prefetch = 0 : i64, scratch_operands = 0 : i64, tpu.core_type = #tpu.core_type<tc>, window_params = [{transform_indices = @transform_0, window_bounds = array<i64: 2, 1000, 128>}, {transform_indices = @transform_1, window_bounds = array<i64: 2, 1000, 128>}, {transform_indices = @transform_2, window_bounds = array<i64: 1000, 128>}, {transform_indices = @transform_3, window_bounds = array<i64: 1000, 128>}, {transform_indices = @transform_4, window_bounds = array<i64: 1000, 128>}, {pipeline_mode = #tpu.pipeline_mode<synchronous>, transform_indices = @transform_5, window_bounds = array<i64: 256, 512>}, {pipeline_mode = #tpu.pipeline_mode<synchronous>, transform_indices = @transform_6, window_bounds = array<i64: 1, 512>}, {transform_indices = @transform_7, window_bounds = array<i64: 1000, 128>}, {transform_indices = @transform_8, window_bounds = array<i64: 1000, 128>}, {transform_indices = @transform_9, window_bounds = array<i64: 1000, 128>}, {transform_indices = @transform_10, window_bounds = array<i64: 1000, 128>}]} {
    %get3A = arith.constant 0 : index
    %get3A_0 = arith.constant 0 : index
    %get3A_1 = vector.load %arg5[%get3A, %get3A_0] : memref<1000x128xf32, #tpu.memory_space<vmem>>, vector<1000x1xf32>
    %get3A_2 = arith.constant 0 : index
    %get3A_3 = arith.constant 0 : index
    %get3A_4 = arith.constant 0 : index
    %get3A_5 = vector.load %arg1[%get3A_2, %get3A_3, %get3A_4] : memref<2x1000x128xf32, #tpu.memory_space<vmem>>, vector<2x1000x128xf32>
    %get3A_6 = arith.constant 0 : index
    %get3A_7 = arith.constant 0 : index
    %get3A_8 = arith.constant 0 : index
    %get3A_9 = vector.load %arg2[%get3A_6, %get3A_7, %get3A_8] : memref<2x1000x128xf32, #tpu.memory_space<vmem>>, vector<2x1000x128xf32>
    %slice3A = vector.extract_strided_slice %get3A_5 {offsets = [0, 0, 0], sizes = [1, 1000, 128], strides = [1, 1, 1]} : vector<2x1000x128xf32> to vector<1x1000x128xf32>
    %squeeze3A = vector.shape_cast %slice3A : vector<1x1000x128xf32> to vector<1000x128xf32>
    %slice3A_10 = vector.extract_strided_slice %get3A_5 {offsets = [1, 0, 0], sizes = [1, 1000, 128], strides = [1, 1, 1]} : vector<2x1000x128xf32> to vector<1x1000x128xf32>
    %squeeze3A_11 = vector.shape_cast %slice3A_10 : vector<1x1000x128xf32> to vector<1000x128xf32>
    %add3A = arith.addf %squeeze3A, %squeeze3A_11 : vector<1000x128xf32>
    %mul3A = vector.broadcast %get3A_1 : vector<1000x1xf32> to vector<1000x128xf32>
    %mul3A_12 = arith.mulf %mul3A, %add3A : vector<1000x128xf32>
    %get3A_13 = arith.constant 0 : index
    %get3A_14 = arith.constant 0 : index
    %get3A_15 = vector.load %arg3[%get3A_13, %get3A_14] : memref<1000x128xf32, #tpu.memory_space<vmem>>, vector<1000x128xf32>
    %mul3A_16 = vector.broadcast %get3A_1 : vector<1000x1xf32> to vector<1000x128xf32>
    %mul3A_17 = arith.mulf %mul3A_16, %get3A_15 : vector<1000x128xf32>
    %add3A_18 = arith.addf %mul3A_12, %mul3A_17 : vector<1000x128xf32>
    %slice3A_19 = vector.extract_strided_slice %get3A_9 {offsets = [0, 0, 0], sizes = [1, 1000, 128], strides = [1, 1, 1]} : vector<2x1000x128xf32> to vector<1x1000x128xf32>
    %squeeze3A_20 = vector.shape_cast %slice3A_19 : vector<1x1000x128xf32> to vector<1000x128xf32>
    %slice3A_21 = vector.extract_strided_slice %get3A_9 {offsets = [1, 0, 0], sizes = [1, 1000, 128], strides = [1, 1, 1]} : vector<2x1000x128xf32> to vector<1x1000x128xf32>
    %squeeze3A_22 = vector.shape_cast %slice3A_21 : vector<1x1000x128xf32> to vector<1000x128xf32>
    %add3A_23 = arith.addf %squeeze3A_20, %squeeze3A_22 : vector<1000x128xf32>
    %mul3A_24 = vector.broadcast %get3A_1 : vector<1000x1xf32> to vector<1000x128xf32>
    %mul3A_25 = arith.mulf %mul3A_24, %add3A_23 : vector<1000x128xf32>
    %get3A_26 = arith.constant 0 : index
    %get3A_27 = arith.constant 0 : index
    %get3A_28 = vector.load %arg4[%get3A_26, %get3A_27] : memref<1000x128xf32, #tpu.memory_space<vmem>>, vector<1000x128xf32>
    %mul3A_29 = vector.broadcast %get3A_1 : vector<1000x1xf32> to vector<1000x128xf32>
    %mul3A_30 = arith.mulf %mul3A_29, %get3A_28 : vector<1000x128xf32>
    %add3A_31 = arith.addf %mul3A_25, %mul3A_30 : vector<1000x128xf32>
    %concatenate3A = tpu.concatenate %add3A_18, %add3A_31 in 1 : vector<1000x128xf32>, vector<1000x128xf32> -> vector<1000x256xf32>
    %get3A_32 = arith.constant 0 : index
    %get3A_33 = arith.constant 0 : index
    %get3A_34 = vector.load %arg6[%get3A_32, %get3A_33] : memref<256x512xf32, #tpu.memory_space<vmem>>, vector<256x512xf32>
    %dot_general3A = arith.constant dense<0.000000e+00> : vector<1000x512xf32>
    %dot_general3A_35 = tpu.matmul %concatenate3A, %get3A_34, %dot_general3A {dimension_numbers = #tpu.dot_dimension_numbers<[1], [0], [0], [1], [0, 0, 1, 1], [], []>, transpose_lhs_hint = false} : vector<1000x256xf32>, vector<256x512xf32>, vector<1000x512xf32> -> vector<1000x512xf32>
    %get3A_36 = arith.constant 0 : index
    %get3A_37 = arith.constant 0 : index
    %get3A_38 = vector.load %arg7[%get3A_36, %get3A_37] : memref<1x512xf32, #tpu.memory_space<vmem>>, vector<1x512xf32>
    %add3A_39 = vector.broadcast %get3A_38 : vector<1x512xf32> to vector<1000x512xf32>
    %add3A_40 = arith.addf %dot_general3A_35, %add3A_39 : vector<1000x512xf32>
    %max3A = arith.constant 0.000000e+00 : f32
    %max3A_41 = vector.broadcast %max3A : f32 to vector<1000x512xf32>
    %max3A_42 = arith.maximumf %add3A_40, %max3A_41 : vector<1000x512xf32>
    %mul3A_43 = vector.broadcast %get3A_1 : vector<1000x1xf32> to vector<1000x512xf32>
    %mul3A_44 = arith.mulf %mul3A_43, %max3A_42 : vector<1000x512xf32>
    %slice3A_45 = vector.extract_strided_slice %mul3A_44 {offsets = [0, 0], sizes = [1000, 128], strides = [1, 1]} : vector<1000x512xf32> to vector<1000x128xf32>
    %swap3A = arith.constant 0 : index
    %swap3A_46 = arith.constant 0 : index
    %swap3A_47 = vector.load %arg8[%swap3A, %swap3A_46] : memref<1000x128xf32, #tpu.memory_space<vmem>>, vector<1000x128xf32>
    tpu.vector_store %arg8[%swap3A, %swap3A_46], %slice3A_45 {strides = array<i32>} : memref<1000x128xf32, #tpu.memory_space<vmem>>, vector<1000x128xf32>,
    %slice3A_48 = vector.extract_strided_slice %mul3A_44 {offsets = [0, 128], sizes = [1000, 128], strides = [1, 1]} : vector<1000x512xf32> to vector<1000x128xf32>
    %swap3A_49 = arith.constant 0 : index
    %swap3A_50 = arith.constant 0 : index
    %swap3A_51 = vector.load %arg9[%swap3A_49, %swap3A_50] : memref<1000x128xf32, #tpu.memory_space<vmem>>, vector<1000x128xf32>
    tpu.vector_store %arg9[%swap3A_49, %swap3A_50], %slice3A_48 {strides = array<i32>} : memref<1000x128xf32, #tpu.memory_space<vmem>>, vector<1000x128xf32>,
    %slice3A_52 = vector.extract_strided_slice %mul3A_44 {offsets = [0, 256], sizes = [1000, 128], strides = [1, 1]} : vector<1000x512xf32> to vector<1000x128xf32>
    %swap3A_53 = arith.constant 0 : index
    %swap3A_54 = arith.constant 0 : index
    %swap3A_55 = vector.load %arg10[%swap3A_53, %swap3A_54] : memref<1000x128xf32, #tpu.memory_space<vmem>>, vector<1000x128xf32>
    tpu.vector_store %arg10[%swap3A_53, %swap3A_54], %slice3A_52 {strides = array<i32>} : memref<1000x128xf32, #tpu.memory_space<vmem>>, vector<1000x128xf32>,
    %slice3A_56 = vector.extract_strided_slice %mul3A_44 {offsets = [0, 384], sizes = [1000, 128], strides = [1, 1]} : vector<1000x512xf32> to vector<1000x128xf32>
    %swap3A_57 = arith.constant 0 : index
    %swap3A_58 = arith.constant 0 : index
    %swap3A_59 = vector.load %arg11[%swap3A_57, %swap3A_58] : memref<1000x128xf32, #tpu.memory_space<vmem>>, vector<1000x128xf32>
    tpu.vector_store %arg11[%swap3A_57, %swap3A_58], %slice3A_56 {strides = array<i32>} : memref<1000x128xf32, #tpu.memory_space<vmem>>, vector<1000x128xf32>,
    return
  }
  func.func @transform_0(%arg0: i32) -> (i32, i32, i32) {
    %c0_i32 = arith.constant 0 : i32
    %c0_i32_0 = arith.constant 0 : i32
    %c0_i32_1 = arith.constant 0 : i32
    return %c0_i32, %arg0, %c0_i32_0 : i32, i32, i32
  }
  func.func @transform_1(%arg0: i32) -> (i32, i32, i32) {
    %c0_i32 = arith.constant 0 : i32
    %c0_i32_0 = arith.constant 0 : i32
    %c0_i32_1 = arith.constant 0 : i32
    return %c0_i32, %arg0, %c0_i32_0 : i32, i32, i32
  }
  func.func @transform_2(%arg0: i32) -> (i32, i32) {
    %c0_i32 = arith.constant 0 : i32
    %c0_i32_0 = arith.constant 0 : i32
    return %arg0, %c0_i32 : i32, i32
  }
  func.func @transform_3(%arg0: i32) -> (i32, i32) {
    %c0_i32 = arith.constant 0 : i32
    %c0_i32_0 = arith.constant 0 : i32
    return %arg0, %c0_i32 : i32, i32
  }
  func.func @transform_4(%arg0: i32) -> (i32, i32) {
    %c0_i32 = arith.constant 0 : i32
    %c0_i32_0 = arith.constant 0 : i32
    return %arg0, %c0_i32 : i32, i32
  }
  func.func @transform_5(%arg0: i32) -> (i32, i32) {
    %c0_i32 = arith.constant 0 : i32
    %c0_i32_0 = arith.constant 0 : i32
    %c0_i32_1 = arith.constant 0 : i32
    return %c0_i32, %c0_i32_0 : i32, i32
  }
  func.func @transform_6(%arg0: i32) -> (i32, i32) {
    %c0_i32 = arith.constant 0 : i32
    %c0_i32_0 = arith.constant 0 : i32
    %c0_i32_1 = arith.constant 0 : i32
    return %c0_i32, %c0_i32_0 : i32, i32
  }
  func.func @transform_7(%arg0: i32) -> (i32, i32) {
    %c0_i32 = arith.constant 0 : i32
    %c0_i32_0 = arith.constant 0 : i32
    return %arg0, %c0_i32 : i32, i32
  }
  func.func @transform_8(%arg0: i32) -> (i32, i32) {
    %c0_i32 = arith.constant 0 : i32
    %c0_i32_0 = arith.constant 0 : i32
    return %arg0, %c0_i32 : i32, i32
  }
  func.func @transform_9(%arg0: i32) -> (i32, i32) {
    %c0_i32 = arith.constant 0 : i32
    %c0_i32_0 = arith.constant 0 : i32
    return %arg0, %c0_i32 : i32, i32
  }
  func.func @transform_10(%arg0: i32) -> (i32, i32) {
    %c0_i32 = arith.constant 0 : i32
    %c0_i32_0 = arith.constant 0 : i32
    return %arg0, %c0_i32 : i32, i32
  }
}

module attributes {stable_mosaic.version = 14 : i64} {
  func.func @_final_body(%arg0: i32, %arg1: memref<2x1000x128xf32, #tpu.memory_space<vmem>>, %arg2: memref<2x1000x128xf32, #tpu.memory_space<vmem>>, %arg3: memref<2x1000x128xf32, #tpu.memory_space<vmem>>, %arg4: memref<2x1000x128xf32, #tpu.memory_space<vmem>>, %arg5: memref<1000x128xf32, #tpu.memory_space<vmem>>, %arg6: memref<1000x128xf32, #tpu.memory_space<vmem>>, %arg7: memref<1000x128xf32, #tpu.memory_space<vmem>>, %arg8: memref<1000x128xf32, #tpu.memory_space<vmem>>, %arg9: memref<1000x128xf32, #tpu.memory_space<vmem>>, %arg10: memref<512x512xf32, #tpu.memory_space<vmem>>, %arg11: memref<1x512xf32, #tpu.memory_space<vmem>>, %arg12: memref<512x256xf32, #tpu.memory_space<vmem>>, %arg13: memref<1x256xf32, #tpu.memory_space<vmem>>, %arg14: memref<1000x256xf32, #tpu.memory_space<vmem>>) attributes {dimension_semantics = [#tpu.dimension_semantics<arbitrary>], iteration_bounds = array<i64: 10>, scalar_prefetch = 0 : i64, scratch_operands = 0 : i64, tpu.core_type = #tpu.core_type<tc>, window_params = [{transform_indices = @transform_0, window_bounds = array<i64: 2, 1000, 128>}, {transform_indices = @transform_1, window_bounds = array<i64: 2, 1000, 128>}, {transform_indices = @transform_2, window_bounds = array<i64: 2, 1000, 128>}, {transform_indices = @transform_3, window_bounds = array<i64: 2, 1000, 128>}, {transform_indices = @transform_4, window_bounds = array<i64: 1000, 128>}, {transform_indices = @transform_5, window_bounds = array<i64: 1000, 128>}, {transform_indices = @transform_6, window_bounds = array<i64: 1000, 128>}, {transform_indices = @transform_7, window_bounds = array<i64: 1000, 128>}, {transform_indices = @transform_8, window_bounds = array<i64: 1000, 128>}, {pipeline_mode = #tpu.pipeline_mode<synchronous>, transform_indices = @transform_9, window_bounds = array<i64: 512, 512>}, {pipeline_mode = #tpu.pipeline_mode<synchronous>, transform_indices = @transform_10, window_bounds = array<i64: 1, 512>}, {pipeline_mode = #tpu.pipeline_mode<synchronous>, transform_indices = @transform_11, window_bounds = array<i64: 512, 256>}, {pipeline_mode = #tpu.pipeline_mode<synchronous>, transform_indices = @transform_12, window_bounds = array<i64: 1, 256>}, {transform_indices = @transform_13, window_bounds = array<i64: 1000, 256>}]} {
    %get3A = arith.constant 0 : index
    %get3A_0 = arith.constant 0 : index
    %get3A_1 = vector.load %arg9[%get3A, %get3A_0] : memref<1000x128xf32, #tpu.memory_space<vmem>>, vector<1000x1xf32>
    %get3A_2 = arith.constant 0 : index
    %get3A_3 = arith.constant 0 : index
    %get3A_4 = arith.constant 0 : index
    %get3A_5 = vector.load %arg1[%get3A_2, %get3A_3, %get3A_4] : memref<2x1000x128xf32, #tpu.memory_space<vmem>>, vector<2x1000x128xf32>
    %slice3A = vector.extract_strided_slice %get3A_5 {offsets = [0, 0, 0], sizes = [1, 1000, 128], strides = [1, 1, 1]} : vector<2x1000x128xf32> to vector<1x1000x128xf32>
    %squeeze3A = vector.shape_cast %slice3A : vector<1x1000x128xf32> to vector<1000x128xf32>
    %slice3A_6 = vector.extract_strided_slice %get3A_5 {offsets = [1, 0, 0], sizes = [1, 1000, 128], strides = [1, 1, 1]} : vector<2x1000x128xf32> to vector<1x1000x128xf32>
    %squeeze3A_7 = vector.shape_cast %slice3A_6 : vector<1x1000x128xf32> to vector<1000x128xf32>
    %add3A = arith.addf %squeeze3A, %squeeze3A_7 : vector<1000x128xf32>
    %mul3A = vector.broadcast %get3A_1 : vector<1000x1xf32> to vector<1000x128xf32>
    %mul3A_8 = arith.mulf %mul3A, %add3A : vector<1000x128xf32>
    %get3A_9 = arith.constant 0 : index
    %get3A_10 = arith.constant 0 : index
    %get3A_11 = vector.load %arg5[%get3A_9, %get3A_10] : memref<1000x128xf32, #tpu.memory_space<vmem>>, vector<1000x128xf32>
    %mul3A_12 = vector.broadcast %get3A_1 : vector<1000x1xf32> to vector<1000x128xf32>
    %mul3A_13 = arith.mulf %mul3A_12, %get3A_11 : vector<1000x128xf32>
    %add3A_14 = arith.addf %mul3A_8, %mul3A_13 : vector<1000x128xf32>
    %get3A_15 = arith.constant 0 : index
    %get3A_16 = arith.constant 0 : index
    %get3A_17 = arith.constant 0 : index
    %get3A_18 = vector.load %arg2[%get3A_15, %get3A_16, %get3A_17] : memref<2x1000x128xf32, #tpu.memory_space<vmem>>, vector<2x1000x128xf32>
    %slice3A_19 = vector.extract_strided_slice %get3A_18 {offsets = [0, 0, 0], sizes = [1, 1000, 128], strides = [1, 1, 1]} : vector<2x1000x128xf32> to vector<1x1000x128xf32>
    %squeeze3A_20 = vector.shape_cast %slice3A_19 : vector<1x1000x128xf32> to vector<1000x128xf32>
    %slice3A_21 = vector.extract_strided_slice %get3A_18 {offsets = [1, 0, 0], sizes = [1, 1000, 128], strides = [1, 1, 1]} : vector<2x1000x128xf32> to vector<1x1000x128xf32>
    %squeeze3A_22 = vector.shape_cast %slice3A_21 : vector<1x1000x128xf32> to vector<1000x128xf32>
    %add3A_23 = arith.addf %squeeze3A_20, %squeeze3A_22 : vector<1000x128xf32>
    %mul3A_24 = vector.broadcast %get3A_1 : vector<1000x1xf32> to vector<1000x128xf32>
    %mul3A_25 = arith.mulf %mul3A_24, %add3A_23 : vector<1000x128xf32>
    %get3A_26 = arith.constant 0 : index
    %get3A_27 = arith.constant 0 : index
    %get3A_28 = vector.load %arg6[%get3A_26, %get3A_27] : memref<1000x128xf32, #tpu.memory_space<vmem>>, vector<1000x128xf32>
    %mul3A_29 = vector.broadcast %get3A_1 : vector<1000x1xf32> to vector<1000x128xf32>
    %mul3A_30 = arith.mulf %mul3A_29, %get3A_28 : vector<1000x128xf32>
    %add3A_31 = arith.addf %mul3A_25, %mul3A_30 : vector<1000x128xf32>
    %get3A_32 = arith.constant 0 : index
    %get3A_33 = arith.constant 0 : index
    %get3A_34 = arith.constant 0 : index
    %get3A_35 = vector.load %arg3[%get3A_32, %get3A_33, %get3A_34] : memref<2x1000x128xf32, #tpu.memory_space<vmem>>, vector<2x1000x128xf32>
    %slice3A_36 = vector.extract_strided_slice %get3A_35 {offsets = [0, 0, 0], sizes = [1, 1000, 128], strides = [1, 1, 1]} : vector<2x1000x128xf32> to vector<1x1000x128xf32>
    %squeeze3A_37 = vector.shape_cast %slice3A_36 : vector<1x1000x128xf32> to vector<1000x128xf32>
    %slice3A_38 = vector.extract_strided_slice %get3A_35 {offsets = [1, 0, 0], sizes = [1, 1000, 128], strides = [1, 1, 1]} : vector<2x1000x128xf32> to vector<1x1000x128xf32>
    %squeeze3A_39 = vector.shape_cast %slice3A_38 : vector<1x1000x128xf32> to vector<1000x128xf32>
    %add3A_40 = arith.addf %squeeze3A_37, %squeeze3A_39 : vector<1000x128xf32>
    %mul3A_41 = vector.broadcast %get3A_1 : vector<1000x1xf32> to vector<1000x128xf32>
    %mul3A_42 = arith.mulf %mul3A_41, %add3A_40 : vector<1000x128xf32>
    %get3A_43 = arith.constant 0 : index
    %get3A_44 = arith.constant 0 : index
    %get3A_45 = vector.load %arg7[%get3A_43, %get3A_44] : memref<1000x128xf32, #tpu.memory_space<vmem>>, vector<1000x128xf32>
    %mul3A_46 = vector.broadcast %get3A_1 : vector<1000x1xf32> to vector<1000x128xf32>
    %mul3A_47 = arith.mulf %mul3A_46, %get3A_45 : vector<1000x128xf32>
    %add3A_48 = arith.addf %mul3A_42, %mul3A_47 : vector<1000x128xf32>
    %get3A_49 = arith.constant 0 : index
    %get3A_50 = arith.constant 0 : index
    %get3A_51 = arith.constant 0 : index
    %get3A_52 = vector.load %arg4[%get3A_49, %get3A_50, %get3A_51] : memref<2x1000x128xf32, #tpu.memory_space<vmem>>, vector<2x1000x128xf32>
    %slice3A_53 = vector.extract_strided_slice %get3A_52 {offsets = [0, 0, 0], sizes = [1, 1000, 128], strides = [1, 1, 1]} : vector<2x1000x128xf32> to vector<1x1000x128xf32>
    %squeeze3A_54 = vector.shape_cast %slice3A_53 : vector<1x1000x128xf32> to vector<1000x128xf32>
    %slice3A_55 = vector.extract_strided_slice %get3A_52 {offsets = [1, 0, 0], sizes = [1, 1000, 128], strides = [1, 1, 1]} : vector<2x1000x128xf32> to vector<1x1000x128xf32>
    %squeeze3A_56 = vector.shape_cast %slice3A_55 : vector<1x1000x128xf32> to vector<1000x128xf32>
    %add3A_57 = arith.addf %squeeze3A_54, %squeeze3A_56 : vector<1000x128xf32>
    %mul3A_58 = vector.broadcast %get3A_1 : vector<1000x1xf32> to vector<1000x128xf32>
    %mul3A_59 = arith.mulf %mul3A_58, %add3A_57 : vector<1000x128xf32>
    %get3A_60 = arith.constant 0 : index
    %get3A_61 = arith.constant 0 : index
    %get3A_62 = vector.load %arg8[%get3A_60, %get3A_61] : memref<1000x128xf32, #tpu.memory_space<vmem>>, vector<1000x128xf32>
    %mul3A_63 = vector.broadcast %get3A_1 : vector<1000x1xf32> to vector<1000x128xf32>
    %mul3A_64 = arith.mulf %mul3A_63, %get3A_62 : vector<1000x128xf32>
    %add3A_65 = arith.addf %mul3A_59, %mul3A_64 : vector<1000x128xf32>
    %concatenate3A = tpu.concatenate %add3A_14, %add3A_31, %add3A_48, %add3A_65 in 1 : vector<1000x128xf32>, vector<1000x128xf32>, vector<1000x128xf32>, vector<1000x128xf32> -> vector<1000x512xf32>
    %get3A_66 = arith.constant 0 : index
    %get3A_67 = arith.constant 0 : index
    %get3A_68 = vector.load %arg10[%get3A_66, %get3A_67] : memref<512x512xf32, #tpu.memory_space<vmem>>, vector<512x512xf32>
    %dot_general3A = arith.constant dense<0.000000e+00> : vector<1000x512xf32>
    %dot_general3A_69 = tpu.matmul %concatenate3A, %get3A_68, %dot_general3A {dimension_numbers = #tpu.dot_dimension_numbers<[1], [0], [0], [1], [0, 0, 1, 1], [], []>, transpose_lhs_hint = false} : vector<1000x512xf32>, vector<512x512xf32>, vector<1000x512xf32> -> vector<1000x512xf32>
    %get3A_70 = arith.constant 0 : index
    %get3A_71 = arith.constant 0 : index
    %get3A_72 = vector.load %arg11[%get3A_70, %get3A_71] : memref<1x512xf32, #tpu.memory_space<vmem>>, vector<1x512xf32>
    %add3A_73 = vector.broadcast %get3A_72 : vector<1x512xf32> to vector<1000x512xf32>
    %add3A_74 = arith.addf %dot_general3A_69, %add3A_73 : vector<1000x512xf32>
    %max3A = arith.constant 0.000000e+00 : f32
    %max3A_75 = vector.broadcast %max3A : f32 to vector<1000x512xf32>
    %max3A_76 = arith.maximumf %add3A_74, %max3A_75 : vector<1000x512xf32>
    %get3A_77 = arith.constant 0 : index
    %get3A_78 = arith.constant 0 : index
    %get3A_79 = vector.load %arg12[%get3A_77, %get3A_78] : memref<512x256xf32, #tpu.memory_space<vmem>>, vector<512x256xf32>
    %dot_general3A_80 = arith.constant dense<0.000000e+00> : vector<1000x256xf32>
    %dot_general3A_81 = tpu.matmul %max3A_76, %get3A_79, %dot_general3A_80 {dimension_numbers = #tpu.dot_dimension_numbers<[1], [0], [0], [1], [0, 0, 1, 1], [], []>, transpose_lhs_hint = false} : vector<1000x512xf32>, vector<512x256xf32>, vector<1000x256xf32> -> vector<1000x256xf32>
    %get3A_82 = arith.constant 0 : index
    %get3A_83 = arith.constant 0 : index
    %get3A_84 = vector.load %arg13[%get3A_82, %get3A_83] : memref<1x256xf32, #tpu.memory_space<vmem>>, vector<1x256xf32>
    %add3A_85 = vector.broadcast %get3A_84 : vector<1x256xf32> to vector<1000x256xf32>
    %add3A_86 = arith.addf %dot_general3A_81, %add3A_85 : vector<1000x256xf32>
    %reduce_max3A = arith.constant dense<0xFF800000> : vector<1000xf32>
    %reduce_max3A_87 = vector.multi_reduction <maximumf>, %add3A_86, %reduce_max3A [1] : vector<1000x256xf32> to vector<1000xf32>
    %broadcast_in_dim3A = vector.shape_cast %reduce_max3A_87 : vector<1000xf32> to vector<1000x1xf32>
    %sub3A = vector.broadcast %broadcast_in_dim3A : vector<1000x1xf32> to vector<1000x256xf32>
    %sub3A_88 = arith.subf %add3A_86, %sub3A : vector<1000x256xf32>
    %exp3A = math.exp %sub3A_88 : vector<1000x256xf32>
    %reduce_sum3A = arith.constant dense<0.000000e+00> : vector<1000xf32>
    %reduce_sum3A_89 = vector.multi_reduction <add>, %exp3A, %reduce_sum3A [1] : vector<1000x256xf32> to vector<1000xf32>
    %broadcast_in_dim3A_90 = vector.shape_cast %reduce_sum3A_89 : vector<1000xf32> to vector<1000x1xf32>
    %log3A = math.log %broadcast_in_dim3A_90 : vector<1000x1xf32>
    %add3A_91 = arith.addf %log3A, %broadcast_in_dim3A : vector<1000x1xf32>
    %sub3A_92 = vector.broadcast %add3A_91 : vector<1000x1xf32> to vector<1000x256xf32>
    %sub3A_93 = arith.subf %add3A_86, %sub3A_92 : vector<1000x256xf32>
    %swap3A = arith.constant 0 : index
    %swap3A_94 = arith.constant 0 : index
    %swap3A_95 = vector.load %arg14[%swap3A, %swap3A_94] : memref<1000x256xf32, #tpu.memory_space<vmem>>, vector<1000x256xf32>
    tpu.vector_store %arg14[%swap3A, %swap3A_94], %sub3A_93 {strides = array<i32>} : memref<1000x256xf32, #tpu.memory_space<vmem>>, vector<1000x256xf32>,
    return
  }
  func.func @transform_0(%arg0: i32) -> (i32, i32, i32) {
    %c0_i32 = arith.constant 0 : i32
    %c0_i32_0 = arith.constant 0 : i32
    %c0_i32_1 = arith.constant 0 : i32
    return %c0_i32, %arg0, %c0_i32_0 : i32, i32, i32
  }
  func.func @transform_1(%arg0: i32) -> (i32, i32, i32) {
    %c0_i32 = arith.constant 0 : i32
    %c0_i32_0 = arith.constant 0 : i32
    %c0_i32_1 = arith.constant 0 : i32
    return %c0_i32, %arg0, %c0_i32_0 : i32, i32, i32
  }
  func.func @transform_2(%arg0: i32) -> (i32, i32, i32) {
    %c0_i32 = arith.constant 0 : i32
    %c0_i32_0 = arith.constant 0 : i32
    %c0_i32_1 = arith.constant 0 : i32
    return %c0_i32, %arg0, %c0_i32_0 : i32, i32, i32
  }
  func.func @transform_3(%arg0: i32) -> (i32, i32, i32) {
    %c0_i32 = arith.constant 0 : i32
    %c0_i32_0 = arith.constant 0 : i32
    %c0_i32_1 = arith.constant 0 : i32
    return %c0_i32, %arg0, %c0_i32_0 : i32, i32, i32
  }
  func.func @transform_4(%arg0: i32) -> (i32, i32) {
    %c0_i32 = arith.constant 0 : i32
    %c0_i32_0 = arith.constant 0 : i32
    return %arg0, %c0_i32 : i32, i32
  }
  func.func @transform_5(%arg0: i32) -> (i32, i32) {
    %c0_i32 = arith.constant 0 : i32
    %c0_i32_0 = arith.constant 0 : i32
    return %arg0, %c0_i32 : i32, i32
  }
  func.func @transform_6(%arg0: i32) -> (i32, i32) {
    %c0_i32 = arith.constant 0 : i32
    %c0_i32_0 = arith.constant 0 : i32
    return %arg0, %c0_i32 : i32, i32
  }
  func.func @transform_7(%arg0: i32) -> (i32, i32) {
    %c0_i32 = arith.constant 0 : i32
    %c0_i32_0 = arith.constant 0 : i32
    return %arg0, %c0_i32 : i32, i32
  }
  func.func @transform_8(%arg0: i32) -> (i32, i32) {
    %c0_i32 = arith.constant 0 : i32
    %c0_i32_0 = arith.constant 0 : i32
    return %arg0, %c0_i32 : i32, i32
  }
  func.func @transform_9(%arg0: i32) -> (i32, i32) {
    %c0_i32 = arith.constant 0 : i32
    %c0_i32_0 = arith.constant 0 : i32
    %c0_i32_1 = arith.constant 0 : i32
    return %c0_i32, %c0_i32_0 : i32, i32
  }
  func.func @transform_10(%arg0: i32) -> (i32, i32) {
    %c0_i32 = arith.constant 0 : i32
    %c0_i32_0 = arith.constant 0 : i32
    %c0_i32_1 = arith.constant 0 : i32
    return %c0_i32, %c0_i32_0 : i32, i32
  }
  func.func @transform_11(%arg0: i32) -> (i32, i32) {
    %c0_i32 = arith.constant 0 : i32
    %c0_i32_0 = arith.constant 0 : i32
    %c0_i32_1 = arith.constant 0 : i32
    return %c0_i32, %c0_i32_0 : i32, i32
  }
  func.func @transform_12(%arg0: i32) -> (i32, i32) {
    %c0_i32 = arith.constant 0 : i32
    %c0_i32_0 = arith.constant 0 : i32
    %c0_i32_1 = arith.constant 0 : i32
    return %c0_i32, %c0_i32_0 : i32, i32
  }
  func.func @transform_13(%arg0: i32) -> (i32, i32) {
    %c0_i32 = arith.constant 0 : i32
    %c0_i32_0 = arith.constant 0 : i32
    return %arg0, %c0_i32 : i32, i32
  }
}

</mosaic_0001>

<sc_bundles>
// kernel: kernel.12.cloned.1.call-start
scs
__scs_entry_jumppad:
0x0: {  	(pc) =	sbr.rel $0x88, $3  }
0x1: {  	(tag) =	ssettag $0x0;
	lr =	simm.s32 $0x1  }
0x2: {  	[smem:$0x3F99] =	sst lr;
	_ =	strace $0xD0000000  }
0x3: {  	_ = 	snop  }
0x4: {  	_ = 	snop  }
0x5: {  	_ = 	snop  }
0x6: {  	_ = 	snop  }
0x7: {  	_ = 	snop  }
__scs_overlays_trampoline_lowered:
0x8: {  	[smem:$0x3FA8] =	sst s0  }
0x9: {  	[smem:$0x3FA9] =	sst s1  }
0xa: {  	[smem:$0x3FAA] =	sst s2  }
0xb: {  	[smem:$0x3FAB] =	sst s3  }
0xc: {  	[smem:$0x3FAC] =	sst s4  }
0xd: {  	[smem:$0x3FAD] =	sst s5  }
0xe: {  	[smem:$0x3FAE] =	sst s6  }
0xf: {  	[smem:$0x3FAF] =	sst s7  }
0x10: {  	[smem:$0x3FB0] =	sst s8  }
0x11: {  	[smem:$0x3FB1] =	sst s9;
	s0 =	simm.s32 @!p0 $0x0  }
0x12: {  	s1 =	sld [smem:$0x3F97];
	s0 =	simm.s32 @p0 $0x1  }
0x13: {  	[smem:$0x3FB2] =	sst s0;
	s0 =	simm.s32 @!p1 $0x0  }
0x14: {  	s2 =	sld [smem:$0x3F96];
	s0 =	simm.s32 @p1 $0x1  }
0x15: {  	[smem:$0x3FB3] =	sst s0;
	s0 =	simm.s32 @!p2 $0x0  }
0x16: {  	s3 =	sld [smem:$0x3FDB];
	s0 =	simm.s32 @p2 $0x1  }
0x17: {  	s4 =	simm.s32 $0x1BF5;
	[smem:$0x3FB5] =	sst s0  }
0x18: {  	s0 =	sld [smem:$0x3F98];
	_ =	swait.ge [sflag:s4], $0x0  }
0x19: {  	s7 =	sld [smem:$0x3F99]  }
0x1a: {  	s8 =	sadd.s32 $0xFFFFE003, lr  }
0x1b: {  	s9 =	sadd.s32 $0xFFFFFEF7, lr;
	s5 =	simm.s32 $0xFFFFFFFF;
	p2 =	slt.u32 s8, $0xFFFFF086  }
0x1c: {  	p1 =	slt.u32 s9, $0xF7A;
	s5 =	simm.s32 @!p2 $0x0  }
0x1d: {  	s5 =	simm.s32 @p1 $0x1;
	p0 =	seq.s32 s7, s2  }
0x1e: {  	s7 =	smul.u32 @!p0 $0xF7A, s2;
	p2 =	seq.s32 @!p0 s5, $0x0  }
0x1f: {  	s9 =	smul.u32 $0xF7A, s1;
	s8 =	simm.s32 @!p0 $0x1BF5;
	p2 =	por !p2, p0  }
0x20: {  	[sflag:s8] =	ssyncset.s32 @!p0 $0xFFFFF086;
	s6 =	sadd.s32 @!p0 s3, s7;
	s7 =	simm.s32 @!p0 $0x108  }
0x21: {  	s3 =	sadd.s32 s3, s9;
	s6 =	sadd.s32 @!p0 $0x88, s6;
	s7 =	simm.s32 @p2 $0x1082  }
0x22: {  	[simem:s7], [sflag:s8] =	dma.local @!p0 [hbm:s6], $0xF7A  }
0x23: {  	s9 =	sor.u32 $0xD0000000, s2;
	s6 =	simm.s32 $0x108;
	_ =	swait.ge @!p0 [sflag:s8], $0x0  }
0x24: {  	s3 =	sadd.s32 $0x88, s3;
	s6 =	simm.s32 @!p1 $0x1082;
	[sflag:s4] =	ssyncset.s32 $0xFFFFF086  }
0x25: {  	[simem:s6], [sflag:s4] =	dma.local [hbm:s3], $0xF7A  }
0x26: {  	[smem:$0x3F99] =	sst s1;
	(tag) =	ssettag s2;
	_ =	strace s9  }
0x27: {  	s1 =	sld [smem:$0x3FA9]  }
0x28: {  	s2 =	sld [smem:$0x3FAA]  }
0x29: {  	s4 =	sld [smem:$0x3FAC]  }
0x2a: {  	p0 =	seq.s32 s5, $0x0;
	s5 =	sld [smem:$0x3FAD]  }
0x2b: {  	s6 =	sld [smem:$0x3FAE]  }
0x2c: {  	s7 =	sld [smem:$0x3FAF]  }
0x2d: {  	s3 =	simm.s32 $0x108;
	s8 =	sld [smem:$0x3FB0]  }
0x2e: {  	s3 =	simm.s32 @!p0 $0x1082;
	s9 =	sld [smem:$0x3FB1]  }
0x2f: {  	lr =	sadd.s32 s0, s3;
	s0 =	sld [smem:$0x3FA8]  }
0x30: {  	s3 =	sld [smem:$0x3FAB]  }
0x31: {  	[smem:$0x3FB4] =	sst s10  }
0x32: {  	s10 =	sld [smem:$0x3FB2];
	_ =	sdelay $0x3  }
0x33: {  	p0 =	seq.s32 s10, $0x1;
	s10 =	sld [smem:$0x3FB4];
	_ =	sdelay $0x3  }
0x34: {  	[smem:$0x3FB4] =	sst s10  }
0x35: {  	s10 =	sld [smem:$0x3FB3];
	_ =	sdelay $0x3  }
0x36: {  	p1 =	seq.s32 s10, $0x1;
	s10 =	sld [smem:$0x3FB4];
	_ =	sdelay $0x3  }
0x37: {  	[smem:$0x3FB4] =	sst s10  }
0x38: {  	s10 =	sld [smem:$0x3FB5]  }
0x39: {  	_ = 	snop;
	(pc) =	sbr.ind lr, $3  }
0x3a: {  	_ = 	snop  }
0x3b: {  	_ = 	snop  }
0x3c: {  	p2 =	seq.s32 s10, $0x1;
	s10 =	sld [smem:$0x3FB4]  }
0x3d: {  	_ =	shalt  }
0x3e: {  	_ =	shalt  }
0x3f: {  	_ =	shalt  }
0x40: {  	_ =	shalt  }
0x41: {  	_ =	shalt  }
0x42: {  	_ =	shalt  }
0x43: {  	_ =	shalt  }
0x44: {  	_ =	shalt  }
0x45: {  	_ =	shalt  }
0x46: {  	_ =	shalt  }
0x47: {  	_ =	shalt  }
0x48: {  	_ =	shalt  }
0x49: {  	_ =	shalt  }
0x4a: {  	_ =	shalt  }
0x4b: {  	_ =	shalt  }
0x4c: {  	_ =	shalt  }
0x4d: {  	_ =	shalt  }
0x4e: {  	_ =	shalt  }
0x4f: {  	_ =	shalt  }
0x50: {  	_ =	shalt  }
0x51: {  	_ =	shalt  }
0x52: {  	_ =	shalt  }
0x53: {  	_ =	shalt  }
0x54: {  	_ =	shalt  }
0x55: {  	_ =	shalt  }
0x56: {  	_ =	shalt  }
0x57: {  	_ =	shalt  }
0x58: {  	_ =	shalt  }
0x59: {  	_ =	shalt  }
0x5a: {  	_ =	shalt  }
0x5b: {  	_ =	shalt  }
0x5c: {  	_ =	shalt  }
0x5d: {  	_ =	shalt  }
0x5e: {  	_ =	shalt  }
0x5f: {  	_ =	shalt  }
0x60: {  	_ =	shalt  }
0x61: {  	_ =	shalt  }
0x62: {  	_ =	shalt  }
0x63: {  	_ =	shalt  }
0x64: {  	_ =	shalt  }
0x65: {  	_ =	shalt  }
0x66: {  	_ =	shalt  }
0x67: {  	_ =	shalt  }
0x68: {  	_ =	shalt  }
0x69: {  	_ =	shalt  }
0x6a: {  	_ =	shalt  }
0x6b: {  	_ =	shalt  }
0x6c: {  	_ =	shalt  }
0x6d: {  	_ =	shalt  }
0x6e: {  	_ =	shalt  }
0x6f: {  	_ =	shalt  }
0x70: {  	_ =	shalt  }
0x71: {  	_ =	shalt  }
0x72: {  	_ =	shalt  }
0x73: {  	_ =	shalt  }
0x74: {  	_ =	shalt  }
0x75: {  	_ =	shalt  }
0x76: {  	_ =	shalt  }
0x77: {  	_ =	shalt  }
0x78: {  	_ =	shalt  }
0x79: {  	_ =	shalt  }
0x7a: {  	_ =	shalt  }
0x7b: {  	_ =	shalt  }
0x7c: {  	_ =	shalt  }
0x7d: {  	_ =	shalt  }
0x7e: {  	_ =	shalt  }
0x7f: {  	_ =	shalt  }
0x80: {  	_ =	shalt  }
0x81: {  	_ =	shalt  }
0x82: {  	_ =	shalt  }
0x83: {  	_ =	shalt  }
0x84: {  	_ =	shalt  }
0x85: {  	_ =	shalt  }
0x86: {  	_ =	shalt  }
0x87: {  	_ =	shalt  }
.Lfunc_end0:
.L_simem_size_0:
called_computation_lowered:
.L_overlay_start_0:
0x88: {  	s2 =	sld [smem:$0x3FD9]  }
0x89: {  	s3 =	sld [smem:$0x3FFE];
	_ =	sdelay $0x1  }
0x8a: {  	s1 =	srdreg.scid  }
0x8b: {  	s0 =	sand.u32 $0x1, s1  }
0x8c: {  	s17 =	sshll.u32 s0, $0xA;
	s2 =	sadd.s32 s3, s2  }
0x8d: {  	s2 =	sadd.s32 s2, s17  }
0x8e: {  	[smem:$0x3FC0] =	sst s2  }
0x8f: {  	_ = 	snop  }
0x90: {  	s2 =	sld [smem:$0x3FD0];
	(tm) =	ssettm $0x1  }
0x91: {  	s18 =	sld [smem:$0x3FFB];
	_ =	sdelay $0x3  }
0x92: {  	_ =	strace s18  }
0x93: {  	s3 =	sld [smem:$0x3FFC];
	_ =	sdelay $0x3  }
0x94: {  	_ =	strace s3  }
0x95: {  	s3 =	sld [smem:$0x3FFD];
	_ =	sdelay $0x3  }
0x96: {  	_ =	strace s3  }
0x97: {  	_ =	strace $0x8FFFFFFF  }
0x98: {  	s19 =	sld [smem:$0x3FDB];
	_ =	sdelay $0x1  }
0x99: {  	s4 =	simm.s32 $_scs_section_size  }
0x9a: {  	s5 =	simm.s32 $_size__tile_overlayer_lowered;
	s6 =	simm.s32 $_tile_overlayer_lowered  }
0x9b: {  	s22 =	simm.s32 $0x1BFF;
	s21 =	sshll.u32 s6, $0x1;
	s3 =	sadd.s32 s4, s19  }
0x9c: {  	s7 =	simm.s32 $0x0;
	s20 =	sshll.u32 s5, $0x1;
	s5 =	sadd.s32 s21, s3  }
0x9d: {  	[timem:s7], [sflag:s22] =	dma.local [hbm:s5], s20  }
0x9e: {  	_ =	swait.ge [sflag:s22], s20  }
0x9f: {  	s4 =	ssub.s32 $0x0, s20;
	[sflag:s22] =	ssyncset.done $0x0  }
0xa0: {  	[sflag:s22] =	ssyncadd.s32 s4;
	_ =	sdelay $0x1  }
0xa1: {  	s23 =	simm.s32 $0x1B8B  }
0xa2: {  	_ =	swait.ge [sflag:s23], $0x1  }
0xa3: {  	[sflag:s23] =	ssyncset.done $0x0  }
0xa4: {  	s25 =	simm.s32 $0x1B8E;
	s24 =	sld [smem:$0x3FFE];
	[sflag:s23] =	ssyncadd.s32 $0xFFFFFFFF  }
0xa5: {  	s26 =	simm.s32 $execute0_lowered;
	[smem:$0x3FD2] =	sst s25  }
0xa6: {  	s5 =	sshll.u32 s26, $0x1;
	_ =	strace $0x80000046;
	[dreg:$0x1] =	wrdreg $0xFFFFFFFF  }
0xa7: {  	s28 =	simm.s32 $_size_execute0_lowered;
	s3 =	sadd.s32 s3, s5;
	[dreg:$0x0] =	wrdreg $0x0  }
0xa8: {  	s5 =	sshll.u32 s28, $0x1;
	[dreg:$0x2] =	wrdreg s3  }
0xa9: {  	[dreg:$0x3] =	wrdreg s5  }
0xaa: {  	[dreg:$0x4] =	wrdreg $0xC0  }
0xab: {  	_ =	task [dreg:s7], $0x5FFFF  }
0xac: {  	[dreg:$0x1] =	wrdreg $0xFFFFFFFF  }
0xad: {  	[dreg:$0x0] =	wrdreg $0x60  }
0xae: {  	[dreg:$0x2] =	wrdreg s24  }
0xaf: {  	[dreg:$0x3] =	wrdreg s2  }
0xb0: {  	[dreg:$0x4] =	wrdreg $0x54000  }
0xb1: {  	[dreg:$0x5] =	wrdreg $0x9  }
0xb2: {  	_ =	task.clear_ibuf [dreg:s7], $0x6FFFF;
	_ =	strace $0x90000046  }
0xb3: {  	s29 =	simm.s32 $0x9;
	_ =	strace $0x80000048  }
0xb4: {  	_ =	swait.ge [sflag:s29], $0x1  }
0xb5: {  	[sflag:s29] =	ssyncadd.s32 $0xFFFFFFFF  }
0xb6: {  	_ =	strace $0x90000048  }
0xb7: {  	_ =	sfence  }
0xb8: {  	s30 =	sld [smem:$0x0];
	_ =	sdelay $0x2  }
0xb9: {  	s31 =	sshll.u32 s1, $0xD;
	s1 =	sshrl.u32 s1, $0x2  }
0xba: {  	s3 =	sand.u32 $0x4000, s31;
	s1 =	sadd.s32 s1, s30  }
0xbb: {  	s0 =	sor.u32 s3, s0;
	s1 =	sshll.u32 s1, $0x11  }
0xbc: {  	s0 =	sor.u32 s1, s0  }
0xbd: {  	s0 =	sadd.s32 $0x8F2B, s0  }
0xbe: {  	[sflag:s0] =	ssyncadd.remote.s32 $0x1  }
0xbf: {  	_ =	sfence.sel $0xFFFF  }
0xc0: {  	[dreg:$0x0] =	wrdreg $0xFFFFFFFF;
	(pc) =	sbr.abs _section_cstart, $3  }
0xc1: {  	[dreg:$0x1] =	wrdreg $0xFFFFFFFF  }
0xc2: {  	_ =	task.clear_ibuf [dreg:s7], $0x2FFFF;
	_ =	strace $0x9FFFFFFF  }
0xc3: {  	(tm) =	ssettm $0x7FFFFFFF  }
tec
execute0_lowered:
.L_overlay_start_1:
0x0: {  	(tag) =	ssettag $0x1  }
0x1: {  	s5 =	rddreg [dreg:$0x0]  }
0x2: {  	s6 =	rddreg [dreg:$0x1]  }
0x3: {  	s0 =	srdreg.scid;
	s2 =	rddreg [dreg:$0x2];
	s3 =	simm.s32 $0x0  }
0x4: {  	s13 =	simm.s32 $0x80;
	s4 =	sand.u32 $0x1, s0;
	s0 =	stileid.u32  }
0x5: {  	s14 =	simm.s32 $0x0;
	[smem:$0x7FF] =	sst s3;
	s8 =	smul.u32 $0x13C00, s0  }
0x6: {  	s1 =	sshll.u32 s4, $0x4;
	s9 =	smul.u32 $0x13C000, s4;
	s10 =	ssub.s32 $0x2, s4  }
0x7: {  	s11 =	smul.u32 $0x4F000, s0;
	s4 =	sadd.s32 $0xF400, s5;
	s1 =	sor.u32 s0, s1  }
0x8: {  	s31 =	sshll.u32 s0, $0x6;
	s30 =	sshrl.u32 s10, $0x1;
	s7 =	smul.u32 $0x280, s1  }
0x9: {  	s1 =	rddreg [dreg:$0x3];
	_ =	strace $0x80000047;
	s9 =	sadd.s32 s8, s9  }
0xa: {  	s10 =	ssub.s32 s10, s30;
	s11 =	sshrl.u32 s11, $0x2;
	s8 =	sshrl.u32 s8, $0x3  }
0xb: {  	s9 =	sshrl.u32 s9, $0x3;
	s12 =	sadd.s32 s11, s2;
	s6 =	sadd.s32 s6, s8  }
0xc: {  	s8 =	smax.u32 s10, $0x1;
	s10 =	simm.s32 $0x1400;
	s11 =	sor.u32 $0x1C01, s31  }
0xd: {  	s7 =	sadd.s32 s7, s5;
	s9 =	sadd.s32 s9, s5;
	s12 =	sshrl.u32 s12, $0x3  }
0xe: {  	s5 =	sadd.s32 $0xA400, s7;
	s7 =	sadd.s32 $0xFC00, s9;
	s9 =	simm.s32 $0x1  }
.LBB2_1:
0xf: {  	[tilespmem:s3], [sflag:$0x1] =	stream.linear.gather [hbm4b:s5+s3], $0x1400, $0x38;
	[tilespmem:$0x19000] =	vst v63  }
0x10: {  	_ =	swait.ge [sflag:s9], $0x1400  }
0x11: {  	[sflag:s9] =	ssyncset.done $0x0  }
0x12: {  	[sflag:s9] =	ssyncadd.s32 $0xFFFFEC00  }
0x13: {  	[tilespmem:s10], [sflag:$0x1] =	stream.linear.gather [hbm4b:s4+s3], $0x4000, $0x38;
	[tilespmem:$0x19000] =	vst v63  }
0x14: {  	_ =	swait.ge [sflag:s9], $0x4000  }
0x15: {  	[sflag:s9] =	ssyncset.done $0x0  }
0x16: {  	[sflag:s9] =	ssyncadd.s32 $0xFFFFC000  }
0x17: {  	[spmem:s12], [sflag:s11] =	dma.local [hbm:s6], $0x2780  }
0x18: {  	_ =	swait.ge [sflag:s9], $0x2780  }
0x19: {  	[sflag:s9] =	ssyncset.done $0x0  }
0x1a: {  	[sflag:s9] =	ssyncadd.s32 $0xFFFFD880  }
0x1b: {  	s15 =	simm.s32 $0x0;
	[bflag:$0x0] =	sbarrier.arrive $0xFFFF  }
0x1c: {  	[spmem:s2] =	stream.indirect.scatter.add.f32 [tilespmem:s10], [sflag:$0x1], $0x80, s15, s13, $0xb8;
	[tilespmem:$0x19000] =	vst v63  }
0x1d: {  	_ =	swait.ge [sflag:s9], $0x4000  }
0x1e: {  	s15 =	simm.s32 $0x200;
	[sflag:s9] =	ssyncset.done $0x0  }
.LBB2_2:
0x1f: {  	s16 =	sshra.s32 s15, $0x2;
	[sflag:s9] =	ssyncadd.s32 $0xFFFFC000;
	p0 =	sne.s32 s15, $0x4E00  }
0x20: {  	[spmem:s2] =	stream.indirect.scatter.add.f32 [tilespmem:s10], [sflag:$0x1], $0x80, s16, s13, $0xb8;
	[tilespmem:$0x19000] =	vst v63  }
.Ltmp0:
0x21: {  	_ = 	snop;
	(pc) =	sbr.rel @p0 .LBB2_2-.Ltmp0, $4  }
0x22: {  	_ = 	snop  }
0x23: {  	s15 =	sadd.s32 $0x200, s15  }
0x24: {  	_ =	swait.ge [sflag:s9], $0x4000  }
0x25: {  	[sflag:s9] =	ssyncset.done $0x0  }
0x26: {  	s14 =	sadd.s32 $0x1, s14  }
0x27: {  	[sflag:s9] =	ssyncadd.s32 $0xFFFFC000;
	p0 =	sne.s32 s14, s8  }
.Ltmp1:
0x28: {  	[bflag:$0x0] =	sbarrier.arrive $0xFFFF;
	(pc) =	sbr.rel @p0 .LBB2_1-.Ltmp1, $4  }
0x29: {  	[hbm:s7], [sflag:s11] =	dma.local [spmem:s12], $0x2780  }
0x2a: {  	_ =	swait.ge [sflag:s9], $0x2780  }
0x2b: {  	[sflag:s9] =	ssyncset.done $0x0  }
0x2c: {  	[sflag:s9] =	ssyncadd.s32 $0xFFFFD880  }
0x2d: {  	_ =	sfence.sel $0x180000  }
0x2e: {  	[bflag:$0x0] =	sbarrier.arrive $0xFFFF  }
0x2f: {  	p0 =	sne.s32 s0, $0x0;
	_ =	strace $0x90000047  }
0x30: {  	s0 =	sadd.s32 @!p0 $0x100000, s1;
	[bflag:$0x2] =	sbarrier.arrive $0xFFFF  }
0x31: {  	[sflag:s0] =	ssyncadd.tile.s32 @!p0 $0x1;
	_ =	shalt  }
.Lfunc_end2:
_tile_overlayer_lowered:
.L_overlay_start_2:
0x32: {  	(tag) =	ssettag $0x2  }
0x33: {  	s0 =	rddreg [dreg:$0x0];
	s2 =	stileid.u32  }
0x34: {  	s1 =	rddreg [dreg:$0x1];
	p0 =	sne.s32 s2, $0x0  }
0x35: {  	s3 =	rddreg [dreg:$0x2];
	[bflag:$0x3] =	sbarrier.arrive $0xFFFF;
	s2 =	simm.s32 @!p0 $0x1C01  }
0x36: {  	[timem:s3], [sflag:s2] =	dma.local @!p0 [hbm:s0], s1  }
0x37: {  	s0 =	simm.s32 @!p0 $0x1  }
0x38: {  	_ =	swait.ge @!p0 [sflag:s0], s1  }
0x39: {  	s1 =	ssub.s32 @!p0 $0x0, s1;
	[sflag:s0] =	ssyncset.done @!p0 $0x0  }
0x3a: {  	[sflag:s0] =	ssyncadd.s32 @!p0 s1  }
0x3b: {  	[bflag:$0x3] =	sbarrier.arrive $0xFFFF  }
0x3c: {  	_ =	shalt  }

// kernel: kernel.15.cloned.1.call-start
scs
__scs_entry_jumppad:
0x0: {  	(pc) =	sbr.rel $0x88, $3  }
0x1: {  	(tag) =	ssettag $0x0;
	lr =	simm.s32 $0x1  }
0x2: {  	[smem:$0x3F99] =	sst lr;
	_ =	strace $0xD0000000  }
0x3: {  	_ = 	snop  }
0x4: {  	_ = 	snop  }
0x5: {  	_ = 	snop  }
0x6: {  	_ = 	snop  }
0x7: {  	_ = 	snop  }
__scs_overlays_trampoline_lowered:
0x8: {  	[smem:$0x3FA8] =	sst s0  }
0x9: {  	[smem:$0x3FA9] =	sst s1  }
0xa: {  	[smem:$0x3FAA] =	sst s2  }
0xb: {  	[smem:$0x3FAB] =	sst s3  }
0xc: {  	[smem:$0x3FAC] =	sst s4  }
0xd: {  	[smem:$0x3FAD] =	sst s5  }
0xe: {  	[smem:$0x3FAE] =	sst s6  }
0xf: {  	[smem:$0x3FAF] =	sst s7  }
0x10: {  	[smem:$0x3FB0] =	sst s8  }
0x11: {  	[smem:$0x3FB1] =	sst s9;
	s0 =	simm.s32 @!p0 $0x0  }
0x12: {  	s1 =	sld [smem:$0x3F97];
	s0 =	simm.s32 @p0 $0x1  }
0x13: {  	[smem:$0x3FB2] =	sst s0;
	s0 =	simm.s32 @!p1 $0x0  }
0x14: {  	s2 =	sld [smem:$0x3F96];
	s0 =	simm.s32 @p1 $0x1  }
0x15: {  	[smem:$0x3FB3] =	sst s0;
	s0 =	simm.s32 @!p2 $0x0  }
0x16: {  	s3 =	sld [smem:$0x3FDB];
	s0 =	simm.s32 @p2 $0x1  }
0x17: {  	s4 =	simm.s32 $0x1BF5;
	[smem:$0x3FB5] =	sst s0  }
0x18: {  	s0 =	sld [smem:$0x3F98];
	_ =	swait.ge [sflag:s4], $0x0  }
0x19: {  	s7 =	sld [smem:$0x3F99]  }
0x1a: {  	s8 =	sadd.s32 $0xFFFFE003, lr  }
0x1b: {  	s9 =	sadd.s32 $0xFFFFFEF7, lr;
	s5 =	simm.s32 $0xFFFFFFFF;
	p2 =	slt.u32 s8, $0xFFFFF086  }
0x1c: {  	p1 =	slt.u32 s9, $0xF7A;
	s5 =	simm.s32 @!p2 $0x0  }
0x1d: {  	s5 =	simm.s32 @p1 $0x1;
	p0 =	seq.s32 s7, s2  }
0x1e: {  	s7 =	smul.u32 @!p0 $0xF7A, s2;
	p2 =	seq.s32 @!p0 s5, $0x0  }
0x1f: {  	s9 =	smul.u32 $0xF7A, s1;
	s8 =	simm.s32 @!p0 $0x1BF5;
	p2 =	por !p2, p0  }
0x20: {  	[sflag:s8] =	ssyncset.s32 @!p0 $0xFFFFF086;
	s6 =	sadd.s32 @!p0 s3, s7;
	s7 =	simm.s32 @!p0 $0x108  }
0x21: {  	s3 =	sadd.s32 s3, s9;
	s6 =	sadd.s32 @!p0 $0x88, s6;
	s7 =	simm.s32 @p2 $0x1082  }
0x22: {  	[simem:s7], [sflag:s8] =	dma.local @!p0 [hbm:s6], $0xF7A  }
0x23: {  	s9 =	sor.u32 $0xD0000000, s2;
	s6 =	simm.s32 $0x108;
	_ =	swait.ge @!p0 [sflag:s8], $0x0  }
0x24: {  	s3 =	sadd.s32 $0x88, s3;
	s6 =	simm.s32 @!p1 $0x1082;
	[sflag:s4] =	ssyncset.s32 $0xFFFFF086  }
0x25: {  	[simem:s6], [sflag:s4] =	dma.local [hbm:s3], $0xF7A  }
0x26: {  	[smem:$0x3F99] =	sst s1;
	(tag) =	ssettag s2;
	_ =	strace s9  }
0x27: {  	s1 =	sld [smem:$0x3FA9]  }
0x28: {  	s2 =	sld [smem:$0x3FAA]  }
0x29: {  	s4 =	sld [smem:$0x3FAC]  }
0x2a: {  	p0 =	seq.s32 s5, $0x0;
	s5 =	sld [smem:$0x3FAD]  }
0x2b: {  	s6 =	sld [smem:$0x3FAE]  }
0x2c: {  	s7 =	sld [smem:$0x3FAF]  }
0x2d: {  	s3 =	simm.s32 $0x108;
	s8 =	sld [smem:$0x3FB0]  }
0x2e: {  	s3 =	simm.s32 @!p0 $0x1082;
	s9 =	sld [smem:$0x3FB1]  }
0x2f: {  	lr =	sadd.s32 s0, s3;
	s0 =	sld [smem:$0x3FA8]  }
0x30: {  	s3 =	sld [smem:$0x3FAB]  }
0x31: {  	[smem:$0x3FB4] =	sst s10  }
0x32: {  	s10 =	sld [smem:$0x3FB2];
	_ =	sdelay $0x3  }
0x33: {  	p0 =	seq.s32 s10, $0x1;
	s10 =	sld [smem:$0x3FB4];
	_ =	sdelay $0x3  }
0x34: {  	[smem:$0x3FB4] =	sst s10  }
0x35: {  	s10 =	sld [smem:$0x3FB3];
	_ =	sdelay $0x3  }
0x36: {  	p1 =	seq.s32 s10, $0x1;
	s10 =	sld [smem:$0x3FB4];
	_ =	sdelay $0x3  }
0x37: {  	[smem:$0x3FB4] =	sst s10  }
0x38: {  	s10 =	sld [smem:$0x3FB5]  }
0x39: {  	_ = 	snop;
	(pc) =	sbr.ind lr, $3  }
0x3a: {  	_ = 	snop  }
0x3b: {  	_ = 	snop  }
0x3c: {  	p2 =	seq.s32 s10, $0x1;
	s10 =	sld [smem:$0x3FB4]  }
0x3d: {  	_ =	shalt  }
0x3e: {  	_ =	shalt  }
0x3f: {  	_ =	shalt  }
0x40: {  	_ =	shalt  }
0x41: {  	_ =	shalt  }
0x42: {  	_ =	shalt  }
0x43: {  	_ =	shalt  }
0x44: {  	_ =	shalt  }
0x45: {  	_ =	shalt  }
0x46: {  	_ =	shalt  }
0x47: {  	_ =	shalt  }
0x48: {  	_ =	shalt  }
0x49: {  	_ =	shalt  }
0x4a: {  	_ =	shalt  }
0x4b: {  	_ =	shalt  }
0x4c: {  	_ =	shalt  }
0x4d: {  	_ =	shalt  }
0x4e: {  	_ =	shalt  }
0x4f: {  	_ =	shalt  }
0x50: {  	_ =	shalt  }
0x51: {  	_ =	shalt  }
0x52: {  	_ =	shalt  }
0x53: {  	_ =	shalt  }
0x54: {  	_ =	shalt  }
0x55: {  	_ =	shalt  }
0x56: {  	_ =	shalt  }
0x57: {  	_ =	shalt  }
0x58: {  	_ =	shalt  }
0x59: {  	_ =	shalt  }
0x5a: {  	_ =	shalt  }
0x5b: {  	_ =	shalt  }
0x5c: {  	_ =	shalt  }
0x5d: {  	_ =	shalt  }
0x5e: {  	_ =	shalt  }
0x5f: {  	_ =	shalt  }
0x60: {  	_ =	shalt  }
0x61: {  	_ =	shalt  }
0x62: {  	_ =	shalt  }
0x63: {  	_ =	shalt  }
0x64: {  	_ =	shalt  }
0x65: {  	_ =	shalt  }
0x66: {  	_ =	shalt  }
0x67: {  	_ =	shalt  }
0x68: {  	_ =	shalt  }
0x69: {  	_ =	shalt  }
0x6a: {  	_ =	shalt  }
0x6b: {  	_ =	shalt  }
0x6c: {  	_ =	shalt  }
0x6d: {  	_ =	shalt  }
0x6e: {  	_ =	shalt  }
0x6f: {  	_ =	shalt  }
0x70: {  	_ =	shalt  }
0x71: {  	_ =	shalt  }
0x72: {  	_ =	shalt  }
0x73: {  	_ =	shalt  }
0x74: {  	_ =	shalt  }
0x75: {  	_ =	shalt  }
0x76: {  	_ =	shalt  }
0x77: {  	_ =	shalt  }
0x78: {  	_ =	shalt  }
0x79: {  	_ =	shalt  }
0x7a: {  	_ =	shalt  }
0x7b: {  	_ =	shalt  }
0x7c: {  	_ =	shalt  }
0x7d: {  	_ =	shalt  }
0x7e: {  	_ =	shalt  }
0x7f: {  	_ =	shalt  }
0x80: {  	_ =	shalt  }
0x81: {  	_ =	shalt  }
0x82: {  	_ =	shalt  }
0x83: {  	_ =	shalt  }
0x84: {  	_ =	shalt  }
0x85: {  	_ =	shalt  }
0x86: {  	_ =	shalt  }
0x87: {  	_ =	shalt  }
.Lfunc_end0:
.L_simem_size_0:
called_computation.1_lowered:
.L_overlay_start_0:
0x88: {  	s2 =	sld [smem:$0x3FD9]  }
0x89: {  	s3 =	sld [smem:$0x3FFE];
	_ =	sdelay $0x1  }
0x8a: {  	s1 =	srdreg.scid  }
0x8b: {  	s0 =	sand.u32 $0x1, s1  }
0x8c: {  	s17 =	sshll.u32 s0, $0xA;
	s2 =	sadd.s32 s3, s2  }
0x8d: {  	s2 =	sadd.s32 s2, s17  }
0x8e: {  	[smem:$0x3FC0] =	sst s2  }
0x8f: {  	_ = 	snop  }
0x90: {  	s2 =	sld [smem:$0x3FD0];
	(tm) =	ssettm $0x1  }
0x91: {  	s18 =	sld [smem:$0x3FFB];
	_ =	sdelay $0x3  }
0x92: {  	_ =	strace s18  }
0x93: {  	s3 =	sld [smem:$0x3FFC];
	_ =	sdelay $0x3  }
0x94: {  	_ =	strace s3  }
0x95: {  	s3 =	sld [smem:$0x3FFD];
	_ =	sdelay $0x3  }
0x96: {  	_ =	strace s3  }
0x97: {  	_ =	strace $0x8FFFFFFF  }
0x98: {  	s19 =	sld [smem:$0x3FDB];
	_ =	sdelay $0x1  }
0x99: {  	s4 =	simm.s32 $_scs_section_size  }
0x9a: {  	s5 =	simm.s32 $_size__tile_overlayer_lowered;
	s6 =	simm.s32 $_tile_overlayer_lowered  }
0x9b: {  	s22 =	simm.s32 $0x1BFF;
	s21 =	sshll.u32 s6, $0x1;
	s3 =	sadd.s32 s4, s19  }
0x9c: {  	s7 =	simm.s32 $0x0;
	s20 =	sshll.u32 s5, $0x1;
	s5 =	sadd.s32 s21, s3  }
0x9d: {  	[timem:s7], [sflag:s22] =	dma.local [hbm:s5], s20  }
0x9e: {  	_ =	swait.ge [sflag:s22], s20  }
0x9f: {  	s4 =	ssub.s32 $0x0, s20;
	[sflag:s22] =	ssyncset.done $0x0  }
0xa0: {  	[sflag:s22] =	ssyncadd.s32 s4;
	_ =	sdelay $0x1  }
0xa1: {  	s23 =	simm.s32 $0x1B8B  }
0xa2: {  	_ =	swait.ge [sflag:s23], $0x1  }
0xa3: {  	[sflag:s23] =	ssyncset.done $0x0  }
0xa4: {  	s25 =	simm.s32 $0x1B8E;
	s24 =	sld [smem:$0x3FFE];
	[sflag:s23] =	ssyncadd.s32 $0xFFFFFFFF  }
0xa5: {  	s26 =	simm.s32 $execute0_lowered;
	[smem:$0x3FD2] =	sst s25  }
0xa6: {  	s5 =	sshll.u32 s26, $0x1;
	_ =	strace $0x80000049;
	[dreg:$0x1] =	wrdreg $0xFFFFFFFF  }
0xa7: {  	s28 =	simm.s32 $_size_execute0_lowered;
	s3 =	sadd.s32 s3, s5;
	[dreg:$0x0] =	wrdreg $0x0  }
0xa8: {  	s5 =	sshll.u32 s28, $0x1;
	[dreg:$0x2] =	wrdreg s3  }
0xa9: {  	[dreg:$0x3] =	wrdreg s5  }
0xaa: {  	[dreg:$0x4] =	wrdreg $0xC0  }
0xab: {  	_ =	task [dreg:s7], $0x5FFFF  }
0xac: {  	[dreg:$0x1] =	wrdreg $0xFFFFFFFF  }
0xad: {  	[dreg:$0x0] =	wrdreg $0x60  }
0xae: {  	[dreg:$0x2] =	wrdreg s24  }
0xaf: {  	[dreg:$0x3] =	wrdreg s2  }
0xb0: {  	[dreg:$0x4] =	wrdreg $0xA8000  }
0xb1: {  	[dreg:$0x5] =	wrdreg $0x9  }
0xb2: {  	_ =	task.clear_ibuf [dreg:s7], $0x6FFFF;
	_ =	strace $0x90000049  }
0xb3: {  	s29 =	simm.s32 $0x9;
	_ =	strace $0x8000004B  }
0xb4: {  	_ =	swait.ge [sflag:s29], $0x1  }
0xb5: {  	[sflag:s29] =	ssyncadd.s32 $0xFFFFFFFF  }
0xb6: {  	_ =	strace $0x9000004B  }
0xb7: {  	_ =	sfence  }
0xb8: {  	s30 =	sld [smem:$0x0];
	_ =	sdelay $0x2  }
0xb9: {  	s31 =	sshll.u32 s1, $0xD;
	s1 =	sshrl.u32 s1, $0x2  }
0xba: {  	s3 =	sand.u32 $0x4000, s31;
	s1 =	sadd.s32 s1, s30  }
0xbb: {  	s0 =	sor.u32 s3, s0;
	s1 =	sshll.u32 s1, $0x11  }
0xbc: {  	s0 =	sor.u32 s1, s0  }
0xbd: {  	s0 =	sadd.s32 $0x8F2B, s0  }
0xbe: {  	[sflag:s0] =	ssyncadd.remote.s32 $0x1  }
0xbf: {  	_ =	sfence.sel $0xFFFF  }
0xc0: {  	[dreg:$0x0] =	wrdreg $0xFFFFFFFF;
	(pc) =	sbr.abs _section_cstart, $3  }
0xc1: {  	[dreg:$0x1] =	wrdreg $0xFFFFFFFF  }
0xc2: {  	_ =	task.clear_ibuf [dreg:s7], $0x2FFFF;
	_ =	strace $0x9FFFFFFF  }
0xc3: {  	(tm) =	ssettm $0x7FFFFFFF  }
tec
execute0_lowered:
.L_overlay_start_1:
0x0: {  	(tag) =	ssettag $0x1  }
0x1: {  	s5 =	rddreg [dreg:$0x0]  }
0x2: {  	s7 =	rddreg [dreg:$0x1]  }
0x3: {  	s0 =	srdreg.scid;
	s2 =	rddreg [dreg:$0x2];
	s13 =	simm.s32 $0x1400  }
0x4: {  	s16 =	simm.s32 $0x40;
	s17 =	simm.s32 $0x2800;
	s18 =	simm.s32 $0x4800  }
0x5: {  	s19 =	simm.s32 $0x6800;
	s20 =	simm.s32 $0x1;
	s21 =	simm.s32 $0xC0  }
0x6: {  	s22 =	simm.s32 $0x8800;
	s23 =	simm.s32 $0x1440;
	s24 =	simm.s32 $0x2  }
0x7: {  	s25 =	simm.s32 $0x2780;
	s4 =	sand.u32 $0x1, s0;
	s0 =	stileid.u32  }
0x8: {  	s26 =	simm.s32 $0x27C0;
	s28 =	simm.s32 $0x0;
	s9 =	smul.u32 $0x13C00, s0  }
0x9: {  	s1 =	sshll.u32 s4, $0x4;
	s8 =	sshll.u32 s0, $0x7;
	s30 =	smul.u32 $0x13C000, s4  }
0xa: {  	s10 =	ssub.s32 $0x2, s4;
	s12 =	smul.u32 $0x4F000, s0;
	s4 =	sadd.s32 $0xA400, s5  }
0xb: {  	s14 =	sshll.u32 s0, $0x6;
	s1 =	sor.u32 s0, s1;
	s8 =	sand.u32 $0x380, s8  }
0xc: {  	s11 =	sshrl.u32 s10, $0x1;
	s14 =	sor.u32 $0x1C03, s14;
	s3 =	sshrl.u32 s1, $0x3  }
0xd: {  	s1 =	rddreg [dreg:$0x3];
	s10 =	ssub.s32 s10, s11;
	s31 =	sshrl.u32 s12, $0x2  }
0xe: {  	s11 =	simm.s32 $0x400;
	s6 =	smul.u32 $0xA000, s3;
	s3 =	simm.s32 $0x0  }
0xf: {  	s12 =	simm.s32 $0x3;
	s15 =	sadd.s32 s31, s2;
	[smem:$0x7FF] =	sst s3  }
0x10: {  	s15 =	sshrl.u32 s15, $0x3;
	s6 =	sor.u32 s8, s6;
	_ =	strace $0x8000004A  }
0x11: {  	s8 =	sadd.s32 s9, s30;
	s9 =	sshrl.u32 s9, $0x3;
	s6 =	sshrl.u32 s6, $0x3  }
0x12: {  	s8 =	sshrl.u32 s8, $0x3;
	s7 =	sadd.s32 s7, s9;
	s9 =	smax.u32 s10, $0x1  }
0x13: {  	s10 =	simm.s32 $0x80;
	s6 =	sadd.s32 s6, s5;
	s8 =	sadd.s32 s8, s5  }
0x14: {  	s5 =	sadd.s32 $0x5EC00, s6;
	s6 =	sadd.s32 $0x5400, s6;
	s8 =	sadd.s32 $0x8AE00, s8  }
.LBB2_1:
0x15: {  	[tilespmem:s3], [sflag:$0x3] =	stream.strided.gather [hbm4b:s5+s10], $0x1400, s11, s10, $0x38;
	[tilespmem:$0x1E400] =	vst v63  }
0x16: {  	_ =	swait.ge [sflag:s12], $0x1400  }
0x17: {  	[sflag:s12] =	ssyncset.done $0x0  }
0x18: {  	[sflag:s12] =	ssyncadd.s32 $0xFFFFEC00  }
0x19: {  	[tilespmem:s13], [sflag:$0x3] =	stream.strided.gather [hbm4b:s6+s10], $0x1400, s11, s10, $0x38;
	[tilespmem:$0x1E400] =	vst v63  }
0x1a: {  	_ =	swait.ge [sflag:s12], $0x1400  }
0x1b: {  	[sflag:s12] =	ssyncset.done $0x0  }
0x1c: {  	[sflag:s12] =	ssyncadd.s32 $0xFFFFEC00  }
0x1d: {  	[spmem:s15], [sflag:s14] =	dma.local [hbm:s7], $0x2780  }
0x1e: {  	_ =	swait.ge [sflag:s12], $0x2780  }
0x1f: {  	[sflag:s12] =	ssyncset.done $0x0  }
0x20: {  	[sflag:s12] =	ssyncadd.s32 $0xFFFFD880  }
0x21: {  	[bflag:$0x0] =	sbarrier.arrive $0xFFFF  }
0x22: {  	[tilespmem:s17], [sflag:$0x1] =	stream.indirect.gather [hbm4b:s4+s16], $0x80, s3, s16, $0xb8;
	[tilespmem:$0x1E400] =	vst v63  }
0x23: {  	_ = 	snop  }
0x24: {  	[tilespmem:s18], [sflag:$0x1] =	stream.indirect.gather [hbm4b:s4+s16], $0x80, s16, s16, $0xb8;
	[tilespmem:$0x1E400] =	vst v63  }
0x25: {  	_ = 	snop  }
0x26: {  	[tilespmem:s19], [sflag:$0x1] =	stream.indirect.gather [hbm4b:s4+s16], $0x80, s10, s16, $0xb8;
	[tilespmem:$0x1E400] =	vst v63  }
0x27: {  	_ =	swait.ge [sflag:s20], $0x2000  }
0x28: {  	[sflag:s20] =	ssyncset.done $0x0  }
0x29: {  	[sflag:s20] =	ssyncadd.s32 $0xFFFFE000  }
0x2a: {  	[spmem:s2] =	stream.indirect.scatter.add.f32 [tilespmem:s17], [sflag:$0x2], $0x80, s13, s16, $0xb8;
	[tilespmem:$0x1E400] =	vst v63  }
0x2b: {  	_ = 	snop  }
0x2c: {  	[tilespmem:s22], [sflag:$0x1] =	stream.indirect.gather [hbm4b:s4+s16], $0x80, s21, s16, $0xb8;
	[tilespmem:$0x1E400] =	vst v63  }
0x2d: {  	_ =	swait.ge [sflag:s20], $0x2000  }
0x2e: {  	[sflag:s20] =	ssyncset.done $0x0  }
0x2f: {  	[sflag:s20] =	ssyncadd.s32 $0xFFFFE000  }
0x30: {  	[spmem:s2] =	stream.indirect.scatter.add.f32 [tilespmem:s18], [sflag:$0x2], $0x80, s23, s16, $0xb8;
	[tilespmem:$0x1E400] =	vst v63  }
0x31: {  	_ =	swait.ge [sflag:s24], $0x2000  }
0x32: {  	[sflag:s24] =	ssyncset.done $0x0  }
0x33: {  	s29 =	simm.s32 $0x100;
	[sflag:s24] =	ssyncadd.s32 $0xFFFFE000  }
0x34: {  	[tilespmem:s17], [sflag:$0x1] =	stream.indirect.gather [hbm4b:s4+s16], $0x80, s29, s16, $0xb8;
	[tilespmem:$0x1E400] =	vst v63  }
0x35: {  	_ =	swait.ge [sflag:s20], $0x2000  }
0x36: {  	[sflag:s20] =	ssyncset.done $0x0  }
0x37: {  	s29 =	simm.s32 $0x1480;
	[sflag:s20] =	ssyncadd.s32 $0xFFFFE000  }
0x38: {  	[spmem:s2] =	stream.indirect.scatter.add.f32 [tilespmem:s19], [sflag:$0x2], $0x80, s29, s16, $0xb8;
	[tilespmem:$0x1E400] =	vst v63  }
0x39: {  	_ =	swait.ge [sflag:s24], $0x2000  }
0x3a: {  	[sflag:s24] =	ssyncset.done $0x0  }
0x3b: {  	s29 =	simm.s32 $0x140;
	[sflag:s24] =	ssyncadd.s32 $0xFFFFE000  }
0x3c: {  	[tilespmem:s18], [sflag:$0x1] =	stream.indirect.gather [hbm4b:s4+s16], $0x80, s29, s16, $0xb8;
	[tilespmem:$0x1E400] =	vst v63  }
0x3d: {  	_ =	swait.ge [sflag:s20], $0x2000  }
0x3e: {  	[sflag:s20] =	ssyncset.done $0x0  }
0x3f: {  	s29 =	simm.s32 $0x14C0;
	[sflag:s20] =	ssyncadd.s32 $0xFFFFE000  }
0x40: {  	[spmem:s2] =	stream.indirect.scatter.add.f32 [tilespmem:s22], [sflag:$0x2], $0x80, s29, s16, $0xb8;
	[tilespmem:$0x1E400] =	vst v63  }
0x41: {  	_ =	swait.ge [sflag:s24], $0x2000  }
0x42: {  	[sflag:s24] =	ssyncset.done $0x0  }
0x43: {  	s29 =	simm.s32 $0x180;
	[sflag:s24] =	ssyncadd.s32 $0xFFFFE000  }
0x44: {  	[tilespmem:s19], [sflag:$0x1] =	stream.indirect.gather [hbm4b:s4+s16], $0x80, s29, s16, $0xb8;
	[tilespmem:$0x1E400] =	vst v63  }
0x45: {  	_ =	swait.ge [sflag:s20], $0x2000  }
0x46: {  	[sflag:s20] =	ssyncset.done $0x0  }
0x47: {  	s29 =	simm.s32 $0x1500;
	[sflag:s20] =	ssyncadd.s32 $0xFFFFE000  }
0x48: {  	[spmem:s2] =	stream.indirect.scatter.add.f32 [tilespmem:s17], [sflag:$0x2], $0x80, s29, s16, $0xb8;
	[tilespmem:$0x1E400] =	vst v63  }
0x49: {  	_ =	swait.ge [sflag:s24], $0x2000  }
0x4a: {  	[sflag:s24] =	ssyncset.done $0x0  }
0x4b: {  	s29 =	simm.s32 $0x1C0;
	[sflag:s24] =	ssyncadd.s32 $0xFFFFE000  }
0x4c: {  	[tilespmem:s22], [sflag:$0x1] =	stream.indirect.gather [hbm4b:s4+s16], $0x80, s29, s16, $0xb8;
	[tilespmem:$0x1E400] =	vst v63  }
0x4d: {  	_ =	swait.ge [sflag:s20], $0x2000  }
0x4e: {  	[sflag:s20] =	ssyncset.done $0x0  }
0x4f: {  	s30 =	simm.s32 $0x1540;
	s29 =	simm.s32 $0x400;
	[sflag:s20] =	ssyncadd.s32 $0xFFFFE000  }
.LBB2_2:
0x50: {  	[spmem:s2] =	stream.indirect.scatter.add.f32 [tilespmem:s18], [sflag:$0x2], $0x80, s30, s16, $0xb8;
	[tilespmem:$0x1E400] =	vst v63  }
0x51: {  	s30 =	smov.u32 s29  }
0x52: {  	p0 =	sne.s32 s29, $0x4800;
	s29 =	sadd.s32 $0x400, s29;
	_ =	swait.ge [sflag:s24], $0x2000  }
0x53: {  	s30 =	sshra.s32 s30, $0x2;
	[sflag:s24] =	ssyncset.done $0x0  }
0x54: {  	s31 =	sadd.s32 $0x100, s30;
	[sflag:s24] =	ssyncadd.s32 $0xFFFFE000  }
0x55: {  	[tilespmem:s17], [sflag:$0x1] =	stream.indirect.gather [hbm4b:s4+s16], $0x80, s31, s16, $0xb8;
	[tilespmem:$0x1E400] =	vst v63  }
0x56: {  	_ =	swait.ge [sflag:s20], $0x2000  }
0x57: {  	[sflag:s20] =	ssyncset.done $0x0  }
0x58: {  	s31 =	sadd.s32 $0x1480, s30;
	[sflag:s20] =	ssyncadd.s32 $0xFFFFE000  }
0x59: {  	[spmem:s2] =	stream.indirect.scatter.add.f32 [tilespmem:s19], [sflag:$0x2], $0x80, s31, s16, $0xb8;
	[tilespmem:$0x1E400] =	vst v63  }
0x5a: {  	_ =	swait.ge [sflag:s24], $0x2000  }
0x5b: {  	[sflag:s24] =	ssyncset.done $0x0  }
0x5c: {  	s31 =	sadd.s32 $0x140, s30;
	[sflag:s24] =	ssyncadd.s32 $0xFFFFE000  }
0x5d: {  	[tilespmem:s18], [sflag:$0x1] =	stream.indirect.gather [hbm4b:s4+s16], $0x80, s31, s16, $0xb8;
	[tilespmem:$0x1E400] =	vst v63  }
0x5e: {  	_ =	swait.ge [sflag:s20], $0x2000  }
0x5f: {  	[sflag:s20] =	ssyncset.done $0x0  }
0x60: {  	s31 =	sadd.s32 $0x14C0, s30;
	[sflag:s20] =	ssyncadd.s32 $0xFFFFE000  }
0x61: {  	[spmem:s2] =	stream.indirect.scatter.add.f32 [tilespmem:s22], [sflag:$0x2], $0x80, s31, s16, $0xb8;
	[tilespmem:$0x1E400] =	vst v63  }
0x62: {  	_ =	swait.ge [sflag:s24], $0x2000  }
0x63: {  	[sflag:s24] =	ssyncset.done $0x0  }
0x64: {  	s31 =	sadd.s32 $0x180, s30;
	[sflag:s24] =	ssyncadd.s32 $0xFFFFE000  }
0x65: {  	[tilespmem:s19], [sflag:$0x1] =	stream.indirect.gather [hbm4b:s4+s16], $0x80, s31, s16, $0xb8;
	[tilespmem:$0x1E400] =	vst v63  }
0x66: {  	_ =	swait.ge [sflag:s20], $0x2000  }
0x67: {  	[sflag:s20] =	ssyncset.done $0x0  }
0x68: {  	s31 =	sadd.s32 $0x1500, s30;
	[sflag:s20] =	ssyncadd.s32 $0xFFFFE000  }
0x69: {  	[spmem:s2] =	stream.indirect.scatter.add.f32 [tilespmem:s17], [sflag:$0x2], $0x80, s31, s16, $0xb8;
	[tilespmem:$0x1E400] =	vst v63  }
0x6a: {  	_ =	swait.ge [sflag:s24], $0x2000  }
0x6b: {  	[sflag:s24] =	ssyncset.done $0x0  }
.Ltmp0:
0x6c: {  	s31 =	sadd.s32 $0x1C0, s30;
	[sflag:s24] =	ssyncadd.s32 $0xFFFFE000;
	(pc) =	sbr.rel @p0 .LBB2_2-.Ltmp0, $4  }
0x6d: {  	[tilespmem:s22], [sflag:$0x1] =	stream.indirect.gather [hbm4b:s4+s16], $0x80, s31, s16, $0xb8;
	[tilespmem:$0x1E400] =	vst v63  }
0x6e: {  	_ =	swait.ge [sflag:s20], $0x2000  }
0x6f: {  	[sflag:s20] =	ssyncset.done $0x0  }
0x70: {  	s30 =	sadd.s32 $0x1540, s30;
	[sflag:s20] =	ssyncadd.s32 $0xFFFFE000  }
0x71: {  	[spmem:s2] =	stream.indirect.scatter.add.f32 [tilespmem:s18], [sflag:$0x2], $0x80, s30, s16, $0xb8;
	[tilespmem:$0x1E400] =	vst v63  }
0x72: {  	_ =	swait.ge [sflag:s24], $0x2000  }
0x73: {  	[sflag:s24] =	ssyncset.done $0x0  }
0x74: {  	[sflag:s24] =	ssyncadd.s32 $0xFFFFE000  }
0x75: {  	_ =	swait.ge [sflag:s20], $0x2000  }
0x76: {  	[sflag:s20] =	ssyncset.done $0x0  }
0x77: {  	[sflag:s20] =	ssyncadd.s32 $0xFFFFE000  }
0x78: {  	[spmem:s2] =	stream.indirect.scatter.add.f32 [tilespmem:s19], [sflag:$0x2], $0x80, s25, s16, $0xb8;
	[tilespmem:$0x1E400] =	vst v63  }
0x79: {  	_ =	swait.ge [sflag:s24], $0x2000  }
0x7a: {  	[sflag:s24] =	ssyncset.done $0x0  }
0x7b: {  	[sflag:s24] =	ssyncadd.s32 $0xFFFFE000  }
0x7c: {  	_ =	swait.ge [sflag:s20], $0x2000  }
0x7d: {  	[sflag:s20] =	ssyncset.done $0x0  }
0x7e: {  	[sflag:s20] =	ssyncadd.s32 $0xFFFFE000  }
0x7f: {  	[spmem:s2] =	stream.indirect.scatter.add.f32 [tilespmem:s22], [sflag:$0x2], $0x80, s26, s16, $0xb8;
	[tilespmem:$0x1E400] =	vst v63  }
0x80: {  	_ =	swait.ge [sflag:s24], $0x2000  }
0x81: {  	[sflag:s24] =	ssyncset.done $0x0  }
0x82: {  	[sflag:s24] =	ssyncadd.s32 $0xFFFFE000  }
0x83: {  	_ =	swait.ge [sflag:s24], $0x2000  }
0x84: {  	s28 =	sadd.s32 $0x1, s28;
	[sflag:s24] =	ssyncset.done $0x0  }
0x85: {  	p0 =	sne.s32 s28, s9;
	[sflag:s24] =	ssyncadd.s32 $0xFFFFE000  }
.Ltmp1:
0x86: {  	[bflag:$0x0] =	sbarrier.arrive $0xFFFF;
	(pc) =	sbr.rel @p0 .LBB2_1-.Ltmp1, $4  }
0x87: {  	[hbm:s8], [sflag:s14] =	dma.local [spmem:s15], $0x2780  }
0x88: {  	_ =	swait.ge [sflag:s12], $0x2780  }
0x89: {  	[sflag:s12] =	ssyncset.done $0x0  }
0x8a: {  	[sflag:s12] =	ssyncadd.s32 $0xFFFFD880  }
0x8b: {  	_ =	sfence.sel $0x180000  }
0x8c: {  	[bflag:$0x0] =	sbarrier.arrive $0xFFFF  }
0x8d: {  	p0 =	sne.s32 s0, $0x0;
	_ =	strace $0x9000004A  }
0x8e: {  	s0 =	sadd.s32 @!p0 $0x100000, s1;
	[bflag:$0x2] =	sbarrier.arrive $0xFFFF  }
0x8f: {  	[sflag:s0] =	ssyncadd.tile.s32 @!p0 $0x1;
	_ =	shalt  }
.Lfunc_end2:
_tile_overlayer_lowered:
.L_overlay_start_2:
0x90: {  	(tag) =	ssettag $0x2  }
0x91: {  	s0 =	rddreg [dreg:$0x0];
	s2 =	stileid.u32  }
0x92: {  	s1 =	rddreg [dreg:$0x1];
	p0 =	sne.s32 s2, $0x0  }
0x93: {  	s3 =	rddreg [dreg:$0x2];
	[bflag:$0x3] =	sbarrier.arrive $0xFFFF;
	s2 =	simm.s32 @!p0 $0x1C03  }
0x94: {  	[timem:s3], [sflag:s2] =	dma.local @!p0 [hbm:s0], s1  }
0x95: {  	s0 =	simm.s32 @!p0 $0x3  }
0x96: {  	_ =	swait.ge @!p0 [sflag:s0], s1  }
0x97: {  	s1 =	ssub.s32 @!p0 $0x0, s1;
	[sflag:s0] =	ssyncset.done @!p0 $0x0  }
0x98: {  	[sflag:s0] =	ssyncadd.s32 @!p0 s1  }
0x99: {  	[bflag:$0x3] =	sbarrier.arrive $0xFFFF  }
0x9a: {  	_ =	shalt  }

// kernel: kernel.18.cloned.1.call-start
scs
__scs_entry_jumppad:
0x0: {  	(pc) =	sbr.rel $0x88, $3  }
0x1: {  	(tag) =	ssettag $0x0;
	lr =	simm.s32 $0x1  }
0x2: {  	[smem:$0x3F99] =	sst lr;
	_ =	strace $0xD0000000  }
0x3: {  	_ = 	snop  }
0x4: {  	_ = 	snop  }
0x5: {  	_ = 	snop  }
0x6: {  	_ = 	snop  }
0x7: {  	_ = 	snop  }
__scs_overlays_trampoline_lowered:
0x8: {  	[smem:$0x3FA8] =	sst s0  }
0x9: {  	[smem:$0x3FA9] =	sst s1  }
0xa: {  	[smem:$0x3FAA] =	sst s2  }
0xb: {  	[smem:$0x3FAB] =	sst s3  }
0xc: {  	[smem:$0x3FAC] =	sst s4  }
0xd: {  	[smem:$0x3FAD] =	sst s5  }
0xe: {  	[smem:$0x3FAE] =	sst s6  }
0xf: {  	[smem:$0x3FAF] =	sst s7  }
0x10: {  	[smem:$0x3FB0] =	sst s8  }
0x11: {  	[smem:$0x3FB1] =	sst s9;
	s0 =	simm.s32 @!p0 $0x0  }
0x12: {  	s1 =	sld [smem:$0x3F97];
	s0 =	simm.s32 @p0 $0x1  }
0x13: {  	[smem:$0x3FB2] =	sst s0;
	s0 =	simm.s32 @!p1 $0x0  }
0x14: {  	s2 =	sld [smem:$0x3F96];
	s0 =	simm.s32 @p1 $0x1  }
0x15: {  	[smem:$0x3FB3] =	sst s0;
	s0 =	simm.s32 @!p2 $0x0  }
0x16: {  	s3 =	sld [smem:$0x3FDB];
	s0 =	simm.s32 @p2 $0x1  }
0x17: {  	s4 =	simm.s32 $0x1BF5;
	[smem:$0x3FB5] =	sst s0  }
0x18: {  	s0 =	sld [smem:$0x3F98];
	_ =	swait.ge [sflag:s4], $0x0  }
0x19: {  	s7 =	sld [smem:$0x3F99]  }
0x1a: {  	s8 =	sadd.s32 $0xFFFFE003, lr  }
0x1b: {  	s9 =	sadd.s32 $0xFFFFFEF7, lr;
	s5 =	simm.s32 $0xFFFFFFFF;
	p2 =	slt.u32 s8, $0xFFFFF086  }
0x1c: {  	p1 =	slt.u32 s9, $0xF7A;
	s5 =	simm.s32 @!p2 $0x0  }
0x1d: {  	s5 =	simm.s32 @p1 $0x1;
	p0 =	seq.s32 s7, s2  }
0x1e: {  	s7 =	smul.u32 @!p0 $0xF7A, s2;
	p2 =	seq.s32 @!p0 s5, $0x0  }
0x1f: {  	s9 =	smul.u32 $0xF7A, s1;
	s8 =	simm.s32 @!p0 $0x1BF5;
	p2 =	por !p2, p0  }
0x20: {  	[sflag:s8] =	ssyncset.s32 @!p0 $0xFFFFF086;
	s6 =	sadd.s32 @!p0 s3, s7;
	s7 =	simm.s32 @!p0 $0x108  }
0x21: {  	s3 =	sadd.s32 s3, s9;
	s6 =	sadd.s32 @!p0 $0x88, s6;
	s7 =	simm.s32 @p2 $0x1082  }
0x22: {  	[simem:s7], [sflag:s8] =	dma.local @!p0 [hbm:s6], $0xF7A  }
0x23: {  	s9 =	sor.u32 $0xD0000000, s2;
	s6 =	simm.s32 $0x108;
	_ =	swait.ge @!p0 [sflag:s8], $0x0  }
0x24: {  	s3 =	sadd.s32 $0x88, s3;
	s6 =	simm.s32 @!p1 $0x1082;
	[sflag:s4] =	ssyncset.s32 $0xFFFFF086  }
0x25: {  	[simem:s6], [sflag:s4] =	dma.local [hbm:s3], $0xF7A  }
0x26: {  	[smem:$0x3F99] =	sst s1;
	(tag) =	ssettag s2;
	_ =	strace s9  }
0x27: {  	s1 =	sld [smem:$0x3FA9]  }
0x28: {  	s2 =	sld [smem:$0x3FAA]  }
0x29: {  	s4 =	sld [smem:$0x3FAC]  }
0x2a: {  	p0 =	seq.s32 s5, $0x0;
	s5 =	sld [smem:$0x3FAD]  }
0x2b: {  	s6 =	sld [smem:$0x3FAE]  }
0x2c: {  	s7 =	sld [smem:$0x3FAF]  }
0x2d: {  	s3 =	simm.s32 $0x108;
	s8 =	sld [smem:$0x3FB0]  }
0x2e: {  	s3 =	simm.s32 @!p0 $0x1082;
	s9 =	sld [smem:$0x3FB1]  }
0x2f: {  	lr =	sadd.s32 s0, s3;
	s0 =	sld [smem:$0x3FA8]  }
0x30: {  	s3 =	sld [smem:$0x3FAB]  }
0x31: {  	[smem:$0x3FB4] =	sst s10  }
0x32: {  	s10 =	sld [smem:$0x3FB2];
	_ =	sdelay $0x3  }
0x33: {  	p0 =	seq.s32 s10, $0x1;
	s10 =	sld [smem:$0x3FB4];
	_ =	sdelay $0x3  }
0x34: {  	[smem:$0x3FB4] =	sst s10  }
0x35: {  	s10 =	sld [smem:$0x3FB3];
	_ =	sdelay $0x3  }
0x36: {  	p1 =	seq.s32 s10, $0x1;
	s10 =	sld [smem:$0x3FB4];
	_ =	sdelay $0x3  }
0x37: {  	[smem:$0x3FB4] =	sst s10  }
0x38: {  	s10 =	sld [smem:$0x3FB5]  }
0x39: {  	_ = 	snop;
	(pc) =	sbr.ind lr, $3  }
0x3a: {  	_ = 	snop  }
0x3b: {  	_ = 	snop  }
0x3c: {  	p2 =	seq.s32 s10, $0x1;
	s10 =	sld [smem:$0x3FB4]  }
0x3d: {  	_ =	shalt  }
0x3e: {  	_ =	shalt  }
0x3f: {  	_ =	shalt  }
0x40: {  	_ =	shalt  }
0x41: {  	_ =	shalt  }
0x42: {  	_ =	shalt  }
0x43: {  	_ =	shalt  }
0x44: {  	_ =	shalt  }
0x45: {  	_ =	shalt  }
0x46: {  	_ =	shalt  }
0x47: {  	_ =	shalt  }
0x48: {  	_ =	shalt  }
0x49: {  	_ =	shalt  }
0x4a: {  	_ =	shalt  }
0x4b: {  	_ =	shalt  }
0x4c: {  	_ =	shalt  }
0x4d: {  	_ =	shalt  }
0x4e: {  	_ =	shalt  }
0x4f: {  	_ =	shalt  }
0x50: {  	_ =	shalt  }
0x51: {  	_ =	shalt  }
0x52: {  	_ =	shalt  }
0x53: {  	_ =	shalt  }
0x54: {  	_ =	shalt  }
0x55: {  	_ =	shalt  }
0x56: {  	_ =	shalt  }
0x57: {  	_ =	shalt  }
0x58: {  	_ =	shalt  }
0x59: {  	_ =	shalt  }
0x5a: {  	_ =	shalt  }
0x5b: {  	_ =	shalt  }
0x5c: {  	_ =	shalt  }
0x5d: {  	_ =	shalt  }
0x5e: {  	_ =	shalt  }
0x5f: {  	_ =	shalt  }
0x60: {  	_ =	shalt  }
0x61: {  	_ =	shalt  }
0x62: {  	_ =	shalt  }
0x63: {  	_ =	shalt  }
0x64: {  	_ =	shalt  }
0x65: {  	_ =	shalt  }
0x66: {  	_ =	shalt  }
0x67: {  	_ =	shalt  }
0x68: {  	_ =	shalt  }
0x69: {  	_ =	shalt  }
0x6a: {  	_ =	shalt  }
0x6b: {  	_ =	shalt  }
0x6c: {  	_ =	shalt  }
0x6d: {  	_ =	shalt  }
0x6e: {  	_ =	shalt  }
0x6f: {  	_ =	shalt  }
0x70: {  	_ =	shalt  }
0x71: {  	_ =	shalt  }
0x72: {  	_ =	shalt  }
0x73: {  	_ =	shalt  }
0x74: {  	_ =	shalt  }
0x75: {  	_ =	shalt  }
0x76: {  	_ =	shalt  }
0x77: {  	_ =	shalt  }
0x78: {  	_ =	shalt  }
0x79: {  	_ =	shalt  }
0x7a: {  	_ =	shalt  }
0x7b: {  	_ =	shalt  }
0x7c: {  	_ =	shalt  }
0x7d: {  	_ =	shalt  }
0x7e: {  	_ =	shalt  }
0x7f: {  	_ =	shalt  }
0x80: {  	_ =	shalt  }
0x81: {  	_ =	shalt  }
0x82: {  	_ =	shalt  }
0x83: {  	_ =	shalt  }
0x84: {  	_ =	shalt  }
0x85: {  	_ =	shalt  }
0x86: {  	_ =	shalt  }
0x87: {  	_ =	shalt  }
.Lfunc_end0:
.L_simem_size_0:
called_computation.2_lowered:
.L_overlay_start_0:
0x88: {  	s2 =	sld [smem:$0x3FD9]  }
0x89: {  	s3 =	sld [smem:$0x3FFE];
	_ =	sdelay $0x1  }
0x8a: {  	s1 =	srdreg.scid  }
0x8b: {  	s0 =	sand.u32 $0x1, s1  }
0x8c: {  	s17 =	sshll.u32 s0, $0xA;
	s2 =	sadd.s32 s3, s2  }
0x8d: {  	s2 =	sadd.s32 s2, s17  }
0x8e: {  	[smem:$0x3FC0] =	sst s2  }
0x8f: {  	_ = 	snop  }
0x90: {  	s18 =	sld [smem:$0x3FD0];
	(tm) =	ssettm $0x1  }
0x91: {  	s19 =	sld [smem:$0x3FFB];
	_ =	sdelay $0x3  }
0x92: {  	_ =	strace s19  }
0x93: {  	s2 =	sld [smem:$0x3FFC];
	_ =	sdelay $0x3  }
0x94: {  	_ =	strace s2  }
0x95: {  	s2 =	sld [smem:$0x3FFD];
	_ =	sdelay $0x3  }
0x96: {  	_ =	strace s2  }
0x97: {  	_ =	strace $0x8FFFFFFF  }
0x98: {  	s20 =	sld [smem:$0x3FDB];
	_ =	sdelay $0x1  }
0x99: {  	s4 =	simm.s32 $_scs_section_size  }
0x9a: {  	s5 =	simm.s32 $_size__tile_overlayer_lowered;
	s6 =	simm.s32 $_tile_overlayer_lowered  }
0x9b: {  	s7 =	simm.s32 $0x1BFF;
	s21 =	sshll.u32 s6, $0x1;
	s4 =	sadd.s32 s4, s20  }
0x9c: {  	s22 =	simm.s32 $0x0;
	s5 =	sshll.u32 s5, $0x1;
	s6 =	sadd.s32 s21, s4  }
0x9d: {  	[timem:s22], [sflag:s7] =	dma.local [hbm:s6], s5  }
0x9e: {  	_ =	swait.ge [sflag:s7], s5  }
0x9f: {  	s5 =	ssub.s32 $0x0, s5;
	[sflag:s7] =	ssyncset.done $0x0  }
0xa0: {  	[sflag:s7] =	ssyncadd.s32 s5;
	_ =	sdelay $0x1  }
0xa1: {  	s23 =	simm.s32 $0x1B8B  }
0xa2: {  	_ =	swait.ge [sflag:s23], $0x1  }
0xa3: {  	[sflag:s23] =	ssyncset.done $0x0  }
0xa4: {  	[sflag:s23] =	ssyncadd.s32 $0xFFFFFFFF  }
0xa5: {  	s5 =	sld [smem:$0x0]  }
0xa6: {  	s6 =	sand.u32 $0xFFFFFFFE, s1  }
0xa7: {  	p0 =	sne.s32 s1, s6  }
0xa8: {  	s6 =	sshll.u32 @p0 s6, $0xE  }
0xa9: {  	s6 =	sadd.s32 @p0 $0x11B8D, s6;
	s7 =	sshll.u32 @p0 s5, $0x11  }
0xaa: {  	s6 =	sor.u32 @p0 s7, s6  }
0xab: {  	[sflag:s6] =	ssyncadd.remote.s32 @p0 $0x1;
	_ =	sdelay $0x1  }
0xac: {  	s6 =	simm.s32 @p0 $0x1B8D  }
0xad: {  	_ =	swait.eq @p0 [sflag:s6], $0x1  }
0xae: {  	[sflag:s6] =	ssyncadd.s32 @p0 $0xFFFFFFFF  }
0xaf: {  	s7 =	sshll.u32 @!p0 s1, $0xE  }
0xb0: {  	s7 =	sor.u32 @!p0 $0x4000, s7;
	s6 =	simm.s32 @!p0 $0x1B8D  }
0xb1: {  	s5 =	sshll.u32 @!p0 s5, $0x11;
	s7 =	sadd.s32 @!p0 $0x11B8D, s7;
	_ =	swait.eq @!p0 [sflag:s6], $0x1  }
0xb2: {  	s5 =	sor.u32 @!p0 s5, s7;
	[sflag:s6] =	ssyncadd.s32 @!p0 $0xFFFFFFFF  }
0xb3: {  	s25 =	simm.s32 $0x1B8E;
	s24 =	sld [smem:$0x3FFE];
	[sflag:s5] =	ssyncadd.remote.s32 @!p0 $0x1  }
0xb4: {  	s26 =	simm.s32 $execute0_lowered;
	[smem:$0x3FD2] =	sst s25  }
0xb5: {  	s6 =	sshll.u32 s26, $0x1;
	_ =	strace $0x8000004C;
	[dreg:$0x1] =	wrdreg $0xFFFFFFFF  }
0xb6: {  	s28 =	simm.s32 $_size_execute0_lowered;
	s4 =	sadd.s32 s4, s6;
	[dreg:$0x0] =	wrdreg $0x0  }
0xb7: {  	s6 =	sshll.u32 s28, $0x1;
	[dreg:$0x2] =	wrdreg s4  }
0xb8: {  	[dreg:$0x3] =	wrdreg s6  }
0xb9: {  	[dreg:$0x4] =	wrdreg $0xC0  }
0xba: {  	_ =	task [dreg:s22], $0x5FFFF  }
0xbb: {  	[dreg:$0x1] =	wrdreg $0xFFFFFFFF  }
0xbc: {  	[dreg:$0x0] =	wrdreg $0x60  }
0xbd: {  	[dreg:$0x2] =	wrdreg s24  }
0xbe: {  	[dreg:$0x3] =	wrdreg s18  }
0xbf: {  	[dreg:$0x4] =	wrdreg $0xA8000  }
0xc0: {  	[dreg:$0x5] =	wrdreg $0xA  }
0xc1: {  	_ =	task.clear_ibuf [dreg:s22], $0x6FFFF;
	_ =	strace $0x9000004C  }
0xc2: {  	s29 =	simm.s32 $0xA;
	_ =	strace $0x8000004E  }
0xc3: {  	_ =	swait.ge [sflag:s29], $0x1  }
0xc4: {  	[sflag:s29] =	ssyncadd.s32 $0xFFFFFFFF  }
0xc5: {  	_ =	strace $0x9000004E  }
0xc6: {  	_ =	sfence  }
0xc7: {  	s30 =	sld [smem:$0x0];
	_ =	sdelay $0x2  }
0xc8: {  	s31 =	sshll.u32 s1, $0xD;
	s1 =	sshrl.u32 s1, $0x2  }
0xc9: {  	s4 =	sand.u32 $0x4000, s31;
	s1 =	sadd.s32 s1, s30  }
0xca: {  	s0 =	sor.u32 s4, s0;
	s1 =	sshll.u32 s1, $0x11  }
0xcb: {  	s0 =	sor.u32 s1, s0  }
0xcc: {  	s0 =	sadd.s32 $0x8F2B, s0  }
0xcd: {  	[sflag:s0] =	ssyncadd.remote.s32 $0x1  }
0xce: {  	_ =	sfence.sel $0xFFFF  }
0xcf: {  	[dreg:$0x0] =	wrdreg $0xFFFFFFFF;
	(pc) =	sbr.abs _section_cstart, $3  }
0xd0: {  	[dreg:$0x1] =	wrdreg $0xFFFFFFFF  }
0xd1: {  	_ =	task.clear_ibuf [dreg:s22], $0x2FFFF;
	_ =	strace $0x9FFFFFFF  }
0xd2: {  	(tm) =	ssettm $0x7FFFFFFF  }
0xd3: {  	_ =	shalt  }
tec
execute0_lowered:
.L_overlay_start_1:
0x0: {  	(tag) =	ssettag $0x1  }
0x1: {  	s5 =	rddreg [dreg:$0x0]  }
0x2: {  	s7 =	rddreg [dreg:$0x1]  }
0x3: {  	s0 =	srdreg.scid;
	s2 =	rddreg [dreg:$0x2];
	s13 =	simm.s32 $0x1400  }
0x4: {  	s16 =	simm.s32 $0x40;
	s17 =	simm.s32 $0x2800;
	s18 =	simm.s32 $0x4800  }
0x5: {  	s19 =	simm.s32 $0x6800;
	s20 =	simm.s32 $0x1;
	s21 =	simm.s32 $0xC0  }
0x6: {  	s22 =	simm.s32 $0x8800;
	s23 =	simm.s32 $0x1440;
	s24 =	simm.s32 $0x2  }
0x7: {  	s25 =	simm.s32 $0x2780;
	s4 =	sand.u32 $0x1, s0;
	s0 =	stileid.u32  }
0x8: {  	s26 =	simm.s32 $0x27C0;
	s28 =	simm.s32 $0x0;
	s9 =	smul.u32 $0x13C00, s0  }
0x9: {  	s1 =	sshll.u32 s4, $0x4;
	s8 =	sshll.u32 s0, $0x7;
	s30 =	smul.u32 $0x13C000, s4  }
0xa: {  	s10 =	ssub.s32 $0x2, s4;
	s12 =	smul.u32 $0x4F000, s0;
	s4 =	sadd.s32 $0x31600, s5  }
0xb: {  	s14 =	sshll.u32 s0, $0x6;
	s1 =	sor.u32 s0, s1;
	s8 =	sand.u32 $0x380, s8  }
0xc: {  	s11 =	sshrl.u32 s10, $0x1;
	s14 =	sor.u32 $0x1C03, s14;
	s3 =	sshrl.u32 s1, $0x3  }
0xd: {  	s1 =	rddreg [dreg:$0x3];
	s10 =	ssub.s32 s10, s11;
	s31 =	sshrl.u32 s12, $0x2  }
0xe: {  	s11 =	simm.s32 $0x400;
	s6 =	smul.u32 $0xA000, s3;
	s3 =	simm.s32 $0x0  }
0xf: {  	s12 =	simm.s32 $0x3;
	s15 =	sadd.s32 s31, s2;
	[smem:$0x7FF] =	sst s3  }
0x10: {  	s15 =	sshrl.u32 s15, $0x3;
	s6 =	sor.u32 s8, s6;
	_ =	strace $0x8000004D  }
0x11: {  	s8 =	sadd.s32 s9, s30;
	s9 =	sshrl.u32 s9, $0x3;
	s6 =	sshrl.u32 s6, $0x3  }
0x12: {  	s8 =	sshrl.u32 s8, $0x3;
	s7 =	sadd.s32 s7, s9;
	s9 =	smax.u32 s10, $0x1  }
0x13: {  	s10 =	simm.s32 $0x80;
	s6 =	sadd.s32 s6, s5;
	s8 =	sadd.s32 s8, s5  }
0x14: {  	s5 =	sadd.s32 $0x5EC00, s6;
	s6 =	sadd.s32 $0x5400, s6;
	s8 =	sadd.s32 $0xD9E00, s8  }
.LBB2_1:
0x15: {  	[tilespmem:s3], [sflag:$0x3] =	stream.strided.gather [hbm4b:s5+s10], $0x1400, s11, s10, $0x38;
	[tilespmem:$0x1E400] =	vst v63  }
0x16: {  	_ =	swait.ge [sflag:s12], $0x1400  }
0x17: {  	[sflag:s12] =	ssyncset.done $0x0  }
0x18: {  	[sflag:s12] =	ssyncadd.s32 $0xFFFFEC00  }
0x19: {  	[tilespmem:s13], [sflag:$0x3] =	stream.strided.gather [hbm4b:s6+s10], $0x1400, s11, s10, $0x38;
	[tilespmem:$0x1E400] =	vst v63  }
0x1a: {  	_ =	swait.ge [sflag:s12], $0x1400  }
0x1b: {  	[sflag:s12] =	ssyncset.done $0x0  }
0x1c: {  	[sflag:s12] =	ssyncadd.s32 $0xFFFFEC00  }
0x1d: {  	[spmem:s15], [sflag:s14] =	dma.local [hbm:s7], $0x2780  }
0x1e: {  	_ =	swait.ge [sflag:s12], $0x2780  }
0x1f: {  	[sflag:s12] =	ssyncset.done $0x0  }
0x20: {  	[sflag:s12] =	ssyncadd.s32 $0xFFFFD880  }
0x21: {  	[bflag:$0x0] =	sbarrier.arrive $0xFFFF  }
0x22: {  	[tilespmem:s17], [sflag:$0x1] =	stream.indirect.gather [hbm4b:s4+s16], $0x80, s3, s16, $0xb8;
	[tilespmem:$0x1E400] =	vst v63  }
0x23: {  	_ = 	snop  }
0x24: {  	[tilespmem:s18], [sflag:$0x1] =	stream.indirect.gather [hbm4b:s4+s16], $0x80, s16, s16, $0xb8;
	[tilespmem:$0x1E400] =	vst v63  }
0x25: {  	_ = 	snop  }
0x26: {  	[tilespmem:s19], [sflag:$0x1] =	stream.indirect.gather [hbm4b:s4+s16], $0x80, s10, s16, $0xb8;
	[tilespmem:$0x1E400] =	vst v63  }
0x27: {  	_ =	swait.ge [sflag:s20], $0x2000  }
0x28: {  	[sflag:s20] =	ssyncset.done $0x0  }
0x29: {  	[sflag:s20] =	ssyncadd.s32 $0xFFFFE000  }
0x2a: {  	[spmem:s2] =	stream.indirect.scatter.add.f32 [tilespmem:s17], [sflag:$0x2], $0x80, s13, s16, $0xb8;
	[tilespmem:$0x1E400] =	vst v63  }
0x2b: {  	_ = 	snop  }
0x2c: {  	[tilespmem:s22], [sflag:$0x1] =	stream.indirect.gather [hbm4b:s4+s16], $0x80, s21, s16, $0xb8;
	[tilespmem:$0x1E400] =	vst v63  }
0x2d: {  	_ =	swait.ge [sflag:s20], $0x2000  }
0x2e: {  	[sflag:s20] =	ssyncset.done $0x0  }
0x2f: {  	[sflag:s20] =	ssyncadd.s32 $0xFFFFE000  }
0x30: {  	[spmem:s2] =	stream.indirect.scatter.add.f32 [tilespmem:s18], [sflag:$0x2], $0x80, s23, s16, $0xb8;
	[tilespmem:$0x1E400] =	vst v63  }
0x31: {  	_ =	swait.ge [sflag:s24], $0x2000  }
0x32: {  	[sflag:s24] =	ssyncset.done $0x0  }
0x33: {  	s29 =	simm.s32 $0x100;
	[sflag:s24] =	ssyncadd.s32 $0xFFFFE000  }
0x34: {  	[tilespmem:s17], [sflag:$0x1] =	stream.indirect.gather [hbm4b:s4+s16], $0x80, s29, s16, $0xb8;
	[tilespmem:$0x1E400] =	vst v63  }
0x35: {  	_ =	swait.ge [sflag:s20], $0x2000  }
0x36: {  	[sflag:s20] =	ssyncset.done $0x0  }
0x37: {  	s29 =	simm.s32 $0x1480;
	[sflag:s20] =	ssyncadd.s32 $0xFFFFE000  }
0x38: {  	[spmem:s2] =	stream.indirect.scatter.add.f32 [tilespmem:s19], [sflag:$0x2], $0x80, s29, s16, $0xb8;
	[tilespmem:$0x1E400] =	vst v63  }
0x39: {  	_ =	swait.ge [sflag:s24], $0x2000  }
0x3a: {  	[sflag:s24] =	ssyncset.done $0x0  }
0x3b: {  	s29 =	simm.s32 $0x140;
	[sflag:s24] =	ssyncadd.s32 $0xFFFFE000  }
0x3c: {  	[tilespmem:s18], [sflag:$0x1] =	stream.indirect.gather [hbm4b:s4+s16], $0x80, s29, s16, $0xb8;
	[tilespmem:$0x1E400] =	vst v63  }
0x3d: {  	_ =	swait.ge [sflag:s20], $0x2000  }
0x3e: {  	[sflag:s20] =	ssyncset.done $0x0  }
0x3f: {  	s29 =	simm.s32 $0x14C0;
	[sflag:s20] =	ssyncadd.s32 $0xFFFFE000  }
0x40: {  	[spmem:s2] =	stream.indirect.scatter.add.f32 [tilespmem:s22], [sflag:$0x2], $0x80, s29, s16, $0xb8;
	[tilespmem:$0x1E400] =	vst v63  }
0x41: {  	_ =	swait.ge [sflag:s24], $0x2000  }
0x42: {  	[sflag:s24] =	ssyncset.done $0x0  }
0x43: {  	s29 =	simm.s32 $0x180;
	[sflag:s24] =	ssyncadd.s32 $0xFFFFE000  }
0x44: {  	[tilespmem:s19], [sflag:$0x1] =	stream.indirect.gather [hbm4b:s4+s16], $0x80, s29, s16, $0xb8;
	[tilespmem:$0x1E400] =	vst v63  }
0x45: {  	_ =	swait.ge [sflag:s20], $0x2000  }
0x46: {  	[sflag:s20] =	ssyncset.done $0x0  }
0x47: {  	s29 =	simm.s32 $0x1500;
	[sflag:s20] =	ssyncadd.s32 $0xFFFFE000  }
0x48: {  	[spmem:s2] =	stream.indirect.scatter.add.f32 [tilespmem:s17], [sflag:$0x2], $0x80, s29, s16, $0xb8;
	[tilespmem:$0x1E400] =	vst v63  }
0x49: {  	_ =	swait.ge [sflag:s24], $0x2000  }
0x4a: {  	[sflag:s24] =	ssyncset.done $0x0  }
0x4b: {  	s29 =	simm.s32 $0x1C0;
	[sflag:s24] =	ssyncadd.s32 $0xFFFFE000  }
0x4c: {  	[tilespmem:s22], [sflag:$0x1] =	stream.indirect.gather [hbm4b:s4+s16], $0x80, s29, s16, $0xb8;
	[tilespmem:$0x1E400] =	vst v63  }
0x4d: {  	_ =	swait.ge [sflag:s20], $0x2000  }
0x4e: {  	[sflag:s20] =	ssyncset.done $0x0  }
0x4f: {  	s30 =	simm.s32 $0x1540;
	s29 =	simm.s32 $0x400;
	[sflag:s20] =	ssyncadd.s32 $0xFFFFE000  }
.LBB2_2:
0x50: {  	[spmem:s2] =	stream.indirect.scatter.add.f32 [tilespmem:s18], [sflag:$0x2], $0x80, s30, s16, $0xb8;
	[tilespmem:$0x1E400] =	vst v63  }
0x51: {  	s30 =	smov.u32 s29  }
0x52: {  	p0 =	sne.s32 s29, $0x4800;
	s29 =	sadd.s32 $0x400, s29;
	_ =	swait.ge [sflag:s24], $0x2000  }
0x53: {  	s30 =	sshra.s32 s30, $0x2;
	[sflag:s24] =	ssyncset.done $0x0  }
0x54: {  	s31 =	sadd.s32 $0x100, s30;
	[sflag:s24] =	ssyncadd.s32 $0xFFFFE000  }
0x55: {  	[tilespmem:s17], [sflag:$0x1] =	stream.indirect.gather [hbm4b:s4+s16], $0x80, s31, s16, $0xb8;
	[tilespmem:$0x1E400] =	vst v63  }
0x56: {  	_ =	swait.ge [sflag:s20], $0x2000  }
0x57: {  	[sflag:s20] =	ssyncset.done $0x0  }
0x58: {  	s31 =	sadd.s32 $0x1480, s30;
	[sflag:s20] =	ssyncadd.s32 $0xFFFFE000  }
0x59: {  	[spmem:s2] =	stream.indirect.scatter.add.f32 [tilespmem:s19], [sflag:$0x2], $0x80, s31, s16, $0xb8;
	[tilespmem:$0x1E400] =	vst v63  }
0x5a: {  	_ =	swait.ge [sflag:s24], $0x2000  }
0x5b: {  	[sflag:s24] =	ssyncset.done $0x0  }
0x5c: {  	s31 =	sadd.s32 $0x140, s30;
	[sflag:s24] =	ssyncadd.s32 $0xFFFFE000  }
0x5d: {  	[tilespmem:s18], [sflag:$0x1] =	stream.indirect.gather [hbm4b:s4+s16], $0x80, s31, s16, $0xb8;
	[tilespmem:$0x1E400] =	vst v63  }
0x5e: {  	_ =	swait.ge [sflag:s20], $0x2000  }
0x5f: {  	[sflag:s20] =	ssyncset.done $0x0  }
0x60: {  	s31 =	sadd.s32 $0x14C0, s30;
	[sflag:s20] =	ssyncadd.s32 $0xFFFFE000  }
0x61: {  	[spmem:s2] =	stream.indirect.scatter.add.f32 [tilespmem:s22], [sflag:$0x2], $0x80, s31, s16, $0xb8;
	[tilespmem:$0x1E400] =	vst v63  }
0x62: {  	_ =	swait.ge [sflag:s24], $0x2000  }
0x63: {  	[sflag:s24] =	ssyncset.done $0x0  }
0x64: {  	s31 =	sadd.s32 $0x180, s30;
	[sflag:s24] =	ssyncadd.s32 $0xFFFFE000  }
0x65: {  	[tilespmem:s19], [sflag:$0x1] =	stream.indirect.gather [hbm4b:s4+s16], $0x80, s31, s16, $0xb8;
	[tilespmem:$0x1E400] =	vst v63  }
0x66: {  	_ =	swait.ge [sflag:s20], $0x2000  }
0x67: {  	[sflag:s20] =	ssyncset.done $0x0  }
0x68: {  	s31 =	sadd.s32 $0x1500, s30;
	[sflag:s20] =	ssyncadd.s32 $0xFFFFE000  }
0x69: {  	[spmem:s2] =	stream.indirect.scatter.add.f32 [tilespmem:s17], [sflag:$0x2], $0x80, s31, s16, $0xb8;
	[tilespmem:$0x1E400] =	vst v63  }
0x6a: {  	_ =	swait.ge [sflag:s24], $0x2000  }
0x6b: {  	[sflag:s24] =	ssyncset.done $0x0  }
.Ltmp0:
0x6c: {  	s31 =	sadd.s32 $0x1C0, s30;
	[sflag:s24] =	ssyncadd.s32 $0xFFFFE000;
	(pc) =	sbr.rel @p0 .LBB2_2-.Ltmp0, $4  }
0x6d: {  	[tilespmem:s22], [sflag:$0x1] =	stream.indirect.gather [hbm4b:s4+s16], $0x80, s31, s16, $0xb8;
	[tilespmem:$0x1E400] =	vst v63  }
0x6e: {  	_ =	swait.ge [sflag:s20], $0x2000  }
0x6f: {  	[sflag:s20] =	ssyncset.done $0x0  }
0x70: {  	s30 =	sadd.s32 $0x1540, s30;
	[sflag:s20] =	ssyncadd.s32 $0xFFFFE000  }
0x71: {  	[spmem:s2] =	stream.indirect.scatter.add.f32 [tilespmem:s18], [sflag:$0x2], $0x80, s30, s16, $0xb8;
	[tilespmem:$0x1E400] =	vst v63  }
0x72: {  	_ =	swait.ge [sflag:s24], $0x2000  }
0x73: {  	[sflag:s24] =	ssyncset.done $0x0  }
0x74: {  	[sflag:s24] =	ssyncadd.s32 $0xFFFFE000  }
0x75: {  	_ =	swait.ge [sflag:s20], $0x2000  }
0x76: {  	[sflag:s20] =	ssyncset.done $0x0  }
0x77: {  	[sflag:s20] =	ssyncadd.s32 $0xFFFFE000  }
0x78: {  	[spmem:s2] =	stream.indirect.scatter.add.f32 [tilespmem:s19], [sflag:$0x2], $0x80, s25, s16, $0xb8;
	[tilespmem:$0x1E400] =	vst v63  }
0x79: {  	_ =	swait.ge [sflag:s24], $0x2000  }
0x7a: {  	[sflag:s24] =	ssyncset.done $0x0  }
0x7b: {  	[sflag:s24] =	ssyncadd.s32 $0xFFFFE000  }
0x7c: {  	_ =	swait.ge [sflag:s20], $0x2000  }
0x7d: {  	[sflag:s20] =	ssyncset.done $0x0  }
0x7e: {  	[sflag:s20] =	ssyncadd.s32 $0xFFFFE000  }
0x7f: {  	[spmem:s2] =	stream.indirect.scatter.add.f32 [tilespmem:s22], [sflag:$0x2], $0x80, s26, s16, $0xb8;
	[tilespmem:$0x1E400] =	vst v63  }
0x80: {  	_ =	swait.ge [sflag:s24], $0x2000  }
0x81: {  	[sflag:s24] =	ssyncset.done $0x0  }
0x82: {  	[sflag:s24] =	ssyncadd.s32 $0xFFFFE000  }
0x83: {  	_ =	swait.ge [sflag:s24], $0x2000  }
0x84: {  	s28 =	sadd.s32 $0x1, s28;
	[sflag:s24] =	ssyncset.done $0x0  }
0x85: {  	p0 =	sne.s32 s28, s9;
	[sflag:s24] =	ssyncadd.s32 $0xFFFFE000  }
.Ltmp1:
0x86: {  	[bflag:$0x0] =	sbarrier.arrive $0xFFFF;
	(pc) =	sbr.rel @p0 .LBB2_1-.Ltmp1, $4  }
0x87: {  	[hbm:s8], [sflag:s14] =	dma.local [spmem:s15], $0x2780  }
0x88: {  	_ =	swait.ge [sflag:s12], $0x2780  }
0x89: {  	[sflag:s12] =	ssyncset.done $0x0  }
0x8a: {  	[sflag:s12] =	ssyncadd.s32 $0xFFFFD880  }
0x8b: {  	_ =	sfence.sel $0x180000  }
0x8c: {  	[bflag:$0x0] =	sbarrier.arrive $0xFFFF  }
0x8d: {  	p0 =	sne.s32 s0, $0x0;
	_ =	strace $0x9000004D  }
0x8e: {  	s0 =	sadd.s32 @!p0 $0x100000, s1;
	[bflag:$0x2] =	sbarrier.arrive $0xFFFF  }
0x8f: {  	[sflag:s0] =	ssyncadd.tile.s32 @!p0 $0x1;
	_ =	shalt  }
.Lfunc_end2:
_tile_overlayer_lowered:
.L_overlay_start_2:
0x90: {  	(tag) =	ssettag $0x2  }
0x91: {  	s0 =	rddreg [dreg:$0x0];
	s2 =	stileid.u32  }
0x92: {  	s1 =	rddreg [dreg:$0x1];
	p0 =	sne.s32 s2, $0x0  }
0x93: {  	s3 =	rddreg [dreg:$0x2];
	[bflag:$0x3] =	sbarrier.arrive $0xFFFF;
	s2 =	simm.s32 @!p0 $0x1C03  }
0x94: {  	[timem:s3], [sflag:s2] =	dma.local @!p0 [hbm:s0], s1  }
0x95: {  	s0 =	simm.s32 @!p0 $0x3  }
0x96: {  	_ =	swait.ge @!p0 [sflag:s0], s1  }
0x97: {  	s1 =	ssub.s32 @!p0 $0x0, s1;
	[sflag:s0] =	ssyncset.done @!p0 $0x0  }
0x98: {  	[sflag:s0] =	ssyncadd.s32 @!p0 s1  }
0x99: {  	[bflag:$0x3] =	sbarrier.arrive $0xFFFF  }
0x9a: {  	_ =	shalt  }

// kernel: kernel.21.cloned.1.call-start
scs
__scs_entry_jumppad:
0x0: {  	(pc) =	sbr.rel $0x88, $3  }
0x1: {  	(tag) =	ssettag $0x0;
	lr =	simm.s32 $0x1  }
0x2: {  	[smem:$0x3F99] =	sst lr;
	_ =	strace $0xD0000000  }
0x3: {  	_ = 	snop  }
0x4: {  	_ = 	snop  }
0x5: {  	_ = 	snop  }
0x6: {  	_ = 	snop  }
0x7: {  	_ = 	snop  }
__scs_overlays_trampoline_lowered:
0x8: {  	[smem:$0x3FA8] =	sst s0  }
0x9: {  	[smem:$0x3FA9] =	sst s1  }
0xa: {  	[smem:$0x3FAA] =	sst s2  }
0xb: {  	[smem:$0x3FAB] =	sst s3  }
0xc: {  	[smem:$0x3FAC] =	sst s4  }
0xd: {  	[smem:$0x3FAD] =	sst s5  }
0xe: {  	[smem:$0x3FAE] =	sst s6  }
0xf: {  	[smem:$0x3FAF] =	sst s7  }
0x10: {  	[smem:$0x3FB0] =	sst s8  }
0x11: {  	[smem:$0x3FB1] =	sst s9;
	s0 =	simm.s32 @!p0 $0x0  }
0x12: {  	s1 =	sld [smem:$0x3F97];
	s0 =	simm.s32 @p0 $0x1  }
0x13: {  	[smem:$0x3FB2] =	sst s0;
	s0 =	simm.s32 @!p1 $0x0  }
0x14: {  	s2 =	sld [smem:$0x3F96];
	s0 =	simm.s32 @p1 $0x1  }
0x15: {  	[smem:$0x3FB3] =	sst s0;
	s0 =	simm.s32 @!p2 $0x0  }
0x16: {  	s3 =	sld [smem:$0x3FDB];
	s0 =	simm.s32 @p2 $0x1  }
0x17: {  	s4 =	simm.s32 $0x1BF5;
	[smem:$0x3FB5] =	sst s0  }
0x18: {  	s0 =	sld [smem:$0x3F98];
	_ =	swait.ge [sflag:s4], $0x0  }
0x19: {  	s7 =	sld [smem:$0x3F99]  }
0x1a: {  	s8 =	sadd.s32 $0xFFFFE003, lr  }
0x1b: {  	s9 =	sadd.s32 $0xFFFFFEF7, lr;
	s5 =	simm.s32 $0xFFFFFFFF;
	p2 =	slt.u32 s8, $0xFFFFF086  }
0x1c: {  	p1 =	slt.u32 s9, $0xF7A;
	s5 =	simm.s32 @!p2 $0x0  }
0x1d: {  	s5 =	simm.s32 @p1 $0x1;
	p0 =	seq.s32 s7, s2  }
0x1e: {  	s7 =	smul.u32 @!p0 $0xF7A, s2;
	p2 =	seq.s32 @!p0 s5, $0x0  }
0x1f: {  	s9 =	smul.u32 $0xF7A, s1;
	s8 =	simm.s32 @!p0 $0x1BF5;
	p2 =	por !p2, p0  }
0x20: {  	[sflag:s8] =	ssyncset.s32 @!p0 $0xFFFFF086;
	s6 =	sadd.s32 @!p0 s3, s7;
	s7 =	simm.s32 @!p0 $0x108  }
0x21: {  	s3 =	sadd.s32 s3, s9;
	s6 =	sadd.s32 @!p0 $0x88, s6;
	s7 =	simm.s32 @p2 $0x1082  }
0x22: {  	[simem:s7], [sflag:s8] =	dma.local @!p0 [hbm:s6], $0xF7A  }
0x23: {  	s9 =	sor.u32 $0xD0000000, s2;
	s6 =	simm.s32 $0x108;
	_ =	swait.ge @!p0 [sflag:s8], $0x0  }
0x24: {  	s3 =	sadd.s32 $0x88, s3;
	s6 =	simm.s32 @!p1 $0x1082;
	[sflag:s4] =	ssyncset.s32 $0xFFFFF086  }
0x25: {  	[simem:s6], [sflag:s4] =	dma.local [hbm:s3], $0xF7A  }
0x26: {  	[smem:$0x3F99] =	sst s1;
	(tag) =	ssettag s2;
	_ =	strace s9  }
0x27: {  	s1 =	sld [smem:$0x3FA9]  }
0x28: {  	s2 =	sld [smem:$0x3FAA]  }
0x29: {  	s4 =	sld [smem:$0x3FAC]  }
0x2a: {  	p0 =	seq.s32 s5, $0x0;
	s5 =	sld [smem:$0x3FAD]  }
0x2b: {  	s6 =	sld [smem:$0x3FAE]  }
0x2c: {  	s7 =	sld [smem:$0x3FAF]  }
0x2d: {  	s3 =	simm.s32 $0x108;
	s8 =	sld [smem:$0x3FB0]  }
0x2e: {  	s3 =	simm.s32 @!p0 $0x1082;
	s9 =	sld [smem:$0x3FB1]  }
0x2f: {  	lr =	sadd.s32 s0, s3;
	s0 =	sld [smem:$0x3FA8]  }
0x30: {  	s3 =	sld [smem:$0x3FAB]  }
0x31: {  	[smem:$0x3FB4] =	sst s10  }
0x32: {  	s10 =	sld [smem:$0x3FB2];
	_ =	sdelay $0x3  }
0x33: {  	p0 =	seq.s32 s10, $0x1;
	s10 =	sld [smem:$0x3FB4];
	_ =	sdelay $0x3  }
0x34: {  	[smem:$0x3FB4] =	sst s10  }
0x35: {  	s10 =	sld [smem:$0x3FB3];
	_ =	sdelay $0x3  }
0x36: {  	p1 =	seq.s32 s10, $0x1;
	s10 =	sld [smem:$0x3FB4];
	_ =	sdelay $0x3  }
0x37: {  	[smem:$0x3FB4] =	sst s10  }
0x38: {  	s10 =	sld [smem:$0x3FB5]  }
0x39: {  	_ = 	snop;
	(pc) =	sbr.ind lr, $3  }
0x3a: {  	_ = 	snop  }
0x3b: {  	_ = 	snop  }
0x3c: {  	p2 =	seq.s32 s10, $0x1;
	s10 =	sld [smem:$0x3FB4]  }
0x3d: {  	_ =	shalt  }
0x3e: {  	_ =	shalt  }
0x3f: {  	_ =	shalt  }
0x40: {  	_ =	shalt  }
0x41: {  	_ =	shalt  }
0x42: {  	_ =	shalt  }
0x43: {  	_ =	shalt  }
0x44: {  	_ =	shalt  }
0x45: {  	_ =	shalt  }
0x46: {  	_ =	shalt  }
0x47: {  	_ =	shalt  }
0x48: {  	_ =	shalt  }
0x49: {  	_ =	shalt  }
0x4a: {  	_ =	shalt  }
0x4b: {  	_ =	shalt  }
0x4c: {  	_ =	shalt  }
0x4d: {  	_ =	shalt  }
0x4e: {  	_ =	shalt  }
0x4f: {  	_ =	shalt  }
0x50: {  	_ =	shalt  }
0x51: {  	_ =	shalt  }
0x52: {  	_ =	shalt  }
0x53: {  	_ =	shalt  }
0x54: {  	_ =	shalt  }
0x55: {  	_ =	shalt  }
0x56: {  	_ =	shalt  }
0x57: {  	_ =	shalt  }
0x58: {  	_ =	shalt  }
0x59: {  	_ =	shalt  }
0x5a: {  	_ =	shalt  }
0x5b: {  	_ =	shalt  }
0x5c: {  	_ =	shalt  }
0x5d: {  	_ =	shalt  }
0x5e: {  	_ =	shalt  }
0x5f: {  	_ =	shalt  }
0x60: {  	_ =	shalt  }
0x61: {  	_ =	shalt  }
0x62: {  	_ =	shalt  }
0x63: {  	_ =	shalt  }
0x64: {  	_ =	shalt  }
0x65: {  	_ =	shalt  }
0x66: {  	_ =	shalt  }
0x67: {  	_ =	shalt  }
0x68: {  	_ =	shalt  }
0x69: {  	_ =	shalt  }
0x6a: {  	_ =	shalt  }
0x6b: {  	_ =	shalt  }
0x6c: {  	_ =	shalt  }
0x6d: {  	_ =	shalt  }
0x6e: {  	_ =	shalt  }
0x6f: {  	_ =	shalt  }
0x70: {  	_ =	shalt  }
0x71: {  	_ =	shalt  }
0x72: {  	_ =	shalt  }
0x73: {  	_ =	shalt  }
0x74: {  	_ =	shalt  }
0x75: {  	_ =	shalt  }
0x76: {  	_ =	shalt  }
0x77: {  	_ =	shalt  }
0x78: {  	_ =	shalt  }
0x79: {  	_ =	shalt  }
0x7a: {  	_ =	shalt  }
0x7b: {  	_ =	shalt  }
0x7c: {  	_ =	shalt  }
0x7d: {  	_ =	shalt  }
0x7e: {  	_ =	shalt  }
0x7f: {  	_ =	shalt  }
0x80: {  	_ =	shalt  }
0x81: {  	_ =	shalt  }
0x82: {  	_ =	shalt  }
0x83: {  	_ =	shalt  }
0x84: {  	_ =	shalt  }
0x85: {  	_ =	shalt  }
0x86: {  	_ =	shalt  }
0x87: {  	_ =	shalt  }
.Lfunc_end0:
.L_simem_size_0:
called_computation.3_lowered:
.L_overlay_start_0:
0x88: {  	s2 =	sld [smem:$0x3FD9]  }
0x89: {  	s3 =	sld [smem:$0x3FFE];
	_ =	sdelay $0x1  }
0x8a: {  	s1 =	srdreg.scid  }
0x8b: {  	s0 =	sand.u32 $0x1, s1  }
0x8c: {  	s17 =	sshll.u32 s0, $0xA;
	s2 =	sadd.s32 s3, s2  }
0x8d: {  	s2 =	sadd.s32 s2, s17  }
0x8e: {  	[smem:$0x3FC0] =	sst s2  }
0x8f: {  	_ = 	snop  }
0x90: {  	s2 =	sld [smem:$0x3FD0];
	(tm) =	ssettm $0x1  }
0x91: {  	s18 =	sld [smem:$0x3FFB];
	_ =	sdelay $0x3  }
0x92: {  	_ =	strace s18  }
0x93: {  	s3 =	sld [smem:$0x3FFC];
	_ =	sdelay $0x3  }
0x94: {  	_ =	strace s3  }
0x95: {  	s3 =	sld [smem:$0x3FFD];
	_ =	sdelay $0x3  }
0x96: {  	_ =	strace s3  }
0x97: {  	_ =	strace $0x8FFFFFFF  }
0x98: {  	s19 =	sld [smem:$0x3FDB];
	_ =	sdelay $0x1  }
0x99: {  	s4 =	simm.s32 $_scs_section_size  }
0x9a: {  	s5 =	simm.s32 $_size__tile_overlayer_lowered;
	s6 =	simm.s32 $_tile_overlayer_lowered  }
0x9b: {  	s22 =	simm.s32 $0x1BFF;
	s21 =	sshll.u32 s6, $0x1;
	s3 =	sadd.s32 s4, s19  }
0x9c: {  	s7 =	simm.s32 $0x0;
	s20 =	sshll.u32 s5, $0x1;
	s5 =	sadd.s32 s21, s3  }
0x9d: {  	[timem:s7], [sflag:s22] =	dma.local [hbm:s5], s20  }
0x9e: {  	_ =	swait.ge [sflag:s22], s20  }
0x9f: {  	s4 =	ssub.s32 $0x0, s20;
	[sflag:s22] =	ssyncset.done $0x0  }
0xa0: {  	[sflag:s22] =	ssyncadd.s32 s4;
	_ =	sdelay $0x1  }
0xa1: {  	s23 =	simm.s32 $0x1B8B  }
0xa2: {  	_ =	swait.ge [sflag:s23], $0x1  }
0xa3: {  	[sflag:s23] =	ssyncset.done $0x0  }
0xa4: {  	s25 =	simm.s32 $0x1B8E;
	s24 =	sld [smem:$0x3FFE];
	[sflag:s23] =	ssyncadd.s32 $0xFFFFFFFF  }
0xa5: {  	s26 =	simm.s32 $execute0_lowered;
	[smem:$0x3FD2] =	sst s25  }
0xa6: {  	s5 =	sshll.u32 s26, $0x1;
	_ =	strace $0x8000004F;
	[dreg:$0x1] =	wrdreg $0xFFFFFFFF  }
0xa7: {  	s28 =	simm.s32 $_size_execute0_lowered;
	s3 =	sadd.s32 s3, s5;
	[dreg:$0x0] =	wrdreg $0x0  }
0xa8: {  	s5 =	sshll.u32 s28, $0x1;
	[dreg:$0x2] =	wrdreg s3  }
0xa9: {  	[dreg:$0x3] =	wrdreg s5  }
0xaa: {  	[dreg:$0x4] =	wrdreg $0xC0  }
0xab: {  	_ =	task [dreg:s7], $0x5FFFF  }
0xac: {  	[dreg:$0x1] =	wrdreg $0xFFFFFFFF  }
0xad: {  	[dreg:$0x0] =	wrdreg $0x60  }
0xae: {  	[dreg:$0x2] =	wrdreg s24  }
0xaf: {  	[dreg:$0x3] =	wrdreg s2  }
0xb0: {  	[dreg:$0x4] =	wrdreg $0xA8000  }
0xb1: {  	[dreg:$0x5] =	wrdreg $0x9  }
0xb2: {  	_ =	task.clear_ibuf [dreg:s7], $0x6FFFF;
	_ =	strace $0x9000004F  }
0xb3: {  	s29 =	simm.s32 $0x9;
	_ =	strace $0x80000051  }
0xb4: {  	_ =	swait.ge [sflag:s29], $0x1  }
0xb5: {  	[sflag:s29] =	ssyncadd.s32 $0xFFFFFFFF  }
0xb6: {  	_ =	strace $0x90000051  }
0xb7: {  	_ =	sfence  }
0xb8: {  	s30 =	sld [smem:$0x0];
	_ =	sdelay $0x2  }
0xb9: {  	s31 =	sshll.u32 s1, $0xD;
	s1 =	sshrl.u32 s1, $0x2  }
0xba: {  	s3 =	sand.u32 $0x4000, s31;
	s1 =	sadd.s32 s1, s30  }
0xbb: {  	s0 =	sor.u32 s3, s0;
	s1 =	sshll.u32 s1, $0x11  }
0xbc: {  	s0 =	sor.u32 s1, s0  }
0xbd: {  	s0 =	sadd.s32 $0x8F2B, s0  }
0xbe: {  	[sflag:s0] =	ssyncadd.remote.s32 $0x1  }
0xbf: {  	_ =	sfence.sel $0xFFFF  }
0xc0: {  	[dreg:$0x0] =	wrdreg $0xFFFFFFFF;
	(pc) =	sbr.abs _section_cstart, $3  }
0xc1: {  	[dreg:$0x1] =	wrdreg $0xFFFFFFFF  }
0xc2: {  	_ =	task.clear_ibuf [dreg:s7], $0x2FFFF;
	_ =	strace $0x9FFFFFFF  }
0xc3: {  	(tm) =	ssettm $0x7FFFFFFF  }
tec
execute0_lowered:
.L_overlay_start_1:
0x0: {  	(tag) =	ssettag $0x1  }
0x1: {  	s5 =	rddreg [dreg:$0x0]  }
0x2: {  	s7 =	rddreg [dreg:$0x1]  }
0x3: {  	s0 =	srdreg.scid;
	s2 =	rddreg [dreg:$0x2];
	s13 =	simm.s32 $0x1400  }
0x4: {  	s16 =	simm.s32 $0x40;
	s17 =	simm.s32 $0x2800;
	s18 =	simm.s32 $0x4800  }
0x5: {  	s19 =	simm.s32 $0x6800;
	s20 =	simm.s32 $0x1;
	s21 =	simm.s32 $0xC0  }
0x6: {  	s22 =	simm.s32 $0x8800;
	s23 =	simm.s32 $0x1440;
	s24 =	simm.s32 $0x2  }
0x7: {  	s25 =	simm.s32 $0x2780;
	s4 =	sand.u32 $0x1, s0;
	s0 =	stileid.u32  }
0x8: {  	s26 =	simm.s32 $0x27C0;
	s28 =	simm.s32 $0x0;
	s9 =	smul.u32 $0x13C00, s0  }
0x9: {  	s1 =	sshll.u32 s4, $0x4;
	s8 =	sshll.u32 s0, $0x7;
	s30 =	smul.u32 $0x13C000, s4  }
0xa: {  	s10 =	ssub.s32 $0x2, s4;
	s12 =	smul.u32 $0x4F000, s0;
	s4 =	sadd.s32 $0xA400, s5  }
0xb: {  	s14 =	sshll.u32 s0, $0x6;
	s1 =	sor.u32 s0, s1;
	s8 =	sand.u32 $0x380, s8  }
0xc: {  	s11 =	sshrl.u32 s10, $0x1;
	s14 =	sor.u32 $0x1C03, s14;
	s3 =	sshrl.u32 s1, $0x3  }
0xd: {  	s1 =	rddreg [dreg:$0x3];
	s10 =	ssub.s32 s10, s11;
	s31 =	sshrl.u32 s12, $0x2  }
0xe: {  	s11 =	simm.s32 $0x400;
	s6 =	smul.u32 $0xA000, s3;
	s3 =	simm.s32 $0x0  }
0xf: {  	s12 =	simm.s32 $0x3;
	s15 =	sadd.s32 s31, s2;
	[smem:$0x7FF] =	sst s3  }
0x10: {  	s15 =	sshrl.u32 s15, $0x3;
	s6 =	sor.u32 s8, s6;
	_ =	strace $0x80000050  }
0x11: {  	s8 =	sadd.s32 s9, s30;
	s9 =	sshrl.u32 s9, $0x3;
	s6 =	sshrl.u32 s6, $0x3  }
0x12: {  	s8 =	sshrl.u32 s8, $0x3;
	s7 =	sadd.s32 s7, s9;
	s9 =	smax.u32 s10, $0x1  }
0x13: {  	s10 =	simm.s32 $0x80;
	s6 =	sadd.s32 s6, s5;
	s8 =	sadd.s32 s8, s5  }
0x14: {  	s5 =	sadd.s32 $0x5EC00, s6;
	s6 =	sadd.s32 $0x5400, s6;
	s8 =	sadd.s32 $0xD9200, s8  }
.LBB2_1:
0x15: {  	[tilespmem:s3], [sflag:$0x3] =	stream.strided.gather [hbm4b:s5+s10], $0x1400, s11, s10, $0x38;
	[tilespmem:$0x1E400] =	vst v63  }
0x16: {  	_ =	swait.ge [sflag:s12], $0x1400  }
0x17: {  	[sflag:s12] =	ssyncset.done $0x0  }
0x18: {  	[sflag:s12] =	ssyncadd.s32 $0xFFFFEC00  }
0x19: {  	[tilespmem:s13], [sflag:$0x3] =	stream.strided.gather [hbm4b:s6+s10], $0x1400, s11, s10, $0x38;
	[tilespmem:$0x1E400] =	vst v63  }
0x1a: {  	_ =	swait.ge [sflag:s12], $0x1400  }
0x1b: {  	[sflag:s12] =	ssyncset.done $0x0  }
0x1c: {  	[sflag:s12] =	ssyncadd.s32 $0xFFFFEC00  }
0x1d: {  	[spmem:s15], [sflag:s14] =	dma.local [hbm:s7], $0x2780  }
0x1e: {  	_ =	swait.ge [sflag:s12], $0x2780  }
0x1f: {  	[sflag:s12] =	ssyncset.done $0x0  }
0x20: {  	[sflag:s12] =	ssyncadd.s32 $0xFFFFD880  }
0x21: {  	[bflag:$0x0] =	sbarrier.arrive $0xFFFF  }
0x22: {  	[tilespmem:s17], [sflag:$0x1] =	stream.indirect.gather [hbm4b:s4+s16], $0x80, s3, s16, $0xb8;
	[tilespmem:$0x1E400] =	vst v63  }
0x23: {  	_ = 	snop  }
0x24: {  	[tilespmem:s18], [sflag:$0x1] =	stream.indirect.gather [hbm4b:s4+s16], $0x80, s16, s16, $0xb8;
	[tilespmem:$0x1E400] =	vst v63  }
0x25: {  	_ = 	snop  }
0x26: {  	[tilespmem:s19], [sflag:$0x1] =	stream.indirect.gather [hbm4b:s4+s16], $0x80, s10, s16, $0xb8;
	[tilespmem:$0x1E400] =	vst v63  }
0x27: {  	_ =	swait.ge [sflag:s20], $0x2000  }
0x28: {  	[sflag:s20] =	ssyncset.done $0x0  }
0x29: {  	[sflag:s20] =	ssyncadd.s32 $0xFFFFE000  }
0x2a: {  	[spmem:s2] =	stream.indirect.scatter.add.f32 [tilespmem:s17], [sflag:$0x2], $0x80, s13, s16, $0xb8;
	[tilespmem:$0x1E400] =	vst v63  }
0x2b: {  	_ = 	snop  }
0x2c: {  	[tilespmem:s22], [sflag:$0x1] =	stream.indirect.gather [hbm4b:s4+s16], $0x80, s21, s16, $0xb8;
	[tilespmem:$0x1E400] =	vst v63  }
0x2d: {  	_ =	swait.ge [sflag:s20], $0x2000  }
0x2e: {  	[sflag:s20] =	ssyncset.done $0x0  }
0x2f: {  	[sflag:s20] =	ssyncadd.s32 $0xFFFFE000  }
0x30: {  	[spmem:s2] =	stream.indirect.scatter.add.f32 [tilespmem:s18], [sflag:$0x2], $0x80, s23, s16, $0xb8;
	[tilespmem:$0x1E400] =	vst v63  }
0x31: {  	_ =	swait.ge [sflag:s24], $0x2000  }
0x32: {  	[sflag:s24] =	ssyncset.done $0x0  }
0x33: {  	s29 =	simm.s32 $0x100;
	[sflag:s24] =	ssyncadd.s32 $0xFFFFE000  }
0x34: {  	[tilespmem:s17], [sflag:$0x1] =	stream.indirect.gather [hbm4b:s4+s16], $0x80, s29, s16, $0xb8;
	[tilespmem:$0x1E400] =	vst v63  }
0x35: {  	_ =	swait.ge [sflag:s20], $0x2000  }
0x36: {  	[sflag:s20] =	ssyncset.done $0x0  }
0x37: {  	s29 =	simm.s32 $0x1480;
	[sflag:s20] =	ssyncadd.s32 $0xFFFFE000  }
0x38: {  	[spmem:s2] =	stream.indirect.scatter.add.f32 [tilespmem:s19], [sflag:$0x2], $0x80, s29, s16, $0xb8;
	[tilespmem:$0x1E400] =	vst v63  }
0x39: {  	_ =	swait.ge [sflag:s24], $0x2000  }
0x3a: {  	[sflag:s24] =	ssyncset.done $0x0  }
0x3b: {  	s29 =	simm.s32 $0x140;
	[sflag:s24] =	ssyncadd.s32 $0xFFFFE000  }
0x3c: {  	[tilespmem:s18], [sflag:$0x1] =	stream.indirect.gather [hbm4b:s4+s16], $0x80, s29, s16, $0xb8;
	[tilespmem:$0x1E400] =	vst v63  }
0x3d: {  	_ =	swait.ge [sflag:s20], $0x2000  }
0x3e: {  	[sflag:s20] =	ssyncset.done $0x0  }
0x3f: {  	s29 =	simm.s32 $0x14C0;
	[sflag:s20] =	ssyncadd.s32 $0xFFFFE000  }
0x40: {  	[spmem:s2] =	stream.indirect.scatter.add.f32 [tilespmem:s22], [sflag:$0x2], $0x80, s29, s16, $0xb8;
	[tilespmem:$0x1E400] =	vst v63  }
0x41: {  	_ =	swait.ge [sflag:s24], $0x2000  }
0x42: {  	[sflag:s24] =	ssyncset.done $0x0  }
0x43: {  	s29 =	simm.s32 $0x180;
	[sflag:s24] =	ssyncadd.s32 $0xFFFFE000  }
0x44: {  	[tilespmem:s19], [sflag:$0x1] =	stream.indirect.gather [hbm4b:s4+s16], $0x80, s29, s16, $0xb8;
	[tilespmem:$0x1E400] =	vst v63  }
0x45: {  	_ =	swait.ge [sflag:s20], $0x2000  }
0x46: {  	[sflag:s20] =	ssyncset.done $0x0  }
0x47: {  	s29 =	simm.s32 $0x1500;
	[sflag:s20] =	ssyncadd.s32 $0xFFFFE000  }
0x48: {  	[spmem:s2] =	stream.indirect.scatter.add.f32 [tilespmem:s17], [sflag:$0x2], $0x80, s29, s16, $0xb8;
	[tilespmem:$0x1E400] =	vst v63  }
0x49: {  	_ =	swait.ge [sflag:s24], $0x2000  }
0x4a: {  	[sflag:s24] =	ssyncset.done $0x0  }
0x4b: {  	s29 =	simm.s32 $0x1C0;
	[sflag:s24] =	ssyncadd.s32 $0xFFFFE000  }
0x4c: {  	[tilespmem:s22], [sflag:$0x1] =	stream.indirect.gather [hbm4b:s4+s16], $0x80, s29, s16, $0xb8;
	[tilespmem:$0x1E400] =	vst v63  }
0x4d: {  	_ =	swait.ge [sflag:s20], $0x2000  }
0x4e: {  	[sflag:s20] =	ssyncset.done $0x0  }
0x4f: {  	s30 =	simm.s32 $0x1540;
	s29 =	simm.s32 $0x400;
	[sflag:s20] =	ssyncadd.s32 $0xFFFFE000  }
.LBB2_2:
0x50: {  	[spmem:s2] =	stream.indirect.scatter.add.f32 [tilespmem:s18], [sflag:$0x2], $0x80, s30, s16, $0xb8;
	[tilespmem:$0x1E400] =	vst v63  }
0x51: {  	s30 =	smov.u32 s29  }
0x52: {  	p0 =	sne.s32 s29, $0x4800;
	s29 =	sadd.s32 $0x400, s29;
	_ =	swait.ge [sflag:s24], $0x2000  }
0x53: {  	s30 =	sshra.s32 s30, $0x2;
	[sflag:s24] =	ssyncset.done $0x0  }
0x54: {  	s31 =	sadd.s32 $0x100, s30;
	[sflag:s24] =	ssyncadd.s32 $0xFFFFE000  }
0x55: {  	[tilespmem:s17], [sflag:$0x1] =	stream.indirect.gather [hbm4b:s4+s16], $0x80, s31, s16, $0xb8;
	[tilespmem:$0x1E400] =	vst v63  }
0x56: {  	_ =	swait.ge [sflag:s20], $0x2000  }
0x57: {  	[sflag:s20] =	ssyncset.done $0x0  }
0x58: {  	s31 =	sadd.s32 $0x1480, s30;
	[sflag:s20] =	ssyncadd.s32 $0xFFFFE000  }
0x59: {  	[spmem:s2] =	stream.indirect.scatter.add.f32 [tilespmem:s19], [sflag:$0x2], $0x80, s31, s16, $0xb8;
	[tilespmem:$0x1E400] =	vst v63  }
0x5a: {  	_ =	swait.ge [sflag:s24], $0x2000  }
0x5b: {  	[sflag:s24] =	ssyncset.done $0x0  }
0x5c: {  	s31 =	sadd.s32 $0x140, s30;
	[sflag:s24] =	ssyncadd.s32 $0xFFFFE000  }
0x5d: {  	[tilespmem:s18], [sflag:$0x1] =	stream.indirect.gather [hbm4b:s4+s16], $0x80, s31, s16, $0xb8;
	[tilespmem:$0x1E400] =	vst v63  }
0x5e: {  	_ =	swait.ge [sflag:s20], $0x2000  }
0x5f: {  	[sflag:s20] =	ssyncset.done $0x0  }
0x60: {  	s31 =	sadd.s32 $0x14C0, s30;
	[sflag:s20] =	ssyncadd.s32 $0xFFFFE000  }
0x61: {  	[spmem:s2] =	stream.indirect.scatter.add.f32 [tilespmem:s22], [sflag:$0x2], $0x80, s31, s16, $0xb8;
	[tilespmem:$0x1E400] =	vst v63  }
0x62: {  	_ =	swait.ge [sflag:s24], $0x2000  }
0x63: {  	[sflag:s24] =	ssyncset.done $0x0  }
0x64: {  	s31 =	sadd.s32 $0x180, s30;
	[sflag:s24] =	ssyncadd.s32 $0xFFFFE000  }
0x65: {  	[tilespmem:s19], [sflag:$0x1] =	stream.indirect.gather [hbm4b:s4+s16], $0x80, s31, s16, $0xb8;
	[tilespmem:$0x1E400] =	vst v63  }
0x66: {  	_ =	swait.ge [sflag:s20], $0x2000  }
0x67: {  	[sflag:s20] =	ssyncset.done $0x0  }
0x68: {  	s31 =	sadd.s32 $0x1500, s30;
	[sflag:s20] =	ssyncadd.s32 $0xFFFFE000  }
0x69: {  	[spmem:s2] =	stream.indirect.scatter.add.f32 [tilespmem:s17], [sflag:$0x2], $0x80, s31, s16, $0xb8;
	[tilespmem:$0x1E400] =	vst v63  }
0x6a: {  	_ =	swait.ge [sflag:s24], $0x2000  }
0x6b: {  	[sflag:s24] =	ssyncset.done $0x0  }
.Ltmp0:
0x6c: {  	s31 =	sadd.s32 $0x1C0, s30;
	[sflag:s24] =	ssyncadd.s32 $0xFFFFE000;
	(pc) =	sbr.rel @p0 .LBB2_2-.Ltmp0, $4  }
0x6d: {  	[tilespmem:s22], [sflag:$0x1] =	stream.indirect.gather [hbm4b:s4+s16], $0x80, s31, s16, $0xb8;
	[tilespmem:$0x1E400] =	vst v63  }
0x6e: {  	_ =	swait.ge [sflag:s20], $0x2000  }
0x6f: {  	[sflag:s20] =	ssyncset.done $0x0  }
0x70: {  	s30 =	sadd.s32 $0x1540, s30;
	[sflag:s20] =	ssyncadd.s32 $0xFFFFE000  }
0x71: {  	[spmem:s2] =	stream.indirect.scatter.add.f32 [tilespmem:s18], [sflag:$0x2], $0x80, s30, s16, $0xb8;
	[tilespmem:$0x1E400] =	vst v63  }
0x72: {  	_ =	swait.ge [sflag:s24], $0x2000  }
0x73: {  	[sflag:s24] =	ssyncset.done $0x0  }
0x74: {  	[sflag:s24] =	ssyncadd.s32 $0xFFFFE000  }
0x75: {  	_ =	swait.ge [sflag:s20], $0x2000  }
0x76: {  	[sflag:s20] =	ssyncset.done $0x0  }
0x77: {  	[sflag:s20] =	ssyncadd.s32 $0xFFFFE000  }
0x78: {  	[spmem:s2] =	stream.indirect.scatter.add.f32 [tilespmem:s19], [sflag:$0x2], $0x80, s25, s16, $0xb8;
	[tilespmem:$0x1E400] =	vst v63  }
0x79: {  	_ =	swait.ge [sflag:s24], $0x2000  }
0x7a: {  	[sflag:s24] =	ssyncset.done $0x0  }
0x7b: {  	[sflag:s24] =	ssyncadd.s32 $0xFFFFE000  }
0x7c: {  	_ =	swait.ge [sflag:s20], $0x2000  }
0x7d: {  	[sflag:s20] =	ssyncset.done $0x0  }
0x7e: {  	[sflag:s20] =	ssyncadd.s32 $0xFFFFE000  }
0x7f: {  	[spmem:s2] =	stream.indirect.scatter.add.f32 [tilespmem:s22], [sflag:$0x2], $0x80, s26, s16, $0xb8;
	[tilespmem:$0x1E400] =	vst v63  }
0x80: {  	_ =	swait.ge [sflag:s24], $0x2000  }
0x81: {  	[sflag:s24] =	ssyncset.done $0x0  }
0x82: {  	[sflag:s24] =	ssyncadd.s32 $0xFFFFE000  }
0x83: {  	_ =	swait.ge [sflag:s24], $0x2000  }
0x84: {  	s28 =	sadd.s32 $0x1, s28;
	[sflag:s24] =	ssyncset.done $0x0  }
0x85: {  	p0 =	sne.s32 s28, s9;
	[sflag:s24] =	ssyncadd.s32 $0xFFFFE000  }
.Ltmp1:
0x86: {  	[bflag:$0x0] =	sbarrier.arrive $0xFFFF;
	(pc) =	sbr.rel @p0 .LBB2_1-.Ltmp1, $4  }
0x87: {  	[hbm:s8], [sflag:s14] =	dma.local [spmem:s15], $0x2780  }
0x88: {  	_ =	swait.ge [sflag:s12], $0x2780  }
0x89: {  	[sflag:s12] =	ssyncset.done $0x0  }
0x8a: {  	[sflag:s12] =	ssyncadd.s32 $0xFFFFD880  }
0x8b: {  	_ =	sfence.sel $0x180000  }
0x8c: {  	[bflag:$0x0] =	sbarrier.arrive $0xFFFF  }
0x8d: {  	p0 =	sne.s32 s0, $0x0;
	_ =	strace $0x90000050  }
0x8e: {  	s0 =	sadd.s32 @!p0 $0x100000, s1;
	[bflag:$0x2] =	sbarrier.arrive $0xFFFF  }
0x8f: {  	[sflag:s0] =	ssyncadd.tile.s32 @!p0 $0x1;
	_ =	shalt  }
.Lfunc_end2:
_tile_overlayer_lowered:
.L_overlay_start_2:
0x90: {  	(tag) =	ssettag $0x2  }
0x91: {  	s0 =	rddreg [dreg:$0x0];
	s2 =	stileid.u32  }
0x92: {  	s1 =	rddreg [dreg:$0x1];
	p0 =	sne.s32 s2, $0x0  }
0x93: {  	s3 =	rddreg [dreg:$0x2];
	[bflag:$0x3] =	sbarrier.arrive $0xFFFF;
	s2 =	simm.s32 @!p0 $0x1C03  }
0x94: {  	[timem:s3], [sflag:s2] =	dma.local @!p0 [hbm:s0], s1  }
0x95: {  	s0 =	simm.s32 @!p0 $0x3  }
0x96: {  	_ =	swait.ge @!p0 [sflag:s0], s1  }
0x97: {  	s1 =	ssub.s32 @!p0 $0x0, s1;
	[sflag:s0] =	ssyncset.done @!p0 $0x0  }
0x98: {  	[sflag:s0] =	ssyncadd.s32 @!p0 s1  }
0x99: {  	[bflag:$0x3] =	sbarrier.arrive $0xFFFF  }
0x9a: {  	_ =	shalt  }

// kernel: kernel.24.cloned.1.call-start
scs
__scs_entry_jumppad:
0x0: {  	(pc) =	sbr.rel $0x88, $3  }
0x1: {  	(tag) =	ssettag $0x0;
	lr =	simm.s32 $0x1  }
0x2: {  	[smem:$0x3F99] =	sst lr;
	_ =	strace $0xD0000000  }
0x3: {  	_ = 	snop  }
0x4: {  	_ = 	snop  }
0x5: {  	_ = 	snop  }
0x6: {  	_ = 	snop  }
0x7: {  	_ = 	snop  }
__scs_overlays_trampoline_lowered:
0x8: {  	[smem:$0x3FA8] =	sst s0  }
0x9: {  	[smem:$0x3FA9] =	sst s1  }
0xa: {  	[smem:$0x3FAA] =	sst s2  }
0xb: {  	[smem:$0x3FAB] =	sst s3  }
0xc: {  	[smem:$0x3FAC] =	sst s4  }
0xd: {  	[smem:$0x3FAD] =	sst s5  }
0xe: {  	[smem:$0x3FAE] =	sst s6  }
0xf: {  	[smem:$0x3FAF] =	sst s7  }
0x10: {  	[smem:$0x3FB0] =	sst s8  }
0x11: {  	[smem:$0x3FB1] =	sst s9;
	s0 =	simm.s32 @!p0 $0x0  }
0x12: {  	s1 =	sld [smem:$0x3F97];
	s0 =	simm.s32 @p0 $0x1  }
0x13: {  	[smem:$0x3FB2] =	sst s0;
	s0 =	simm.s32 @!p1 $0x0  }
0x14: {  	s2 =	sld [smem:$0x3F96];
	s0 =	simm.s32 @p1 $0x1  }
0x15: {  	[smem:$0x3FB3] =	sst s0;
	s0 =	simm.s32 @!p2 $0x0  }
0x16: {  	s3 =	sld [smem:$0x3FDB];
	s0 =	simm.s32 @p2 $0x1  }
0x17: {  	s4 =	simm.s32 $0x1BF5;
	[smem:$0x3FB5] =	sst s0  }
0x18: {  	s0 =	sld [smem:$0x3F98];
	_ =	swait.ge [sflag:s4], $0x0  }
0x19: {  	s7 =	sld [smem:$0x3F99]  }
0x1a: {  	s8 =	sadd.s32 $0xFFFFE003, lr  }
0x1b: {  	s9 =	sadd.s32 $0xFFFFFEF7, lr;
	s5 =	simm.s32 $0xFFFFFFFF;
	p2 =	slt.u32 s8, $0xFFFFF086  }
0x1c: {  	p1 =	slt.u32 s9, $0xF7A;
	s5 =	simm.s32 @!p2 $0x0  }
0x1d: {  	s5 =	simm.s32 @p1 $0x1;
	p0 =	seq.s32 s7, s2  }
0x1e: {  	s7 =	smul.u32 @!p0 $0xF7A, s2;
	p2 =	seq.s32 @!p0 s5, $0x0  }
0x1f: {  	s9 =	smul.u32 $0xF7A, s1;
	s8 =	simm.s32 @!p0 $0x1BF5;
	p2 =	por !p2, p0  }
0x20: {  	[sflag:s8] =	ssyncset.s32 @!p0 $0xFFFFF086;
	s6 =	sadd.s32 @!p0 s3, s7;
	s7 =	simm.s32 @!p0 $0x108  }
0x21: {  	s3 =	sadd.s32 s3, s9;
	s6 =	sadd.s32 @!p0 $0x88, s6;
	s7 =	simm.s32 @p2 $0x1082  }
0x22: {  	[simem:s7], [sflag:s8] =	dma.local @!p0 [hbm:s6], $0xF7A  }
0x23: {  	s9 =	sor.u32 $0xD0000000, s2;
	s6 =	simm.s32 $0x108;
	_ =	swait.ge @!p0 [sflag:s8], $0x0  }
0x24: {  	s3 =	sadd.s32 $0x88, s3;
	s6 =	simm.s32 @!p1 $0x1082;
	[sflag:s4] =	ssyncset.s32 $0xFFFFF086  }
0x25: {  	[simem:s6], [sflag:s4] =	dma.local [hbm:s3], $0xF7A  }
0x26: {  	[smem:$0x3F99] =	sst s1;
	(tag) =	ssettag s2;
	_ =	strace s9  }
0x27: {  	s1 =	sld [smem:$0x3FA9]  }
0x28: {  	s2 =	sld [smem:$0x3FAA]  }
0x29: {  	s4 =	sld [smem:$0x3FAC]  }
0x2a: {  	p0 =	seq.s32 s5, $0x0;
	s5 =	sld [smem:$0x3FAD]  }
0x2b: {  	s6 =	sld [smem:$0x3FAE]  }
0x2c: {  	s7 =	sld [smem:$0x3FAF]  }
0x2d: {  	s3 =	simm.s32 $0x108;
	s8 =	sld [smem:$0x3FB0]  }
0x2e: {  	s3 =	simm.s32 @!p0 $0x1082;
	s9 =	sld [smem:$0x3FB1]  }
0x2f: {  	lr =	sadd.s32 s0, s3;
	s0 =	sld [smem:$0x3FA8]  }
0x30: {  	s3 =	sld [smem:$0x3FAB]  }
0x31: {  	[smem:$0x3FB4] =	sst s10  }
0x32: {  	s10 =	sld [smem:$0x3FB2];
	_ =	sdelay $0x3  }
0x33: {  	p0 =	seq.s32 s10, $0x1;
	s10 =	sld [smem:$0x3FB4];
	_ =	sdelay $0x3  }
0x34: {  	[smem:$0x3FB4] =	sst s10  }
0x35: {  	s10 =	sld [smem:$0x3FB3];
	_ =	sdelay $0x3  }
0x36: {  	p1 =	seq.s32 s10, $0x1;
	s10 =	sld [smem:$0x3FB4];
	_ =	sdelay $0x3  }
0x37: {  	[smem:$0x3FB4] =	sst s10  }
0x38: {  	s10 =	sld [smem:$0x3FB5]  }
0x39: {  	_ = 	snop;
	(pc) =	sbr.ind lr, $3  }
0x3a: {  	_ = 	snop  }
0x3b: {  	_ = 	snop  }
0x3c: {  	p2 =	seq.s32 s10, $0x1;
	s10 =	sld [smem:$0x3FB4]  }
0x3d: {  	_ =	shalt  }
0x3e: {  	_ =	shalt  }
0x3f: {  	_ =	shalt  }
0x40: {  	_ =	shalt  }
0x41: {  	_ =	shalt  }
0x42: {  	_ =	shalt  }
0x43: {  	_ =	shalt  }
0x44: {  	_ =	shalt  }
0x45: {  	_ =	shalt  }
0x46: {  	_ =	shalt  }
0x47: {  	_ =	shalt  }
0x48: {  	_ =	shalt  }
0x49: {  	_ =	shalt  }
0x4a: {  	_ =	shalt  }
0x4b: {  	_ =	shalt  }
0x4c: {  	_ =	shalt  }
0x4d: {  	_ =	shalt  }
0x4e: {  	_ =	shalt  }
0x4f: {  	_ =	shalt  }
0x50: {  	_ =	shalt  }
0x51: {  	_ =	shalt  }
0x52: {  	_ =	shalt  }
0x53: {  	_ =	shalt  }
0x54: {  	_ =	shalt  }
0x55: {  	_ =	shalt  }
0x56: {  	_ =	shalt  }
0x57: {  	_ =	shalt  }
0x58: {  	_ =	shalt  }
0x59: {  	_ =	shalt  }
0x5a: {  	_ =	shalt  }
0x5b: {  	_ =	shalt  }
0x5c: {  	_ =	shalt  }
0x5d: {  	_ =	shalt  }
0x5e: {  	_ =	shalt  }
0x5f: {  	_ =	shalt  }
0x60: {  	_ =	shalt  }
0x61: {  	_ =	shalt  }
0x62: {  	_ =	shalt  }
0x63: {  	_ =	shalt  }
0x64: {  	_ =	shalt  }
0x65: {  	_ =	shalt  }
0x66: {  	_ =	shalt  }
0x67: {  	_ =	shalt  }
0x68: {  	_ =	shalt  }
0x69: {  	_ =	shalt  }
0x6a: {  	_ =	shalt  }
0x6b: {  	_ =	shalt  }
0x6c: {  	_ =	shalt  }
0x6d: {  	_ =	shalt  }
0x6e: {  	_ =	shalt  }
0x6f: {  	_ =	shalt  }
0x70: {  	_ =	shalt  }
0x71: {  	_ =	shalt  }
0x72: {  	_ =	shalt  }
0x73: {  	_ =	shalt  }
0x74: {  	_ =	shalt  }
0x75: {  	_ =	shalt  }
0x76: {  	_ =	shalt  }
0x77: {  	_ =	shalt  }
0x78: {  	_ =	shalt  }
0x79: {  	_ =	shalt  }
0x7a: {  	_ =	shalt  }
0x7b: {  	_ =	shalt  }
0x7c: {  	_ =	shalt  }
0x7d: {  	_ =	shalt  }
0x7e: {  	_ =	shalt  }
0x7f: {  	_ =	shalt  }
0x80: {  	_ =	shalt  }
0x81: {  	_ =	shalt  }
0x82: {  	_ =	shalt  }
0x83: {  	_ =	shalt  }
0x84: {  	_ =	shalt  }
0x85: {  	_ =	shalt  }
0x86: {  	_ =	shalt  }
0x87: {  	_ =	shalt  }
.Lfunc_end0:
.L_simem_size_0:
called_computation.4_lowered:
.L_overlay_start_0:
0x88: {  	s2 =	sld [smem:$0x3FD9]  }
0x89: {  	s3 =	sld [smem:$0x3FFE];
	_ =	sdelay $0x1  }
0x8a: {  	s1 =	srdreg.scid  }
0x8b: {  	s0 =	sand.u32 $0x1, s1  }
0x8c: {  	s17 =	sshll.u32 s0, $0xA;
	s2 =	sadd.s32 s3, s2  }
0x8d: {  	s2 =	sadd.s32 s2, s17  }
0x8e: {  	[smem:$0x3FC0] =	sst s2  }
0x8f: {  	_ = 	snop  }
0x90: {  	s18 =	sld [smem:$0x3FD0];
	(tm) =	ssettm $0x1  }
0x91: {  	s19 =	sld [smem:$0x3FFB];
	_ =	sdelay $0x3  }
0x92: {  	_ =	strace s19  }
0x93: {  	s2 =	sld [smem:$0x3FFC];
	_ =	sdelay $0x3  }
0x94: {  	_ =	strace s2  }
0x95: {  	s2 =	sld [smem:$0x3FFD];
	_ =	sdelay $0x3  }
0x96: {  	_ =	strace s2  }
0x97: {  	_ =	strace $0x8FFFFFFF  }
0x98: {  	s20 =	sld [smem:$0x3FDB];
	_ =	sdelay $0x1  }
0x99: {  	s4 =	simm.s32 $_scs_section_size  }
0x9a: {  	s5 =	simm.s32 $_size__tile_overlayer_lowered;
	s6 =	simm.s32 $_tile_overlayer_lowered  }
0x9b: {  	s7 =	simm.s32 $0x1BFF;
	s21 =	sshll.u32 s6, $0x1;
	s4 =	sadd.s32 s4, s20  }
0x9c: {  	s22 =	simm.s32 $0x0;
	s5 =	sshll.u32 s5, $0x1;
	s6 =	sadd.s32 s21, s4  }
0x9d: {  	[timem:s22], [sflag:s7] =	dma.local [hbm:s6], s5  }
0x9e: {  	_ =	swait.ge [sflag:s7], s5  }
0x9f: {  	s5 =	ssub.s32 $0x0, s5;
	[sflag:s7] =	ssyncset.done $0x0  }
0xa0: {  	[sflag:s7] =	ssyncadd.s32 s5;
	_ =	sdelay $0x1  }
0xa1: {  	s23 =	simm.s32 $0x1B8B  }
0xa2: {  	_ =	swait.ge [sflag:s23], $0x1  }
0xa3: {  	[sflag:s23] =	ssyncset.done $0x0  }
0xa4: {  	[sflag:s23] =	ssyncadd.s32 $0xFFFFFFFF  }
0xa5: {  	s5 =	sld [smem:$0x0]  }
0xa6: {  	s6 =	sand.u32 $0xFFFFFFFE, s1  }
0xa7: {  	p0 =	sne.s32 s1, s6  }
0xa8: {  	s6 =	sshll.u32 @p0 s6, $0xE  }
0xa9: {  	s6 =	sadd.s32 @p0 $0x11B8D, s6;
	s7 =	sshll.u32 @p0 s5, $0x11  }
0xaa: {  	s6 =	sor.u32 @p0 s7, s6  }
0xab: {  	[sflag:s6] =	ssyncadd.remote.s32 @p0 $0x1;
	_ =	sdelay $0x1  }
0xac: {  	s6 =	simm.s32 @p0 $0x1B8D  }
0xad: {  	_ =	swait.eq @p0 [sflag:s6], $0x1  }
0xae: {  	[sflag:s6] =	ssyncadd.s32 @p0 $0xFFFFFFFF  }
0xaf: {  	s7 =	sshll.u32 @!p0 s1, $0xE  }
0xb0: {  	s7 =	sor.u32 @!p0 $0x4000, s7;
	s6 =	simm.s32 @!p0 $0x1B8D  }
0xb1: {  	s5 =	sshll.u32 @!p0 s5, $0x11;
	s7 =	sadd.s32 @!p0 $0x11B8D, s7;
	_ =	swait.eq @!p0 [sflag:s6], $0x1  }
0xb2: {  	s5 =	sor.u32 @!p0 s5, s7;
	[sflag:s6] =	ssyncadd.s32 @!p0 $0xFFFFFFFF  }
0xb3: {  	s25 =	simm.s32 $0x1B8E;
	s24 =	sld [smem:$0x3FFE];
	[sflag:s5] =	ssyncadd.remote.s32 @!p0 $0x1  }
0xb4: {  	s26 =	simm.s32 $execute0_lowered;
	[smem:$0x3FD2] =	sst s25  }
0xb5: {  	s6 =	sshll.u32 s26, $0x1;
	_ =	strace $0x80000052;
	[dreg:$0x1] =	wrdreg $0xFFFFFFFF  }
0xb6: {  	s28 =	simm.s32 $_size_execute0_lowered;
	s4 =	sadd.s32 s4, s6;
	[dreg:$0x0] =	wrdreg $0x0  }
0xb7: {  	s6 =	sshll.u32 s28, $0x1;
	[dreg:$0x2] =	wrdreg s4  }
0xb8: {  	[dreg:$0x3] =	wrdreg s6  }
0xb9: {  	[dreg:$0x4] =	wrdreg $0xC0  }
0xba: {  	_ =	task [dreg:s22], $0x5FFFF  }
0xbb: {  	[dreg:$0x1] =	wrdreg $0xFFFFFFFF  }
0xbc: {  	[dreg:$0x0] =	wrdreg $0x60  }
0xbd: {  	[dreg:$0x2] =	wrdreg s24  }
0xbe: {  	[dreg:$0x3] =	wrdreg s18  }
0xbf: {  	[dreg:$0x4] =	wrdreg $0xA8000  }
0xc0: {  	[dreg:$0x5] =	wrdreg $0xA  }
0xc1: {  	_ =	task.clear_ibuf [dreg:s22], $0x6FFFF;
	_ =	strace $0x90000052  }
0xc2: {  	s29 =	simm.s32 $0xA;
	_ =	strace $0x80000054  }
0xc3: {  	_ =	swait.ge [sflag:s29], $0x1  }
0xc4: {  	[sflag:s29] =	ssyncadd.s32 $0xFFFFFFFF  }
0xc5: {  	_ =	strace $0x90000054  }
0xc6: {  	_ =	sfence  }
0xc7: {  	s30 =	sld [smem:$0x0];
	_ =	sdelay $0x2  }
0xc8: {  	s31 =	sshll.u32 s1, $0xD;
	s1 =	sshrl.u32 s1, $0x2  }
0xc9: {  	s4 =	sand.u32 $0x4000, s31;
	s1 =	sadd.s32 s1, s30  }
0xca: {  	s0 =	sor.u32 s4, s0;
	s1 =	sshll.u32 s1, $0x11  }
0xcb: {  	s0 =	sor.u32 s1, s0  }
0xcc: {  	s0 =	sadd.s32 $0x8F2B, s0  }
0xcd: {  	[sflag:s0] =	ssyncadd.remote.s32 $0x1  }
0xce: {  	_ =	sfence.sel $0xFFFF  }
0xcf: {  	[dreg:$0x0] =	wrdreg $0xFFFFFFFF;
	(pc) =	sbr.abs _section_cstart, $3  }
0xd0: {  	[dreg:$0x1] =	wrdreg $0xFFFFFFFF  }
0xd1: {  	_ =	task.clear_ibuf [dreg:s22], $0x2FFFF;
	_ =	strace $0x9FFFFFFF  }
0xd2: {  	(tm) =	ssettm $0x7FFFFFFF  }
0xd3: {  	_ =	shalt  }
tec
execute0_lowered:
.L_overlay_start_1:
0x0: {  	(tag) =	ssettag $0x1  }
0x1: {  	s5 =	rddreg [dreg:$0x0]  }
0x2: {  	s7 =	rddreg [dreg:$0x1]  }
0x3: {  	s0 =	srdreg.scid;
	s2 =	rddreg [dreg:$0x2];
	s13 =	simm.s32 $0x1400  }
0x4: {  	s16 =	simm.s32 $0x40;
	s17 =	simm.s32 $0x2800;
	s18 =	simm.s32 $0x4800  }
0x5: {  	s19 =	simm.s32 $0x6800;
	s20 =	simm.s32 $0x1;
	s21 =	simm.s32 $0xC0  }
0x6: {  	s22 =	simm.s32 $0x8800;
	s23 =	simm.s32 $0x1440;
	s24 =	simm.s32 $0x2  }
0x7: {  	s25 =	simm.s32 $0x2780;
	s4 =	sand.u32 $0x1, s0;
	s0 =	stileid.u32  }
0x8: {  	s26 =	simm.s32 $0x27C0;
	s28 =	simm.s32 $0x0;
	s9 =	smul.u32 $0x13C00, s0  }
0x9: {  	s1 =	sshll.u32 s4, $0x4;
	s8 =	sshll.u32 s0, $0x7;
	s30 =	smul.u32 $0x13C000, s4  }
0xa: {  	s10 =	ssub.s32 $0x2, s4;
	s12 =	smul.u32 $0x4F000, s0;
	s4 =	sadd.s32 $0x31600, s5  }
0xb: {  	s14 =	sshll.u32 s0, $0x6;
	s1 =	sor.u32 s0, s1;
	s8 =	sand.u32 $0x380, s8  }
0xc: {  	s11 =	sshrl.u32 s10, $0x1;
	s14 =	sor.u32 $0x1C03, s14;
	s3 =	sshrl.u32 s1, $0x3  }
0xd: {  	s1 =	rddreg [dreg:$0x3];
	s10 =	ssub.s32 s10, s11;
	s31 =	sshrl.u32 s12, $0x2  }
0xe: {  	s11 =	simm.s32 $0x400;
	s6 =	smul.u32 $0xA000, s3;
	s3 =	simm.s32 $0x0  }
0xf: {  	s12 =	simm.s32 $0x3;
	s15 =	sadd.s32 s31, s2;
	[smem:$0x7FF] =	sst s3  }
0x10: {  	s15 =	sshrl.u32 s15, $0x3;
	s6 =	sor.u32 s8, s6;
	_ =	strace $0x80000053  }
0x11: {  	s8 =	sadd.s32 s9, s30;
	s9 =	sshrl.u32 s9, $0x3;
	s6 =	sshrl.u32 s6, $0x3  }
0x12: {  	s8 =	sshrl.u32 s8, $0x3;
	s7 =	sadd.s32 s7, s9;
	s9 =	smax.u32 s10, $0x1  }
0x13: {  	s10 =	simm.s32 $0x80;
	s6 =	sadd.s32 s6, s5;
	s8 =	sadd.s32 s8, s5  }
0x14: {  	s5 =	sadd.s32 $0x5EC00, s6;
	s6 =	sadd.s32 $0x5400, s6;
	s8 =	sadd.s32 $0x128200, s8  }
.LBB2_1:
0x15: {  	[tilespmem:s3], [sflag:$0x3] =	stream.strided.gather [hbm4b:s5+s10], $0x1400, s11, s10, $0x38;
	[tilespmem:$0x1E400] =	vst v63  }
0x16: {  	_ =	swait.ge [sflag:s12], $0x1400  }
0x17: {  	[sflag:s12] =	ssyncset.done $0x0  }
0x18: {  	[sflag:s12] =	ssyncadd.s32 $0xFFFFEC00  }
0x19: {  	[tilespmem:s13], [sflag:$0x3] =	stream.strided.gather [hbm4b:s6+s10], $0x1400, s11, s10, $0x38;
	[tilespmem:$0x1E400] =	vst v63  }
0x1a: {  	_ =	swait.ge [sflag:s12], $0x1400  }
0x1b: {  	[sflag:s12] =	ssyncset.done $0x0  }
0x1c: {  	[sflag:s12] =	ssyncadd.s32 $0xFFFFEC00  }
0x1d: {  	[spmem:s15], [sflag:s14] =	dma.local [hbm:s7], $0x2780  }
0x1e: {  	_ =	swait.ge [sflag:s12], $0x2780  }
0x1f: {  	[sflag:s12] =	ssyncset.done $0x0  }
0x20: {  	[sflag:s12] =	ssyncadd.s32 $0xFFFFD880  }
0x21: {  	[bflag:$0x0] =	sbarrier.arrive $0xFFFF  }
0x22: {  	[tilespmem:s17], [sflag:$0x1] =	stream.indirect.gather [hbm4b:s4+s16], $0x80, s3, s16, $0xb8;
	[tilespmem:$0x1E400] =	vst v63  }
0x23: {  	_ = 	snop  }
0x24: {  	[tilespmem:s18], [sflag:$0x1] =	stream.indirect.gather [hbm4b:s4+s16], $0x80, s16, s16, $0xb8;
	[tilespmem:$0x1E400] =	vst v63  }
0x25: {  	_ = 	snop  }
0x26: {  	[tilespmem:s19], [sflag:$0x1] =	stream.indirect.gather [hbm4b:s4+s16], $0x80, s10, s16, $0xb8;
	[tilespmem:$0x1E400] =	vst v63  }
0x27: {  	_ =	swait.ge [sflag:s20], $0x2000  }
0x28: {  	[sflag:s20] =	ssyncset.done $0x0  }
0x29: {  	[sflag:s20] =	ssyncadd.s32 $0xFFFFE000  }
0x2a: {  	[spmem:s2] =	stream.indirect.scatter.add.f32 [tilespmem:s17], [sflag:$0x2], $0x80, s13, s16, $0xb8;
	[tilespmem:$0x1E400] =	vst v63  }
0x2b: {  	_ = 	snop  }
0x2c: {  	[tilespmem:s22], [sflag:$0x1] =	stream.indirect.gather [hbm4b:s4+s16], $0x80, s21, s16, $0xb8;
	[tilespmem:$0x1E400] =	vst v63  }
0x2d: {  	_ =	swait.ge [sflag:s20], $0x2000  }
0x2e: {  	[sflag:s20] =	ssyncset.done $0x0  }
0x2f: {  	[sflag:s20] =	ssyncadd.s32 $0xFFFFE000  }
0x30: {  	[spmem:s2] =	stream.indirect.scatter.add.f32 [tilespmem:s18], [sflag:$0x2], $0x80, s23, s16, $0xb8;
	[tilespmem:$0x1E400] =	vst v63  }
0x31: {  	_ =	swait.ge [sflag:s24], $0x2000  }
0x32: {  	[sflag:s24] =	ssyncset.done $0x0  }
0x33: {  	s29 =	simm.s32 $0x100;
	[sflag:s24] =	ssyncadd.s32 $0xFFFFE000  }
0x34: {  	[tilespmem:s17], [sflag:$0x1] =	stream.indirect.gather [hbm4b:s4+s16], $0x80, s29, s16, $0xb8;
	[tilespmem:$0x1E400] =	vst v63  }
0x35: {  	_ =	swait.ge [sflag:s20], $0x2000  }
0x36: {  	[sflag:s20] =	ssyncset.done $0x0  }
0x37: {  	s29 =	simm.s32 $0x1480;
	[sflag:s20] =	ssyncadd.s32 $0xFFFFE000  }
0x38: {  	[spmem:s2] =	stream.indirect.scatter.add.f32 [tilespmem:s19], [sflag:$0x2], $0x80, s29, s16, $0xb8;
	[tilespmem:$0x1E400] =	vst v63  }
0x39: {  	_ =	swait.ge [sflag:s24], $0x2000  }
0x3a: {  	[sflag:s24] =	ssyncset.done $0x0  }
0x3b: {  	s29 =	simm.s32 $0x140;
	[sflag:s24] =	ssyncadd.s32 $0xFFFFE000  }
0x3c: {  	[tilespmem:s18], [sflag:$0x1] =	stream.indirect.gather [hbm4b:s4+s16], $0x80, s29, s16, $0xb8;
	[tilespmem:$0x1E400] =	vst v63  }
0x3d: {  	_ =	swait.ge [sflag:s20], $0x2000  }
0x3e: {  	[sflag:s20] =	ssyncset.done $0x0  }
0x3f: {  	s29 =	simm.s32 $0x14C0;
	[sflag:s20] =	ssyncadd.s32 $0xFFFFE000  }
0x40: {  	[spmem:s2] =	stream.indirect.scatter.add.f32 [tilespmem:s22], [sflag:$0x2], $0x80, s29, s16, $0xb8;
	[tilespmem:$0x1E400] =	vst v63  }
0x41: {  	_ =	swait.ge [sflag:s24], $0x2000  }
0x42: {  	[sflag:s24] =	ssyncset.done $0x0  }
0x43: {  	s29 =	simm.s32 $0x180;
	[sflag:s24] =	ssyncadd.s32 $0xFFFFE000  }
0x44: {  	[tilespmem:s19], [sflag:$0x1] =	stream.indirect.gather [hbm4b:s4+s16], $0x80, s29, s16, $0xb8;
	[tilespmem:$0x1E400] =	vst v63  }
0x45: {  	_ =	swait.ge [sflag:s20], $0x2000  }
0x46: {  	[sflag:s20] =	ssyncset.done $0x0  }
0x47: {  	s29 =	simm.s32 $0x1500;
	[sflag:s20] =	ssyncadd.s32 $0xFFFFE000  }
0x48: {  	[spmem:s2] =	stream.indirect.scatter.add.f32 [tilespmem:s17], [sflag:$0x2], $0x80, s29, s16, $0xb8;
	[tilespmem:$0x1E400] =	vst v63  }
0x49: {  	_ =	swait.ge [sflag:s24], $0x2000  }
0x4a: {  	[sflag:s24] =	ssyncset.done $0x0  }
0x4b: {  	s29 =	simm.s32 $0x1C0;
	[sflag:s24] =	ssyncadd.s32 $0xFFFFE000  }
0x4c: {  	[tilespmem:s22], [sflag:$0x1] =	stream.indirect.gather [hbm4b:s4+s16], $0x80, s29, s16, $0xb8;
	[tilespmem:$0x1E400] =	vst v63  }
0x4d: {  	_ =	swait.ge [sflag:s20], $0x2000  }
0x4e: {  	[sflag:s20] =	ssyncset.done $0x0  }
0x4f: {  	s30 =	simm.s32 $0x1540;
	s29 =	simm.s32 $0x400;
	[sflag:s20] =	ssyncadd.s32 $0xFFFFE000  }
.LBB2_2:
0x50: {  	[spmem:s2] =	stream.indirect.scatter.add.f32 [tilespmem:s18], [sflag:$0x2], $0x80, s30, s16, $0xb8;
	[tilespmem:$0x1E400] =	vst v63  }
0x51: {  	s30 =	smov.u32 s29  }
0x52: {  	p0 =	sne.s32 s29, $0x4800;
	s29 =	sadd.s32 $0x400, s29;
	_ =	swait.ge [sflag:s24], $0x2000  }
0x53: {  	s30 =	sshra.s32 s30, $0x2;
	[sflag:s24] =	ssyncset.done $0x0  }
0x54: {  	s31 =	sadd.s32 $0x100, s30;
	[sflag:s24] =	ssyncadd.s32 $0xFFFFE000  }
0x55: {  	[tilespmem:s17], [sflag:$0x1] =	stream.indirect.gather [hbm4b:s4+s16], $0x80, s31, s16, $0xb8;
	[tilespmem:$0x1E400] =	vst v63  }
0x56: {  	_ =	swait.ge [sflag:s20], $0x2000  }
0x57: {  	[sflag:s20] =	ssyncset.done $0x0  }
0x58: {  	s31 =	sadd.s32 $0x1480, s30;
	[sflag:s20] =	ssyncadd.s32 $0xFFFFE000  }
0x59: {  	[spmem:s2] =	stream.indirect.scatter.add.f32 [tilespmem:s19], [sflag:$0x2], $0x80, s31, s16, $0xb8;
	[tilespmem:$0x1E400] =	vst v63  }
0x5a: {  	_ =	swait.ge [sflag:s24], $0x2000  }
0x5b: {  	[sflag:s24] =	ssyncset.done $0x0  }
0x5c: {  	s31 =	sadd.s32 $0x140, s30;
	[sflag:s24] =	ssyncadd.s32 $0xFFFFE000  }
0x5d: {  	[tilespmem:s18], [sflag:$0x1] =	stream.indirect.gather [hbm4b:s4+s16], $0x80, s31, s16, $0xb8;
	[tilespmem:$0x1E400] =	vst v63  }
0x5e: {  	_ =	swait.ge [sflag:s20], $0x2000  }
0x5f: {  	[sflag:s20] =	ssyncset.done $0x0  }
0x60: {  	s31 =	sadd.s32 $0x14C0, s30;
	[sflag:s20] =	ssyncadd.s32 $0xFFFFE000  }
0x61: {  	[spmem:s2] =	stream.indirect.scatter.add.f32 [tilespmem:s22], [sflag:$0x2], $0x80, s31, s16, $0xb8;
	[tilespmem:$0x1E400] =	vst v63  }
0x62: {  	_ =	swait.ge [sflag:s24], $0x2000  }
0x63: {  	[sflag:s24] =	ssyncset.done $0x0  }
0x64: {  	s31 =	sadd.s32 $0x180, s30;
	[sflag:s24] =	ssyncadd.s32 $0xFFFFE000  }
0x65: {  	[tilespmem:s19], [sflag:$0x1] =	stream.indirect.gather [hbm4b:s4+s16], $0x80, s31, s16, $0xb8;
	[tilespmem:$0x1E400] =	vst v63  }
0x66: {  	_ =	swait.ge [sflag:s20], $0x2000  }
0x67: {  	[sflag:s20] =	ssyncset.done $0x0  }
0x68: {  	s31 =	sadd.s32 $0x1500, s30;
	[sflag:s20] =	ssyncadd.s32 $0xFFFFE000  }
0x69: {  	[spmem:s2] =	stream.indirect.scatter.add.f32 [tilespmem:s17], [sflag:$0x2], $0x80, s31, s16, $0xb8;
	[tilespmem:$0x1E400] =	vst v63  }
0x6a: {  	_ =	swait.ge [sflag:s24], $0x2000  }
0x6b: {  	[sflag:s24] =	ssyncset.done $0x0  }
.Ltmp0:
0x6c: {  	s31 =	sadd.s32 $0x1C0, s30;
	[sflag:s24] =	ssyncadd.s32 $0xFFFFE000;
	(pc) =	sbr.rel @p0 .LBB2_2-.Ltmp0, $4  }
0x6d: {  	[tilespmem:s22], [sflag:$0x1] =	stream.indirect.gather [hbm4b:s4+s16], $0x80, s31, s16, $0xb8;
	[tilespmem:$0x1E400] =	vst v63  }
0x6e: {  	_ =	swait.ge [sflag:s20], $0x2000  }
0x6f: {  	[sflag:s20] =	ssyncset.done $0x0  }
0x70: {  	s30 =	sadd.s32 $0x1540, s30;
	[sflag:s20] =	ssyncadd.s32 $0xFFFFE000  }
0x71: {  	[spmem:s2] =	stream.indirect.scatter.add.f32 [tilespmem:s18], [sflag:$0x2], $0x80, s30, s16, $0xb8;
	[tilespmem:$0x1E400] =	vst v63  }
0x72: {  	_ =	swait.ge [sflag:s24], $0x2000  }
0x73: {  	[sflag:s24] =	ssyncset.done $0x0  }
0x74: {  	[sflag:s24] =	ssyncadd.s32 $0xFFFFE000  }
0x75: {  	_ =	swait.ge [sflag:s20], $0x2000  }
0x76: {  	[sflag:s20] =	ssyncset.done $0x0  }
0x77: {  	[sflag:s20] =	ssyncadd.s32 $0xFFFFE000  }
0x78: {  	[spmem:s2] =	stream.indirect.scatter.add.f32 [tilespmem:s19], [sflag:$0x2], $0x80, s25, s16, $0xb8;
	[tilespmem:$0x1E400] =	vst v63  }
0x79: {  	_ =	swait.ge [sflag:s24], $0x2000  }
0x7a: {  	[sflag:s24] =	ssyncset.done $0x0  }
0x7b: {  	[sflag:s24] =	ssyncadd.s32 $0xFFFFE000  }
0x7c: {  	_ =	swait.ge [sflag:s20], $0x2000  }
0x7d: {  	[sflag:s20] =	ssyncset.done $0x0  }
0x7e: {  	[sflag:s20] =	ssyncadd.s32 $0xFFFFE000  }
0x7f: {  	[spmem:s2] =	stream.indirect.scatter.add.f32 [tilespmem:s22], [sflag:$0x2], $0x80, s26, s16, $0xb8;
	[tilespmem:$0x1E400] =	vst v63  }
0x80: {  	_ =	swait.ge [sflag:s24], $0x2000  }
0x81: {  	[sflag:s24] =	ssyncset.done $0x0  }
0x82: {  	[sflag:s24] =	ssyncadd.s32 $0xFFFFE000  }
0x83: {  	_ =	swait.ge [sflag:s24], $0x2000  }
0x84: {  	s28 =	sadd.s32 $0x1, s28;
	[sflag:s24] =	ssyncset.done $0x0  }
0x85: {  	p0 =	sne.s32 s28, s9;
	[sflag:s24] =	ssyncadd.s32 $0xFFFFE000  }
.Ltmp1:
0x86: {  	[bflag:$0x0] =	sbarrier.arrive $0xFFFF;
	(pc) =	sbr.rel @p0 .LBB2_1-.Ltmp1, $4  }
0x87: {  	[hbm:s8], [sflag:s14] =	dma.local [spmem:s15], $0x2780  }
0x88: {  	_ =	swait.ge [sflag:s12], $0x2780  }
0x89: {  	[sflag:s12] =	ssyncset.done $0x0  }
0x8a: {  	[sflag:s12] =	ssyncadd.s32 $0xFFFFD880  }
0x8b: {  	_ =	sfence.sel $0x180000  }
0x8c: {  	[bflag:$0x0] =	sbarrier.arrive $0xFFFF  }
0x8d: {  	p0 =	sne.s32 s0, $0x0;
	_ =	strace $0x90000053  }
0x8e: {  	s0 =	sadd.s32 @!p0 $0x100000, s1;
	[bflag:$0x2] =	sbarrier.arrive $0xFFFF  }
0x8f: {  	[sflag:s0] =	ssyncadd.tile.s32 @!p0 $0x1;
	_ =	shalt  }
.Lfunc_end2:
_tile_overlayer_lowered:
.L_overlay_start_2:
0x90: {  	(tag) =	ssettag $0x2  }
0x91: {  	s0 =	rddreg [dreg:$0x0];
	s2 =	stileid.u32  }
0x92: {  	s1 =	rddreg [dreg:$0x1];
	p0 =	sne.s32 s2, $0x0  }
0x93: {  	s3 =	rddreg [dreg:$0x2];
	[bflag:$0x3] =	sbarrier.arrive $0xFFFF;
	s2 =	simm.s32 @!p0 $0x1C03  }
0x94: {  	[timem:s3], [sflag:s2] =	dma.local @!p0 [hbm:s0], s1  }
0x95: {  	s0 =	simm.s32 @!p0 $0x3  }
0x96: {  	_ =	swait.ge @!p0 [sflag:s0], s1  }
0x97: {  	s1 =	ssub.s32 @!p0 $0x0, s1;
	[sflag:s0] =	ssyncset.done @!p0 $0x0  }
0x98: {  	[sflag:s0] =	ssyncadd.s32 @!p0 s1  }
0x99: {  	[bflag:$0x3] =	sbarrier.arrive $0xFFFF  }
0x9a: {  	_ =	shalt  }

// kernel: kernel.27.cloned.1.call-start
scs
__scs_entry_jumppad:
0x0: {  	(pc) =	sbr.rel $0x88, $3  }
0x1: {  	(tag) =	ssettag $0x0;
	lr =	simm.s32 $0x1  }
0x2: {  	[smem:$0x3F99] =	sst lr;
	_ =	strace $0xD0000000  }
0x3: {  	_ = 	snop  }
0x4: {  	_ = 	snop  }
0x5: {  	_ = 	snop  }
0x6: {  	_ = 	snop  }
0x7: {  	_ = 	snop  }
__scs_overlays_trampoline_lowered:
0x8: {  	[smem:$0x3FA8] =	sst s0  }
0x9: {  	[smem:$0x3FA9] =	sst s1  }
0xa: {  	[smem:$0x3FAA] =	sst s2  }
0xb: {  	[smem:$0x3FAB] =	sst s3  }
0xc: {  	[smem:$0x3FAC] =	sst s4  }
0xd: {  	[smem:$0x3FAD] =	sst s5  }
0xe: {  	[smem:$0x3FAE] =	sst s6  }
0xf: {  	[smem:$0x3FAF] =	sst s7  }
0x10: {  	[smem:$0x3FB0] =	sst s8  }
0x11: {  	[smem:$0x3FB1] =	sst s9;
	s0 =	simm.s32 @!p0 $0x0  }
0x12: {  	s1 =	sld [smem:$0x3F97];
	s0 =	simm.s32 @p0 $0x1  }
0x13: {  	[smem:$0x3FB2] =	sst s0;
	s0 =	simm.s32 @!p1 $0x0  }
0x14: {  	s2 =	sld [smem:$0x3F96];
	s0 =	simm.s32 @p1 $0x1  }
0x15: {  	[smem:$0x3FB3] =	sst s0;
	s0 =	simm.s32 @!p2 $0x0  }
0x16: {  	s3 =	sld [smem:$0x3FDB];
	s0 =	simm.s32 @p2 $0x1  }
0x17: {  	s4 =	simm.s32 $0x1BF5;
	[smem:$0x3FB5] =	sst s0  }
0x18: {  	s0 =	sld [smem:$0x3F98];
	_ =	swait.ge [sflag:s4], $0x0  }
0x19: {  	s7 =	sld [smem:$0x3F99]  }
0x1a: {  	s8 =	sadd.s32 $0xFFFFE003, lr  }
0x1b: {  	s9 =	sadd.s32 $0xFFFFFEF7, lr;
	s5 =	simm.s32 $0xFFFFFFFF;
	p2 =	slt.u32 s8, $0xFFFFF086  }
0x1c: {  	p1 =	slt.u32 s9, $0xF7A;
	s5 =	simm.s32 @!p2 $0x0  }
0x1d: {  	s5 =	simm.s32 @p1 $0x1;
	p0 =	seq.s32 s7, s2  }
0x1e: {  	s7 =	smul.u32 @!p0 $0xF7A, s2;
	p2 =	seq.s32 @!p0 s5, $0x0  }
0x1f: {  	s9 =	smul.u32 $0xF7A, s1;
	s8 =	simm.s32 @!p0 $0x1BF5;
	p2 =	por !p2, p0  }
0x20: {  	[sflag:s8] =	ssyncset.s32 @!p0 $0xFFFFF086;
	s6 =	sadd.s32 @!p0 s3, s7;
	s7 =	simm.s32 @!p0 $0x108  }
0x21: {  	s3 =	sadd.s32 s3, s9;
	s6 =	sadd.s32 @!p0 $0x88, s6;
	s7 =	simm.s32 @p2 $0x1082  }
0x22: {  	[simem:s7], [sflag:s8] =	dma.local @!p0 [hbm:s6], $0xF7A  }
0x23: {  	s9 =	sor.u32 $0xD0000000, s2;
	s6 =	simm.s32 $0x108;
	_ =	swait.ge @!p0 [sflag:s8], $0x0  }
0x24: {  	s3 =	sadd.s32 $0x88, s3;
	s6 =	simm.s32 @!p1 $0x1082;
	[sflag:s4] =	ssyncset.s32 $0xFFFFF086  }
0x25: {  	[simem:s6], [sflag:s4] =	dma.local [hbm:s3], $0xF7A  }
0x26: {  	[smem:$0x3F99] =	sst s1;
	(tag) =	ssettag s2;
	_ =	strace s9  }
0x27: {  	s1 =	sld [smem:$0x3FA9]  }
0x28: {  	s2 =	sld [smem:$0x3FAA]  }
0x29: {  	s4 =	sld [smem:$0x3FAC]  }
0x2a: {  	p0 =	seq.s32 s5, $0x0;
	s5 =	sld [smem:$0x3FAD]  }
0x2b: {  	s6 =	sld [smem:$0x3FAE]  }
0x2c: {  	s7 =	sld [smem:$0x3FAF]  }
0x2d: {  	s3 =	simm.s32 $0x108;
	s8 =	sld [smem:$0x3FB0]  }
0x2e: {  	s3 =	simm.s32 @!p0 $0x1082;
	s9 =	sld [smem:$0x3FB1]  }
0x2f: {  	lr =	sadd.s32 s0, s3;
	s0 =	sld [smem:$0x3FA8]  }
0x30: {  	s3 =	sld [smem:$0x3FAB]  }
0x31: {  	[smem:$0x3FB4] =	sst s10  }
0x32: {  	s10 =	sld [smem:$0x3FB2];
	_ =	sdelay $0x3  }
0x33: {  	p0 =	seq.s32 s10, $0x1;
	s10 =	sld [smem:$0x3FB4];
	_ =	sdelay $0x3  }
0x34: {  	[smem:$0x3FB4] =	sst s10  }
0x35: {  	s10 =	sld [smem:$0x3FB3];
	_ =	sdelay $0x3  }
0x36: {  	p1 =	seq.s32 s10, $0x1;
	s10 =	sld [smem:$0x3FB4];
	_ =	sdelay $0x3  }
0x37: {  	[smem:$0x3FB4] =	sst s10  }
0x38: {  	s10 =	sld [smem:$0x3FB5]  }
0x39: {  	_ = 	snop;
	(pc) =	sbr.ind lr, $3  }
0x3a: {  	_ = 	snop  }
0x3b: {  	_ = 	snop  }
0x3c: {  	p2 =	seq.s32 s10, $0x1;
	s10 =	sld [smem:$0x3FB4]  }
0x3d: {  	_ =	shalt  }
0x3e: {  	_ =	shalt  }
0x3f: {  	_ =	shalt  }
0x40: {  	_ =	shalt  }
0x41: {  	_ =	shalt  }
0x42: {  	_ =	shalt  }
0x43: {  	_ =	shalt  }
0x44: {  	_ =	shalt  }
0x45: {  	_ =	shalt  }
0x46: {  	_ =	shalt  }
0x47: {  	_ =	shalt  }
0x48: {  	_ =	shalt  }
0x49: {  	_ =	shalt  }
0x4a: {  	_ =	shalt  }
0x4b: {  	_ =	shalt  }
0x4c: {  	_ =	shalt  }
0x4d: {  	_ =	shalt  }
0x4e: {  	_ =	shalt  }
0x4f: {  	_ =	shalt  }
0x50: {  	_ =	shalt  }
0x51: {  	_ =	shalt  }
0x52: {  	_ =	shalt  }
0x53: {  	_ =	shalt  }
0x54: {  	_ =	shalt  }
0x55: {  	_ =	shalt  }
0x56: {  	_ =	shalt  }
0x57: {  	_ =	shalt  }
0x58: {  	_ =	shalt  }
0x59: {  	_ =	shalt  }
0x5a: {  	_ =	shalt  }
0x5b: {  	_ =	shalt  }
0x5c: {  	_ =	shalt  }
0x5d: {  	_ =	shalt  }
0x5e: {  	_ =	shalt  }
0x5f: {  	_ =	shalt  }
0x60: {  	_ =	shalt  }
0x61: {  	_ =	shalt  }
0x62: {  	_ =	shalt  }
0x63: {  	_ =	shalt  }
0x64: {  	_ =	shalt  }
0x65: {  	_ =	shalt  }
0x66: {  	_ =	shalt  }
0x67: {  	_ =	shalt  }
0x68: {  	_ =	shalt  }
0x69: {  	_ =	shalt  }
0x6a: {  	_ =	shalt  }
0x6b: {  	_ =	shalt  }
0x6c: {  	_ =	shalt  }
0x6d: {  	_ =	shalt  }
0x6e: {  	_ =	shalt  }
0x6f: {  	_ =	shalt  }
0x70: {  	_ =	shalt  }
0x71: {  	_ =	shalt  }
0x72: {  	_ =	shalt  }
0x73: {  	_ =	shalt  }
0x74: {  	_ =	shalt  }
0x75: {  	_ =	shalt  }
0x76: {  	_ =	shalt  }
0x77: {  	_ =	shalt  }
0x78: {  	_ =	shalt  }
0x79: {  	_ =	shalt  }
0x7a: {  	_ =	shalt  }
0x7b: {  	_ =	shalt  }
0x7c: {  	_ =	shalt  }
0x7d: {  	_ =	shalt  }
0x7e: {  	_ =	shalt  }
0x7f: {  	_ =	shalt  }
0x80: {  	_ =	shalt  }
0x81: {  	_ =	shalt  }
0x82: {  	_ =	shalt  }
0x83: {  	_ =	shalt  }
0x84: {  	_ =	shalt  }
0x85: {  	_ =	shalt  }
0x86: {  	_ =	shalt  }
0x87: {  	_ =	shalt  }
.Lfunc_end0:
.L_simem_size_0:
called_computation.5_lowered:
.L_overlay_start_0:
0x88: {  	s2 =	sld [smem:$0x3FD9]  }
0x89: {  	s3 =	sld [smem:$0x3FFE];
	_ =	sdelay $0x1  }
0x8a: {  	s1 =	srdreg.scid  }
0x8b: {  	s0 =	sand.u32 $0x1, s1  }
0x8c: {  	s17 =	sshll.u32 s0, $0xA;
	s2 =	sadd.s32 s3, s2  }
0x8d: {  	s2 =	sadd.s32 s2, s17  }
0x8e: {  	[smem:$0x3FC0] =	sst s2  }
0x8f: {  	_ = 	snop  }
0x90: {  	s18 =	sld [smem:$0x3FD0];
	(tm) =	ssettm $0x1  }
0x91: {  	s19 =	sld [smem:$0x3FFB];
	_ =	sdelay $0x3  }
0x92: {  	_ =	strace s19  }
0x93: {  	s2 =	sld [smem:$0x3FFC];
	_ =	sdelay $0x3  }
0x94: {  	_ =	strace s2  }
0x95: {  	s2 =	sld [smem:$0x3FFD];
	_ =	sdelay $0x3  }
0x96: {  	_ =	strace s2  }
0x97: {  	_ =	strace $0x8FFFFFFF  }
0x98: {  	s20 =	sld [smem:$0x3FDB];
	_ =	sdelay $0x1  }
0x99: {  	s4 =	simm.s32 $_scs_section_size  }
0x9a: {  	s5 =	simm.s32 $_size__tile_overlayer_lowered;
	s6 =	simm.s32 $_tile_overlayer_lowered  }
0x9b: {  	s7 =	simm.s32 $0x1BFF;
	s21 =	sshll.u32 s6, $0x1;
	s4 =	sadd.s32 s4, s20  }
0x9c: {  	s22 =	simm.s32 $0x0;
	s5 =	sshll.u32 s5, $0x1;
	s6 =	sadd.s32 s21, s4  }
0x9d: {  	[timem:s22], [sflag:s7] =	dma.local [hbm:s6], s5  }
0x9e: {  	_ =	swait.ge [sflag:s7], s5  }
0x9f: {  	s5 =	ssub.s32 $0x0, s5;
	[sflag:s7] =	ssyncset.done $0x0  }
0xa0: {  	[sflag:s7] =	ssyncadd.s32 s5;
	_ =	sdelay $0x1  }
0xa1: {  	s23 =	simm.s32 $0x1B8B  }
0xa2: {  	_ =	swait.ge [sflag:s23], $0x1  }
0xa3: {  	[sflag:s23] =	ssyncset.done $0x0  }
0xa4: {  	[sflag:s23] =	ssyncadd.s32 $0xFFFFFFFF  }
0xa5: {  	s5 =	sld [smem:$0x0]  }
0xa6: {  	s6 =	sand.u32 $0xFFFFFFFE, s1  }
0xa7: {  	p0 =	sne.s32 s1, s6  }
0xa8: {  	s6 =	sshll.u32 @p0 s6, $0xE  }
0xa9: {  	s6 =	sadd.s32 @p0 $0x11B8D, s6;
	s7 =	sshll.u32 @p0 s5, $0x11  }
0xaa: {  	s6 =	sor.u32 @p0 s7, s6  }
0xab: {  	[sflag:s6] =	ssyncadd.remote.s32 @p0 $0x1;
	_ =	sdelay $0x1  }
0xac: {  	s6 =	simm.s32 @p0 $0x1B8D  }
0xad: {  	_ =	swait.eq @p0 [sflag:s6], $0x1  }
0xae: {  	[sflag:s6] =	ssyncadd.s32 @p0 $0xFFFFFFFF  }
0xaf: {  	s7 =	sshll.u32 @!p0 s1, $0xE  }
0xb0: {  	s7 =	sor.u32 @!p0 $0x4000, s7;
	s6 =	simm.s32 @!p0 $0x1B8D  }
0xb1: {  	s5 =	sshll.u32 @!p0 s5, $0x11;
	s7 =	sadd.s32 @!p0 $0x11B8D, s7;
	_ =	swait.eq @!p0 [sflag:s6], $0x1  }
0xb2: {  	s5 =	sor.u32 @!p0 s5, s7;
	[sflag:s6] =	ssyncadd.s32 @!p0 $0xFFFFFFFF  }
0xb3: {  	s25 =	simm.s32 $0x1B8E;
	s24 =	sld [smem:$0x3FFE];
	[sflag:s5] =	ssyncadd.remote.s32 @!p0 $0x1  }
0xb4: {  	s26 =	simm.s32 $execute0_lowered;
	[smem:$0x3FD2] =	sst s25  }
0xb5: {  	s6 =	sshll.u32 s26, $0x1;
	_ =	strace $0x80000055;
	[dreg:$0x1] =	wrdreg $0xFFFFFFFF  }
0xb6: {  	s28 =	simm.s32 $_size_execute0_lowered;
	s4 =	sadd.s32 s4, s6;
	[dreg:$0x0] =	wrdreg $0x0  }
0xb7: {  	s6 =	sshll.u32 s28, $0x1;
	[dreg:$0x2] =	wrdreg s4  }
0xb8: {  	[dreg:$0x3] =	wrdreg s6  }
0xb9: {  	[dreg:$0x4] =	wrdreg $0xC0  }
0xba: {  	_ =	task [dreg:s22], $0x5FFFF  }
0xbb: {  	[dreg:$0x1] =	wrdreg $0xFFFFFFFF  }
0xbc: {  	[dreg:$0x0] =	wrdreg $0x60  }
0xbd: {  	[dreg:$0x2] =	wrdreg s24  }
0xbe: {  	[dreg:$0x3] =	wrdreg s18  }
0xbf: {  	[dreg:$0x4] =	wrdreg $0xA8000  }
0xc0: {  	[dreg:$0x5] =	wrdreg $0xB  }
0xc1: {  	_ =	task.clear_ibuf [dreg:s22], $0x6FFFF;
	_ =	strace $0x90000055  }
0xc2: {  	s29 =	simm.s32 $0xB;
	_ =	strace $0x80000057  }
0xc3: {  	_ =	swait.ge [sflag:s29], $0x1  }
0xc4: {  	[sflag:s29] =	ssyncadd.s32 $0xFFFFFFFF  }
0xc5: {  	_ =	strace $0x90000057  }
0xc6: {  	_ =	sfence  }
0xc7: {  	s30 =	sld [smem:$0x0];
	_ =	sdelay $0x2  }
0xc8: {  	s31 =	sshll.u32 s1, $0xD;
	s1 =	sshrl.u32 s1, $0x2  }
0xc9: {  	s4 =	sand.u32 $0x4000, s31;
	s1 =	sadd.s32 s1, s30  }
0xca: {  	s0 =	sor.u32 s4, s0;
	s1 =	sshll.u32 s1, $0x11  }
0xcb: {  	s0 =	sor.u32 s1, s0  }
0xcc: {  	s0 =	sadd.s32 $0x8F2B, s0  }
0xcd: {  	[sflag:s0] =	ssyncadd.remote.s32 $0x1  }
0xce: {  	_ =	sfence.sel $0xFFFF  }
0xcf: {  	[dreg:$0x0] =	wrdreg $0xFFFFFFFF;
	(pc) =	sbr.abs _section_cstart, $3  }
0xd0: {  	[dreg:$0x1] =	wrdreg $0xFFFFFFFF  }
0xd1: {  	_ =	task.clear_ibuf [dreg:s22], $0x2FFFF;
	_ =	strace $0x9FFFFFFF  }
0xd2: {  	(tm) =	ssettm $0x7FFFFFFF  }
0xd3: {  	_ =	shalt  }
tec
execute0_lowered:
.L_overlay_start_1:
0x0: {  	(tag) =	ssettag $0x1  }
0x1: {  	s5 =	rddreg [dreg:$0x0]  }
0x2: {  	s7 =	rddreg [dreg:$0x1]  }
0x3: {  	s0 =	srdreg.scid;
	s2 =	rddreg [dreg:$0x2];
	s13 =	simm.s32 $0x1400  }
0x4: {  	s16 =	simm.s32 $0x40;
	s17 =	simm.s32 $0x2800;
	s18 =	simm.s32 $0x4800  }
0x5: {  	s19 =	simm.s32 $0x6800;
	s20 =	simm.s32 $0x1;
	s21 =	simm.s32 $0xC0  }
0x6: {  	s22 =	simm.s32 $0x8800;
	s23 =	simm.s32 $0x1440;
	s24 =	simm.s32 $0x2  }
0x7: {  	s25 =	simm.s32 $0x2780;
	s4 =	sand.u32 $0x1, s0;
	s0 =	stileid.u32  }
0x8: {  	s26 =	simm.s32 $0x27C0;
	s28 =	simm.s32 $0x0;
	s9 =	smul.u32 $0x13C00, s0  }
0x9: {  	s1 =	sshll.u32 s4, $0x4;
	s8 =	sshll.u32 s0, $0x7;
	s30 =	smul.u32 $0x13C000, s4  }
0xa: {  	s10 =	ssub.s32 $0x2, s4;
	s12 =	smul.u32 $0x4F000, s0;
	s4 =	sadd.s32 $0x8AE00, s5  }
0xb: {  	s14 =	sshll.u32 s0, $0x6;
	s1 =	sor.u32 s0, s1;
	s8 =	sand.u32 $0x380, s8  }
0xc: {  	s11 =	sshrl.u32 s10, $0x1;
	s14 =	sor.u32 $0x1C03, s14;
	s3 =	sshrl.u32 s1, $0x3  }
0xd: {  	s1 =	rddreg [dreg:$0x3];
	s10 =	ssub.s32 s10, s11;
	s31 =	sshrl.u32 s12, $0x2  }
0xe: {  	s11 =	simm.s32 $0x400;
	s6 =	smul.u32 $0xA000, s3;
	s3 =	simm.s32 $0x0  }
0xf: {  	s12 =	simm.s32 $0x3;
	s15 =	sadd.s32 s31, s2;
	[smem:$0x7FF] =	sst s3  }
0x10: {  	s15 =	sshrl.u32 s15, $0x3;
	s6 =	sor.u32 s8, s6;
	_ =	strace $0x80000056  }
0x11: {  	s8 =	sadd.s32 s9, s30;
	s9 =	sshrl.u32 s9, $0x3;
	s6 =	sshrl.u32 s6, $0x3  }
0x12: {  	s8 =	sshrl.u32 s8, $0x3;
	s7 =	sadd.s32 s7, s9;
	s9 =	smax.u32 s10, $0x1  }
0x13: {  	s10 =	simm.s32 $0x80;
	s6 =	sadd.s32 s6, s5;
	s8 =	sadd.s32 s8, s5  }
0x14: {  	s5 =	sadd.s32 $0x5EC00, s6;
	s6 =	sadd.s32 $0x5400, s6;
	s8 =	sadd.s32 $0x177200, s8  }
.LBB2_1:
0x15: {  	[tilespmem:s3], [sflag:$0x3] =	stream.strided.gather [hbm4b:s5+s10], $0x1400, s11, s10, $0x38;
	[tilespmem:$0x1E400] =	vst v63  }
0x16: {  	_ =	swait.ge [sflag:s12], $0x1400  }
0x17: {  	[sflag:s12] =	ssyncset.done $0x0  }
0x18: {  	[sflag:s12] =	ssyncadd.s32 $0xFFFFEC00  }
0x19: {  	[tilespmem:s13], [sflag:$0x3] =	stream.strided.gather [hbm4b:s6+s10], $0x1400, s11, s10, $0x38;
	[tilespmem:$0x1E400] =	vst v63  }
0x1a: {  	_ =	swait.ge [sflag:s12], $0x1400  }
0x1b: {  	[sflag:s12] =	ssyncset.done $0x0  }
0x1c: {  	[sflag:s12] =	ssyncadd.s32 $0xFFFFEC00  }
0x1d: {  	[spmem:s15], [sflag:s14] =	dma.local [hbm:s7], $0x2780  }
0x1e: {  	_ =	swait.ge [sflag:s12], $0x2780  }
0x1f: {  	[sflag:s12] =	ssyncset.done $0x0  }
0x20: {  	[sflag:s12] =	ssyncadd.s32 $0xFFFFD880  }
0x21: {  	[bflag:$0x0] =	sbarrier.arrive $0xFFFF  }
0x22: {  	[tilespmem:s17], [sflag:$0x1] =	stream.indirect.gather [hbm4b:s4+s16], $0x80, s3, s16, $0xb8;
	[tilespmem:$0x1E400] =	vst v63  }
0x23: {  	_ = 	snop  }
0x24: {  	[tilespmem:s18], [sflag:$0x1] =	stream.indirect.gather [hbm4b:s4+s16], $0x80, s16, s16, $0xb8;
	[tilespmem:$0x1E400] =	vst v63  }
0x25: {  	_ = 	snop  }
0x26: {  	[tilespmem:s19], [sflag:$0x1] =	stream.indirect.gather [hbm4b:s4+s16], $0x80, s10, s16, $0xb8;
	[tilespmem:$0x1E400] =	vst v63  }
0x27: {  	_ =	swait.ge [sflag:s20], $0x2000  }
0x28: {  	[sflag:s20] =	ssyncset.done $0x0  }
0x29: {  	[sflag:s20] =	ssyncadd.s32 $0xFFFFE000  }
0x2a: {  	[spmem:s2] =	stream.indirect.scatter.add.f32 [tilespmem:s17], [sflag:$0x2], $0x80, s13, s16, $0xb8;
	[tilespmem:$0x1E400] =	vst v63  }
0x2b: {  	_ = 	snop  }
0x2c: {  	[tilespmem:s22], [sflag:$0x1] =	stream.indirect.gather [hbm4b:s4+s16], $0x80, s21, s16, $0xb8;
	[tilespmem:$0x1E400] =	vst v63  }
0x2d: {  	_ =	swait.ge [sflag:s20], $0x2000  }
0x2e: {  	[sflag:s20] =	ssyncset.done $0x0  }
0x2f: {  	[sflag:s20] =	ssyncadd.s32 $0xFFFFE000  }
0x30: {  	[spmem:s2] =	stream.indirect.scatter.add.f32 [tilespmem:s18], [sflag:$0x2], $0x80, s23, s16, $0xb8;
	[tilespmem:$0x1E400] =	vst v63  }
0x31: {  	_ =	swait.ge [sflag:s24], $0x2000  }
0x32: {  	[sflag:s24] =	ssyncset.done $0x0  }
0x33: {  	s29 =	simm.s32 $0x100;
	[sflag:s24] =	ssyncadd.s32 $0xFFFFE000  }
0x34: {  	[tilespmem:s17], [sflag:$0x1] =	stream.indirect.gather [hbm4b:s4+s16], $0x80, s29, s16, $0xb8;
	[tilespmem:$0x1E400] =	vst v63  }
0x35: {  	_ =	swait.ge [sflag:s20], $0x2000  }
0x36: {  	[sflag:s20] =	ssyncset.done $0x0  }
0x37: {  	s29 =	simm.s32 $0x1480;
	[sflag:s20] =	ssyncadd.s32 $0xFFFFE000  }
0x38: {  	[spmem:s2] =	stream.indirect.scatter.add.f32 [tilespmem:s19], [sflag:$0x2], $0x80, s29, s16, $0xb8;
	[tilespmem:$0x1E400] =	vst v63  }
0x39: {  	_ =	swait.ge [sflag:s24], $0x2000  }
0x3a: {  	[sflag:s24] =	ssyncset.done $0x0  }
0x3b: {  	s29 =	simm.s32 $0x140;
	[sflag:s24] =	ssyncadd.s32 $0xFFFFE000  }
0x3c: {  	[tilespmem:s18], [sflag:$0x1] =	stream.indirect.gather [hbm4b:s4+s16], $0x80, s29, s16, $0xb8;
	[tilespmem:$0x1E400] =	vst v63  }
0x3d: {  	_ =	swait.ge [sflag:s20], $0x2000  }
0x3e: {  	[sflag:s20] =	ssyncset.done $0x0  }
0x3f: {  	s29 =	simm.s32 $0x14C0;
	[sflag:s20] =	ssyncadd.s32 $0xFFFFE000  }
0x40: {  	[spmem:s2] =	stream.indirect.scatter.add.f32 [tilespmem:s22], [sflag:$0x2], $0x80, s29, s16, $0xb8;
	[tilespmem:$0x1E400] =	vst v63  }
0x41: {  	_ =	swait.ge [sflag:s24], $0x2000  }
0x42: {  	[sflag:s24] =	ssyncset.done $0x0  }
0x43: {  	s29 =	simm.s32 $0x180;
	[sflag:s24] =	ssyncadd.s32 $0xFFFFE000  }
0x44: {  	[tilespmem:s19], [sflag:$0x1] =	stream.indirect.gather [hbm4b:s4+s16], $0x80, s29, s16, $0xb8;
	[tilespmem:$0x1E400] =	vst v63  }
0x45: {  	_ =	swait.ge [sflag:s20], $0x2000  }
0x46: {  	[sflag:s20] =	ssyncset.done $0x0  }
0x47: {  	s29 =	simm.s32 $0x1500;
	[sflag:s20] =	ssyncadd.s32 $0xFFFFE000  }
0x48: {  	[spmem:s2] =	stream.indirect.scatter.add.f32 [tilespmem:s17], [sflag:$0x2], $0x80, s29, s16, $0xb8;
	[tilespmem:$0x1E400] =	vst v63  }
0x49: {  	_ =	swait.ge [sflag:s24], $0x2000  }
0x4a: {  	[sflag:s24] =	ssyncset.done $0x0  }
0x4b: {  	s29 =	simm.s32 $0x1C0;
	[sflag:s24] =	ssyncadd.s32 $0xFFFFE000  }
0x4c: {  	[tilespmem:s22], [sflag:$0x1] =	stream.indirect.gather [hbm4b:s4+s16], $0x80, s29, s16, $0xb8;
	[tilespmem:$0x1E400] =	vst v63  }
0x4d: {  	_ =	swait.ge [sflag:s20], $0x2000  }
0x4e: {  	[sflag:s20] =	ssyncset.done $0x0  }
0x4f: {  	s30 =	simm.s32 $0x1540;
	s29 =	simm.s32 $0x400;
	[sflag:s20] =	ssyncadd.s32 $0xFFFFE000  }
.LBB2_2:
0x50: {  	[spmem:s2] =	stream.indirect.scatter.add.f32 [tilespmem:s18], [sflag:$0x2], $0x80, s30, s16, $0xb8;
	[tilespmem:$0x1E400] =	vst v63  }
0x51: {  	s30 =	smov.u32 s29  }
0x52: {  	p0 =	sne.s32 s29, $0x4800;
	s29 =	sadd.s32 $0x400, s29;
	_ =	swait.ge [sflag:s24], $0x2000  }
0x53: {  	s30 =	sshra.s32 s30, $0x2;
	[sflag:s24] =	ssyncset.done $0x0  }
0x54: {  	s31 =	sadd.s32 $0x100, s30;
	[sflag:s24] =	ssyncadd.s32 $0xFFFFE000  }
0x55: {  	[tilespmem:s17], [sflag:$0x1] =	stream.indirect.gather [hbm4b:s4+s16], $0x80, s31, s16, $0xb8;
	[tilespmem:$0x1E400] =	vst v63  }
0x56: {  	_ =	swait.ge [sflag:s20], $0x2000  }
0x57: {  	[sflag:s20] =	ssyncset.done $0x0  }
0x58: {  	s31 =	sadd.s32 $0x1480, s30;
	[sflag:s20] =	ssyncadd.s32 $0xFFFFE000  }
0x59: {  	[spmem:s2] =	stream.indirect.scatter.add.f32 [tilespmem:s19], [sflag:$0x2], $0x80, s31, s16, $0xb8;
	[tilespmem:$0x1E400] =	vst v63  }
0x5a: {  	_ =	swait.ge [sflag:s24], $0x2000  }
0x5b: {  	[sflag:s24] =	ssyncset.done $0x0  }
0x5c: {  	s31 =	sadd.s32 $0x140, s30;
	[sflag:s24] =	ssyncadd.s32 $0xFFFFE000  }
0x5d: {  	[tilespmem:s18], [sflag:$0x1] =	stream.indirect.gather [hbm4b:s4+s16], $0x80, s31, s16, $0xb8;
	[tilespmem:$0x1E400] =	vst v63  }
0x5e: {  	_ =	swait.ge [sflag:s20], $0x2000  }
0x5f: {  	[sflag:s20] =	ssyncset.done $0x0  }
0x60: {  	s31 =	sadd.s32 $0x14C0, s30;
	[sflag:s20] =	ssyncadd.s32 $0xFFFFE000  }
0x61: {  	[spmem:s2] =	stream.indirect.scatter.add.f32 [tilespmem:s22], [sflag:$0x2], $0x80, s31, s16, $0xb8;
	[tilespmem:$0x1E400] =	vst v63  }
0x62: {  	_ =	swait.ge [sflag:s24], $0x2000  }
0x63: {  	[sflag:s24] =	ssyncset.done $0x0  }
0x64: {  	s31 =	sadd.s32 $0x180, s30;
	[sflag:s24] =	ssyncadd.s32 $0xFFFFE000  }
0x65: {  	[tilespmem:s19], [sflag:$0x1] =	stream.indirect.gather [hbm4b:s4+s16], $0x80, s31, s16, $0xb8;
	[tilespmem:$0x1E400] =	vst v63  }
0x66: {  	_ =	swait.ge [sflag:s20], $0x2000  }
0x67: {  	[sflag:s20] =	ssyncset.done $0x0  }
0x68: {  	s31 =	sadd.s32 $0x1500, s30;
	[sflag:s20] =	ssyncadd.s32 $0xFFFFE000  }
0x69: {  	[spmem:s2] =	stream.indirect.scatter.add.f32 [tilespmem:s17], [sflag:$0x2], $0x80, s31, s16, $0xb8;
	[tilespmem:$0x1E400] =	vst v63  }
0x6a: {  	_ =	swait.ge [sflag:s24], $0x2000  }
0x6b: {  	[sflag:s24] =	ssyncset.done $0x0  }
.Ltmp0:
0x6c: {  	s31 =	sadd.s32 $0x1C0, s30;
	[sflag:s24] =	ssyncadd.s32 $0xFFFFE000;
	(pc) =	sbr.rel @p0 .LBB2_2-.Ltmp0, $4  }
0x6d: {  	[tilespmem:s22], [sflag:$0x1] =	stream.indirect.gather [hbm4b:s4+s16], $0x80, s31, s16, $0xb8;
	[tilespmem:$0x1E400] =	vst v63  }
0x6e: {  	_ =	swait.ge [sflag:s20], $0x2000  }
0x6f: {  	[sflag:s20] =	ssyncset.done $0x0  }
0x70: {  	s30 =	sadd.s32 $0x1540, s30;
	[sflag:s20] =	ssyncadd.s32 $0xFFFFE000  }
0x71: {  	[spmem:s2] =	stream.indirect.scatter.add.f32 [tilespmem:s18], [sflag:$0x2], $0x80, s30, s16, $0xb8;
	[tilespmem:$0x1E400] =	vst v63  }
0x72: {  	_ =	swait.ge [sflag:s24], $0x2000  }
0x73: {  	[sflag:s24] =	ssyncset.done $0x0  }
0x74: {  	[sflag:s24] =	ssyncadd.s32 $0xFFFFE000  }
0x75: {  	_ =	swait.ge [sflag:s20], $0x2000  }
0x76: {  	[sflag:s20] =	ssyncset.done $0x0  }
0x77: {  	[sflag:s20] =	ssyncadd.s32 $0xFFFFE000  }
0x78: {  	[spmem:s2] =	stream.indirect.scatter.add.f32 [tilespmem:s19], [sflag:$0x2], $0x80, s25, s16, $0xb8;
	[tilespmem:$0x1E400] =	vst v63  }
0x79: {  	_ =	swait.ge [sflag:s24], $0x2000  }
0x7a: {  	[sflag:s24] =	ssyncset.done $0x0  }
0x7b: {  	[sflag:s24] =	ssyncadd.s32 $0xFFFFE000  }
0x7c: {  	_ =	swait.ge [sflag:s20], $0x2000  }
0x7d: {  	[sflag:s20] =	ssyncset.done $0x0  }
0x7e: {  	[sflag:s20] =	ssyncadd.s32 $0xFFFFE000  }
0x7f: {  	[spmem:s2] =	stream.indirect.scatter.add.f32 [tilespmem:s22], [sflag:$0x2], $0x80, s26, s16, $0xb8;
	[tilespmem:$0x1E400] =	vst v63  }
0x80: {  	_ =	swait.ge [sflag:s24], $0x2000  }
0x81: {  	[sflag:s24] =	ssyncset.done $0x0  }
0x82: {  	[sflag:s24] =	ssyncadd.s32 $0xFFFFE000  }
0x83: {  	_ =	swait.ge [sflag:s24], $0x2000  }
0x84: {  	s28 =	sadd.s32 $0x1, s28;
	[sflag:s24] =	ssyncset.done $0x0  }
0x85: {  	p0 =	sne.s32 s28, s9;
	[sflag:s24] =	ssyncadd.s32 $0xFFFFE000  }
.Ltmp1:
0x86: {  	[bflag:$0x0] =	sbarrier.arrive $0xFFFF;
	(pc) =	sbr.rel @p0 .LBB2_1-.Ltmp1, $4  }
0x87: {  	[hbm:s8], [sflag:s14] =	dma.local [spmem:s15], $0x2780  }
0x88: {  	_ =	swait.ge [sflag:s12], $0x2780  }
0x89: {  	[sflag:s12] =	ssyncset.done $0x0  }
0x8a: {  	[sflag:s12] =	ssyncadd.s32 $0xFFFFD880  }
0x8b: {  	_ =	sfence.sel $0x180000  }
0x8c: {  	[bflag:$0x0] =	sbarrier.arrive $0xFFFF  }
0x8d: {  	p0 =	sne.s32 s0, $0x0;
	_ =	strace $0x90000056  }
0x8e: {  	s0 =	sadd.s32 @!p0 $0x100000, s1;
	[bflag:$0x2] =	sbarrier.arrive $0xFFFF  }
0x8f: {  	[sflag:s0] =	ssyncadd.tile.s32 @!p0 $0x1;
	_ =	shalt  }
.Lfunc_end2:
_tile_overlayer_lowered:
.L_overlay_start_2:
0x90: {  	(tag) =	ssettag $0x2  }
0x91: {  	s0 =	rddreg [dreg:$0x0];
	s2 =	stileid.u32  }
0x92: {  	s1 =	rddreg [dreg:$0x1];
	p0 =	sne.s32 s2, $0x0  }
0x93: {  	s3 =	rddreg [dreg:$0x2];
	[bflag:$0x3] =	sbarrier.arrive $0xFFFF;
	s2 =	simm.s32 @!p0 $0x1C03  }
0x94: {  	[timem:s3], [sflag:s2] =	dma.local @!p0 [hbm:s0], s1  }
0x95: {  	s0 =	simm.s32 @!p0 $0x3  }
0x96: {  	_ =	swait.ge @!p0 [sflag:s0], s1  }
0x97: {  	s1 =	ssub.s32 @!p0 $0x0, s1;
	[sflag:s0] =	ssyncset.done @!p0 $0x0  }
0x98: {  	[sflag:s0] =	ssyncadd.s32 @!p0 s1  }
0x99: {  	[bflag:$0x3] =	sbarrier.arrive $0xFFFF  }
0x9a: {  	_ =	shalt  }

// kernel: kernel.30.cloned.1.call-start
scs
__scs_entry_jumppad:
0x0: {  	(pc) =	sbr.rel $0x88, $3  }
0x1: {  	(tag) =	ssettag $0x0;
	lr =	simm.s32 $0x1  }
0x2: {  	[smem:$0x3F99] =	sst lr;
	_ =	strace $0xD0000000  }
0x3: {  	_ = 	snop  }
0x4: {  	_ = 	snop  }
0x5: {  	_ = 	snop  }
0x6: {  	_ = 	snop  }
0x7: {  	_ = 	snop  }
__scs_overlays_trampoline_lowered:
0x8: {  	[smem:$0x3FA8] =	sst s0  }
0x9: {  	[smem:$0x3FA9] =	sst s1  }
0xa: {  	[smem:$0x3FAA] =	sst s2  }
0xb: {  	[smem:$0x3FAB] =	sst s3  }
0xc: {  	[smem:$0x3FAC] =	sst s4  }
0xd: {  	[smem:$0x3FAD] =	sst s5  }
0xe: {  	[smem:$0x3FAE] =	sst s6  }
0xf: {  	[smem:$0x3FAF] =	sst s7  }
0x10: {  	[smem:$0x3FB0] =	sst s8  }
0x11: {  	[smem:$0x3FB1] =	sst s9;
	s0 =	simm.s32 @!p0 $0x0  }
0x12: {  	s1 =	sld [smem:$0x3F97];
	s0 =	simm.s32 @p0 $0x1  }
0x13: {  	[smem:$0x3FB2] =	sst s0;
	s0 =	simm.s32 @!p1 $0x0  }
0x14: {  	s2 =	sld [smem:$0x3F96];
	s0 =	simm.s32 @p1 $0x1  }
0x15: {  	[smem:$0x3FB3] =	sst s0;
	s0 =	simm.s32 @!p2 $0x0  }
0x16: {  	s3 =	sld [smem:$0x3FDB];
	s0 =	simm.s32 @p2 $0x1  }
0x17: {  	s4 =	simm.s32 $0x1BF5;
	[smem:$0x3FB5] =	sst s0  }
0x18: {  	s0 =	sld [smem:$0x3F98];
	_ =	swait.ge [sflag:s4], $0x0  }
0x19: {  	s7 =	sld [smem:$0x3F99]  }
0x1a: {  	s8 =	sadd.s32 $0xFFFFE003, lr  }
0x1b: {  	s9 =	sadd.s32 $0xFFFFFEF7, lr;
	s5 =	simm.s32 $0xFFFFFFFF;
	p2 =	slt.u32 s8, $0xFFFFF086  }
0x1c: {  	p1 =	slt.u32 s9, $0xF7A;
	s5 =	simm.s32 @!p2 $0x0  }
0x1d: {  	s5 =	simm.s32 @p1 $0x1;
	p0 =	seq.s32 s7, s2  }
0x1e: {  	s7 =	smul.u32 @!p0 $0xF7A, s2;
	p2 =	seq.s32 @!p0 s5, $0x0  }
0x1f: {  	s9 =	smul.u32 $0xF7A, s1;
	s8 =	simm.s32 @!p0 $0x1BF5;
	p2 =	por !p2, p0  }
0x20: {  	[sflag:s8] =	ssyncset.s32 @!p0 $0xFFFFF086;
	s6 =	sadd.s32 @!p0 s3, s7;
	s7 =	simm.s32 @!p0 $0x108  }
0x21: {  	s3 =	sadd.s32 s3, s9;
	s6 =	sadd.s32 @!p0 $0x88, s6;
	s7 =	simm.s32 @p2 $0x1082  }
0x22: {  	[simem:s7], [sflag:s8] =	dma.local @!p0 [hbm:s6], $0xF7A  }
0x23: {  	s9 =	sor.u32 $0xD0000000, s2;
	s6 =	simm.s32 $0x108;
	_ =	swait.ge @!p0 [sflag:s8], $0x0  }
0x24: {  	s3 =	sadd.s32 $0x88, s3;
	s6 =	simm.s32 @!p1 $0x1082;
	[sflag:s4] =	ssyncset.s32 $0xFFFFF086  }
0x25: {  	[simem:s6], [sflag:s4] =	dma.local [hbm:s3], $0xF7A  }
0x26: {  	[smem:$0x3F99] =	sst s1;
	(tag) =	ssettag s2;
	_ =	strace s9  }
0x27: {  	s1 =	sld [smem:$0x3FA9]  }
0x28: {  	s2 =	sld [smem:$0x3FAA]  }
0x29: {  	s4 =	sld [smem:$0x3FAC]  }
0x2a: {  	p0 =	seq.s32 s5, $0x0;
	s5 =	sld [smem:$0x3FAD]  }
0x2b: {  	s6 =	sld [smem:$0x3FAE]  }
0x2c: {  	s7 =	sld [smem:$0x3FAF]  }
0x2d: {  	s3 =	simm.s32 $0x108;
	s8 =	sld [smem:$0x3FB0]  }
0x2e: {  	s3 =	simm.s32 @!p0 $0x1082;
	s9 =	sld [smem:$0x3FB1]  }
0x2f: {  	lr =	sadd.s32 s0, s3;
	s0 =	sld [smem:$0x3FA8]  }
0x30: {  	s3 =	sld [smem:$0x3FAB]  }
0x31: {  	[smem:$0x3FB4] =	sst s10  }
0x32: {  	s10 =	sld [smem:$0x3FB2];
	_ =	sdelay $0x3  }
0x33: {  	p0 =	seq.s32 s10, $0x1;
	s10 =	sld [smem:$0x3FB4];
	_ =	sdelay $0x3  }
0x34: {  	[smem:$0x3FB4] =	sst s10  }
0x35: {  	s10 =	sld [smem:$0x3FB3];
	_ =	sdelay $0x3  }
0x36: {  	p1 =	seq.s32 s10, $0x1;
	s10 =	sld [smem:$0x3FB4];
	_ =	sdelay $0x3  }
0x37: {  	[smem:$0x3FB4] =	sst s10  }
0x38: {  	s10 =	sld [smem:$0x3FB5]  }
0x39: {  	_ = 	snop;
	(pc) =	sbr.ind lr, $3  }
0x3a: {  	_ = 	snop  }
0x3b: {  	_ = 	snop  }
0x3c: {  	p2 =	seq.s32 s10, $0x1;
	s10 =	sld [smem:$0x3FB4]  }
0x3d: {  	_ =	shalt  }
0x3e: {  	_ =	shalt  }
0x3f: {  	_ =	shalt  }
0x40: {  	_ =	shalt  }
0x41: {  	_ =	shalt  }
0x42: {  	_ =	shalt  }
0x43: {  	_ =	shalt  }
0x44: {  	_ =	shalt  }
0x45: {  	_ =	shalt  }
0x46: {  	_ =	shalt  }
0x47: {  	_ =	shalt  }
0x48: {  	_ =	shalt  }
0x49: {  	_ =	shalt  }
0x4a: {  	_ =	shalt  }
0x4b: {  	_ =	shalt  }
0x4c: {  	_ =	shalt  }
0x4d: {  	_ =	shalt  }
0x4e: {  	_ =	shalt  }
0x4f: {  	_ =	shalt  }
0x50: {  	_ =	shalt  }
0x51: {  	_ =	shalt  }
0x52: {  	_ =	shalt  }
0x53: {  	_ =	shalt  }
0x54: {  	_ =	shalt  }
0x55: {  	_ =	shalt  }
0x56: {  	_ =	shalt  }
0x57: {  	_ =	shalt  }
0x58: {  	_ =	shalt  }
0x59: {  	_ =	shalt  }
0x5a: {  	_ =	shalt  }
0x5b: {  	_ =	shalt  }
0x5c: {  	_ =	shalt  }
0x5d: {  	_ =	shalt  }
0x5e: {  	_ =	shalt  }
0x5f: {  	_ =	shalt  }
0x60: {  	_ =	shalt  }
0x61: {  	_ =	shalt  }
0x62: {  	_ =	shalt  }
0x63: {  	_ =	shalt  }
0x64: {  	_ =	shalt  }
0x65: {  	_ =	shalt  }
0x66: {  	_ =	shalt  }
0x67: {  	_ =	shalt  }
0x68: {  	_ =	shalt  }
0x69: {  	_ =	shalt  }
0x6a: {  	_ =	shalt  }
0x6b: {  	_ =	shalt  }
0x6c: {  	_ =	shalt  }
0x6d: {  	_ =	shalt  }
0x6e: {  	_ =	shalt  }
0x6f: {  	_ =	shalt  }
0x70: {  	_ =	shalt  }
0x71: {  	_ =	shalt  }
0x72: {  	_ =	shalt  }
0x73: {  	_ =	shalt  }
0x74: {  	_ =	shalt  }
0x75: {  	_ =	shalt  }
0x76: {  	_ =	shalt  }
0x77: {  	_ =	shalt  }
0x78: {  	_ =	shalt  }
0x79: {  	_ =	shalt  }
0x7a: {  	_ =	shalt  }
0x7b: {  	_ =	shalt  }
0x7c: {  	_ =	shalt  }
0x7d: {  	_ =	shalt  }
0x7e: {  	_ =	shalt  }
0x7f: {  	_ =	shalt  }
0x80: {  	_ =	shalt  }
0x81: {  	_ =	shalt  }
0x82: {  	_ =	shalt  }
0x83: {  	_ =	shalt  }
0x84: {  	_ =	shalt  }
0x85: {  	_ =	shalt  }
0x86: {  	_ =	shalt  }
0x87: {  	_ =	shalt  }
.Lfunc_end0:
.L_simem_size_0:
called_computation.6_lowered:
.L_overlay_start_0:
0x88: {  	s2 =	sld [smem:$0x3FD9]  }
0x89: {  	s3 =	sld [smem:$0x3FFE];
	_ =	sdelay $0x1  }
0x8a: {  	s1 =	srdreg.scid  }
0x8b: {  	s0 =	sand.u32 $0x1, s1  }
0x8c: {  	s17 =	sshll.u32 s0, $0xA;
	s2 =	sadd.s32 s3, s2  }
0x8d: {  	s2 =	sadd.s32 s2, s17  }
0x8e: {  	[smem:$0x3FC0] =	sst s2  }
0x8f: {  	_ = 	snop  }
0x90: {  	s18 =	sld [smem:$0x3FD0];
	(tm) =	ssettm $0x1  }
0x91: {  	s19 =	sld [smem:$0x3FFB];
	_ =	sdelay $0x3  }
0x92: {  	_ =	strace s19  }
0x93: {  	s2 =	sld [smem:$0x3FFC];
	_ =	sdelay $0x3  }
0x94: {  	_ =	strace s2  }
0x95: {  	s2 =	sld [smem:$0x3FFD];
	_ =	sdelay $0x3  }
0x96: {  	_ =	strace s2  }
0x97: {  	_ =	strace $0x8FFFFFFF  }
0x98: {  	s20 =	sld [smem:$0x3FDB];
	_ =	sdelay $0x1  }
0x99: {  	s4 =	simm.s32 $_scs_section_size  }
0x9a: {  	s5 =	simm.s32 $_size__tile_overlayer_lowered;
	s6 =	simm.s32 $_tile_overlayer_lowered  }
0x9b: {  	s7 =	simm.s32 $0x1BFF;
	s21 =	sshll.u32 s6, $0x1;
	s4 =	sadd.s32 s4, s20  }
0x9c: {  	s22 =	simm.s32 $0x0;
	s5 =	sshll.u32 s5, $0x1;
	s6 =	sadd.s32 s21, s4  }
0x9d: {  	[timem:s22], [sflag:s7] =	dma.local [hbm:s6], s5  }
0x9e: {  	_ =	swait.ge [sflag:s7], s5  }
0x9f: {  	s5 =	ssub.s32 $0x0, s5;
	[sflag:s7] =	ssyncset.done $0x0  }
0xa0: {  	[sflag:s7] =	ssyncadd.s32 s5;
	_ =	sdelay $0x1  }
0xa1: {  	s23 =	simm.s32 $0x1B8B  }
0xa2: {  	_ =	swait.ge [sflag:s23], $0x1  }
0xa3: {  	[sflag:s23] =	ssyncset.done $0x0  }
0xa4: {  	[sflag:s23] =	ssyncadd.s32 $0xFFFFFFFF  }
0xa5: {  	s5 =	sld [smem:$0x0]  }
0xa6: {  	s6 =	sand.u32 $0xFFFFFFFE, s1  }
0xa7: {  	p0 =	sne.s32 s1, s6  }
0xa8: {  	s6 =	sshll.u32 @p0 s6, $0xE  }
0xa9: {  	s6 =	sadd.s32 @p0 $0x11B8D, s6;
	s7 =	sshll.u32 @p0 s5, $0x11  }
0xaa: {  	s6 =	sor.u32 @p0 s7, s6  }
0xab: {  	[sflag:s6] =	ssyncadd.remote.s32 @p0 $0x1;
	_ =	sdelay $0x1  }
0xac: {  	s6 =	simm.s32 @p0 $0x1B8D  }
0xad: {  	_ =	swait.eq @p0 [sflag:s6], $0x1  }
0xae: {  	[sflag:s6] =	ssyncadd.s32 @p0 $0xFFFFFFFF  }
0xaf: {  	s7 =	sshll.u32 @!p0 s1, $0xE  }
0xb0: {  	s7 =	sor.u32 @!p0 $0x4000, s7;
	s6 =	simm.s32 @!p0 $0x1B8D  }
0xb1: {  	s5 =	sshll.u32 @!p0 s5, $0x11;
	s7 =	sadd.s32 @!p0 $0x11B8D, s7;
	_ =	swait.eq @!p0 [sflag:s6], $0x1  }
0xb2: {  	s5 =	sor.u32 @!p0 s5, s7;
	[sflag:s6] =	ssyncadd.s32 @!p0 $0xFFFFFFFF  }
0xb3: {  	s25 =	simm.s32 $0x1B8E;
	s24 =	sld [smem:$0x3FFE];
	[sflag:s5] =	ssyncadd.remote.s32 @!p0 $0x1  }
0xb4: {  	s26 =	simm.s32 $execute0_lowered;
	[smem:$0x3FD2] =	sst s25  }
0xb5: {  	s6 =	sshll.u32 s26, $0x1;
	_ =	strace $0x80000058;
	[dreg:$0x1] =	wrdreg $0xFFFFFFFF  }
0xb6: {  	s28 =	simm.s32 $_size_execute0_lowered;
	s4 =	sadd.s32 s4, s6;
	[dreg:$0x0] =	wrdreg $0x0  }
0xb7: {  	s6 =	sshll.u32 s28, $0x1;
	[dreg:$0x2] =	wrdreg s4  }
0xb8: {  	[dreg:$0x3] =	wrdreg s6  }
0xb9: {  	[dreg:$0x4] =	wrdreg $0xC0  }
0xba: {  	_ =	task [dreg:s22], $0x5FFFF  }
0xbb: {  	[dreg:$0x1] =	wrdreg $0xFFFFFFFF  }
0xbc: {  	[dreg:$0x0] =	wrdreg $0x60  }
0xbd: {  	[dreg:$0x2] =	wrdreg s24  }
0xbe: {  	[dreg:$0x3] =	wrdreg s18  }
0xbf: {  	[dreg:$0x4] =	wrdreg $0xA8000  }
0xc0: {  	[dreg:$0x5] =	wrdreg $0xC  }
0xc1: {  	_ =	task.clear_ibuf [dreg:s22], $0x6FFFF;
	_ =	strace $0x90000058  }
0xc2: {  	s29 =	simm.s32 $0xC;
	_ =	strace $0x8000005A  }
0xc3: {  	_ =	swait.ge [sflag:s29], $0x1  }
0xc4: {  	[sflag:s29] =	ssyncadd.s32 $0xFFFFFFFF  }
0xc5: {  	_ =	strace $0x9000005A  }
0xc6: {  	_ =	sfence  }
0xc7: {  	s30 =	sld [smem:$0x0];
	_ =	sdelay $0x2  }
0xc8: {  	s31 =	sshll.u32 s1, $0xD;
	s1 =	sshrl.u32 s1, $0x2  }
0xc9: {  	s4 =	sand.u32 $0x4000, s31;
	s1 =	sadd.s32 s1, s30  }
0xca: {  	s0 =	sor.u32 s4, s0;
	s1 =	sshll.u32 s1, $0x11  }
0xcb: {  	s0 =	sor.u32 s1, s0  }
0xcc: {  	s0 =	sadd.s32 $0x8F2B, s0  }
0xcd: {  	[sflag:s0] =	ssyncadd.remote.s32 $0x1  }
0xce: {  	_ =	sfence.sel $0xFFFF  }
0xcf: {  	[dreg:$0x0] =	wrdreg $0xFFFFFFFF;
	(pc) =	sbr.abs _section_cstart, $3  }
0xd0: {  	[dreg:$0x1] =	wrdreg $0xFFFFFFFF  }
0xd1: {  	_ =	task.clear_ibuf [dreg:s22], $0x2FFFF;
	_ =	strace $0x9FFFFFFF  }
0xd2: {  	(tm) =	ssettm $0x7FFFFFFF  }
0xd3: {  	_ =	shalt  }
tec
execute0_lowered:
.L_overlay_start_1:
0x0: {  	(tag) =	ssettag $0x1  }
0x1: {  	s5 =	rddreg [dreg:$0x0]  }
0x2: {  	s7 =	rddreg [dreg:$0x1]  }
0x3: {  	s0 =	srdreg.scid;
	s2 =	rddreg [dreg:$0x2];
	s13 =	simm.s32 $0x1400  }
0x4: {  	s16 =	simm.s32 $0x40;
	s17 =	simm.s32 $0x2800;
	s18 =	simm.s32 $0x4800  }
0x5: {  	s19 =	simm.s32 $0x6800;
	s20 =	simm.s32 $0x1;
	s21 =	simm.s32 $0xC0  }
0x6: {  	s22 =	simm.s32 $0x8800;
	s23 =	simm.s32 $0x1440;
	s24 =	simm.s32 $0x2  }
0x7: {  	s25 =	simm.s32 $0x2780;
	s4 =	sand.u32 $0x1, s0;
	s0 =	stileid.u32  }
0x8: {  	s26 =	simm.s32 $0x27C0;
	s28 =	simm.s32 $0x0;
	s9 =	smul.u32 $0x13C00, s0  }
0x9: {  	s1 =	sshll.u32 s4, $0x4;
	s8 =	sshll.u32 s0, $0x7;
	s30 =	smul.u32 $0x13C000, s4  }
0xa: {  	s10 =	ssub.s32 $0x2, s4;
	s12 =	smul.u32 $0x4F000, s0;
	s4 =	sadd.s32 $0xB2000, s5  }
0xb: {  	s14 =	sshll.u32 s0, $0x6;
	s1 =	sor.u32 s0, s1;
	s8 =	sand.u32 $0x380, s8  }
0xc: {  	s11 =	sshrl.u32 s10, $0x1;
	s14 =	sor.u32 $0x1C03, s14;
	s3 =	sshrl.u32 s1, $0x3  }
0xd: {  	s1 =	rddreg [dreg:$0x3];
	s10 =	ssub.s32 s10, s11;
	s31 =	sshrl.u32 s12, $0x2  }
0xe: {  	s11 =	simm.s32 $0x400;
	s6 =	smul.u32 $0xA000, s3;
	s3 =	simm.s32 $0x0  }
0xf: {  	s12 =	simm.s32 $0x3;
	s15 =	sadd.s32 s31, s2;
	[smem:$0x7FF] =	sst s3  }
0x10: {  	s15 =	sshrl.u32 s15, $0x3;
	s6 =	sor.u32 s8, s6;
	_ =	strace $0x80000059  }
0x11: {  	s8 =	sadd.s32 s9, s30;
	s9 =	sshrl.u32 s9, $0x3;
	s6 =	sshrl.u32 s6, $0x3  }
0x12: {  	s8 =	sshrl.u32 s8, $0x3;
	s7 =	sadd.s32 s7, s9;
	s9 =	smax.u32 s10, $0x1  }
0x13: {  	s10 =	simm.s32 $0x80;
	s6 =	sadd.s32 s6, s5;
	s8 =	sadd.s32 s8, s5  }
0x14: {  	s5 =	sadd.s32 $0x5EC00, s6;
	s6 =	sadd.s32 $0x5400, s6;
	s8 =	sadd.s32 $0x1C6200, s8  }
.LBB2_1:
0x15: {  	[tilespmem:s3], [sflag:$0x3] =	stream.strided.gather [hbm4b:s5+s10], $0x1400, s11, s10, $0x38;
	[tilespmem:$0x1E400] =	vst v63  }
0x16: {  	_ =	swait.ge [sflag:s12], $0x1400  }
0x17: {  	[sflag:s12] =	ssyncset.done $0x0  }
0x18: {  	[sflag:s12] =	ssyncadd.s32 $0xFFFFEC00  }
0x19: {  	[tilespmem:s13], [sflag:$0x3] =	stream.strided.gather [hbm4b:s6+s10], $0x1400, s11, s10, $0x38;
	[tilespmem:$0x1E400] =	vst v63  }
0x1a: {  	_ =	swait.ge [sflag:s12], $0x1400  }
0x1b: {  	[sflag:s12] =	ssyncset.done $0x0  }
0x1c: {  	[sflag:s12] =	ssyncadd.s32 $0xFFFFEC00  }
0x1d: {  	[spmem:s15], [sflag:s14] =	dma.local [hbm:s7], $0x2780  }
0x1e: {  	_ =	swait.ge [sflag:s12], $0x2780  }
0x1f: {  	[sflag:s12] =	ssyncset.done $0x0  }
0x20: {  	[sflag:s12] =	ssyncadd.s32 $0xFFFFD880  }
0x21: {  	[bflag:$0x0] =	sbarrier.arrive $0xFFFF  }
0x22: {  	[tilespmem:s17], [sflag:$0x1] =	stream.indirect.gather [hbm4b:s4+s16], $0x80, s3, s16, $0xb8;
	[tilespmem:$0x1E400] =	vst v63  }
0x23: {  	_ = 	snop  }
0x24: {  	[tilespmem:s18], [sflag:$0x1] =	stream.indirect.gather [hbm4b:s4+s16], $0x80, s16, s16, $0xb8;
	[tilespmem:$0x1E400] =	vst v63  }
0x25: {  	_ = 	snop  }
0x26: {  	[tilespmem:s19], [sflag:$0x1] =	stream.indirect.gather [hbm4b:s4+s16], $0x80, s10, s16, $0xb8;
	[tilespmem:$0x1E400] =	vst v63  }
0x27: {  	_ =	swait.ge [sflag:s20], $0x2000  }
0x28: {  	[sflag:s20] =	ssyncset.done $0x0  }
0x29: {  	[sflag:s20] =	ssyncadd.s32 $0xFFFFE000  }
0x2a: {  	[spmem:s2] =	stream.indirect.scatter.add.f32 [tilespmem:s17], [sflag:$0x2], $0x80, s13, s16, $0xb8;
	[tilespmem:$0x1E400] =	vst v63  }
0x2b: {  	_ = 	snop  }
0x2c: {  	[tilespmem:s22], [sflag:$0x1] =	stream.indirect.gather [hbm4b:s4+s16], $0x80, s21, s16, $0xb8;
	[tilespmem:$0x1E400] =	vst v63  }
0x2d: {  	_ =	swait.ge [sflag:s20], $0x2000  }
0x2e: {  	[sflag:s20] =	ssyncset.done $0x0  }
0x2f: {  	[sflag:s20] =	ssyncadd.s32 $0xFFFFE000  }
0x30: {  	[spmem:s2] =	stream.indirect.scatter.add.f32 [tilespmem:s18], [sflag:$0x2], $0x80, s23, s16, $0xb8;
	[tilespmem:$0x1E400] =	vst v63  }
0x31: {  	_ =	swait.ge [sflag:s24], $0x2000  }
0x32: {  	[sflag:s24] =	ssyncset.done $0x0  }
0x33: {  	s29 =	simm.s32 $0x100;
	[sflag:s24] =	ssyncadd.s32 $0xFFFFE000  }
0x34: {  	[tilespmem:s17], [sflag:$0x1] =	stream.indirect.gather [hbm4b:s4+s16], $0x80, s29, s16, $0xb8;
	[tilespmem:$0x1E400] =	vst v63  }
0x35: {  	_ =	swait.ge [sflag:s20], $0x2000  }
0x36: {  	[sflag:s20] =	ssyncset.done $0x0  }
0x37: {  	s29 =	simm.s32 $0x1480;
	[sflag:s20] =	ssyncadd.s32 $0xFFFFE000  }
0x38: {  	[spmem:s2] =	stream.indirect.scatter.add.f32 [tilespmem:s19], [sflag:$0x2], $0x80, s29, s16, $0xb8;
	[tilespmem:$0x1E400] =	vst v63  }
0x39: {  	_ =	swait.ge [sflag:s24], $0x2000  }
0x3a: {  	[sflag:s24] =	ssyncset.done $0x0  }
0x3b: {  	s29 =	simm.s32 $0x140;
	[sflag:s24] =	ssyncadd.s32 $0xFFFFE000  }
0x3c: {  	[tilespmem:s18], [sflag:$0x1] =	stream.indirect.gather [hbm4b:s4+s16], $0x80, s29, s16, $0xb8;
	[tilespmem:$0x1E400] =	vst v63  }
0x3d: {  	_ =	swait.ge [sflag:s20], $0x2000  }
0x3e: {  	[sflag:s20] =	ssyncset.done $0x0  }
0x3f: {  	s29 =	simm.s32 $0x14C0;
	[sflag:s20] =	ssyncadd.s32 $0xFFFFE000  }
0x40: {  	[spmem:s2] =	stream.indirect.scatter.add.f32 [tilespmem:s22], [sflag:$0x2], $0x80, s29, s16, $0xb8;
	[tilespmem:$0x1E400] =	vst v63  }
0x41: {  	_ =	swait.ge [sflag:s24], $0x2000  }
0x42: {  	[sflag:s24] =	ssyncset.done $0x0  }
0x43: {  	s29 =	simm.s32 $0x180;
	[sflag:s24] =	ssyncadd.s32 $0xFFFFE000  }
0x44: {  	[tilespmem:s19], [sflag:$0x1] =	stream.indirect.gather [hbm4b:s4+s16], $0x80, s29, s16, $0xb8;
	[tilespmem:$0x1E400] =	vst v63  }
0x45: {  	_ =	swait.ge [sflag:s20], $0x2000  }
0x46: {  	[sflag:s20] =	ssyncset.done $0x0  }
0x47: {  	s29 =	simm.s32 $0x1500;
	[sflag:s20] =	ssyncadd.s32 $0xFFFFE000  }
0x48: {  	[spmem:s2] =	stream.indirect.scatter.add.f32 [tilespmem:s17], [sflag:$0x2], $0x80, s29, s16, $0xb8;
	[tilespmem:$0x1E400] =	vst v63  }
0x49: {  	_ =	swait.ge [sflag:s24], $0x2000  }
0x4a: {  	[sflag:s24] =	ssyncset.done $0x0  }
0x4b: {  	s29 =	simm.s32 $0x1C0;
	[sflag:s24] =	ssyncadd.s32 $0xFFFFE000  }
0x4c: {  	[tilespmem:s22], [sflag:$0x1] =	stream.indirect.gather [hbm4b:s4+s16], $0x80, s29, s16, $0xb8;
	[tilespmem:$0x1E400] =	vst v63  }
0x4d: {  	_ =	swait.ge [sflag:s20], $0x2000  }
0x4e: {  	[sflag:s20] =	ssyncset.done $0x0  }
0x4f: {  	s30 =	simm.s32 $0x1540;
	s29 =	simm.s32 $0x400;
	[sflag:s20] =	ssyncadd.s32 $0xFFFFE000  }
.LBB2_2:
0x50: {  	[spmem:s2] =	stream.indirect.scatter.add.f32 [tilespmem:s18], [sflag:$0x2], $0x80, s30, s16, $0xb8;
	[tilespmem:$0x1E400] =	vst v63  }
0x51: {  	s30 =	smov.u32 s29  }
0x52: {  	p0 =	sne.s32 s29, $0x4800;
	s29 =	sadd.s32 $0x400, s29;
	_ =	swait.ge [sflag:s24], $0x2000  }
0x53: {  	s30 =	sshra.s32 s30, $0x2;
	[sflag:s24] =	ssyncset.done $0x0  }
0x54: {  	s31 =	sadd.s32 $0x100, s30;
	[sflag:s24] =	ssyncadd.s32 $0xFFFFE000  }
0x55: {  	[tilespmem:s17], [sflag:$0x1] =	stream.indirect.gather [hbm4b:s4+s16], $0x80, s31, s16, $0xb8;
	[tilespmem:$0x1E400] =	vst v63  }
0x56: {  	_ =	swait.ge [sflag:s20], $0x2000  }
0x57: {  	[sflag:s20] =	ssyncset.done $0x0  }
0x58: {  	s31 =	sadd.s32 $0x1480, s30;
	[sflag:s20] =	ssyncadd.s32 $0xFFFFE000  }
0x59: {  	[spmem:s2] =	stream.indirect.scatter.add.f32 [tilespmem:s19], [sflag:$0x2], $0x80, s31, s16, $0xb8;
	[tilespmem:$0x1E400] =	vst v63  }
0x5a: {  	_ =	swait.ge [sflag:s24], $0x2000  }
0x5b: {  	[sflag:s24] =	ssyncset.done $0x0  }
0x5c: {  	s31 =	sadd.s32 $0x140, s30;
	[sflag:s24] =	ssyncadd.s32 $0xFFFFE000  }
0x5d: {  	[tilespmem:s18], [sflag:$0x1] =	stream.indirect.gather [hbm4b:s4+s16], $0x80, s31, s16, $0xb8;
	[tilespmem:$0x1E400] =	vst v63  }
0x5e: {  	_ =	swait.ge [sflag:s20], $0x2000  }
0x5f: {  	[sflag:s20] =	ssyncset.done $0x0  }
0x60: {  	s31 =	sadd.s32 $0x14C0, s30;
	[sflag:s20] =	ssyncadd.s32 $0xFFFFE000  }
0x61: {  	[spmem:s2] =	stream.indirect.scatter.add.f32 [tilespmem:s22], [sflag:$0x2], $0x80, s31, s16, $0xb8;
	[tilespmem:$0x1E400] =	vst v63  }
0x62: {  	_ =	swait.ge [sflag:s24], $0x2000  }
0x63: {  	[sflag:s24] =	ssyncset.done $0x0  }
0x64: {  	s31 =	sadd.s32 $0x180, s30;
	[sflag:s24] =	ssyncadd.s32 $0xFFFFE000  }
0x65: {  	[tilespmem:s19], [sflag:$0x1] =	stream.indirect.gather [hbm4b:s4+s16], $0x80, s31, s16, $0xb8;
	[tilespmem:$0x1E400] =	vst v63  }
0x66: {  	_ =	swait.ge [sflag:s20], $0x2000  }
0x67: {  	[sflag:s20] =	ssyncset.done $0x0  }
0x68: {  	s31 =	sadd.s32 $0x1500, s30;
	[sflag:s20] =	ssyncadd.s32 $0xFFFFE000  }
0x69: {  	[spmem:s2] =	stream.indirect.scatter.add.f32 [tilespmem:s17], [sflag:$0x2], $0x80, s31, s16, $0xb8;
	[tilespmem:$0x1E400] =	vst v63  }
0x6a: {  	_ =	swait.ge [sflag:s24], $0x2000  }
0x6b: {  	[sflag:s24] =	ssyncset.done $0x0  }
.Ltmp0:
0x6c: {  	s31 =	sadd.s32 $0x1C0, s30;
	[sflag:s24] =	ssyncadd.s32 $0xFFFFE000;
	(pc) =	sbr.rel @p0 .LBB2_2-.Ltmp0, $4  }
0x6d: {  	[tilespmem:s22], [sflag:$0x1] =	stream.indirect.gather [hbm4b:s4+s16], $0x80, s31, s16, $0xb8;
	[tilespmem:$0x1E400] =	vst v63  }
0x6e: {  	_ =	swait.ge [sflag:s20], $0x2000  }
0x6f: {  	[sflag:s20] =	ssyncset.done $0x0  }
0x70: {  	s30 =	sadd.s32 $0x1540, s30;
	[sflag:s20] =	ssyncadd.s32 $0xFFFFE000  }
0x71: {  	[spmem:s2] =	stream.indirect.scatter.add.f32 [tilespmem:s18], [sflag:$0x2], $0x80, s30, s16, $0xb8;
	[tilespmem:$0x1E400] =	vst v63  }
0x72: {  	_ =	swait.ge [sflag:s24], $0x2000  }
0x73: {  	[sflag:s24] =	ssyncset.done $0x0  }
0x74: {  	[sflag:s24] =	ssyncadd.s32 $0xFFFFE000  }
0x75: {  	_ =	swait.ge [sflag:s20], $0x2000  }
0x76: {  	[sflag:s20] =	ssyncset.done $0x0  }
0x77: {  	[sflag:s20] =	ssyncadd.s32 $0xFFFFE000  }
0x78: {  	[spmem:s2] =	stream.indirect.scatter.add.f32 [tilespmem:s19], [sflag:$0x2], $0x80, s25, s16, $0xb8;
	[tilespmem:$0x1E400] =	vst v63  }
0x79: {  	_ =	swait.ge [sflag:s24], $0x2000  }
0x7a: {  	[sflag:s24] =	ssyncset.done $0x0  }
0x7b: {  	[sflag:s24] =	ssyncadd.s32 $0xFFFFE000  }
0x7c: {  	_ =	swait.ge [sflag:s20], $0x2000  }
0x7d: {  	[sflag:s20] =	ssyncset.done $0x0  }
0x7e: {  	[sflag:s20] =	ssyncadd.s32 $0xFFFFE000  }
0x7f: {  	[spmem:s2] =	stream.indirect.scatter.add.f32 [tilespmem:s22], [sflag:$0x2], $0x80, s26, s16, $0xb8;
	[tilespmem:$0x1E400] =	vst v63  }
0x80: {  	_ =	swait.ge [sflag:s24], $0x2000  }
0x81: {  	[sflag:s24] =	ssyncset.done $0x0  }
0x82: {  	[sflag:s24] =	ssyncadd.s32 $0xFFFFE000  }
0x83: {  	_ =	swait.ge [sflag:s24], $0x2000  }
0x84: {  	s28 =	sadd.s32 $0x1, s28;
	[sflag:s24] =	ssyncset.done $0x0  }
0x85: {  	p0 =	sne.s32 s28, s9;
	[sflag:s24] =	ssyncadd.s32 $0xFFFFE000  }
.Ltmp1:
0x86: {  	[bflag:$0x0] =	sbarrier.arrive $0xFFFF;
	(pc) =	sbr.rel @p0 .LBB2_1-.Ltmp1, $4  }
0x87: {  	[hbm:s8], [sflag:s14] =	dma.local [spmem:s15], $0x2780  }
0x88: {  	_ =	swait.ge [sflag:s12], $0x2780  }
0x89: {  	[sflag:s12] =	ssyncset.done $0x0  }
0x8a: {  	[sflag:s12] =	ssyncadd.s32 $0xFFFFD880  }
0x8b: {  	_ =	sfence.sel $0x180000  }
0x8c: {  	[bflag:$0x0] =	sbarrier.arrive $0xFFFF  }
0x8d: {  	p0 =	sne.s32 s0, $0x0;
	_ =	strace $0x90000059  }
0x8e: {  	s0 =	sadd.s32 @!p0 $0x100000, s1;
	[bflag:$0x2] =	sbarrier.arrive $0xFFFF  }
0x8f: {  	[sflag:s0] =	ssyncadd.tile.s32 @!p0 $0x1;
	_ =	shalt  }
.Lfunc_end2:
_tile_overlayer_lowered:
.L_overlay_start_2:
0x90: {  	(tag) =	ssettag $0x2  }
0x91: {  	s0 =	rddreg [dreg:$0x0];
	s2 =	stileid.u32  }
0x92: {  	s1 =	rddreg [dreg:$0x1];
	p0 =	sne.s32 s2, $0x0  }
0x93: {  	s3 =	rddreg [dreg:$0x2];
	[bflag:$0x3] =	sbarrier.arrive $0xFFFF;
	s2 =	simm.s32 @!p0 $0x1C03  }
0x94: {  	[timem:s3], [sflag:s2] =	dma.local @!p0 [hbm:s0], s1  }
0x95: {  	s0 =	simm.s32 @!p0 $0x3  }
0x96: {  	_ =	swait.ge @!p0 [sflag:s0], s1  }
0x97: {  	s1 =	ssub.s32 @!p0 $0x0, s1;
	[sflag:s0] =	ssyncset.done @!p0 $0x0  }
0x98: {  	[sflag:s0] =	ssyncadd.s32 @!p0 s1  }
0x99: {  	[bflag:$0x3] =	sbarrier.arrive $0xFFFF  }
0x9a: {  	_ =	shalt  }

</sc_bundles>
